<compile_context>
chip_gen: v7x
topology: tpu7x:2x2x1
jax: 0.10.2.dev20260603
libtpu: 0.0.44.dev20260713+nightly
codegen_flags: <defaults>
</compile_context>

<pallas_src>
import jax
import jax.numpy as jnp
from jax import lax
from jax.experimental import pallas as pl
from jax.experimental.pallas import tpu as pltpu
from jax.experimental.pallas import tpu_sc as plsc

_N = 10000
_E = 320000
_D = 128
_H = 128
_P = 10000
_PP = 10240
_CH = 128
_NC = 2
_NS = 16
_NW = _NC * _NS
_RCH = 16
_NRC = _N // _RCH
_TROWS = 80
_DGRP = 10
_BLK = 1000
_PBLK = 1024

_f32 = jnp.float32



def _pre_body(x_ref, wa_ref, wb_ref, b_ref, m_ref, r_ref):
    xb = x_ref[...]
    m_ref[...] = jnp.dot(xb, wa_ref[...], preferred_element_type=_f32)
    r_ref[...] = jnp.dot(xb, wb_ref[...], preferred_element_type=_f32) + b_ref[...]


def _pre(x, wrel, wroot, b):
    return pl.pallas_call(
        _pre_body,
        grid=(_N // _BLK,),
        in_specs=[
            pl.BlockSpec((_BLK, _D), lambda i: (i, 0)),
            pl.BlockSpec((_D, _H), lambda i: (0, 0)),
            pl.BlockSpec((_D, _H), lambda i: (0, 0)),
            pl.BlockSpec((1, _H), lambda i: (0, 0)),
        ],
        out_specs=[pl.BlockSpec((_BLK, _H), lambda i: (i, 0))] * 2,
        out_shape=[jax.ShapeDtypeStruct((_N, _H), _f32)] * 2,
    )(x, wrel, wroot, b)


def _norm_h(r_ref, agg_ref, deg_ref):
    agg = agg_ref[0] + agg_ref[1]
    deg = deg_ref[0, :, 0:1] + deg_ref[1, :, 0:1]
    inv = 1.0 / jnp.maximum(deg, 1.0)
    return jnp.maximum(r_ref[...] + agg * inv, 0.0)


def _mid_body(r_ref, agg_ref, deg_ref, wa_ref, wb_ref, b_ref, m_ref, rn_ref):
    h = _norm_h(r_ref, agg_ref, deg_ref)
    m_ref[...] = jnp.dot(h, wa_ref[...], preferred_element_type=_f32)
    rn_ref[...] = jnp.dot(h, wb_ref[...], preferred_element_type=_f32) + b_ref[...]


def _mid(r0, agg, deg, wrel, wroot, b):
    return pl.pallas_call(
        _mid_body,
        grid=(_N // _BLK,),
        in_specs=[
            pl.BlockSpec((_BLK, _H), lambda i: (i, 0)),
            pl.BlockSpec((_NC, _BLK, _H), lambda i: (0, i, 0)),
            pl.BlockSpec((_NC, _BLK, _H), lambda i: (0, i, 0)),
            pl.BlockSpec((_H, _H), lambda i: (0, 0)),
            pl.BlockSpec((_H, _H), lambda i: (0, 0)),
            pl.BlockSpec((1, _H), lambda i: (0, 0)),
        ],
        out_specs=[pl.BlockSpec((_BLK, _H), lambda i: (i, 0))] * 2,
        out_shape=[jax.ShapeDtypeStruct((_N, _H), _f32)] * 2,
    )(r0, agg, deg, wrel, wroot, b)


def _fin_body(r_ref, agg_ref, deg_ref, h_ref):
    h_ref[...] = _norm_h(r_ref, agg_ref, deg_ref)


def _fin(r1, agg, deg):
    return pl.pallas_call(
        _fin_body,
        grid=(_N // _BLK,),
        in_specs=[
            pl.BlockSpec((_BLK, _H), lambda i: (i, 0)),
            pl.BlockSpec((_NC, _BLK, _H), lambda i: (0, i, 0)),
            pl.BlockSpec((_NC, _BLK, _H), lambda i: (0, i, 0)),
        ],
        out_specs=pl.BlockSpec((_BLK, _H), lambda i: (i, 0)),
        out_shape=jax.ShapeDtypeStruct((_N, _H), _f32),
    )(r1, agg, deg)


def _mlp_body(u_ref, v_ref, w1u_ref, w1v_ref, b1_ref, w2_ref, b2_ref,
              w3_ref, b3_ref, o_ref):
    z = jnp.maximum(
        jnp.dot(u_ref[...], w1u_ref[...], preferred_element_type=_f32)
        + jnp.dot(v_ref[...], w1v_ref[...], preferred_element_type=_f32)
        + b1_ref[...], 0.0)
    z = jnp.maximum(jnp.dot(z, w2_ref[...], preferred_element_type=_f32)
                    + b2_ref[...], 0.0)
    t = jnp.sum(z * w3_ref[...], axis=1, keepdims=True) + b3_ref[...]
    o_ref[...] = 1.0 / (1.0 + jnp.exp(-t))


def _mlp(u, v, w1u, w1v, b1, w2, b2, w3r, b3):
    return pl.pallas_call(
        _mlp_body,
        grid=(_PP // _PBLK,),
        in_specs=[
            pl.BlockSpec((_PBLK, _H), lambda i: (i, 0)),
            pl.BlockSpec((_PBLK, _H), lambda i: (i, 0)),
            pl.BlockSpec((_H, _H), lambda i: (0, 0)),
            pl.BlockSpec((_H, _H), lambda i: (0, 0)),
            pl.BlockSpec((1, _H), lambda i: (0, 0)),
            pl.BlockSpec((_H, 64), lambda i: (0, 0)),
            pl.BlockSpec((1, 64), lambda i: (0, 0)),
            pl.BlockSpec((1, 64), lambda i: (0, 0)),
            pl.BlockSpec((1, 1), lambda i: (0, 0)),
        ],
        out_specs=pl.BlockSpec((_PBLK, 1), lambda i: (i, 0)),
        out_shape=jax.ShapeDtypeStruct((_PP, 1), _f32),
    )(u, v, w1u, w1v, b1, w2, b2, w3r, b3)



def _worker_id():
    return lax.axis_index("s") * _NC + lax.axis_index("c")


def _split(nch, nworkers, wid):
    nbase, extra = nch // nworkers, nch % nworkers
    start = nbase * wid + jnp.minimum(wid, extra)
    count = nbase + (wid < extra).astype(jnp.int32)
    return start, count


def _row_loop(s, fn):
    start, count = _split(_NRC, _NS, s)

    def body(k, _):
        fn(pl.multiple_of((start + k) * _RCH, _RCH))
        return 0
    lax.fori_loop(0, count, body, 0)


def _tile_chunks(wid):
    base = pl.multiple_of(wid * _TROWS, _TROWS)
    count = jnp.minimum(jnp.maximum(_E // _CH - wid * _TROWS, 0), _TROWS)
    return base, count


def _deg_agg(m, src2, dst2):
    mesh = plsc.VectorSubcoreMesh(core_axis_name="c", subcore_axis_name="s")
    out_type = [
        jax.ShapeDtypeStruct((_NC, _N, _H), _f32),
        jax.ShapeDtypeStruct((_NC, _N, _H), _f32),
    ]
    hrows = _TROWS // 2
    scratch = [
        pltpu.VMEM((2, _CH, _H), _f32),
        pltpu.VMEM((hrows, _CH), jnp.int32),
        pltpu.VMEM((_TROWS, _CH), jnp.int32),
        pltpu.VMEM_SHARED((_N, _H), _f32),
        pltpu.SemaphoreType.DMA((2,)),
        pltpu.SemaphoreType.DMA((_DGRP,)),
    ]

    def body(m_hbm, src_hbm, dst_hbm, agg_out, deg_out, rows_v, idx_s, idx_d,
             agg_sh, gsem, ssem):
        c = lax.axis_index("c")
        s = lax.axis_index("s")
        wid = _worker_id()
        zero16 = jnp.zeros((16,), _f32)
        one16 = jnp.ones((16,), _f32)

        def fill(i, _):
            for j in range(_H // 16):
                rows_v[0, i, pl.ds(j * 16, 16)] = one16
                rows_v[1, i, pl.ds(j * 16, 16)] = zero16
            return 0
        lax.fori_loop(0, _CH, fill, 0)

        def zero_acc():
            _row_loop(s, lambda r0: pltpu.sync_copy(
                rows_v.at[1, pl.ds(0, _RCH), :], agg_sh.at[pl.ds(r0, _RCH), :]))

        zero_acc()
        base, count = _tile_chunks(wid)
        pltpu.sync_copy(dst_hbm.at[pl.ds(base, _TROWS), :], idx_d)
        plsc.subcore_barrier()

        def dgroup(p, _):
            hs = [pltpu.async_copy(rows_v.at[0],
                                   agg_sh.at[idx_d.at[p * _DGRP + b]],
                                   ssem.at[b], add=True)
                  for b in range(_DGRP)]
            for h in hs:
                h.wait()
            return 0
        lax.fori_loop(0, count // _DGRP, dgroup, 0)
        plsc.subcore_barrier()
        _row_loop(s, lambda r0: pltpu.sync_copy(
            agg_sh.at[pl.ds(r0, _RCH), :], deg_out.at[c, pl.ds(r0, _RCH), :]))
        plsc.subcore_barrier()
        zero_acc()
        plsc.subcore_barrier()

        def drain_scatter(b):
            pltpu.make_async_copy(m_hbm.at[pl.ds(0, _CH), :], rows_v.at[b],
                                  ssem.at[b]).wait()

        for hh in range(2):
            bh = pl.multiple_of(base + hh * hrows, 8)
            cnt = jnp.minimum(jnp.maximum(count - hh * hrows, 0), hrows)
            pltpu.sync_copy(src_hbm.at[pl.ds(bh, hrows), :], idx_s)

            def group(p, _):
                gs = []
                for b in range(2):
                    @pl.when(p > 0)
                    def _():
                        drain_scatter(b)
                    gs.append(pltpu.async_copy(m_hbm.at[idx_s.at[p * 2 + b]],
                                               rows_v.at[b], gsem.at[b]))
                for b in range(2):
                    gs[b].wait()
                    pltpu.async_copy(
                        rows_v.at[b],
                        agg_sh.at[idx_d.at[hh * hrows + p * 2 + b]],
                        ssem.at[b], add=True)
                return 0
            lax.fori_loop(0, cnt // 2, group, 0)

            @pl.when(cnt > 0)
            def _():
                for b in range(2):
                    drain_scatter(b)
        plsc.subcore_barrier()
        _row_loop(s, lambda r0: pltpu.sync_copy(
            agg_sh.at[pl.ds(r0, _RCH), :], agg_out.at[c, pl.ds(r0, _RCH), :]))

    return pl.kernel(body, mesh=mesh, out_type=out_type,
                     scratch_types=scratch)(m, src2, dst2)


def _edge_agg(m, src2, dst2):
    mesh = plsc.VectorSubcoreMesh(core_axis_name="c", subcore_axis_name="s")
    out_type = [jax.ShapeDtypeStruct((_NC, _N, _H), _f32)]
    hrows = _TROWS // 2
    scratch = [
        pltpu.VMEM((2, _CH, _H), _f32),
        pltpu.VMEM((hrows, _CH), jnp.int32),
        pltpu.VMEM((hrows, _CH), jnp.int32),
        pltpu.VMEM_SHARED((_N, _H), _f32),
        pltpu.SemaphoreType.DMA((2,)),
        pltpu.SemaphoreType.DMA((2,)),
    ]

    def body(m_hbm, src_hbm, dst_hbm, agg_out, rows_v, idx_s, idx_d, agg_sh,
             gsem, ssem):
        c = lax.axis_index("c")
        s = lax.axis_index("s")
        wid = _worker_id()
        zero16 = jnp.zeros((16,), _f32)

        def fill(i, _):
            for j in range(_H // 16):
                rows_v[0, i, pl.ds(j * 16, 16)] = zero16
            return 0
        lax.fori_loop(0, _CH, fill, 0)

        _row_loop(s, lambda r0: pltpu.sync_copy(
            rows_v.at[0, pl.ds(0, _RCH), :], agg_sh.at[pl.ds(r0, _RCH), :]))
        plsc.subcore_barrier()

        base, count = _tile_chunks(wid)

        def drain_scatter(b):
            pltpu.make_async_copy(m_hbm.at[pl.ds(0, _CH), :], rows_v.at[b],
                                  ssem.at[b]).wait()

        for hh in range(2):
            bh = pl.multiple_of(base + hh * hrows, 8)
            cnt = jnp.minimum(jnp.maximum(count - hh * hrows, 0), hrows)
            pltpu.sync_copy(src_hbm.at[pl.ds(bh, hrows), :], idx_s)
            pltpu.sync_copy(dst_hbm.at[pl.ds(bh, hrows), :], idx_d)

            def group(p, _):
                gs = []
                for b in range(2):
                    @pl.when(p > 0)
                    def _():
                        drain_scatter(b)
                    gs.append(pltpu.async_copy(m_hbm.at[idx_s.at[p * 2 + b]],
                                               rows_v.at[b], gsem.at[b]))
                for b in range(2):
                    gs[b].wait()
                    pltpu.async_copy(rows_v.at[b],
                                     agg_sh.at[idx_d.at[p * 2 + b]],
                                     ssem.at[b], add=True)
                return 0
            lax.fori_loop(0, cnt // 2, group, 0)
            @pl.when(cnt > 0)
            def _():
                for b in range(2):
                    drain_scatter(b)
        plsc.subcore_barrier()

        _row_loop(s, lambda r0: pltpu.sync_copy(
            agg_sh.at[pl.ds(r0, _RCH), :], agg_out.at[c, pl.ds(r0, _RCH), :]))

    return pl.kernel(body, mesh=mesh, out_type=out_type,
                     scratch_types=scratch)(m, src2, dst2)[0]


def _pair_gather(h, pu2, pv2):
    mesh = plsc.VectorSubcoreMesh(core_axis_name="c", subcore_axis_name="s")
    out_type = [jax.ShapeDtypeStruct((_PP, _H), _f32)] * 2
    nch = _PP // _CH
    scratch = [
        pltpu.VMEM((nch, _CH), jnp.int32),
        pltpu.VMEM((nch, _CH), jnp.int32),
        pltpu.VMEM((_CH, _H), _f32),
        pltpu.VMEM((_CH, _H), _f32),
        pltpu.SemaphoreType.DMA((2,)),
    ]

    def body(h_hbm, pu_hbm, pv_hbm, u_out, v_out, idx_u, idx_v, ru_v, rv_v,
             gsem):
        wid = _worker_id()
        pltpu.sync_copy(pu_hbm, idx_u)
        pltpu.sync_copy(pv_hbm, idx_v)
        count = 2 + (wid < (nch - 2 * _NW)).astype(jnp.int32)

        def chunk(g, _):
            j = wid + _NW * g
            hu = pltpu.async_copy(h_hbm.at[idx_u.at[j]], ru_v, gsem.at[0])
            hv = pltpu.async_copy(h_hbm.at[idx_v.at[j]], rv_v, gsem.at[1])
            e0 = pl.multiple_of(j * _CH, _CH)
            hu.wait()
            pltpu.sync_copy(ru_v, u_out.at[pl.ds(e0, _CH), :])
            hv.wait()
            pltpu.sync_copy(rv_v, v_out.at[pl.ds(e0, _CH), :])
            return 0
        lax.fori_loop(0, count, chunk, 0)

    return pl.kernel(body, mesh=mesh, out_type=out_type,
                     scratch_types=scratch)(h, pu2, pv2)



def kernel(x, edge_index, edge_type, edge_pairs, W_rel0, W_root0, b0,
           W_rel1, W_root1, b1, Wl1, bl1, Wl2, bl2, Wl3, bl3):
    del edge_type
    npad = _NW * _TROWS * _CH - _E
    zpad = jnp.zeros((npad,), jnp.int32)
    src2 = jnp.concatenate([edge_index[0], zpad]).reshape(_NW * _TROWS, _CH)
    dst2 = jnp.concatenate([edge_index[1], zpad]).reshape(_NW * _TROWS, _CH)
    pp = jnp.zeros((_PP, 2), jnp.int32).at[:_P].set(edge_pairs)
    pu2 = pp[:, 0].reshape(_PP // _CH, _CH)
    pv2 = pp[:, 1].reshape(_PP // _CH, _CH)

    m0, r0 = _pre(x, W_rel0[0], W_root0, b0.reshape(1, _H))
    agg0, deg = _deg_agg(m0, src2, dst2)
    m1, r1 = _mid(r0, agg0, deg, W_rel1[0], W_root1, b1.reshape(1, _H))
    agg1 = _edge_agg(m1, src2, dst2)
    h2 = _fin(r1, agg1, deg)
    u, v = _pair_gather(h2, pu2, pv2)
    z = _mlp(u, v, Wl1[:_H], Wl1[_H:], bl1.reshape(1, _H),
             Wl2, bl2.reshape(1, 64), Wl3.reshape(1, 64), bl3.reshape(1, 1))
    return z[:_P, 0]

# --- scband reference (transcript-rebuilt; emitter-appended) ---
"""Pipeline reference for scband-attack-link-predictor-66898410602822 (READ-ONLY COPY).

The authoritative reference and input builder live on the scoring server;
editing this copy changes nothing except your own understanding.
"""

import jax, jax.numpy as jnp
import numpy as np

N = 10000
E = 320000
D = 128
H = 128
P = 10000
R = 1


def rgcn_conv(x, edge_index, edge_type, W_rel, W_root, b, num_nodes):
    # PyG-style RGCNConv: out = x @ W_root + b + sum_r mean_{j in N_r(i)} x_j @ W_r
    src = edge_index[0]
    dst = edge_index[1]
    out = x @ W_root + b
    num_rel = W_rel.shape[0]
    for r in range(num_rel):
        mask = (edge_type == r).astype(x.dtype)
        msg = x[src] @ W_rel[r]
        msg = msg * mask[:, None]
        agg = jax.ops.segment_sum(msg, dst, num_segments=num_nodes)
        cnt = jax.ops.segment_sum(mask, dst, num_segments=num_nodes)
        out = out + agg / jnp.maximum(cnt, 1.0)[:, None]
    return out


def setup_inputs(seed: int = 0) -> dict:
    key = jax.random.key(seed)
    ks = jax.random.split(key, 20)
    inp = {}
    inp["x"] = jax.random.normal(ks[0], (N, D), dtype=jnp.float32)
    inp["edge_index"] = jax.random.randint(ks[1], (2, E), 0, N, dtype=jnp.int32)
    inp["edge_type"] = jax.random.randint(ks[2], (E,), 0, R, dtype=jnp.int32)
    inp["edge_pairs"] = jax.random.randint(ks[3], (P, 2), 0, N, dtype=jnp.int32)
    # RGCN layer 0 params
    inp["W_rel0"] = jax.random.normal(ks[4], (R, D, H), dtype=jnp.float32) * 0.05
    inp["W_root0"] = jax.random.normal(ks[5], (D, H), dtype=jnp.float32) * 0.05
    inp["b0"] = jnp.zeros((H,), dtype=jnp.float32)
    # RGCN layer 1 params
    inp["W_rel1"] = jax.random.normal(ks[6], (R, H, H), dtype=jnp.float32) * 0.05
    inp["W_root1"] = jax.random.normal(ks[7], (H, H), dtype=jnp.float32) * 0.05
    inp["b1"] = jnp.zeros((H,), dtype=jnp.float32)
    # link predictor MLP params
    inp["Wl1"] = jax.random.normal(ks[8], (2 * H, H), dtype=jnp.float32) * 0.05
    inp["bl1"] = jnp.zeros((H,), dtype=jnp.float32)
    inp["Wl2"] = jax.random.normal(ks[9], (H, 64), dtype=jnp.float32) * 0.05
    inp["bl2"] = jnp.zeros((64,), dtype=jnp.float32)
    inp["Wl3"] = jax.random.normal(ks[10], (64, 1), dtype=jnp.float32) * 0.05
    inp["bl3"] = jnp.zeros((1,), dtype=jnp.float32)
    return inp


def reference(x, edge_index, edge_type, edge_pairs, W_rel0, W_root0, b0, W_rel1, W_root1, b1, Wl1, bl1, Wl2, bl2, Wl3, bl3):
    h = jax.nn.relu(rgcn_conv(x, edge_index, edge_type, W_rel0, W_root0, b0, N))
    h = jax.nn.relu(rgcn_conv(h, edge_index, edge_type, W_rel1, W_root1, b1, N))
    u = h[edge_pairs[:, 0]]
    v = h[edge_pairs[:, 1]]
    e = jnp.concatenate([u, v], axis=1)
    z = jax.nn.relu(e @ Wl1 + bl1)
    z = jax.nn.relu(z @ Wl2 + bl2)
    z = jax.nn.sigmoid(z @ Wl3 + bl3)
    return z.squeeze(-1)

if __name__ == "__main__":
    import jax
    _d = setup_inputs()
    print(jax.jit(kernel)(*tuple(_d.values())))

</pallas_src>

<mosaic_0001>
#map = affine_map<(d0, d1) -> (0, 0)>
#map1 = affine_map<(d0, d1) -> (0, 0, 0)>
module attributes {stable_mosaic.version = 14 : i64} {
  func.func @body(%arg0: i32, %arg1: i32, %arg2: memref<10000x128xf32, #tpu.memory_space<hbm>>, %arg3: memref<2560x128xi32, #tpu.memory_space<hbm>>, %arg4: memref<2560x128xi32, #tpu.memory_space<hbm>>, %arg5: memref<2x10000x128xf32, #tpu.memory_space<hbm>>, %arg6: memref<2x10000x128xf32, #tpu.memory_space<hbm>>, %arg7: memref<2x128x128xf32, #tpu.memory_space<vmem>>, %arg8: memref<40x128xi32, #tpu.memory_space<vmem>>, %arg9: memref<80x128xi32, #tpu.memory_space<vmem>>, %arg10: memref<10000x128xf32, #tpu.memory_space<vmem_shared>>, %arg11: memref<2x!tpu.dma_semaphore, #tpu.memory_space<semaphore_mem>>, %arg12: memref<10x!tpu.dma_semaphore, #tpu.memory_space<semaphore_mem>>) attributes {dimension_semantics = [#tpu.dimension_semantics<core_parallel>, #tpu.dimension_semantics<subcore_parallel>], iteration_bounds = array<i64: 2, 16>, scalar_prefetch = 0 : i64, scratch_operands = 6 : i64, tpu.core_type = #tpu.core_type<sc_vector_subcore>, window_params = [{transform_indices = #map}, {transform_indices = #map}, {transform_indices = #map}, {transform_indices = #map1}, {transform_indices = #map1}]} {
    %mul3A = arith.constant 2 : i32
    %mul3A_0 = arith.muli %arg1, %mul3A : i32
    %add3A = arith.addi %mul3A_0, %arg0 : i32
    %broadcast_in_dim3A = arith.constant 0.000000e+00 : f32
    %broadcast_in_dim3A_1 = vector.broadcast %broadcast_in_dim3A : f32 to vector<16xf32>
    %broadcast_in_dim3A_2 = arith.constant 1.000000e+00 : f32
    %broadcast_in_dim3A_3 = vector.broadcast %broadcast_in_dim3A_2 : f32 to vector<16xf32>
    %scan3A = arith.constant 0 : i32
    %scan3A_4 = arith.constant 0 : i32
    %scan3A_5 = arith.constant 128 : i32
    %scan3A_6 = arith.addi %scan3A_4, %scan3A_5 : i32
    %scan3A_7 = arith.constant 1 : i32
    %scan3A_8 = scf.for %scan3A_233 = %scan3A_4 to %scan3A_6 step %scan3A_7 iter_args(%scan3A_234 = %scan3A) -> (i32)  : i32 {
      %swap3A = arith.constant 0 : i32
      %swap3A_235 = arith.index_cast %swap3A : i32 to index
      %swap3A_236 = arith.index_cast %scan3A_233 : i32 to index
      %swap3A_237 = arith.constant 0 : index
      %swap3A_238 = tpu.vector_load %arg7[%swap3A_235, %swap3A_236, %swap3A_237] {strides = array<i32>} : memref<2x128x128xf32, #tpu.memory_space<vmem>>, vector<1x1x16xf32>,
      %swap3A_239 = vector.shape_cast %swap3A_238 : vector<1x1x16xf32> to vector<16xf32>
      %swap3A_240 = vector.shape_cast %broadcast_in_dim3A_3 : vector<16xf32> to vector<1x1x16xf32>
      tpu.vector_store %arg7[%swap3A_235, %swap3A_236, %swap3A_237], %swap3A_240 {strides = array<i32>} : memref<2x128x128xf32, #tpu.memory_space<vmem>>, vector<1x1x16xf32>,
      %swap3A_241 = arith.constant 1 : i32
      %swap3A_242 = arith.index_cast %swap3A_241 : i32 to index
      %swap3A_243 = arith.index_cast %scan3A_233 : i32 to index
      %swap3A_244 = arith.constant 0 : index
      %swap3A_245 = tpu.vector_load %arg7[%swap3A_242, %swap3A_243, %swap3A_244] {strides = array<i32>} : memref<2x128x128xf32, #tpu.memory_space<vmem>>, vector<1x1x16xf32>,
      %swap3A_246 = vector.shape_cast %swap3A_245 : vector<1x1x16xf32> to vector<16xf32>
      %swap3A_247 = vector.shape_cast %broadcast_in_dim3A_1 : vector<16xf32> to vector<1x1x16xf32>
      tpu.vector_store %arg7[%swap3A_242, %swap3A_243, %swap3A_244], %swap3A_247 {strides = array<i32>} : memref<2x128x128xf32, #tpu.memory_space<vmem>>, vector<1x1x16xf32>,
      %swap3A_248 = arith.constant 0 : i32
      %swap3A_249 = arith.index_cast %swap3A_248 : i32 to index
      %swap3A_250 = arith.index_cast %scan3A_233 : i32 to index
      %swap3A_251 = arith.constant 16 : index
      %swap3A_252 = tpu.vector_load %arg7[%swap3A_249, %swap3A_250, %swap3A_251] {strides = array<i32>} : memref<2x128x128xf32, #tpu.memory_space<vmem>>, vector<1x1x16xf32>,
      %swap3A_253 = vector.shape_cast %swap3A_252 : vector<1x1x16xf32> to vector<16xf32>
      %swap3A_254 = vector.shape_cast %broadcast_in_dim3A_3 : vector<16xf32> to vector<1x1x16xf32>
      tpu.vector_store %arg7[%swap3A_249, %swap3A_250, %swap3A_251], %swap3A_254 {strides = array<i32>} : memref<2x128x128xf32, #tpu.memory_space<vmem>>, vector<1x1x16xf32>,
      %swap3A_255 = arith.constant 1 : i32
      %swap3A_256 = arith.index_cast %swap3A_255 : i32 to index
      %swap3A_257 = arith.index_cast %scan3A_233 : i32 to index
      %swap3A_258 = arith.constant 16 : index
      %swap3A_259 = tpu.vector_load %arg7[%swap3A_256, %swap3A_257, %swap3A_258] {strides = array<i32>} : memref<2x128x128xf32, #tpu.memory_space<vmem>>, vector<1x1x16xf32>,
      %swap3A_260 = vector.shape_cast %swap3A_259 : vector<1x1x16xf32> to vector<16xf32>
      %swap3A_261 = vector.shape_cast %broadcast_in_dim3A_1 : vector<16xf32> to vector<1x1x16xf32>
      tpu.vector_store %arg7[%swap3A_256, %swap3A_257, %swap3A_258], %swap3A_261 {strides = array<i32>} : memref<2x128x128xf32, #tpu.memory_space<vmem>>, vector<1x1x16xf32>,
      %swap3A_262 = arith.constant 0 : i32
      %swap3A_263 = arith.index_cast %swap3A_262 : i32 to index
      %swap3A_264 = arith.index_cast %scan3A_233 : i32 to index
      %swap3A_265 = arith.constant 32 : index
      %swap3A_266 = tpu.vector_load %arg7[%swap3A_263, %swap3A_264, %swap3A_265] {strides = array<i32>} : memref<2x128x128xf32, #tpu.memory_space<vmem>>, vector<1x1x16xf32>,
      %swap3A_267 = vector.shape_cast %swap3A_266 : vector<1x1x16xf32> to vector<16xf32>
      %swap3A_268 = vector.shape_cast %broadcast_in_dim3A_3 : vector<16xf32> to vector<1x1x16xf32>
      tpu.vector_store %arg7[%swap3A_263, %swap3A_264, %swap3A_265], %swap3A_268 {strides = array<i32>} : memref<2x128x128xf32, #tpu.memory_space<vmem>>, vector<1x1x16xf32>,
      %swap3A_269 = arith.constant 1 : i32
      %swap3A_270 = arith.index_cast %swap3A_269 : i32 to index
      %swap3A_271 = arith.index_cast %scan3A_233 : i32 to index
      %swap3A_272 = arith.constant 32 : index
      %swap3A_273 = tpu.vector_load %arg7[%swap3A_270, %swap3A_271, %swap3A_272] {strides = array<i32>} : memref<2x128x128xf32, #tpu.memory_space<vmem>>, vector<1x1x16xf32>,
      %swap3A_274 = vector.shape_cast %swap3A_273 : vector<1x1x16xf32> to vector<16xf32>
      %swap3A_275 = vector.shape_cast %broadcast_in_dim3A_1 : vector<16xf32> to vector<1x1x16xf32>
      tpu.vector_store %arg7[%swap3A_270, %swap3A_271, %swap3A_272], %swap3A_275 {strides = array<i32>} : memref<2x128x128xf32, #tpu.memory_space<vmem>>, vector<1x1x16xf32>,
      %swap3A_276 = arith.constant 0 : i32
      %swap3A_277 = arith.index_cast %swap3A_276 : i32 to index
      %swap3A_278 = arith.index_cast %scan3A_233 : i32 to index
      %swap3A_279 = arith.constant 48 : index
      %swap3A_280 = tpu.vector_load %arg7[%swap3A_277, %swap3A_278, %swap3A_279] {strides = array<i32>} : memref<2x128x128xf32, #tpu.memory_space<vmem>>, vector<1x1x16xf32>,
      %swap3A_281 = vector.shape_cast %swap3A_280 : vector<1x1x16xf32> to vector<16xf32>
      %swap3A_282 = vector.shape_cast %broadcast_in_dim3A_3 : vector<16xf32> to vector<1x1x16xf32>
      tpu.vector_store %arg7[%swap3A_277, %swap3A_278, %swap3A_279], %swap3A_282 {strides = array<i32>} : memref<2x128x128xf32, #tpu.memory_space<vmem>>, vector<1x1x16xf32>,
      %swap3A_283 = arith.constant 1 : i32
      %swap3A_284 = arith.index_cast %swap3A_283 : i32 to index
      %swap3A_285 = arith.index_cast %scan3A_233 : i32 to index
      %swap3A_286 = arith.constant 48 : index
      %swap3A_287 = tpu.vector_load %arg7[%swap3A_284, %swap3A_285, %swap3A_286] {strides = array<i32>} : memref<2x128x128xf32, #tpu.memory_space<vmem>>, vector<1x1x16xf32>,
      %swap3A_288 = vector.shape_cast %swap3A_287 : vector<1x1x16xf32> to vector<16xf32>
      %swap3A_289 = vector.shape_cast %broadcast_in_dim3A_1 : vector<16xf32> to vector<1x1x16xf32>
      tpu.vector_store %arg7[%swap3A_284, %swap3A_285, %swap3A_286], %swap3A_289 {strides = array<i32>} : memref<2x128x128xf32, #tpu.memory_space<vmem>>, vector<1x1x16xf32>,
      %swap3A_290 = arith.constant 0 : i32
      %swap3A_291 = arith.index_cast %swap3A_290 : i32 to index
      %swap3A_292 = arith.index_cast %scan3A_233 : i32 to index
      %swap3A_293 = arith.constant 64 : index
      %swap3A_294 = tpu.vector_load %arg7[%swap3A_291, %swap3A_292, %swap3A_293] {strides = array<i32>} : memref<2x128x128xf32, #tpu.memory_space<vmem>>, vector<1x1x16xf32>,
      %swap3A_295 = vector.shape_cast %swap3A_294 : vector<1x1x16xf32> to vector<16xf32>
      %swap3A_296 = vector.shape_cast %broadcast_in_dim3A_3 : vector<16xf32> to vector<1x1x16xf32>
      tpu.vector_store %arg7[%swap3A_291, %swap3A_292, %swap3A_293], %swap3A_296 {strides = array<i32>} : memref<2x128x128xf32, #tpu.memory_space<vmem>>, vector<1x1x16xf32>,
      %swap3A_297 = arith.constant 1 : i32
      %swap3A_298 = arith.index_cast %swap3A_297 : i32 to index
      %swap3A_299 = arith.index_cast %scan3A_233 : i32 to index
      %swap3A_300 = arith.constant 64 : index
      %swap3A_301 = tpu.vector_load %arg7[%swap3A_298, %swap3A_299, %swap3A_300] {strides = array<i32>} : memref<2x128x128xf32, #tpu.memory_space<vmem>>, vector<1x1x16xf32>,
      %swap3A_302 = vector.shape_cast %swap3A_301 : vector<1x1x16xf32> to vector<16xf32>
      %swap3A_303 = vector.shape_cast %broadcast_in_dim3A_1 : vector<16xf32> to vector<1x1x16xf32>
      tpu.vector_store %arg7[%swap3A_298, %swap3A_299, %swap3A_300], %swap3A_303 {strides = array<i32>} : memref<2x128x128xf32, #tpu.memory_space<vmem>>, vector<1x1x16xf32>,
      %swap3A_304 = arith.constant 0 : i32
      %swap3A_305 = arith.index_cast %swap3A_304 : i32 to index
      %swap3A_306 = arith.index_cast %scan3A_233 : i32 to index
      %swap3A_307 = arith.constant 80 : index
      %swap3A_308 = tpu.vector_load %arg7[%swap3A_305, %swap3A_306, %swap3A_307] {strides = array<i32>} : memref<2x128x128xf32, #tpu.memory_space<vmem>>, vector<1x1x16xf32>,
      %swap3A_309 = vector.shape_cast %swap3A_308 : vector<1x1x16xf32> to vector<16xf32>
      %swap3A_310 = vector.shape_cast %broadcast_in_dim3A_3 : vector<16xf32> to vector<1x1x16xf32>
      tpu.vector_store %arg7[%swap3A_305, %swap3A_306, %swap3A_307], %swap3A_310 {strides = array<i32>} : memref<2x128x128xf32, #tpu.memory_space<vmem>>, vector<1x1x16xf32>,
      %swap3A_311 = arith.constant 1 : i32
      %swap3A_312 = arith.index_cast %swap3A_311 : i32 to index
      %swap3A_313 = arith.index_cast %scan3A_233 : i32 to index
      %swap3A_314 = arith.constant 80 : index
      %swap3A_315 = tpu.vector_load %arg7[%swap3A_312, %swap3A_313, %swap3A_314] {strides = array<i32>} : memref<2x128x128xf32, #tpu.memory_space<vmem>>, vector<1x1x16xf32>,
      %swap3A_316 = vector.shape_cast %swap3A_315 : vector<1x1x16xf32> to vector<16xf32>
      %swap3A_317 = vector.shape_cast %broadcast_in_dim3A_1 : vector<16xf32> to vector<1x1x16xf32>
      tpu.vector_store %arg7[%swap3A_312, %swap3A_313, %swap3A_314], %swap3A_317 {strides = array<i32>} : memref<2x128x128xf32, #tpu.memory_space<vmem>>, vector<1x1x16xf32>,
      %swap3A_318 = arith.constant 0 : i32
      %swap3A_319 = arith.index_cast %swap3A_318 : i32 to index
      %swap3A_320 = arith.index_cast %scan3A_233 : i32 to index
      %swap3A_321 = arith.constant 96 : index
      %swap3A_322 = tpu.vector_load %arg7[%swap3A_319, %swap3A_320, %swap3A_321] {strides = array<i32>} : memref<2x128x128xf32, #tpu.memory_space<vmem>>, vector<1x1x16xf32>,
      %swap3A_323 = vector.shape_cast %swap3A_322 : vector<1x1x16xf32> to vector<16xf32>
      %swap3A_324 = vector.shape_cast %broadcast_in_dim3A_3 : vector<16xf32> to vector<1x1x16xf32>
      tpu.vector_store %arg7[%swap3A_319, %swap3A_320, %swap3A_321], %swap3A_324 {strides = array<i32>} : memref<2x128x128xf32, #tpu.memory_space<vmem>>, vector<1x1x16xf32>,
      %swap3A_325 = arith.constant 1 : i32
      %swap3A_326 = arith.index_cast %swap3A_325 : i32 to index
      %swap3A_327 = arith.index_cast %scan3A_233 : i32 to index
      %swap3A_328 = arith.constant 96 : index
      %swap3A_329 = tpu.vector_load %arg7[%swap3A_326, %swap3A_327, %swap3A_328] {strides = array<i32>} : memref<2x128x128xf32, #tpu.memory_space<vmem>>, vector<1x1x16xf32>,
      %swap3A_330 = vector.shape_cast %swap3A_329 : vector<1x1x16xf32> to vector<16xf32>
      %swap3A_331 = vector.shape_cast %broadcast_in_dim3A_1 : vector<16xf32> to vector<1x1x16xf32>
      tpu.vector_store %arg7[%swap3A_326, %swap3A_327, %swap3A_328], %swap3A_331 {strides = array<i32>} : memref<2x128x128xf32, #tpu.memory_space<vmem>>, vector<1x1x16xf32>,
      %swap3A_332 = arith.constant 0 : i32
      %swap3A_333 = arith.index_cast %swap3A_332 : i32 to index
      %swap3A_334 = arith.index_cast %scan3A_233 : i32 to index
      %swap3A_335 = arith.constant 112 : index
      %swap3A_336 = tpu.vector_load %arg7[%swap3A_333, %swap3A_334, %swap3A_335] {strides = array<i32>} : memref<2x128x128xf32, #tpu.memory_space<vmem>>, vector<1x1x16xf32>,
      %swap3A_337 = vector.shape_cast %swap3A_336 : vector<1x1x16xf32> to vector<16xf32>
      %swap3A_338 = vector.shape_cast %broadcast_in_dim3A_3 : vector<16xf32> to vector<1x1x16xf32>
      tpu.vector_store %arg7[%swap3A_333, %swap3A_334, %swap3A_335], %swap3A_338 {strides = array<i32>} : memref<2x128x128xf32, #tpu.memory_space<vmem>>, vector<1x1x16xf32>,
      %swap3A_339 = arith.constant 1 : i32
      %swap3A_340 = arith.index_cast %swap3A_339 : i32 to index
      %swap3A_341 = arith.index_cast %scan3A_233 : i32 to index
      %swap3A_342 = arith.constant 112 : index
      %swap3A_343 = tpu.vector_load %arg7[%swap3A_340, %swap3A_341, %swap3A_342] {strides = array<i32>} : memref<2x128x128xf32, #tpu.memory_space<vmem>>, vector<1x1x16xf32>,
      %swap3A_344 = vector.shape_cast %swap3A_343 : vector<1x1x16xf32> to vector<16xf32>
      %swap3A_345 = vector.shape_cast %broadcast_in_dim3A_1 : vector<16xf32> to vector<1x1x16xf32>
      tpu.vector_store %arg7[%swap3A_340, %swap3A_341, %swap3A_342], %swap3A_345 {strides = array<i32>} : memref<2x128x128xf32, #tpu.memory_space<vmem>>, vector<1x1x16xf32>,
      %scan3A_346 = arith.constant 0 : i32
      scf.yield %scan3A_346 : i32
    }
    %scan3A_9 = arith.constant 128 : i32
    %mul3A_10 = arith.constant 39 : i32
    %mul3A_11 = arith.muli %mul3A_10, %arg1 : i32
    %min3A = arith.constant 1 : i32
    %min3A_12 = arith.minsi %arg1, %min3A : i32
    %add3A_13 = arith.addi %mul3A_11, %min3A_12 : i32
    %lt3A = arith.constant 1 : i32
    %lt3A_14 = arith.cmpi slt, %arg1, %lt3A : i32
    %convert_element_type3A = arith.extui %lt3A_14 : i1 to i32
    %add3A_15 = arith.constant 39 : i32
    %add3A_16 = arith.addi %add3A_15, %convert_element_type3A : i32
    %while3A = arith.constant 0 : i32
    %while3A_17 = arith.constant 0 : i32
    %while3A_18 = arith.subi %add3A_16, %while3A : i32
    %while3A_19 = arith.addi %while3A, %while3A_18 : i32
    %while3A_20 = arith.constant 1 : i32
    %while3A_21 = arith.divsi %while3A_18, %while3A_20 : i32
    %while3A_22 = arith.muli %while3A_21, %while3A_20 : i32
    %while3A_23 = arith.addi %while3A, %while3A_22 : i32
    %while3A_24 = arith.constant 1 : i32
    %while3A_25 = scf.for %while3A_233 = %while3A to %while3A_23 step %while3A_24 iter_args(%while3A_234 = %while3A_17) -> (i32)  : i32 {
      %add3A_235 = arith.addi %add3A_13, %while3A_233 : i32
      %mul3A_236 = arith.constant 16 : i32
      %mul3A_237 = arith.muli %add3A_235, %mul3A_236 : i32
      %multiple_of3A_238 = tpu.assume_multiple %mul3A_237, 16 : i32
      %run_scoped3A = arith.constant 1 : i32
      "tpu.region"() ({
        %run_scoped3A_240 = tpu.sem_alloc : memref<!tpu.dma_semaphore, #tpu.memory_space<semaphore_mem>>
        %dma_start3A = arith.constant 0 : i32
        %dma_start3A_241 = arith.constant 0 : i32
        %dma_start3A_242 = tpu.memref_slice %arg7[%run_scoped3A, %dma_start3A, %dma_start3A_241] : memref<2x128x128xf32, #tpu.memory_space<vmem>> -> memref<1x16x128xf32, #tpu.memory_space<vmem>>
        %dma_start3A_243 = tpu.memref_squeeze %dma_start3A_242 : memref<1x16x128xf32, #tpu.memory_space<vmem>> -> memref<16x128xf32, #tpu.memory_space<vmem>>
        %dma_start3A_244 = arith.constant 0 : i32
        %dma_start3A_245 = tpu.memref_slice %arg10[%multiple_of3A_238, %dma_start3A_244] : memref<10000x128xf32, #tpu.memory_space<vmem_shared>> -> memref<16x128xf32, #tpu.memory_space<vmem_shared>>
        %dma_start3A_246 = arith.constant 0 : i32
        %dma_start3A_247 = tpu.memref_slice %arg10[%multiple_of3A_238, %dma_start3A_246] : memref<10000x128xf32, #tpu.memory_space<vmem_shared>> -> memref<16x128xf32, #tpu.memory_space<vmem_shared>>
        %dma_start3A_248 = arith.constant 0 : i32
        %dma_start3A_249 = arith.constant 0 : i32
        %dma_start3A_250 = tpu.memref_slice %arg7[%run_scoped3A, %dma_start3A_248, %dma_start3A_249] : memref<2x128x128xf32, #tpu.memory_space<vmem>> -> memref<1x16x128xf32, #tpu.memory_space<vmem>>
        %dma_start3A_251 = tpu.memref_squeeze %dma_start3A_250 : memref<1x16x128xf32, #tpu.memory_space<vmem>> -> memref<16x128xf32, #tpu.memory_space<vmem>>
        tpu.enqueue_dma source(%dma_start3A_251 : memref<16x128xf32, #tpu.memory_space<vmem>>) target(%dma_start3A_247 : memref<16x128xf32, #tpu.memory_space<vmem_shared>>) target_semaphore(%run_scoped3A_240 : memref<!tpu.dma_semaphore, #tpu.memory_space<semaphore_mem>>)
        %dma_wait3A = arith.constant 0 : i32
        %dma_wait3A_252 = arith.constant 0 : i32
        %dma_wait3A_253 = tpu.memref_slice %arg7[%run_scoped3A, %dma_wait3A, %dma_wait3A_252] : memref<2x128x128xf32, #tpu.memory_space<vmem>> -> memref<1x16x128xf32, #tpu.memory_space<vmem>>
        %dma_wait3A_254 = tpu.memref_squeeze %dma_wait3A_253 : memref<1x16x128xf32, #tpu.memory_space<vmem>> -> memref<16x128xf32, #tpu.memory_space<vmem>>
        %dma_wait3A_255 = arith.constant 0 : i32
        %dma_wait3A_256 = tpu.memref_slice %arg10[%multiple_of3A_238, %dma_wait3A_255] : memref<10000x128xf32, #tpu.memory_space<vmem_shared>> -> memref<16x128xf32, #tpu.memory_space<vmem_shared>>
        %dma_wait3A_257 = arith.constant 0 : i32
        %dma_wait3A_258 = tpu.memref_slice %arg10[%multiple_of3A_238, %dma_wait3A_257] : memref<10000x128xf32, #tpu.memory_space<vmem_shared>> -> memref<16x128xf32, #tpu.memory_space<vmem_shared>>
        %dma_wait3A_259 = arith.constant 0 : i32
        %dma_wait3A_260 = arith.constant 0 : i32
        %dma_wait3A_261 = tpu.memref_slice %arg7[%run_scoped3A, %dma_wait3A_259, %dma_wait3A_260] : memref<2x128x128xf32, #tpu.memory_space<vmem>> -> memref<1x16x128xf32, #tpu.memory_space<vmem>>
        %dma_wait3A_262 = tpu.memref_squeeze %dma_wait3A_261 : memref<1x16x128xf32, #tpu.memory_space<vmem>> -> memref<16x128xf32, #tpu.memory_space<vmem>>
        tpu.wait_dma2 semaphore(%run_scoped3A_240 : memref<!tpu.dma_semaphore, #tpu.memory_space<semaphore_mem>>) src(%dma_wait3A_262 : memref<16x128xf32, #tpu.memory_space<vmem>>) dst(%dma_wait3A_258 : memref<16x128xf32, #tpu.memory_space<vmem_shared>>)
        tpu.yield
      }) : () -> ()
      %while3A_239 = arith.constant 0 : i32
      scf.yield %while3A_239 : i32
    }
    %while3A_26 = arith.constant 1 : i32
    %while3A_27 = scf.for %while3A_233 = %while3A_23 to %while3A_19 step %while3A_26 iter_args(%while3A_234 = %while3A_25) -> (i32)  : i32 {
      %add3A_235 = arith.addi %add3A_13, %while3A_233 : i32
      %mul3A_236 = arith.constant 16 : i32
      %mul3A_237 = arith.muli %add3A_235, %mul3A_236 : i32
      %multiple_of3A_238 = tpu.assume_multiple %mul3A_237, 16 : i32
      %run_scoped3A = arith.constant 1 : i32
      "tpu.region"() ({
        %run_scoped3A_240 = tpu.sem_alloc : memref<!tpu.dma_semaphore, #tpu.memory_space<semaphore_mem>>
        %dma_start3A = arith.constant 0 : i32
        %dma_start3A_241 = arith.constant 0 : i32
        %dma_start3A_242 = tpu.memref_slice %arg7[%run_scoped3A, %dma_start3A, %dma_start3A_241] : memref<2x128x128xf32, #tpu.memory_space<vmem>> -> memref<1x16x128xf32, #tpu.memory_space<vmem>>
        %dma_start3A_243 = tpu.memref_squeeze %dma_start3A_242 : memref<1x16x128xf32, #tpu.memory_space<vmem>> -> memref<16x128xf32, #tpu.memory_space<vmem>>
        %dma_start3A_244 = arith.constant 0 : i32
        %dma_start3A_245 = tpu.memref_slice %arg10[%multiple_of3A_238, %dma_start3A_244] : memref<10000x128xf32, #tpu.memory_space<vmem_shared>> -> memref<16x128xf32, #tpu.memory_space<vmem_shared>>
        %dma_start3A_246 = arith.constant 0 : i32
        %dma_start3A_247 = tpu.memref_slice %arg10[%multiple_of3A_238, %dma_start3A_246] : memref<10000x128xf32, #tpu.memory_space<vmem_shared>> -> memref<16x128xf32, #tpu.memory_space<vmem_shared>>
        %dma_start3A_248 = arith.constant 0 : i32
        %dma_start3A_249 = arith.constant 0 : i32
        %dma_start3A_250 = tpu.memref_slice %arg7[%run_scoped3A, %dma_start3A_248, %dma_start3A_249] : memref<2x128x128xf32, #tpu.memory_space<vmem>> -> memref<1x16x128xf32, #tpu.memory_space<vmem>>
        %dma_start3A_251 = tpu.memref_squeeze %dma_start3A_250 : memref<1x16x128xf32, #tpu.memory_space<vmem>> -> memref<16x128xf32, #tpu.memory_space<vmem>>
        tpu.enqueue_dma source(%dma_start3A_251 : memref<16x128xf32, #tpu.memory_space<vmem>>) target(%dma_start3A_247 : memref<16x128xf32, #tpu.memory_space<vmem_shared>>) target_semaphore(%run_scoped3A_240 : memref<!tpu.dma_semaphore, #tpu.memory_space<semaphore_mem>>)
        %dma_wait3A = arith.constant 0 : i32
        %dma_wait3A_252 = arith.constant 0 : i32
        %dma_wait3A_253 = tpu.memref_slice %arg7[%run_scoped3A, %dma_wait3A, %dma_wait3A_252] : memref<2x128x128xf32, #tpu.memory_space<vmem>> -> memref<1x16x128xf32, #tpu.memory_space<vmem>>
        %dma_wait3A_254 = tpu.memref_squeeze %dma_wait3A_253 : memref<1x16x128xf32, #tpu.memory_space<vmem>> -> memref<16x128xf32, #tpu.memory_space<vmem>>
        %dma_wait3A_255 = arith.constant 0 : i32
        %dma_wait3A_256 = tpu.memref_slice %arg10[%multiple_of3A_238, %dma_wait3A_255] : memref<10000x128xf32, #tpu.memory_space<vmem_shared>> -> memref<16x128xf32, #tpu.memory_space<vmem_shared>>
        %dma_wait3A_257 = arith.constant 0 : i32
        %dma_wait3A_258 = tpu.memref_slice %arg10[%multiple_of3A_238, %dma_wait3A_257] : memref<10000x128xf32, #tpu.memory_space<vmem_shared>> -> memref<16x128xf32, #tpu.memory_space<vmem_shared>>
        %dma_wait3A_259 = arith.constant 0 : i32
        %dma_wait3A_260 = arith.constant 0 : i32
        %dma_wait3A_261 = tpu.memref_slice %arg7[%run_scoped3A, %dma_wait3A_259, %dma_wait3A_260] : memref<2x128x128xf32, #tpu.memory_space<vmem>> -> memref<1x16x128xf32, #tpu.memory_space<vmem>>
        %dma_wait3A_262 = tpu.memref_squeeze %dma_wait3A_261 : memref<1x16x128xf32, #tpu.memory_space<vmem>> -> memref<16x128xf32, #tpu.memory_space<vmem>>
        tpu.wait_dma2 semaphore(%run_scoped3A_240 : memref<!tpu.dma_semaphore, #tpu.memory_space<semaphore_mem>>) src(%dma_wait3A_262 : memref<16x128xf32, #tpu.memory_space<vmem>>) dst(%dma_wait3A_258 : memref<16x128xf32, #tpu.memory_space<vmem_shared>>)
        tpu.yield
      }) : () -> ()
      %while3A_239 = arith.constant 0 : i32
      scf.yield %while3A_239 : i32
    }
    %mul3A_28 = arith.constant 80 : i32
    %mul3A_29 = arith.muli %add3A, %mul3A_28 : i32
    %multiple_of3A = tpu.assume_multiple %mul3A_29, 80 : i32
    %mul3A_30 = arith.constant 80 : i32
    %mul3A_31 = arith.muli %add3A, %mul3A_30 : i32
    %sub3A = arith.constant 2500 : i32
    %sub3A_32 = arith.subi %sub3A, %mul3A_31 : i32
    %max3A = arith.constant 0 : i32
    %max3A_33 = arith.maxsi %sub3A_32, %max3A : i32
    %min3A_34 = arith.constant 80 : i32
    %min3A_35 = arith.minsi %max3A_33, %min3A_34 : i32
    "tpu.region"() ({
      %run_scoped3A = tpu.sem_alloc : memref<!tpu.dma_semaphore, #tpu.memory_space<semaphore_mem>>
      %dma_start3A = arith.constant 0 : i32
      %dma_start3A_233 = tpu.memref_slice %arg4[%multiple_of3A, %dma_start3A] : memref<2560x128xi32, #tpu.memory_space<hbm>> -> memref<80x128xi32, #tpu.memory_space<hbm>>
      %dma_start3A_234 = arith.constant 0 : i32
      %dma_start3A_235 = tpu.memref_slice %arg4[%multiple_of3A, %dma_start3A_234] : memref<2560x128xi32, #tpu.memory_space<hbm>> -> memref<80x128xi32, #tpu.memory_space<hbm>>
      tpu.enqueue_dma source(%dma_start3A_235 : memref<80x128xi32, #tpu.memory_space<hbm>>) target(%arg9 : memref<80x128xi32, #tpu.memory_space<vmem>>) target_semaphore(%run_scoped3A : memref<!tpu.dma_semaphore, #tpu.memory_space<semaphore_mem>>)
      %dma_wait3A = arith.constant 0 : i32
      %dma_wait3A_236 = tpu.memref_slice %arg4[%multiple_of3A, %dma_wait3A] : memref<2560x128xi32, #tpu.memory_space<hbm>> -> memref<80x128xi32, #tpu.memory_space<hbm>>
      %dma_wait3A_237 = arith.constant 0 : i32
      %dma_wait3A_238 = tpu.memref_slice %arg4[%multiple_of3A, %dma_wait3A_237] : memref<2560x128xi32, #tpu.memory_space<hbm>> -> memref<80x128xi32, #tpu.memory_space<hbm>>
      tpu.wait_dma2 semaphore(%run_scoped3A : memref<!tpu.dma_semaphore, #tpu.memory_space<semaphore_mem>>) src(%dma_wait3A_238 : memref<80x128xi32, #tpu.memory_space<hbm>>) dst(%arg9 : memref<80x128xi32, #tpu.memory_space<vmem>>)
      tpu.yield
    }) : () -> ()
    %barrier3A = arith.constant 0 : index
    tpu.barrier barrier_id(%barrier3A)
    %jit3A = arith.constant 10 : i32
    %div3A = arith.divsi %min3A_35, %jit3A : i32
    %sign3A = arith.constant 0 : i32
    %sign3A_36 = arith.cmpi sgt, %min3A_35, %sign3A : i32
    %sign3A_37 = arith.extui %sign3A_36 : i1 to i32
    %sign3A_38 = arith.constant 0 : i32
    %sign3A_39 = arith.cmpi slt, %min3A_35, %sign3A_38 : i32
    %sign3A_40 = arith.extui %sign3A_39 : i1 to i32
    %sign3A_41 = arith.subi %sign3A_37, %sign3A_40 : i32
    %sign3A_42 = arith.constant 0 : i32
    %sign3A_43 = arith.cmpi sgt, %jit3A, %sign3A_42 : i32
    %sign3A_44 = arith.extui %sign3A_43 : i1 to i32
    %sign3A_45 = arith.constant 0 : i32
    %sign3A_46 = arith.cmpi slt, %jit3A, %sign3A_45 : i32
    %sign3A_47 = arith.extui %sign3A_46 : i1 to i32
    %sign3A_48 = arith.subi %sign3A_44, %sign3A_47 : i32
    %ne3A = arith.cmpi ne, %sign3A_41, %sign3A_48 : i32
    %rem3A = arith.remsi %min3A_35, %jit3A : i32
    %ne3A_49 = arith.constant 0 : i32
    %ne3A_50 = arith.cmpi ne, %rem3A, %ne3A_49 : i32
    %and3A = arith.andi %ne3A, %ne3A_50 : i1
    %sub3A_51 = arith.constant 1 : i32
    %sub3A_52 = arith.subi %div3A, %sub3A_51 : i32
    %select_n3A = arith.select %and3A, %sub3A_52, %div3A : i32
    %while3A_53 = arith.constant 0 : i32
    %while3A_54 = arith.constant 0 : i32
    %while3A_55 = arith.subi %select_n3A, %while3A_53 : i32
    %while3A_56 = arith.addi %while3A_53, %while3A_55 : i32
    %while3A_57 = arith.constant 1 : i32
    %while3A_58 = arith.divsi %while3A_55, %while3A_57 : i32
    %while3A_59 = arith.muli %while3A_58, %while3A_57 : i32
    %while3A_60 = arith.addi %while3A_53, %while3A_59 : i32
    %while3A_61 = arith.constant 1 : i32
    %while3A_62 = scf.for %while3A_233 = %while3A_53 to %while3A_60 step %while3A_61 iter_args(%while3A_234 = %while3A_54) -> (i32)  : i32 {
      %mul3A_235 = arith.constant 10 : i32
      %mul3A_236 = arith.muli %while3A_233, %mul3A_235 : i32
      %add3A_237 = arith.constant 0 : i32
      %add3A_238 = arith.addi %mul3A_236, %add3A_237 : i32
      %dma_start3A = arith.constant 0 : i32
      %dma_start3A_239 = arith.constant 0 : i32
      %dma_start3A_240 = arith.constant 0 : i32
      %dma_start3A_241 = arith.constant 0 : i32
      %dma_start3A_242 = tpu.memref_slice %arg7[%dma_start3A, %dma_start3A_240, %dma_start3A_241] : memref<2x128x128xf32, #tpu.memory_space<vmem>> -> memref<1x128x128xf32, #tpu.memory_space<vmem>>
      %dma_start3A_243 = tpu.memref_squeeze %dma_start3A_242 : memref<1x128x128xf32, #tpu.memory_space<vmem>> -> memref<128x128xf32, #tpu.memory_space<vmem>>
      %dma_start3A_244 = arith.constant 0 : i32
      %dma_start3A_245 = tpu.memref_slice %arg9[%add3A_238, %dma_start3A_244] : memref<80x128xi32, #tpu.memory_space<vmem>> -> memref<1x128xi32, #tpu.memory_space<vmem>>
      %dma_start3A_246 = tpu.memref_squeeze %dma_start3A_245 : memref<1x128xi32, #tpu.memory_space<vmem>> -> memref<128xi32, #tpu.memory_space<vmem>>
      %dma_start3A_247 = arith.constant 0 : i32
      %dma_start3A_248 = arith.constant 0 : i32
      %dma_start3A_249 = tpu.memref_slice %arg10[%dma_start3A_247, %dma_start3A_248] : memref<10000x128xf32, #tpu.memory_space<vmem_shared>> -> memref<10000x128xf32, #tpu.memory_space<vmem_shared>>
      %dma_start3A_250 = tpu.memref_slice %arg12[%dma_start3A_239] : memref<10x!tpu.dma_semaphore, #tpu.memory_space<semaphore_mem>> -> memref<1x!tpu.dma_semaphore, #tpu.memory_space<semaphore_mem>>
      %dma_start3A_251 = tpu.memref_squeeze %dma_start3A_250 : memref<1x!tpu.dma_semaphore, #tpu.memory_space<semaphore_mem>> -> memref<!tpu.dma_semaphore, #tpu.memory_space<semaphore_mem>>
      tpu.enqueue_indirect_dma source(%dma_start3A_243 : memref<128x128xf32, #tpu.memory_space<vmem>>) target(%dma_start3A_249 : memref<10000x128xf32, #tpu.memory_space<vmem_shared>>) offsets(%dma_start3A_246 : memref<128xi32, #tpu.memory_space<vmem>>) semaphore(%dma_start3A_251 : memref<!tpu.dma_semaphore, #tpu.memory_space<semaphore_mem>>) {add = true}
      %mul3A_252 = arith.constant 10 : i32
      %mul3A_253 = arith.muli %while3A_233, %mul3A_252 : i32
      %add3A_254 = arith.constant 1 : i32
      %add3A_255 = arith.addi %mul3A_253, %add3A_254 : i32
      %dma_start3A_256 = arith.constant 0 : i32
      %dma_start3A_257 = arith.constant 1 : i32
      %dma_start3A_258 = arith.constant 0 : i32
      %dma_start3A_259 = arith.constant 0 : i32
      %dma_start3A_260 = tpu.memref_slice %arg7[%dma_start3A_256, %dma_start3A_258, %dma_start3A_259] : memref<2x128x128xf32, #tpu.memory_space<vmem>> -> memref<1x128x128xf32, #tpu.memory_space<vmem>>
      %dma_start3A_261 = tpu.memref_squeeze %dma_start3A_260 : memref<1x128x128xf32, #tpu.memory_space<vmem>> -> memref<128x128xf32, #tpu.memory_space<vmem>>
      %dma_start3A_262 = arith.constant 0 : i32
      %dma_start3A_263 = tpu.memref_slice %arg9[%add3A_255, %dma_start3A_262] : memref<80x128xi32, #tpu.memory_space<vmem>> -> memref<1x128xi32, #tpu.memory_space<vmem>>
      %dma_start3A_264 = tpu.memref_squeeze %dma_start3A_263 : memref<1x128xi32, #tpu.memory_space<vmem>> -> memref<128xi32, #tpu.memory_space<vmem>>
      %dma_start3A_265 = arith.constant 0 : i32
      %dma_start3A_266 = arith.constant 0 : i32
      %dma_start3A_267 = tpu.memref_slice %arg10[%dma_start3A_265, %dma_start3A_266] : memref<10000x128xf32, #tpu.memory_space<vmem_shared>> -> memref<10000x128xf32, #tpu.memory_space<vmem_shared>>
      %dma_start3A_268 = tpu.memref_slice %arg12[%dma_start3A_257] : memref<10x!tpu.dma_semaphore, #tpu.memory_space<semaphore_mem>> -> memref<1x!tpu.dma_semaphore, #tpu.memory_space<semaphore_mem>>
      %dma_start3A_269 = tpu.memref_squeeze %dma_start3A_268 : memref<1x!tpu.dma_semaphore, #tpu.memory_space<semaphore_mem>> -> memref<!tpu.dma_semaphore, #tpu.memory_space<semaphore_mem>>
      tpu.enqueue_indirect_dma source(%dma_start3A_261 : memref<128x128xf32, #tpu.memory_space<vmem>>) target(%dma_start3A_267 : memref<10000x128xf32, #tpu.memory_space<vmem_shared>>) offsets(%dma_start3A_264 : memref<128xi32, #tpu.memory_space<vmem>>) semaphore(%dma_start3A_269 : memref<!tpu.dma_semaphore, #tpu.memory_space<semaphore_mem>>) {add = true}
      %mul3A_270 = arith.constant 10 : i32
      %mul3A_271 = arith.muli %while3A_233, %mul3A_270 : i32
      %add3A_272 = arith.constant 2 : i32
      %add3A_273 = arith.addi %mul3A_271, %add3A_272 : i32
      %dma_start3A_274 = arith.constant 0 : i32
      %dma_start3A_275 = arith.constant 2 : i32
      %dma_start3A_276 = arith.constant 0 : i32
      %dma_start3A_277 = arith.constant 0 : i32
      %dma_start3A_278 = tpu.memref_slice %arg7[%dma_start3A_274, %dma_start3A_276, %dma_start3A_277] : memref<2x128x128xf32, #tpu.memory_space<vmem>> -> memref<1x128x128xf32, #tpu.memory_space<vmem>>
      %dma_start3A_279 = tpu.memref_squeeze %dma_start3A_278 : memref<1x128x128xf32, #tpu.memory_space<vmem>> -> memref<128x128xf32, #tpu.memory_space<vmem>>
      %dma_start3A_280 = arith.constant 0 : i32
      %dma_start3A_281 = tpu.memref_slice %arg9[%add3A_273, %dma_start3A_280] : memref<80x128xi32, #tpu.memory_space<vmem>> -> memref<1x128xi32, #tpu.memory_space<vmem>>
      %dma_start3A_282 = tpu.memref_squeeze %dma_start3A_281 : memref<1x128xi32, #tpu.memory_space<vmem>> -> memref<128xi32, #tpu.memory_space<vmem>>
      %dma_start3A_283 = arith.constant 0 : i32
      %dma_start3A_284 = arith.constant 0 : i32
      %dma_start3A_285 = tpu.memref_slice %arg10[%dma_start3A_283, %dma_start3A_284] : memref<10000x128xf32, #tpu.memory_space<vmem_shared>> -> memref<10000x128xf32, #tpu.memory_space<vmem_shared>>
      %dma_start3A_286 = tpu.memref_slice %arg12[%dma_start3A_275] : memref<10x!tpu.dma_semaphore, #tpu.memory_space<semaphore_mem>> -> memref<1x!tpu.dma_semaphore, #tpu.memory_space<semaphore_mem>>
      %dma_start3A_287 = tpu.memref_squeeze %dma_start3A_286 : memref<1x!tpu.dma_semaphore, #tpu.memory_space<semaphore_mem>> -> memref<!tpu.dma_semaphore, #tpu.memory_space<semaphore_mem>>
      tpu.enqueue_indirect_dma source(%dma_start3A_279 : memref<128x128xf32, #tpu.memory_space<vmem>>) target(%dma_start3A_285 : memref<10000x128xf32, #tpu.memory_space<vmem_shared>>) offsets(%dma_start3A_282 : memref<128xi32, #tpu.memory_space<vmem>>) semaphore(%dma_start3A_287 : memref<!tpu.dma_semaphore, #tpu.memory_space<semaphore_mem>>) {add = true}
      %mul3A_288 = arith.constant 10 : i32
      %mul3A_289 = arith.muli %while3A_233, %mul3A_288 : i32
      %add3A_290 = arith.constant 3 : i32
      %add3A_291 = arith.addi %mul3A_289, %add3A_290 : i32
      %dma_start3A_292 = arith.constant 0 : i32
      %dma_start3A_293 = arith.constant 3 : i32
      %dma_start3A_294 = arith.constant 0 : i32
      %dma_start3A_295 = arith.constant 0 : i32
      %dma_start3A_296 = tpu.memref_slice %arg7[%dma_start3A_292, %dma_start3A_294, %dma_start3A_295] : memref<2x128x128xf32, #tpu.memory_space<vmem>> -> memref<1x128x128xf32, #tpu.memory_space<vmem>>
      %dma_start3A_297 = tpu.memref_squeeze %dma_start3A_296 : memref<1x128x128xf32, #tpu.memory_space<vmem>> -> memref<128x128xf32, #tpu.memory_space<vmem>>
      %dma_start3A_298 = arith.constant 0 : i32
      %dma_start3A_299 = tpu.memref_slice %arg9[%add3A_291, %dma_start3A_298] : memref<80x128xi32, #tpu.memory_space<vmem>> -> memref<1x128xi32, #tpu.memory_space<vmem>>
      %dma_start3A_300 = tpu.memref_squeeze %dma_start3A_299 : memref<1x128xi32, #tpu.memory_space<vmem>> -> memref<128xi32, #tpu.memory_space<vmem>>
      %dma_start3A_301 = arith.constant 0 : i32
      %dma_start3A_302 = arith.constant 0 : i32
      %dma_start3A_303 = tpu.memref_slice %arg10[%dma_start3A_301, %dma_start3A_302] : memref<10000x128xf32, #tpu.memory_space<vmem_shared>> -> memref<10000x128xf32, #tpu.memory_space<vmem_shared>>
      %dma_start3A_304 = tpu.memref_slice %arg12[%dma_start3A_293] : memref<10x!tpu.dma_semaphore, #tpu.memory_space<semaphore_mem>> -> memref<1x!tpu.dma_semaphore, #tpu.memory_space<semaphore_mem>>
      %dma_start3A_305 = tpu.memref_squeeze %dma_start3A_304 : memref<1x!tpu.dma_semaphore, #tpu.memory_space<semaphore_mem>> -> memref<!tpu.dma_semaphore, #tpu.memory_space<semaphore_mem>>
      tpu.enqueue_indirect_dma source(%dma_start3A_297 : memref<128x128xf32, #tpu.memory_space<vmem>>) target(%dma_start3A_303 : memref<10000x128xf32, #tpu.memory_space<vmem_shared>>) offsets(%dma_start3A_300 : memref<128xi32, #tpu.memory_space<vmem>>) semaphore(%dma_start3A_305 : memref<!tpu.dma_semaphore, #tpu.memory_space<semaphore_mem>>) {add = true}
      %mul3A_306 = arith.constant 10 : i32
      %mul3A_307 = arith.muli %while3A_233, %mul3A_306 : i32
      %add3A_308 = arith.constant 4 : i32
      %add3A_309 = arith.addi %mul3A_307, %add3A_308 : i32
      %dma_start3A_310 = arith.constant 0 : i32
      %dma_start3A_311 = arith.constant 4 : i32
      %dma_start3A_312 = arith.constant 0 : i32
      %dma_start3A_313 = arith.constant 0 : i32
      %dma_start3A_314 = tpu.memref_slice %arg7[%dma_start3A_310, %dma_start3A_312, %dma_start3A_313] : memref<2x128x128xf32, #tpu.memory_space<vmem>> -> memref<1x128x128xf32, #tpu.memory_space<vmem>>
      %dma_start3A_315 = tpu.memref_squeeze %dma_start3A_314 : memref<1x128x128xf32, #tpu.memory_space<vmem>> -> memref<128x128xf32, #tpu.memory_space<vmem>>
      %dma_start3A_316 = arith.constant 0 : i32
      %dma_start3A_317 = tpu.memref_slice %arg9[%add3A_309, %dma_start3A_316] : memref<80x128xi32, #tpu.memory_space<vmem>> -> memref<1x128xi32, #tpu.memory_space<vmem>>
      %dma_start3A_318 = tpu.memref_squeeze %dma_start3A_317 : memref<1x128xi32, #tpu.memory_space<vmem>> -> memref<128xi32, #tpu.memory_space<vmem>>
      %dma_start3A_319 = arith.constant 0 : i32
      %dma_start3A_320 = arith.constant 0 : i32
      %dma_start3A_321 = tpu.memref_slice %arg10[%dma_start3A_319, %dma_start3A_320] : memref<10000x128xf32, #tpu.memory_space<vmem_shared>> -> memref<10000x128xf32, #tpu.memory_space<vmem_shared>>
      %dma_start3A_322 = tpu.memref_slice %arg12[%dma_start3A_311] : memref<10x!tpu.dma_semaphore, #tpu.memory_space<semaphore_mem>> -> memref<1x!tpu.dma_semaphore, #tpu.memory_space<semaphore_mem>>
      %dma_start3A_323 = tpu.memref_squeeze %dma_start3A_322 : memref<1x!tpu.dma_semaphore, #tpu.memory_space<semaphore_mem>> -> memref<!tpu.dma_semaphore, #tpu.memory_space<semaphore_mem>>
      tpu.enqueue_indirect_dma source(%dma_start3A_315 : memref<128x128xf32, #tpu.memory_space<vmem>>) target(%dma_start3A_321 : memref<10000x128xf32, #tpu.memory_space<vmem_shared>>) offsets(%dma_start3A_318 : memref<128xi32, #tpu.memory_space<vmem>>) semaphore(%dma_start3A_323 : memref<!tpu.dma_semaphore, #tpu.memory_space<semaphore_mem>>) {add = true}
      %mul3A_324 = arith.constant 10 : i32
      %mul3A_325 = arith.muli %while3A_233, %mul3A_324 : i32
      %add3A_326 = arith.constant 5 : i32
      %add3A_327 = arith.addi %mul3A_325, %add3A_326 : i32
      %dma_start3A_328 = arith.constant 0 : i32
      %dma_start3A_329 = arith.constant 5 : i32
      %dma_start3A_330 = arith.constant 0 : i32
      %dma_start3A_331 = arith.constant 0 : i32
      %dma_start3A_332 = tpu.memref_slice %arg7[%dma_start3A_328, %dma_start3A_330, %dma_start3A_331] : memref<2x128x128xf32, #tpu.memory_space<vmem>> -> memref<1x128x128xf32, #tpu.memory_space<vmem>>
      %dma_start3A_333 = tpu.memref_squeeze %dma_start3A_332 : memref<1x128x128xf32, #tpu.memory_space<vmem>> -> memref<128x128xf32, #tpu.memory_space<vmem>>
      %dma_start3A_334 = arith.constant 0 : i32
      %dma_start3A_335 = tpu.memref_slice %arg9[%add3A_327, %dma_start3A_334] : memref<80x128xi32, #tpu.memory_space<vmem>> -> memref<1x128xi32, #tpu.memory_space<vmem>>
      %dma_start3A_336 = tpu.memref_squeeze %dma_start3A_335 : memref<1x128xi32, #tpu.memory_space<vmem>> -> memref<128xi32, #tpu.memory_space<vmem>>
      %dma_start3A_337 = arith.constant 0 : i32
      %dma_start3A_338 = arith.constant 0 : i32
      %dma_start3A_339 = tpu.memref_slice %arg10[%dma_start3A_337, %dma_start3A_338] : memref<10000x128xf32, #tpu.memory_space<vmem_shared>> -> memref<10000x128xf32, #tpu.memory_space<vmem_shared>>
      %dma_start3A_340 = tpu.memref_slice %arg12[%dma_start3A_329] : memref<10x!tpu.dma_semaphore, #tpu.memory_space<semaphore_mem>> -> memref<1x!tpu.dma_semaphore, #tpu.memory_space<semaphore_mem>>
      %dma_start3A_341 = tpu.memref_squeeze %dma_start3A_340 : memref<1x!tpu.dma_semaphore, #tpu.memory_space<semaphore_mem>> -> memref<!tpu.dma_semaphore, #tpu.memory_space<semaphore_mem>>
      tpu.enqueue_indirect_dma source(%dma_start3A_333 : memref<128x128xf32, #tpu.memory_space<vmem>>) target(%dma_start3A_339 : memref<10000x128xf32, #tpu.memory_space<vmem_shared>>) offsets(%dma_start3A_336 : memref<128xi32, #tpu.memory_space<vmem>>) semaphore(%dma_start3A_341 : memref<!tpu.dma_semaphore, #tpu.memory_space<semaphore_mem>>) {add = true}
      %mul3A_342 = arith.constant 10 : i32
      %mul3A_343 = arith.muli %while3A_233, %mul3A_342 : i32
      %add3A_344 = arith.constant 6 : i32
      %add3A_345 = arith.addi %mul3A_343, %add3A_344 : i32
      %dma_start3A_346 = arith.constant 0 : i32
      %dma_start3A_347 = arith.constant 6 : i32
      %dma_start3A_348 = arith.constant 0 : i32
      %dma_start3A_349 = arith.constant 0 : i32
      %dma_start3A_350 = tpu.memref_slice %arg7[%dma_start3A_346, %dma_start3A_348, %dma_start3A_349] : memref<2x128x128xf32, #tpu.memory_space<vmem>> -> memref<1x128x128xf32, #tpu.memory_space<vmem>>
      %dma_start3A_351 = tpu.memref_squeeze %dma_start3A_350 : memref<1x128x128xf32, #tpu.memory_space<vmem>> -> memref<128x128xf32, #tpu.memory_space<vmem>>
      %dma_start3A_352 = arith.constant 0 : i32
      %dma_start3A_353 = tpu.memref_slice %arg9[%add3A_345, %dma_start3A_352] : memref<80x128xi32, #tpu.memory_space<vmem>> -> memref<1x128xi32, #tpu.memory_space<vmem>>
      %dma_start3A_354 = tpu.memref_squeeze %dma_start3A_353 : memref<1x128xi32, #tpu.memory_space<vmem>> -> memref<128xi32, #tpu.memory_space<vmem>>
      %dma_start3A_355 = arith.constant 0 : i32
      %dma_start3A_356 = arith.constant 0 : i32
      %dma_start3A_357 = tpu.memref_slice %arg10[%dma_start3A_355, %dma_start3A_356] : memref<10000x128xf32, #tpu.memory_space<vmem_shared>> -> memref<10000x128xf32, #tpu.memory_space<vmem_shared>>
      %dma_start3A_358 = tpu.memref_slice %arg12[%dma_start3A_347] : memref<10x!tpu.dma_semaphore, #tpu.memory_space<semaphore_mem>> -> memref<1x!tpu.dma_semaphore, #tpu.memory_space<semaphore_mem>>
      %dma_start3A_359 = tpu.memref_squeeze %dma_start3A_358 : memref<1x!tpu.dma_semaphore, #tpu.memory_space<semaphore_mem>> -> memref<!tpu.dma_semaphore, #tpu.memory_space<semaphore_mem>>
      tpu.enqueue_indirect_dma source(%dma_start3A_351 : memref<128x128xf32, #tpu.memory_space<vmem>>) target(%dma_start3A_357 : memref<10000x128xf32, #tpu.memory_space<vmem_shared>>) offsets(%dma_start3A_354 : memref<128xi32, #tpu.memory_space<vmem>>) semaphore(%dma_start3A_359 : memref<!tpu.dma_semaphore, #tpu.memory_space<semaphore_mem>>) {add = true}
      %mul3A_360 = arith.constant 10 : i32
      %mul3A_361 = arith.muli %while3A_233, %mul3A_360 : i32
      %add3A_362 = arith.constant 7 : i32
      %add3A_363 = arith.addi %mul3A_361, %add3A_362 : i32
      %dma_start3A_364 = arith.constant 0 : i32
      %dma_start3A_365 = arith.constant 7 : i32
      %dma_start3A_366 = arith.constant 0 : i32
      %dma_start3A_367 = arith.constant 0 : i32
      %dma_start3A_368 = tpu.memref_slice %arg7[%dma_start3A_364, %dma_start3A_366, %dma_start3A_367] : memref<2x128x128xf32, #tpu.memory_space<vmem>> -> memref<1x128x128xf32, #tpu.memory_space<vmem>>
      %dma_start3A_369 = tpu.memref_squeeze %dma_start3A_368 : memref<1x128x128xf32, #tpu.memory_space<vmem>> -> memref<128x128xf32, #tpu.memory_space<vmem>>
      %dma_start3A_370 = arith.constant 0 : i32
      %dma_start3A_371 = tpu.memref_slice %arg9[%add3A_363, %dma_start3A_370] : memref<80x128xi32, #tpu.memory_space<vmem>> -> memref<1x128xi32, #tpu.memory_space<vmem>>
      %dma_start3A_372 = tpu.memref_squeeze %dma_start3A_371 : memref<1x128xi32, #tpu.memory_space<vmem>> -> memref<128xi32, #tpu.memory_space<vmem>>
      %dma_start3A_373 = arith.constant 0 : i32
      %dma_start3A_374 = arith.constant 0 : i32
      %dma_start3A_375 = tpu.memref_slice %arg10[%dma_start3A_373, %dma_start3A_374] : memref<10000x128xf32, #tpu.memory_space<vmem_shared>> -> memref<10000x128xf32, #tpu.memory_space<vmem_shared>>
      %dma_start3A_376 = tpu.memref_slice %arg12[%dma_start3A_365] : memref<10x!tpu.dma_semaphore, #tpu.memory_space<semaphore_mem>> -> memref<1x!tpu.dma_semaphore, #tpu.memory_space<semaphore_mem>>
      %dma_start3A_377 = tpu.memref_squeeze %dma_start3A_376 : memref<1x!tpu.dma_semaphore, #tpu.memory_space<semaphore_mem>> -> memref<!tpu.dma_semaphore, #tpu.memory_space<semaphore_mem>>
      tpu.enqueue_indirect_dma source(%dma_start3A_369 : memref<128x128xf32, #tpu.memory_space<vmem>>) target(%dma_start3A_375 : memref<10000x128xf32, #tpu.memory_space<vmem_shared>>) offsets(%dma_start3A_372 : memref<128xi32, #tpu.memory_space<vmem>>) semaphore(%dma_start3A_377 : memref<!tpu.dma_semaphore, #tpu.memory_space<semaphore_mem>>) {add = true}
      %mul3A_378 = arith.constant 10 : i32
      %mul3A_379 = arith.muli %while3A_233, %mul3A_378 : i32
      %add3A_380 = arith.constant 8 : i32
      %add3A_381 = arith.addi %mul3A_379, %add3A_380 : i32
      %dma_start3A_382 = arith.constant 0 : i32
      %dma_start3A_383 = arith.constant 8 : i32
      %dma_start3A_384 = arith.constant 0 : i32
      %dma_start3A_385 = arith.constant 0 : i32
      %dma_start3A_386 = tpu.memref_slice %arg7[%dma_start3A_382, %dma_start3A_384, %dma_start3A_385] : memref<2x128x128xf32, #tpu.memory_space<vmem>> -> memref<1x128x128xf32, #tpu.memory_space<vmem>>
      %dma_start3A_387 = tpu.memref_squeeze %dma_start3A_386 : memref<1x128x128xf32, #tpu.memory_space<vmem>> -> memref<128x128xf32, #tpu.memory_space<vmem>>
      %dma_start3A_388 = arith.constant 0 : i32
      %dma_start3A_389 = tpu.memref_slice %arg9[%add3A_381, %dma_start3A_388] : memref<80x128xi32, #tpu.memory_space<vmem>> -> memref<1x128xi32, #tpu.memory_space<vmem>>
      %dma_start3A_390 = tpu.memref_squeeze %dma_start3A_389 : memref<1x128xi32, #tpu.memory_space<vmem>> -> memref<128xi32, #tpu.memory_space<vmem>>
      %dma_start3A_391 = arith.constant 0 : i32
      %dma_start3A_392 = arith.constant 0 : i32
      %dma_start3A_393 = tpu.memref_slice %arg10[%dma_start3A_391, %dma_start3A_392] : memref<10000x128xf32, #tpu.memory_space<vmem_shared>> -> memref<10000x128xf32, #tpu.memory_space<vmem_shared>>
      %dma_start3A_394 = tpu.memref_slice %arg12[%dma_start3A_383] : memref<10x!tpu.dma_semaphore, #tpu.memory_space<semaphore_mem>> -> memref<1x!tpu.dma_semaphore, #tpu.memory_space<semaphore_mem>>
      %dma_start3A_395 = tpu.memref_squeeze %dma_start3A_394 : memref<1x!tpu.dma_semaphore, #tpu.memory_space<semaphore_mem>> -> memref<!tpu.dma_semaphore, #tpu.memory_space<semaphore_mem>>
      tpu.enqueue_indirect_dma source(%dma_start3A_387 : memref<128x128xf32, #tpu.memory_space<vmem>>) target(%dma_start3A_393 : memref<10000x128xf32, #tpu.memory_space<vmem_shared>>) offsets(%dma_start3A_390 : memref<128xi32, #tpu.memory_space<vmem>>) semaphore(%dma_start3A_395 : memref<!tpu.dma_semaphore, #tpu.memory_space<semaphore_mem>>) {add = true}
      %mul3A_396 = arith.constant 10 : i32
      %mul3A_397 = arith.muli %while3A_233, %mul3A_396 : i32
      %add3A_398 = arith.constant 9 : i32
      %add3A_399 = arith.addi %mul3A_397, %add3A_398 : i32
      %dma_start3A_400 = arith.constant 0 : i32
      %dma_start3A_401 = arith.constant 9 : i32
      %dma_start3A_402 = arith.constant 0 : i32
      %dma_start3A_403 = arith.constant 0 : i32
      %dma_start3A_404 = tpu.memref_slice %arg7[%dma_start3A_400, %dma_start3A_402, %dma_start3A_403] : memref<2x128x128xf32, #tpu.memory_space<vmem>> -> memref<1x128x128xf32, #tpu.memory_space<vmem>>
      %dma_start3A_405 = tpu.memref_squeeze %dma_start3A_404 : memref<1x128x128xf32, #tpu.memory_space<vmem>> -> memref<128x128xf32, #tpu.memory_space<vmem>>
      %dma_start3A_406 = arith.constant 0 : i32
      %dma_start3A_407 = tpu.memref_slice %arg9[%add3A_399, %dma_start3A_406] : memref<80x128xi32, #tpu.memory_space<vmem>> -> memref<1x128xi32, #tpu.memory_space<vmem>>
      %dma_start3A_408 = tpu.memref_squeeze %dma_start3A_407 : memref<1x128xi32, #tpu.memory_space<vmem>> -> memref<128xi32, #tpu.memory_space<vmem>>
      %dma_start3A_409 = arith.constant 0 : i32
      %dma_start3A_410 = arith.constant 0 : i32
      %dma_start3A_411 = tpu.memref_slice %arg10[%dma_start3A_409, %dma_start3A_410] : memref<10000x128xf32, #tpu.memory_space<vmem_shared>> -> memref<10000x128xf32, #tpu.memory_space<vmem_shared>>
      %dma_start3A_412 = tpu.memref_slice %arg12[%dma_start3A_401] : memref<10x!tpu.dma_semaphore, #tpu.memory_space<semaphore_mem>> -> memref<1x!tpu.dma_semaphore, #tpu.memory_space<semaphore_mem>>
      %dma_start3A_413 = tpu.memref_squeeze %dma_start3A_412 : memref<1x!tpu.dma_semaphore, #tpu.memory_space<semaphore_mem>> -> memref<!tpu.dma_semaphore, #tpu.memory_space<semaphore_mem>>
      tpu.enqueue_indirect_dma source(%dma_start3A_405 : memref<128x128xf32, #tpu.memory_space<vmem>>) target(%dma_start3A_411 : memref<10000x128xf32, #tpu.memory_space<vmem_shared>>) offsets(%dma_start3A_408 : memref<128xi32, #tpu.memory_space<vmem>>) semaphore(%dma_start3A_413 : memref<!tpu.dma_semaphore, #tpu.memory_space<semaphore_mem>>) {add = true}
      %dma_wait3A = arith.constant 0 : i32
      %dma_wait3A_414 = arith.constant 0 : i32
      %dma_wait3A_415 = arith.constant 0 : i32
      %dma_wait3A_416 = arith.constant 0 : i32
      %dma_wait3A_417 = tpu.memref_slice %arg7[%dma_wait3A, %dma_wait3A_415, %dma_wait3A_416] : memref<2x128x128xf32, #tpu.memory_space<vmem>> -> memref<1x128x128xf32, #tpu.memory_space<vmem>>
      %dma_wait3A_418 = tpu.memref_squeeze %dma_wait3A_417 : memref<1x128x128xf32, #tpu.memory_space<vmem>> -> memref<128x128xf32, #tpu.memory_space<vmem>>
      %dma_wait3A_419 = arith.constant 0 : i32
      %dma_wait3A_420 = tpu.memref_slice %arg9[%add3A_238, %dma_wait3A_419] : memref<80x128xi32, #tpu.memory_space<vmem>> -> memref<1x128xi32, #tpu.memory_space<vmem>>
      %dma_wait3A_421 = tpu.memref_squeeze %dma_wait3A_420 : memref<1x128xi32, #tpu.memory_space<vmem>> -> memref<128xi32, #tpu.memory_space<vmem>>
      %dma_wait3A_422 = arith.constant 0 : i32
      %dma_wait3A_423 = arith.constant 0 : i32
      %dma_wait3A_424 = tpu.memref_slice %arg10[%dma_wait3A_422, %dma_wait3A_423] : memref<10000x128xf32, #tpu.memory_space<vmem_shared>> -> memref<10000x128xf32, #tpu.memory_space<vmem_shared>>
      %dma_wait3A_425 = tpu.memref_slice %arg12[%dma_wait3A_414] : memref<10x!tpu.dma_semaphore, #tpu.memory_space<semaphore_mem>> -> memref<1x!tpu.dma_semaphore, #tpu.memory_space<semaphore_mem>>
      %dma_wait3A_426 = tpu.memref_squeeze %dma_wait3A_425 : memref<1x!tpu.dma_semaphore, #tpu.memory_space<semaphore_mem>> -> memref<!tpu.dma_semaphore, #tpu.memory_space<semaphore_mem>>
      tpu.wait_indirect_dma semaphore(%dma_wait3A_426 : memref<!tpu.dma_semaphore, #tpu.memory_space<semaphore_mem>>) src(%dma_wait3A_418 : memref<128x128xf32, #tpu.memory_space<vmem>>) dst(%dma_wait3A_424 : memref<10000x128xf32, #tpu.memory_space<vmem_shared>>)
      %dma_wait3A_427 = arith.constant 0 : i32
      %dma_wait3A_428 = arith.constant 1 : i32
      %dma_wait3A_429 = arith.constant 0 : i32
      %dma_wait3A_430 = arith.constant 0 : i32
      %dma_wait3A_431 = tpu.memref_slice %arg7[%dma_wait3A_427, %dma_wait3A_429, %dma_wait3A_430] : memref<2x128x128xf32, #tpu.memory_space<vmem>> -> memref<1x128x128xf32, #tpu.memory_space<vmem>>
      %dma_wait3A_432 = tpu.memref_squeeze %dma_wait3A_431 : memref<1x128x128xf32, #tpu.memory_space<vmem>> -> memref<128x128xf32, #tpu.memory_space<vmem>>
      %dma_wait3A_433 = arith.constant 0 : i32
      %dma_wait3A_434 = tpu.memref_slice %arg9[%add3A_255, %dma_wait3A_433] : memref<80x128xi32, #tpu.memory_space<vmem>> -> memref<1x128xi32, #tpu.memory_space<vmem>>
      %dma_wait3A_435 = tpu.memref_squeeze %dma_wait3A_434 : memref<1x128xi32, #tpu.memory_space<vmem>> -> memref<128xi32, #tpu.memory_space<vmem>>
      %dma_wait3A_436 = arith.constant 0 : i32
      %dma_wait3A_437 = arith.constant 0 : i32
      %dma_wait3A_438 = tpu.memref_slice %arg10[%dma_wait3A_436, %dma_wait3A_437] : memref<10000x128xf32, #tpu.memory_space<vmem_shared>> -> memref<10000x128xf32, #tpu.memory_space<vmem_shared>>
      %dma_wait3A_439 = tpu.memref_slice %arg12[%dma_wait3A_428] : memref<10x!tpu.dma_semaphore, #tpu.memory_space<semaphore_mem>> -> memref<1x!tpu.dma_semaphore, #tpu.memory_space<semaphore_mem>>
      %dma_wait3A_440 = tpu.memref_squeeze %dma_wait3A_439 : memref<1x!tpu.dma_semaphore, #tpu.memory_space<semaphore_mem>> -> memref<!tpu.dma_semaphore, #tpu.memory_space<semaphore_mem>>
      tpu.wait_indirect_dma semaphore(%dma_wait3A_440 : memref<!tpu.dma_semaphore, #tpu.memory_space<semaphore_mem>>) src(%dma_wait3A_432 : memref<128x128xf32, #tpu.memory_space<vmem>>) dst(%dma_wait3A_438 : memref<10000x128xf32, #tpu.memory_space<vmem_shared>>)
      %dma_wait3A_441 = arith.constant 0 : i32
      %dma_wait3A_442 = arith.constant 2 : i32
      %dma_wait3A_443 = arith.constant 0 : i32
      %dma_wait3A_444 = arith.constant 0 : i32
      %dma_wait3A_445 = tpu.memref_slice %arg7[%dma_wait3A_441, %dma_wait3A_443, %dma_wait3A_444] : memref<2x128x128xf32, #tpu.memory_space<vmem>> -> memref<1x128x128xf32, #tpu.memory_space<vmem>>
      %dma_wait3A_446 = tpu.memref_squeeze %dma_wait3A_445 : memref<1x128x128xf32, #tpu.memory_space<vmem>> -> memref<128x128xf32, #tpu.memory_space<vmem>>
      %dma_wait3A_447 = arith.constant 0 : i32
      %dma_wait3A_448 = tpu.memref_slice %arg9[%add3A_273, %dma_wait3A_447] : memref<80x128xi32, #tpu.memory_space<vmem>> -> memref<1x128xi32, #tpu.memory_space<vmem>>
      %dma_wait3A_449 = tpu.memref_squeeze %dma_wait3A_448 : memref<1x128xi32, #tpu.memory_space<vmem>> -> memref<128xi32, #tpu.memory_space<vmem>>
      %dma_wait3A_450 = arith.constant 0 : i32
      %dma_wait3A_451 = arith.constant 0 : i32
      %dma_wait3A_452 = tpu.memref_slice %arg10[%dma_wait3A_450, %dma_wait3A_451] : memref<10000x128xf32, #tpu.memory_space<vmem_shared>> -> memref<10000x128xf32, #tpu.memory_space<vmem_shared>>
      %dma_wait3A_453 = tpu.memref_slice %arg12[%dma_wait3A_442] : memref<10x!tpu.dma_semaphore, #tpu.memory_space<semaphore_mem>> -> memref<1x!tpu.dma_semaphore, #tpu.memory_space<semaphore_mem>>
      %dma_wait3A_454 = tpu.memref_squeeze %dma_wait3A_453 : memref<1x!tpu.dma_semaphore, #tpu.memory_space<semaphore_mem>> -> memref<!tpu.dma_semaphore, #tpu.memory_space<semaphore_mem>>
      tpu.wait_indirect_dma semaphore(%dma_wait3A_454 : memref<!tpu.dma_semaphore, #tpu.memory_space<semaphore_mem>>) src(%dma_wait3A_446 : memref<128x128xf32, #tpu.memory_space<vmem>>) dst(%dma_wait3A_452 : memref<10000x128xf32, #tpu.memory_space<vmem_shared>>)
      %dma_wait3A_455 = arith.constant 0 : i32
      %dma_wait3A_456 = arith.constant 3 : i32
      %dma_wait3A_457 = arith.constant 0 : i32
      %dma_wait3A_458 = arith.constant 0 : i32
      %dma_wait3A_459 = tpu.memref_slice %arg7[%dma_wait3A_455, %dma_wait3A_457, %dma_wait3A_458] : memref<2x128x128xf32, #tpu.memory_space<vmem>> -> memref<1x128x128xf32, #tpu.memory_space<vmem>>
      %dma_wait3A_460 = tpu.memref_squeeze %dma_wait3A_459 : memref<1x128x128xf32, #tpu.memory_space<vmem>> -> memref<128x128xf32, #tpu.memory_space<vmem>>
      %dma_wait3A_461 = arith.constant 0 : i32
      %dma_wait3A_462 = tpu.memref_slice %arg9[%add3A_291, %dma_wait3A_461] : memref<80x128xi32, #tpu.memory_space<vmem>> -> memref<1x128xi32, #tpu.memory_space<vmem>>
      %dma_wait3A_463 = tpu.memref_squeeze %dma_wait3A_462 : memref<1x128xi32, #tpu.memory_space<vmem>> -> memref<128xi32, #tpu.memory_space<vmem>>
      %dma_wait3A_464 = arith.constant 0 : i32
      %dma_wait3A_465 = arith.constant 0 : i32
      %dma_wait3A_466 = tpu.memref_slice %arg10[%dma_wait3A_464, %dma_wait3A_465] : memref<10000x128xf32, #tpu.memory_space<vmem_shared>> -> memref<10000x128xf32, #tpu.memory_space<vmem_shared>>
      %dma_wait3A_467 = tpu.memref_slice %arg12[%dma_wait3A_456] : memref<10x!tpu.dma_semaphore, #tpu.memory_space<semaphore_mem>> -> memref<1x!tpu.dma_semaphore, #tpu.memory_space<semaphore_mem>>
      %dma_wait3A_468 = tpu.memref_squeeze %dma_wait3A_467 : memref<1x!tpu.dma_semaphore, #tpu.memory_space<semaphore_mem>> -> memref<!tpu.dma_semaphore, #tpu.memory_space<semaphore_mem>>
      tpu.wait_indirect_dma semaphore(%dma_wait3A_468 : memref<!tpu.dma_semaphore, #tpu.memory_space<semaphore_mem>>) src(%dma_wait3A_460 : memref<128x128xf32, #tpu.memory_space<vmem>>) dst(%dma_wait3A_466 : memref<10000x128xf32, #tpu.memory_space<vmem_shared>>)
      %dma_wait3A_469 = arith.constant 0 : i32
      %dma_wait3A_470 = arith.constant 4 : i32
      %dma_wait3A_471 = arith.constant 0 : i32
      %dma_wait3A_472 = arith.constant 0 : i32
      %dma_wait3A_473 = tpu.memref_slice %arg7[%dma_wait3A_469, %dma_wait3A_471, %dma_wait3A_472] : memref<2x128x128xf32, #tpu.memory_space<vmem>> -> memref<1x128x128xf32, #tpu.memory_space<vmem>>
      %dma_wait3A_474 = tpu.memref_squeeze %dma_wait3A_473 : memref<1x128x128xf32, #tpu.memory_space<vmem>> -> memref<128x128xf32, #tpu.memory_space<vmem>>
      %dma_wait3A_475 = arith.constant 0 : i32
      %dma_wait3A_476 = tpu.memref_slice %arg9[%add3A_309, %dma_wait3A_475] : memref<80x128xi32, #tpu.memory_space<vmem>> -> memref<1x128xi32, #tpu.memory_space<vmem>>
      %dma_wait3A_477 = tpu.memref_squeeze %dma_wait3A_476 : memref<1x128xi32, #tpu.memory_space<vmem>> -> memref<128xi32, #tpu.memory_space<vmem>>
      %dma_wait3A_478 = arith.constant 0 : i32
      %dma_wait3A_479 = arith.constant 0 : i32
      %dma_wait3A_480 = tpu.memref_slice %arg10[%dma_wait3A_478, %dma_wait3A_479] : memref<10000x128xf32, #tpu.memory_space<vmem_shared>> -> memref<10000x128xf32, #tpu.memory_space<vmem_shared>>
      %dma_wait3A_481 = tpu.memref_slice %arg12[%dma_wait3A_470] : memref<10x!tpu.dma_semaphore, #tpu.memory_space<semaphore_mem>> -> memref<1x!tpu.dma_semaphore, #tpu.memory_space<semaphore_mem>>
      %dma_wait3A_482 = tpu.memref_squeeze %dma_wait3A_481 : memref<1x!tpu.dma_semaphore, #tpu.memory_space<semaphore_mem>> -> memref<!tpu.dma_semaphore, #tpu.memory_space<semaphore_mem>>
      tpu.wait_indirect_dma semaphore(%dma_wait3A_482 : memref<!tpu.dma_semaphore, #tpu.memory_space<semaphore_mem>>) src(%dma_wait3A_474 : memref<128x128xf32, #tpu.memory_space<vmem>>) dst(%dma_wait3A_480 : memref<10000x128xf32, #tpu.memory_space<vmem_shared>>)
      %dma_wait3A_483 = arith.constant 0 : i32
      %dma_wait3A_484 = arith.constant 5 : i32
      %dma_wait3A_485 = arith.constant 0 : i32
      %dma_wait3A_486 = arith.constant 0 : i32
      %dma_wait3A_487 = tpu.memref_slice %arg7[%dma_wait3A_483, %dma_wait3A_485, %dma_wait3A_486] : memref<2x128x128xf32, #tpu.memory_space<vmem>> -> memref<1x128x128xf32, #tpu.memory_space<vmem>>
      %dma_wait3A_488 = tpu.memref_squeeze %dma_wait3A_487 : memref<1x128x128xf32, #tpu.memory_space<vmem>> -> memref<128x128xf32, #tpu.memory_space<vmem>>
      %dma_wait3A_489 = arith.constant 0 : i32
      %dma_wait3A_490 = tpu.memref_slice %arg9[%add3A_327, %dma_wait3A_489] : memref<80x128xi32, #tpu.memory_space<vmem>> -> memref<1x128xi32, #tpu.memory_space<vmem>>
      %dma_wait3A_491 = tpu.memref_squeeze %dma_wait3A_490 : memref<1x128xi32, #tpu.memory_space<vmem>> -> memref<128xi32, #tpu.memory_space<vmem>>
      %dma_wait3A_492 = arith.constant 0 : i32
      %dma_wait3A_493 = arith.constant 0 : i32
      %dma_wait3A_494 = tpu.memref_slice %arg10[%dma_wait3A_492, %dma_wait3A_493] : memref<10000x128xf32, #tpu.memory_space<vmem_shared>> -> memref<10000x128xf32, #tpu.memory_space<vmem_shared>>
      %dma_wait3A_495 = tpu.memref_slice %arg12[%dma_wait3A_484] : memref<10x!tpu.dma_semaphore, #tpu.memory_space<semaphore_mem>> -> memref<1x!tpu.dma_semaphore, #tpu.memory_space<semaphore_mem>>
      %dma_wait3A_496 = tpu.memref_squeeze %dma_wait3A_495 : memref<1x!tpu.dma_semaphore, #tpu.memory_space<semaphore_mem>> -> memref<!tpu.dma_semaphore, #tpu.memory_space<semaphore_mem>>
      tpu.wait_indirect_dma semaphore(%dma_wait3A_496 : memref<!tpu.dma_semaphore, #tpu.memory_space<semaphore_mem>>) src(%dma_wait3A_488 : memref<128x128xf32, #tpu.memory_space<vmem>>) dst(%dma_wait3A_494 : memref<10000x128xf32, #tpu.memory_space<vmem_shared>>)
      %dma_wait3A_497 = arith.constant 0 : i32
      %dma_wait3A_498 = arith.constant 6 : i32
      %dma_wait3A_499 = arith.constant 0 : i32
      %dma_wait3A_500 = arith.constant 0 : i32
      %dma_wait3A_501 = tpu.memref_slice %arg7[%dma_wait3A_497, %dma_wait3A_499, %dma_wait3A_500] : memref<2x128x128xf32, #tpu.memory_space<vmem>> -> memref<1x128x128xf32, #tpu.memory_space<vmem>>
      %dma_wait3A_502 = tpu.memref_squeeze %dma_wait3A_501 : memref<1x128x128xf32, #tpu.memory_space<vmem>> -> memref<128x128xf32, #tpu.memory_space<vmem>>
      %dma_wait3A_503 = arith.constant 0 : i32
      %dma_wait3A_504 = tpu.memref_slice %arg9[%add3A_345, %dma_wait3A_503] : memref<80x128xi32, #tpu.memory_space<vmem>> -> memref<1x128xi32, #tpu.memory_space<vmem>>
      %dma_wait3A_505 = tpu.memref_squeeze %dma_wait3A_504 : memref<1x128xi32, #tpu.memory_space<vmem>> -> memref<128xi32, #tpu.memory_space<vmem>>
      %dma_wait3A_506 = arith.constant 0 : i32
      %dma_wait3A_507 = arith.constant 0 : i32
      %dma_wait3A_508 = tpu.memref_slice %arg10[%dma_wait3A_506, %dma_wait3A_507] : memref<10000x128xf32, #tpu.memory_space<vmem_shared>> -> memref<10000x128xf32, #tpu.memory_space<vmem_shared>>
      %dma_wait3A_509 = tpu.memref_slice %arg12[%dma_wait3A_498] : memref<10x!tpu.dma_semaphore, #tpu.memory_space<semaphore_mem>> -> memref<1x!tpu.dma_semaphore, #tpu.memory_space<semaphore_mem>>
      %dma_wait3A_510 = tpu.memref_squeeze %dma_wait3A_509 : memref<1x!tpu.dma_semaphore, #tpu.memory_space<semaphore_mem>> -> memref<!tpu.dma_semaphore, #tpu.memory_space<semaphore_mem>>
      tpu.wait_indirect_dma semaphore(%dma_wait3A_510 : memref<!tpu.dma_semaphore, #tpu.memory_space<semaphore_mem>>) src(%dma_wait3A_502 : memref<128x128xf32, #tpu.memory_space<vmem>>) dst(%dma_wait3A_508 : memref<10000x128xf32, #tpu.memory_space<vmem_shared>>)
      %dma_wait3A_511 = arith.constant 0 : i32
      %dma_wait3A_512 = arith.constant 7 : i32
      %dma_wait3A_513 = arith.constant 0 : i32
      %dma_wait3A_514 = arith.constant 0 : i32
      %dma_wait3A_515 = tpu.memref_slice %arg7[%dma_wait3A_511, %dma_wait3A_513, %dma_wait3A_514] : memref<2x128x128xf32, #tpu.memory_space<vmem>> -> memref<1x128x128xf32, #tpu.memory_space<vmem>>
      %dma_wait3A_516 = tpu.memref_squeeze %dma_wait3A_515 : memref<1x128x128xf32, #tpu.memory_space<vmem>> -> memref<128x128xf32, #tpu.memory_space<vmem>>
      %dma_wait3A_517 = arith.constant 0 : i32
      %dma_wait3A_518 = tpu.memref_slice %arg9[%add3A_363, %dma_wait3A_517] : memref<80x128xi32, #tpu.memory_space<vmem>> -> memref<1x128xi32, #tpu.memory_space<vmem>>
      %dma_wait3A_519 = tpu.memref_squeeze %dma_wait3A_518 : memref<1x128xi32, #tpu.memory_space<vmem>> -> memref<128xi32, #tpu.memory_space<vmem>>
      %dma_wait3A_520 = arith.constant 0 : i32
      %dma_wait3A_521 = arith.constant 0 : i32
      %dma_wait3A_522 = tpu.memref_slice %arg10[%dma_wait3A_520, %dma_wait3A_521] : memref<10000x128xf32, #tpu.memory_space<vmem_shared>> -> memref<10000x128xf32, #tpu.memory_space<vmem_shared>>
      %dma_wait3A_523 = tpu.memref_slice %arg12[%dma_wait3A_512] : memref<10x!tpu.dma_semaphore, #tpu.memory_space<semaphore_mem>> -> memref<1x!tpu.dma_semaphore, #tpu.memory_space<semaphore_mem>>
      %dma_wait3A_524 = tpu.memref_squeeze %dma_wait3A_523 : memref<1x!tpu.dma_semaphore, #tpu.memory_space<semaphore_mem>> -> memref<!tpu.dma_semaphore, #tpu.memory_space<semaphore_mem>>
      tpu.wait_indirect_dma semaphore(%dma_wait3A_524 : memref<!tpu.dma_semaphore, #tpu.memory_space<semaphore_mem>>) src(%dma_wait3A_516 : memref<128x128xf32, #tpu.memory_space<vmem>>) dst(%dma_wait3A_522 : memref<10000x128xf32, #tpu.memory_space<vmem_shared>>)
      %dma_wait3A_525 = arith.constant 0 : i32
      %dma_wait3A_526 = arith.constant 8 : i32
      %dma_wait3A_527 = arith.constant 0 : i32
      %dma_wait3A_528 = arith.constant 0 : i32
      %dma_wait3A_529 = tpu.memref_slice %arg7[%dma_wait3A_525, %dma_wait3A_527, %dma_wait3A_528] : memref<2x128x128xf32, #tpu.memory_space<vmem>> -> memref<1x128x128xf32, #tpu.memory_space<vmem>>
      %dma_wait3A_530 = tpu.memref_squeeze %dma_wait3A_529 : memref<1x128x128xf32, #tpu.memory_space<vmem>> -> memref<128x128xf32, #tpu.memory_space<vmem>>
      %dma_wait3A_531 = arith.constant 0 : i32
      %dma_wait3A_532 = tpu.memref_slice %arg9[%add3A_381, %dma_wait3A_531] : memref<80x128xi32, #tpu.memory_space<vmem>> -> memref<1x128xi32, #tpu.memory_space<vmem>>
      %dma_wait3A_533 = tpu.memref_squeeze %dma_wait3A_532 : memref<1x128xi32, #tpu.memory_space<vmem>> -> memref<128xi32, #tpu.memory_space<vmem>>
      %dma_wait3A_534 = arith.constant 0 : i32
      %dma_wait3A_535 = arith.constant 0 : i32
      %dma_wait3A_536 = tpu.memref_slice %arg10[%dma_wait3A_534, %dma_wait3A_535] : memref<10000x128xf32, #tpu.memory_space<vmem_shared>> -> memref<10000x128xf32, #tpu.memory_space<vmem_shared>>
      %dma_wait3A_537 = tpu.memref_slice %arg12[%dma_wait3A_526] : memref<10x!tpu.dma_semaphore, #tpu.memory_space<semaphore_mem>> -> memref<1x!tpu.dma_semaphore, #tpu.memory_space<semaphore_mem>>
      %dma_wait3A_538 = tpu.memref_squeeze %dma_wait3A_537 : memref<1x!tpu.dma_semaphore, #tpu.memory_space<semaphore_mem>> -> memref<!tpu.dma_semaphore, #tpu.memory_space<semaphore_mem>>
      tpu.wait_indirect_dma semaphore(%dma_wait3A_538 : memref<!tpu.dma_semaphore, #tpu.memory_space<semaphore_mem>>) src(%dma_wait3A_530 : memref<128x128xf32, #tpu.memory_space<vmem>>) dst(%dma_wait3A_536 : memref<10000x128xf32, #tpu.memory_space<vmem_shared>>)
      %dma_wait3A_539 = arith.constant 0 : i32
      %dma_wait3A_540 = arith.constant 9 : i32
      %dma_wait3A_541 = arith.constant 0 : i32
      %dma_wait3A_542 = arith.constant 0 : i32
      %dma_wait3A_543 = tpu.memref_slice %arg7[%dma_wait3A_539, %dma_wait3A_541, %dma_wait3A_542] : memref<2x128x128xf32, #tpu.memory_space<vmem>> -> memref<1x128x128xf32, #tpu.memory_space<vmem>>
      %dma_wait3A_544 = tpu.memref_squeeze %dma_wait3A_543 : memref<1x128x128xf32, #tpu.memory_space<vmem>> -> memref<128x128xf32, #tpu.memory_space<vmem>>
      %dma_wait3A_545 = arith.constant 0 : i32
      %dma_wait3A_546 = tpu.memref_slice %arg9[%add3A_399, %dma_wait3A_545] : memref<80x128xi32, #tpu.memory_space<vmem>> -> memref<1x128xi32, #tpu.memory_space<vmem>>
      %dma_wait3A_547 = tpu.memref_squeeze %dma_wait3A_546 : memref<1x128xi32, #tpu.memory_space<vmem>> -> memref<128xi32, #tpu.memory_space<vmem>>
      %dma_wait3A_548 = arith.constant 0 : i32
      %dma_wait3A_549 = arith.constant 0 : i32
      %dma_wait3A_550 = tpu.memref_slice %arg10[%dma_wait3A_548, %dma_wait3A_549] : memref<10000x128xf32, #tpu.memory_space<vmem_shared>> -> memref<10000x128xf32, #tpu.memory_space<vmem_shared>>
      %dma_wait3A_551 = tpu.memref_slice %arg12[%dma_wait3A_540] : memref<10x!tpu.dma_semaphore, #tpu.memory_space<semaphore_mem>> -> memref<1x!tpu.dma_semaphore, #tpu.memory_space<semaphore_mem>>
      %dma_wait3A_552 = tpu.memref_squeeze %dma_wait3A_551 : memref<1x!tpu.dma_semaphore, #tpu.memory_space<semaphore_mem>> -> memref<!tpu.dma_semaphore, #tpu.memory_space<semaphore_mem>>
      tpu.wait_indirect_dma semaphore(%dma_wait3A_552 : memref<!tpu.dma_semaphore, #tpu.memory_space<semaphore_mem>>) src(%dma_wait3A_544 : memref<128x128xf32, #tpu.memory_space<vmem>>) dst(%dma_wait3A_550 : memref<10000x128xf32, #tpu.memory_space<vmem_shared>>)
      %while3A_553 = arith.constant 0 : i32
      scf.yield %while3A_553 : i32
    }
    %while3A_63 = arith.constant 1 : i32
    %while3A_64 = scf.for %while3A_233 = %while3A_60 to %while3A_56 step %while3A_63 iter_args(%while3A_234 = %while3A_62) -> (i32)  : i32 {
      %mul3A_235 = arith.constant 10 : i32
      %mul3A_236 = arith.muli %while3A_233, %mul3A_235 : i32
      %add3A_237 = arith.constant 0 : i32
      %add3A_238 = arith.addi %mul3A_236, %add3A_237 : i32
      %dma_start3A = arith.constant 0 : i32
      %dma_start3A_239 = arith.constant 0 : i32
      %dma_start3A_240 = arith.constant 0 : i32
      %dma_start3A_241 = arith.constant 0 : i32
      %dma_start3A_242 = tpu.memref_slice %arg7[%dma_start3A, %dma_start3A_240, %dma_start3A_241] : memref<2x128x128xf32, #tpu.memory_space<vmem>> -> memref<1x128x128xf32, #tpu.memory_space<vmem>>
      %dma_start3A_243 = tpu.memref_squeeze %dma_start3A_242 : memref<1x128x128xf32, #tpu.memory_space<vmem>> -> memref<128x128xf32, #tpu.memory_space<vmem>>
      %dma_start3A_244 = arith.constant 0 : i32
      %dma_start3A_245 = tpu.memref_slice %arg9[%add3A_238, %dma_start3A_244] : memref<80x128xi32, #tpu.memory_space<vmem>> -> memref<1x128xi32, #tpu.memory_space<vmem>>
      %dma_start3A_246 = tpu.memref_squeeze %dma_start3A_245 : memref<1x128xi32, #tpu.memory_space<vmem>> -> memref<128xi32, #tpu.memory_space<vmem>>
      %dma_start3A_247 = arith.constant 0 : i32
      %dma_start3A_248 = arith.constant 0 : i32
      %dma_start3A_249 = tpu.memref_slice %arg10[%dma_start3A_247, %dma_start3A_248] : memref<10000x128xf32, #tpu.memory_space<vmem_shared>> -> memref<10000x128xf32, #tpu.memory_space<vmem_shared>>
      %dma_start3A_250 = tpu.memref_slice %arg12[%dma_start3A_239] : memref<10x!tpu.dma_semaphore, #tpu.memory_space<semaphore_mem>> -> memref<1x!tpu.dma_semaphore, #tpu.memory_space<semaphore_mem>>
      %dma_start3A_251 = tpu.memref_squeeze %dma_start3A_250 : memref<1x!tpu.dma_semaphore, #tpu.memory_space<semaphore_mem>> -> memref<!tpu.dma_semaphore, #tpu.memory_space<semaphore_mem>>
      tpu.enqueue_indirect_dma source(%dma_start3A_243 : memref<128x128xf32, #tpu.memory_space<vmem>>) target(%dma_start3A_249 : memref<10000x128xf32, #tpu.memory_space<vmem_shared>>) offsets(%dma_start3A_246 : memref<128xi32, #tpu.memory_space<vmem>>) semaphore(%dma_start3A_251 : memref<!tpu.dma_semaphore, #tpu.memory_space<semaphore_mem>>) {add = true}
      %mul3A_252 = arith.constant 10 : i32
      %mul3A_253 = arith.muli %while3A_233, %mul3A_252 : i32
      %add3A_254 = arith.constant 1 : i32
      %add3A_255 = arith.addi %mul3A_253, %add3A_254 : i32
      %dma_start3A_256 = arith.constant 0 : i32
      %dma_start3A_257 = arith.constant 1 : i32
      %dma_start3A_258 = arith.constant 0 : i32
      %dma_start3A_259 = arith.constant 0 : i32
      %dma_start3A_260 = tpu.memref_slice %arg7[%dma_start3A_256, %dma_start3A_258, %dma_start3A_259] : memref<2x128x128xf32, #tpu.memory_space<vmem>> -> memref<1x128x128xf32, #tpu.memory_space<vmem>>
      %dma_start3A_261 = tpu.memref_squeeze %dma_start3A_260 : memref<1x128x128xf32, #tpu.memory_space<vmem>> -> memref<128x128xf32, #tpu.memory_space<vmem>>
      %dma_start3A_262 = arith.constant 0 : i32
      %dma_start3A_263 = tpu.memref_slice %arg9[%add3A_255, %dma_start3A_262] : memref<80x128xi32, #tpu.memory_space<vmem>> -> memref<1x128xi32, #tpu.memory_space<vmem>>
      %dma_start3A_264 = tpu.memref_squeeze %dma_start3A_263 : memref<1x128xi32, #tpu.memory_space<vmem>> -> memref<128xi32, #tpu.memory_space<vmem>>
      %dma_start3A_265 = arith.constant 0 : i32
      %dma_start3A_266 = arith.constant 0 : i32
      %dma_start3A_267 = tpu.memref_slice %arg10[%dma_start3A_265, %dma_start3A_266] : memref<10000x128xf32, #tpu.memory_space<vmem_shared>> -> memref<10000x128xf32, #tpu.memory_space<vmem_shared>>
      %dma_start3A_268 = tpu.memref_slice %arg12[%dma_start3A_257] : memref<10x!tpu.dma_semaphore, #tpu.memory_space<semaphore_mem>> -> memref<1x!tpu.dma_semaphore, #tpu.memory_space<semaphore_mem>>
      %dma_start3A_269 = tpu.memref_squeeze %dma_start3A_268 : memref<1x!tpu.dma_semaphore, #tpu.memory_space<semaphore_mem>> -> memref<!tpu.dma_semaphore, #tpu.memory_space<semaphore_mem>>
      tpu.enqueue_indirect_dma source(%dma_start3A_261 : memref<128x128xf32, #tpu.memory_space<vmem>>) target(%dma_start3A_267 : memref<10000x128xf32, #tpu.memory_space<vmem_shared>>) offsets(%dma_start3A_264 : memref<128xi32, #tpu.memory_space<vmem>>) semaphore(%dma_start3A_269 : memref<!tpu.dma_semaphore, #tpu.memory_space<semaphore_mem>>) {add = true}
      %mul3A_270 = arith.constant 10 : i32
      %mul3A_271 = arith.muli %while3A_233, %mul3A_270 : i32
      %add3A_272 = arith.constant 2 : i32
      %add3A_273 = arith.addi %mul3A_271, %add3A_272 : i32
      %dma_start3A_274 = arith.constant 0 : i32
      %dma_start3A_275 = arith.constant 2 : i32
      %dma_start3A_276 = arith.constant 0 : i32
      %dma_start3A_277 = arith.constant 0 : i32
      %dma_start3A_278 = tpu.memref_slice %arg7[%dma_start3A_274, %dma_start3A_276, %dma_start3A_277] : memref<2x128x128xf32, #tpu.memory_space<vmem>> -> memref<1x128x128xf32, #tpu.memory_space<vmem>>
      %dma_start3A_279 = tpu.memref_squeeze %dma_start3A_278 : memref<1x128x128xf32, #tpu.memory_space<vmem>> -> memref<128x128xf32, #tpu.memory_space<vmem>>
      %dma_start3A_280 = arith.constant 0 : i32
      %dma_start3A_281 = tpu.memref_slice %arg9[%add3A_273, %dma_start3A_280] : memref<80x128xi32, #tpu.memory_space<vmem>> -> memref<1x128xi32, #tpu.memory_space<vmem>>
      %dma_start3A_282 = tpu.memref_squeeze %dma_start3A_281 : memref<1x128xi32, #tpu.memory_space<vmem>> -> memref<128xi32, #tpu.memory_space<vmem>>
      %dma_start3A_283 = arith.constant 0 : i32
      %dma_start3A_284 = arith.constant 0 : i32
      %dma_start3A_285 = tpu.memref_slice %arg10[%dma_start3A_283, %dma_start3A_284] : memref<10000x128xf32, #tpu.memory_space<vmem_shared>> -> memref<10000x128xf32, #tpu.memory_space<vmem_shared>>
      %dma_start3A_286 = tpu.memref_slice %arg12[%dma_start3A_275] : memref<10x!tpu.dma_semaphore, #tpu.memory_space<semaphore_mem>> -> memref<1x!tpu.dma_semaphore, #tpu.memory_space<semaphore_mem>>
      %dma_start3A_287 = tpu.memref_squeeze %dma_start3A_286 : memref<1x!tpu.dma_semaphore, #tpu.memory_space<semaphore_mem>> -> memref<!tpu.dma_semaphore, #tpu.memory_space<semaphore_mem>>
      tpu.enqueue_indirect_dma source(%dma_start3A_279 : memref<128x128xf32, #tpu.memory_space<vmem>>) target(%dma_start3A_285 : memref<10000x128xf32, #tpu.memory_space<vmem_shared>>) offsets(%dma_start3A_282 : memref<128xi32, #tpu.memory_space<vmem>>) semaphore(%dma_start3A_287 : memref<!tpu.dma_semaphore, #tpu.memory_space<semaphore_mem>>) {add = true}
      %mul3A_288 = arith.constant 10 : i32
      %mul3A_289 = arith.muli %while3A_233, %mul3A_288 : i32
      %add3A_290 = arith.constant 3 : i32
      %add3A_291 = arith.addi %mul3A_289, %add3A_290 : i32
      %dma_start3A_292 = arith.constant 0 : i32
      %dma_start3A_293 = arith.constant 3 : i32
      %dma_start3A_294 = arith.constant 0 : i32
      %dma_start3A_295 = arith.constant 0 : i32
      %dma_start3A_296 = tpu.memref_slice %arg7[%dma_start3A_292, %dma_start3A_294, %dma_start3A_295] : memref<2x128x128xf32, #tpu.memory_space<vmem>> -> memref<1x128x128xf32, #tpu.memory_space<vmem>>
      %dma_start3A_297 = tpu.memref_squeeze %dma_start3A_296 : memref<1x128x128xf32, #tpu.memory_space<vmem>> -> memref<128x128xf32, #tpu.memory_space<vmem>>
      %dma_start3A_298 = arith.constant 0 : i32
      %dma_start3A_299 = tpu.memref_slice %arg9[%add3A_291, %dma_start3A_298] : memref<80x128xi32, #tpu.memory_space<vmem>> -> memref<1x128xi32, #tpu.memory_space<vmem>>
      %dma_start3A_300 = tpu.memref_squeeze %dma_start3A_299 : memref<1x128xi32, #tpu.memory_space<vmem>> -> memref<128xi32, #tpu.memory_space<vmem>>
      %dma_start3A_301 = arith.constant 0 : i32
      %dma_start3A_302 = arith.constant 0 : i32
      %dma_start3A_303 = tpu.memref_slice %arg10[%dma_start3A_301, %dma_start3A_302] : memref<10000x128xf32, #tpu.memory_space<vmem_shared>> -> memref<10000x128xf32, #tpu.memory_space<vmem_shared>>
      %dma_start3A_304 = tpu.memref_slice %arg12[%dma_start3A_293] : memref<10x!tpu.dma_semaphore, #tpu.memory_space<semaphore_mem>> -> memref<1x!tpu.dma_semaphore, #tpu.memory_space<semaphore_mem>>
      %dma_start3A_305 = tpu.memref_squeeze %dma_start3A_304 : memref<1x!tpu.dma_semaphore, #tpu.memory_space<semaphore_mem>> -> memref<!tpu.dma_semaphore, #tpu.memory_space<semaphore_mem>>
      tpu.enqueue_indirect_dma source(%dma_start3A_297 : memref<128x128xf32, #tpu.memory_space<vmem>>) target(%dma_start3A_303 : memref<10000x128xf32, #tpu.memory_space<vmem_shared>>) offsets(%dma_start3A_300 : memref<128xi32, #tpu.memory_space<vmem>>) semaphore(%dma_start3A_305 : memref<!tpu.dma_semaphore, #tpu.memory_space<semaphore_mem>>) {add = true}
      %mul3A_306 = arith.constant 10 : i32
      %mul3A_307 = arith.muli %while3A_233, %mul3A_306 : i32
      %add3A_308 = arith.constant 4 : i32
      %add3A_309 = arith.addi %mul3A_307, %add3A_308 : i32
      %dma_start3A_310 = arith.constant 0 : i32
      %dma_start3A_311 = arith.constant 4 : i32
      %dma_start3A_312 = arith.constant 0 : i32
      %dma_start3A_313 = arith.constant 0 : i32
      %dma_start3A_314 = tpu.memref_slice %arg7[%dma_start3A_310, %dma_start3A_312, %dma_start3A_313] : memref<2x128x128xf32, #tpu.memory_space<vmem>> -> memref<1x128x128xf32, #tpu.memory_space<vmem>>
      %dma_start3A_315 = tpu.memref_squeeze %dma_start3A_314 : memref<1x128x128xf32, #tpu.memory_space<vmem>> -> memref<128x128xf32, #tpu.memory_space<vmem>>
      %dma_start3A_316 = arith.constant 0 : i32
      %dma_start3A_317 = tpu.memref_slice %arg9[%add3A_309, %dma_start3A_316] : memref<80x128xi32, #tpu.memory_space<vmem>> -> memref<1x128xi32, #tpu.memory_space<vmem>>
      %dma_start3A_318 = tpu.memref_squeeze %dma_start3A_317 : memref<1x128xi32, #tpu.memory_space<vmem>> -> memref<128xi32, #tpu.memory_space<vmem>>
      %dma_start3A_319 = arith.constant 0 : i32
      %dma_start3A_320 = arith.constant 0 : i32
      %dma_start3A_321 = tpu.memref_slice %arg10[%dma_start3A_319, %dma_start3A_320] : memref<10000x128xf32, #tpu.memory_space<vmem_shared>> -> memref<10000x128xf32, #tpu.memory_space<vmem_shared>>
      %dma_start3A_322 = tpu.memref_slice %arg12[%dma_start3A_311] : memref<10x!tpu.dma_semaphore, #tpu.memory_space<semaphore_mem>> -> memref<1x!tpu.dma_semaphore, #tpu.memory_space<semaphore_mem>>
      %dma_start3A_323 = tpu.memref_squeeze %dma_start3A_322 : memref<1x!tpu.dma_semaphore, #tpu.memory_space<semaphore_mem>> -> memref<!tpu.dma_semaphore, #tpu.memory_space<semaphore_mem>>
      tpu.enqueue_indirect_dma source(%dma_start3A_315 : memref<128x128xf32, #tpu.memory_space<vmem>>) target(%dma_start3A_321 : memref<10000x128xf32, #tpu.memory_space<vmem_shared>>) offsets(%dma_start3A_318 : memref<128xi32, #tpu.memory_space<vmem>>) semaphore(%dma_start3A_323 : memref<!tpu.dma_semaphore, #tpu.memory_space<semaphore_mem>>) {add = true}
      %mul3A_324 = arith.constant 10 : i32
      %mul3A_325 = arith.muli %while3A_233, %mul3A_324 : i32
      %add3A_326 = arith.constant 5 : i32
      %add3A_327 = arith.addi %mul3A_325, %add3A_326 : i32
      %dma_start3A_328 = arith.constant 0 : i32
      %dma_start3A_329 = arith.constant 5 : i32
      %dma_start3A_330 = arith.constant 0 : i32
      %dma_start3A_331 = arith.constant 0 : i32
      %dma_start3A_332 = tpu.memref_slice %arg7[%dma_start3A_328, %dma_start3A_330, %dma_start3A_331] : memref<2x128x128xf32, #tpu.memory_space<vmem>> -> memref<1x128x128xf32, #tpu.memory_space<vmem>>
      %dma_start3A_333 = tpu.memref_squeeze %dma_start3A_332 : memref<1x128x128xf32, #tpu.memory_space<vmem>> -> memref<128x128xf32, #tpu.memory_space<vmem>>
      %dma_start3A_334 = arith.constant 0 : i32
      %dma_start3A_335 = tpu.memref_slice %arg9[%add3A_327, %dma_start3A_334] : memref<80x128xi32, #tpu.memory_space<vmem>> -> memref<1x128xi32, #tpu.memory_space<vmem>>
      %dma_start3A_336 = tpu.memref_squeeze %dma_start3A_335 : memref<1x128xi32, #tpu.memory_space<vmem>> -> memref<128xi32, #tpu.memory_space<vmem>>
      %dma_start3A_337 = arith.constant 0 : i32
      %dma_start3A_338 = arith.constant 0 : i32
      %dma_start3A_339 = tpu.memref_slice %arg10[%dma_start3A_337, %dma_start3A_338] : memref<10000x128xf32, #tpu.memory_space<vmem_shared>> -> memref<10000x128xf32, #tpu.memory_space<vmem_shared>>
      %dma_start3A_340 = tpu.memref_slice %arg12[%dma_start3A_329] : memref<10x!tpu.dma_semaphore, #tpu.memory_space<semaphore_mem>> -> memref<1x!tpu.dma_semaphore, #tpu.memory_space<semaphore_mem>>
      %dma_start3A_341 = tpu.memref_squeeze %dma_start3A_340 : memref<1x!tpu.dma_semaphore, #tpu.memory_space<semaphore_mem>> -> memref<!tpu.dma_semaphore, #tpu.memory_space<semaphore_mem>>
      tpu.enqueue_indirect_dma source(%dma_start3A_333 : memref<128x128xf32, #tpu.memory_space<vmem>>) target(%dma_start3A_339 : memref<10000x128xf32, #tpu.memory_space<vmem_shared>>) offsets(%dma_start3A_336 : memref<128xi32, #tpu.memory_space<vmem>>) semaphore(%dma_start3A_341 : memref<!tpu.dma_semaphore, #tpu.memory_space<semaphore_mem>>) {add = true}
      %mul3A_342 = arith.constant 10 : i32
      %mul3A_343 = arith.muli %while3A_233, %mul3A_342 : i32
      %add3A_344 = arith.constant 6 : i32
      %add3A_345 = arith.addi %mul3A_343, %add3A_344 : i32
      %dma_start3A_346 = arith.constant 0 : i32
      %dma_start3A_347 = arith.constant 6 : i32
      %dma_start3A_348 = arith.constant 0 : i32
      %dma_start3A_349 = arith.constant 0 : i32
      %dma_start3A_350 = tpu.memref_slice %arg7[%dma_start3A_346, %dma_start3A_348, %dma_start3A_349] : memref<2x128x128xf32, #tpu.memory_space<vmem>> -> memref<1x128x128xf32, #tpu.memory_space<vmem>>
      %dma_start3A_351 = tpu.memref_squeeze %dma_start3A_350 : memref<1x128x128xf32, #tpu.memory_space<vmem>> -> memref<128x128xf32, #tpu.memory_space<vmem>>
      %dma_start3A_352 = arith.constant 0 : i32
      %dma_start3A_353 = tpu.memref_slice %arg9[%add3A_345, %dma_start3A_352] : memref<80x128xi32, #tpu.memory_space<vmem>> -> memref<1x128xi32, #tpu.memory_space<vmem>>
      %dma_start3A_354 = tpu.memref_squeeze %dma_start3A_353 : memref<1x128xi32, #tpu.memory_space<vmem>> -> memref<128xi32, #tpu.memory_space<vmem>>
      %dma_start3A_355 = arith.constant 0 : i32
      %dma_start3A_356 = arith.constant 0 : i32
      %dma_start3A_357 = tpu.memref_slice %arg10[%dma_start3A_355, %dma_start3A_356] : memref<10000x128xf32, #tpu.memory_space<vmem_shared>> -> memref<10000x128xf32, #tpu.memory_space<vmem_shared>>
      %dma_start3A_358 = tpu.memref_slice %arg12[%dma_start3A_347] : memref<10x!tpu.dma_semaphore, #tpu.memory_space<semaphore_mem>> -> memref<1x!tpu.dma_semaphore, #tpu.memory_space<semaphore_mem>>
      %dma_start3A_359 = tpu.memref_squeeze %dma_start3A_358 : memref<1x!tpu.dma_semaphore, #tpu.memory_space<semaphore_mem>> -> memref<!tpu.dma_semaphore, #tpu.memory_space<semaphore_mem>>
      tpu.enqueue_indirect_dma source(%dma_start3A_351 : memref<128x128xf32, #tpu.memory_space<vmem>>) target(%dma_start3A_357 : memref<10000x128xf32, #tpu.memory_space<vmem_shared>>) offsets(%dma_start3A_354 : memref<128xi32, #tpu.memory_space<vmem>>) semaphore(%dma_start3A_359 : memref<!tpu.dma_semaphore, #tpu.memory_space<semaphore_mem>>) {add = true}
      %mul3A_360 = arith.constant 10 : i32
      %mul3A_361 = arith.muli %while3A_233, %mul3A_360 : i32
      %add3A_362 = arith.constant 7 : i32
      %add3A_363 = arith.addi %mul3A_361, %add3A_362 : i32
      %dma_start3A_364 = arith.constant 0 : i32
      %dma_start3A_365 = arith.constant 7 : i32
      %dma_start3A_366 = arith.constant 0 : i32
      %dma_start3A_367 = arith.constant 0 : i32
      %dma_start3A_368 = tpu.memref_slice %arg7[%dma_start3A_364, %dma_start3A_366, %dma_start3A_367] : memref<2x128x128xf32, #tpu.memory_space<vmem>> -> memref<1x128x128xf32, #tpu.memory_space<vmem>>
      %dma_start3A_369 = tpu.memref_squeeze %dma_start3A_368 : memref<1x128x128xf32, #tpu.memory_space<vmem>> -> memref<128x128xf32, #tpu.memory_space<vmem>>
      %dma_start3A_370 = arith.constant 0 : i32
      %dma_start3A_371 = tpu.memref_slice %arg9[%add3A_363, %dma_start3A_370] : memref<80x128xi32, #tpu.memory_space<vmem>> -> memref<1x128xi32, #tpu.memory_space<vmem>>
      %dma_start3A_372 = tpu.memref_squeeze %dma_start3A_371 : memref<1x128xi32, #tpu.memory_space<vmem>> -> memref<128xi32, #tpu.memory_space<vmem>>
      %dma_start3A_373 = arith.constant 0 : i32
      %dma_start3A_374 = arith.constant 0 : i32
      %dma_start3A_375 = tpu.memref_slice %arg10[%dma_start3A_373, %dma_start3A_374] : memref<10000x128xf32, #tpu.memory_space<vmem_shared>> -> memref<10000x128xf32, #tpu.memory_space<vmem_shared>>
      %dma_start3A_376 = tpu.memref_slice %arg12[%dma_start3A_365] : memref<10x!tpu.dma_semaphore, #tpu.memory_space<semaphore_mem>> -> memref<1x!tpu.dma_semaphore, #tpu.memory_space<semaphore_mem>>
      %dma_start3A_377 = tpu.memref_squeeze %dma_start3A_376 : memref<1x!tpu.dma_semaphore, #tpu.memory_space<semaphore_mem>> -> memref<!tpu.dma_semaphore, #tpu.memory_space<semaphore_mem>>
      tpu.enqueue_indirect_dma source(%dma_start3A_369 : memref<128x128xf32, #tpu.memory_space<vmem>>) target(%dma_start3A_375 : memref<10000x128xf32, #tpu.memory_space<vmem_shared>>) offsets(%dma_start3A_372 : memref<128xi32, #tpu.memory_space<vmem>>) semaphore(%dma_start3A_377 : memref<!tpu.dma_semaphore, #tpu.memory_space<semaphore_mem>>) {add = true}
      %mul3A_378 = arith.constant 10 : i32
      %mul3A_379 = arith.muli %while3A_233, %mul3A_378 : i32
      %add3A_380 = arith.constant 8 : i32
      %add3A_381 = arith.addi %mul3A_379, %add3A_380 : i32
      %dma_start3A_382 = arith.constant 0 : i32
      %dma_start3A_383 = arith.constant 8 : i32
      %dma_start3A_384 = arith.constant 0 : i32
      %dma_start3A_385 = arith.constant 0 : i32
      %dma_start3A_386 = tpu.memref_slice %arg7[%dma_start3A_382, %dma_start3A_384, %dma_start3A_385] : memref<2x128x128xf32, #tpu.memory_space<vmem>> -> memref<1x128x128xf32, #tpu.memory_space<vmem>>
      %dma_start3A_387 = tpu.memref_squeeze %dma_start3A_386 : memref<1x128x128xf32, #tpu.memory_space<vmem>> -> memref<128x128xf32, #tpu.memory_space<vmem>>
      %dma_start3A_388 = arith.constant 0 : i32
      %dma_start3A_389 = tpu.memref_slice %arg9[%add3A_381, %dma_start3A_388] : memref<80x128xi32, #tpu.memory_space<vmem>> -> memref<1x128xi32, #tpu.memory_space<vmem>>
      %dma_start3A_390 = tpu.memref_squeeze %dma_start3A_389 : memref<1x128xi32, #tpu.memory_space<vmem>> -> memref<128xi32, #tpu.memory_space<vmem>>
      %dma_start3A_391 = arith.constant 0 : i32
      %dma_start3A_392 = arith.constant 0 : i32
      %dma_start3A_393 = tpu.memref_slice %arg10[%dma_start3A_391, %dma_start3A_392] : memref<10000x128xf32, #tpu.memory_space<vmem_shared>> -> memref<10000x128xf32, #tpu.memory_space<vmem_shared>>
      %dma_start3A_394 = tpu.memref_slice %arg12[%dma_start3A_383] : memref<10x!tpu.dma_semaphore, #tpu.memory_space<semaphore_mem>> -> memref<1x!tpu.dma_semaphore, #tpu.memory_space<semaphore_mem>>
      %dma_start3A_395 = tpu.memref_squeeze %dma_start3A_394 : memref<1x!tpu.dma_semaphore, #tpu.memory_space<semaphore_mem>> -> memref<!tpu.dma_semaphore, #tpu.memory_space<semaphore_mem>>
      tpu.enqueue_indirect_dma source(%dma_start3A_387 : memref<128x128xf32, #tpu.memory_space<vmem>>) target(%dma_start3A_393 : memref<10000x128xf32, #tpu.memory_space<vmem_shared>>) offsets(%dma_start3A_390 : memref<128xi32, #tpu.memory_space<vmem>>) semaphore(%dma_start3A_395 : memref<!tpu.dma_semaphore, #tpu.memory_space<semaphore_mem>>) {add = true}
      %mul3A_396 = arith.constant 10 : i32
      %mul3A_397 = arith.muli %while3A_233, %mul3A_396 : i32
      %add3A_398 = arith.constant 9 : i32
      %add3A_399 = arith.addi %mul3A_397, %add3A_398 : i32
      %dma_start3A_400 = arith.constant 0 : i32
      %dma_start3A_401 = arith.constant 9 : i32
      %dma_start3A_402 = arith.constant 0 : i32
      %dma_start3A_403 = arith.constant 0 : i32
      %dma_start3A_404 = tpu.memref_slice %arg7[%dma_start3A_400, %dma_start3A_402, %dma_start3A_403] : memref<2x128x128xf32, #tpu.memory_space<vmem>> -> memref<1x128x128xf32, #tpu.memory_space<vmem>>
      %dma_start3A_405 = tpu.memref_squeeze %dma_start3A_404 : memref<1x128x128xf32, #tpu.memory_space<vmem>> -> memref<128x128xf32, #tpu.memory_space<vmem>>
      %dma_start3A_406 = arith.constant 0 : i32
      %dma_start3A_407 = tpu.memref_slice %arg9[%add3A_399, %dma_start3A_406] : memref<80x128xi32, #tpu.memory_space<vmem>> -> memref<1x128xi32, #tpu.memory_space<vmem>>
      %dma_start3A_408 = tpu.memref_squeeze %dma_start3A_407 : memref<1x128xi32, #tpu.memory_space<vmem>> -> memref<128xi32, #tpu.memory_space<vmem>>
      %dma_start3A_409 = arith.constant 0 : i32
      %dma_start3A_410 = arith.constant 0 : i32
      %dma_start3A_411 = tpu.memref_slice %arg10[%dma_start3A_409, %dma_start3A_410] : memref<10000x128xf32, #tpu.memory_space<vmem_shared>> -> memref<10000x128xf32, #tpu.memory_space<vmem_shared>>
      %dma_start3A_412 = tpu.memref_slice %arg12[%dma_start3A_401] : memref<10x!tpu.dma_semaphore, #tpu.memory_space<semaphore_mem>> -> memref<1x!tpu.dma_semaphore, #tpu.memory_space<semaphore_mem>>
      %dma_start3A_413 = tpu.memref_squeeze %dma_start3A_412 : memref<1x!tpu.dma_semaphore, #tpu.memory_space<semaphore_mem>> -> memref<!tpu.dma_semaphore, #tpu.memory_space<semaphore_mem>>
      tpu.enqueue_indirect_dma source(%dma_start3A_405 : memref<128x128xf32, #tpu.memory_space<vmem>>) target(%dma_start3A_411 : memref<10000x128xf32, #tpu.memory_space<vmem_shared>>) offsets(%dma_start3A_408 : memref<128xi32, #tpu.memory_space<vmem>>) semaphore(%dma_start3A_413 : memref<!tpu.dma_semaphore, #tpu.memory_space<semaphore_mem>>) {add = true}
      %dma_wait3A = arith.constant 0 : i32
      %dma_wait3A_414 = arith.constant 0 : i32
      %dma_wait3A_415 = arith.constant 0 : i32
      %dma_wait3A_416 = arith.constant 0 : i32
      %dma_wait3A_417 = tpu.memref_slice %arg7[%dma_wait3A, %dma_wait3A_415, %dma_wait3A_416] : memref<2x128x128xf32, #tpu.memory_space<vmem>> -> memref<1x128x128xf32, #tpu.memory_space<vmem>>
      %dma_wait3A_418 = tpu.memref_squeeze %dma_wait3A_417 : memref<1x128x128xf32, #tpu.memory_space<vmem>> -> memref<128x128xf32, #tpu.memory_space<vmem>>
      %dma_wait3A_419 = arith.constant 0 : i32
      %dma_wait3A_420 = tpu.memref_slice %arg9[%add3A_238, %dma_wait3A_419] : memref<80x128xi32, #tpu.memory_space<vmem>> -> memref<1x128xi32, #tpu.memory_space<vmem>>
      %dma_wait3A_421 = tpu.memref_squeeze %dma_wait3A_420 : memref<1x128xi32, #tpu.memory_space<vmem>> -> memref<128xi32, #tpu.memory_space<vmem>>
      %dma_wait3A_422 = arith.constant 0 : i32
      %dma_wait3A_423 = arith.constant 0 : i32
      %dma_wait3A_424 = tpu.memref_slice %arg10[%dma_wait3A_422, %dma_wait3A_423] : memref<10000x128xf32, #tpu.memory_space<vmem_shared>> -> memref<10000x128xf32, #tpu.memory_space<vmem_shared>>
      %dma_wait3A_425 = tpu.memref_slice %arg12[%dma_wait3A_414] : memref<10x!tpu.dma_semaphore, #tpu.memory_space<semaphore_mem>> -> memref<1x!tpu.dma_semaphore, #tpu.memory_space<semaphore_mem>>
      %dma_wait3A_426 = tpu.memref_squeeze %dma_wait3A_425 : memref<1x!tpu.dma_semaphore, #tpu.memory_space<semaphore_mem>> -> memref<!tpu.dma_semaphore, #tpu.memory_space<semaphore_mem>>
      tpu.wait_indirect_dma semaphore(%dma_wait3A_426 : memref<!tpu.dma_semaphore, #tpu.memory_space<semaphore_mem>>) src(%dma_wait3A_418 : memref<128x128xf32, #tpu.memory_space<vmem>>) dst(%dma_wait3A_424 : memref<10000x128xf32, #tpu.memory_space<vmem_shared>>)
      %dma_wait3A_427 = arith.constant 0 : i32
      %dma_wait3A_428 = arith.constant 1 : i32
      %dma_wait3A_429 = arith.constant 0 : i32
      %dma_wait3A_430 = arith.constant 0 : i32
      %dma_wait3A_431 = tpu.memref_slice %arg7[%dma_wait3A_427, %dma_wait3A_429, %dma_wait3A_430] : memref<2x128x128xf32, #tpu.memory_space<vmem>> -> memref<1x128x128xf32, #tpu.memory_space<vmem>>
      %dma_wait3A_432 = tpu.memref_squeeze %dma_wait3A_431 : memref<1x128x128xf32, #tpu.memory_space<vmem>> -> memref<128x128xf32, #tpu.memory_space<vmem>>
      %dma_wait3A_433 = arith.constant 0 : i32
      %dma_wait3A_434 = tpu.memref_slice %arg9[%add3A_255, %dma_wait3A_433] : memref<80x128xi32, #tpu.memory_space<vmem>> -> memref<1x128xi32, #tpu.memory_space<vmem>>
      %dma_wait3A_435 = tpu.memref_squeeze %dma_wait3A_434 : memref<1x128xi32, #tpu.memory_space<vmem>> -> memref<128xi32, #tpu.memory_space<vmem>>
      %dma_wait3A_436 = arith.constant 0 : i32
      %dma_wait3A_437 = arith.constant 0 : i32
      %dma_wait3A_438 = tpu.memref_slice %arg10[%dma_wait3A_436, %dma_wait3A_437] : memref<10000x128xf32, #tpu.memory_space<vmem_shared>> -> memref<10000x128xf32, #tpu.memory_space<vmem_shared>>
      %dma_wait3A_439 = tpu.memref_slice %arg12[%dma_wait3A_428] : memref<10x!tpu.dma_semaphore, #tpu.memory_space<semaphore_mem>> -> memref<1x!tpu.dma_semaphore, #tpu.memory_space<semaphore_mem>>
      %dma_wait3A_440 = tpu.memref_squeeze %dma_wait3A_439 : memref<1x!tpu.dma_semaphore, #tpu.memory_space<semaphore_mem>> -> memref<!tpu.dma_semaphore, #tpu.memory_space<semaphore_mem>>
      tpu.wait_indirect_dma semaphore(%dma_wait3A_440 : memref<!tpu.dma_semaphore, #tpu.memory_space<semaphore_mem>>) src(%dma_wait3A_432 : memref<128x128xf32, #tpu.memory_space<vmem>>) dst(%dma_wait3A_438 : memref<10000x128xf32, #tpu.memory_space<vmem_shared>>)
      %dma_wait3A_441 = arith.constant 0 : i32
      %dma_wait3A_442 = arith.constant 2 : i32
      %dma_wait3A_443 = arith.constant 0 : i32
      %dma_wait3A_444 = arith.constant 0 : i32
      %dma_wait3A_445 = tpu.memref_slice %arg7[%dma_wait3A_441, %dma_wait3A_443, %dma_wait3A_444] : memref<2x128x128xf32, #tpu.memory_space<vmem>> -> memref<1x128x128xf32, #tpu.memory_space<vmem>>
      %dma_wait3A_446 = tpu.memref_squeeze %dma_wait3A_445 : memref<1x128x128xf32, #tpu.memory_space<vmem>> -> memref<128x128xf32, #tpu.memory_space<vmem>>
      %dma_wait3A_447 = arith.constant 0 : i32
      %dma_wait3A_448 = tpu.memref_slice %arg9[%add3A_273, %dma_wait3A_447] : memref<80x128xi32, #tpu.memory_space<vmem>> -> memref<1x128xi32, #tpu.memory_space<vmem>>
      %dma_wait3A_449 = tpu.memref_squeeze %dma_wait3A_448 : memref<1x128xi32, #tpu.memory_space<vmem>> -> memref<128xi32, #tpu.memory_space<vmem>>
      %dma_wait3A_450 = arith.constant 0 : i32
      %dma_wait3A_451 = arith.constant 0 : i32
      %dma_wait3A_452 = tpu.memref_slice %arg10[%dma_wait3A_450, %dma_wait3A_451] : memref<10000x128xf32, #tpu.memory_space<vmem_shared>> -> memref<10000x128xf32, #tpu.memory_space<vmem_shared>>
      %dma_wait3A_453 = tpu.memref_slice %arg12[%dma_wait3A_442] : memref<10x!tpu.dma_semaphore, #tpu.memory_space<semaphore_mem>> -> memref<1x!tpu.dma_semaphore, #tpu.memory_space<semaphore_mem>>
      %dma_wait3A_454 = tpu.memref_squeeze %dma_wait3A_453 : memref<1x!tpu.dma_semaphore, #tpu.memory_space<semaphore_mem>> -> memref<!tpu.dma_semaphore, #tpu.memory_space<semaphore_mem>>
      tpu.wait_indirect_dma semaphore(%dma_wait3A_454 : memref<!tpu.dma_semaphore, #tpu.memory_space<semaphore_mem>>) src(%dma_wait3A_446 : memref<128x128xf32, #tpu.memory_space<vmem>>) dst(%dma_wait3A_452 : memref<10000x128xf32, #tpu.memory_space<vmem_shared>>)
      %dma_wait3A_455 = arith.constant 0 : i32
      %dma_wait3A_456 = arith.constant 3 : i32
      %dma_wait3A_457 = arith.constant 0 : i32
      %dma_wait3A_458 = arith.constant 0 : i32
      %dma_wait3A_459 = tpu.memref_slice %arg7[%dma_wait3A_455, %dma_wait3A_457, %dma_wait3A_458] : memref<2x128x128xf32, #tpu.memory_space<vmem>> -> memref<1x128x128xf32, #tpu.memory_space<vmem>>
      %dma_wait3A_460 = tpu.memref_squeeze %dma_wait3A_459 : memref<1x128x128xf32, #tpu.memory_space<vmem>> -> memref<128x128xf32, #tpu.memory_space<vmem>>
      %dma_wait3A_461 = arith.constant 0 : i32
      %dma_wait3A_462 = tpu.memref_slice %arg9[%add3A_291, %dma_wait3A_461] : memref<80x128xi32, #tpu.memory_space<vmem>> -> memref<1x128xi32, #tpu.memory_space<vmem>>
      %dma_wait3A_463 = tpu.memref_squeeze %dma_wait3A_462 : memref<1x128xi32, #tpu.memory_space<vmem>> -> memref<128xi32, #tpu.memory_space<vmem>>
      %dma_wait3A_464 = arith.constant 0 : i32
      %dma_wait3A_465 = arith.constant 0 : i32
      %dma_wait3A_466 = tpu.memref_slice %arg10[%dma_wait3A_464, %dma_wait3A_465] : memref<10000x128xf32, #tpu.memory_space<vmem_shared>> -> memref<10000x128xf32, #tpu.memory_space<vmem_shared>>
      %dma_wait3A_467 = tpu.memref_slice %arg12[%dma_wait3A_456] : memref<10x!tpu.dma_semaphore, #tpu.memory_space<semaphore_mem>> -> memref<1x!tpu.dma_semaphore, #tpu.memory_space<semaphore_mem>>
      %dma_wait3A_468 = tpu.memref_squeeze %dma_wait3A_467 : memref<1x!tpu.dma_semaphore, #tpu.memory_space<semaphore_mem>> -> memref<!tpu.dma_semaphore, #tpu.memory_space<semaphore_mem>>
      tpu.wait_indirect_dma semaphore(%dma_wait3A_468 : memref<!tpu.dma_semaphore, #tpu.memory_space<semaphore_mem>>) src(%dma_wait3A_460 : memref<128x128xf32, #tpu.memory_space<vmem>>) dst(%dma_wait3A_466 : memref<10000x128xf32, #tpu.memory_space<vmem_shared>>)
      %dma_wait3A_469 = arith.constant 0 : i32
      %dma_wait3A_470 = arith.constant 4 : i32
      %dma_wait3A_471 = arith.constant 0 : i32
      %dma_wait3A_472 = arith.constant 0 : i32
      %dma_wait3A_473 = tpu.memref_slice %arg7[%dma_wait3A_469, %dma_wait3A_471, %dma_wait3A_472] : memref<2x128x128xf32, #tpu.memory_space<vmem>> -> memref<1x128x128xf32, #tpu.memory_space<vmem>>
      %dma_wait3A_474 = tpu.memref_squeeze %dma_wait3A_473 : memref<1x128x128xf32, #tpu.memory_space<vmem>> -> memref<128x128xf32, #tpu.memory_space<vmem>>
      %dma_wait3A_475 = arith.constant 0 : i32
      %dma_wait3A_476 = tpu.memref_slice %arg9[%add3A_309, %dma_wait3A_475] : memref<80x128xi32, #tpu.memory_space<vmem>> -> memref<1x128xi32, #tpu.memory_space<vmem>>
      %dma_wait3A_477 = tpu.memref_squeeze %dma_wait3A_476 : memref<1x128xi32, #tpu.memory_space<vmem>> -> memref<128xi32, #tpu.memory_space<vmem>>
      %dma_wait3A_478 = arith.constant 0 : i32
      %dma_wait3A_479 = arith.constant 0 : i32
      %dma_wait3A_480 = tpu.memref_slice %arg10[%dma_wait3A_478, %dma_wait3A_479] : memref<10000x128xf32, #tpu.memory_space<vmem_shared>> -> memref<10000x128xf32, #tpu.memory_space<vmem_shared>>
      %dma_wait3A_481 = tpu.memref_slice %arg12[%dma_wait3A_470] : memref<10x!tpu.dma_semaphore, #tpu.memory_space<semaphore_mem>> -> memref<1x!tpu.dma_semaphore, #tpu.memory_space<semaphore_mem>>
      %dma_wait3A_482 = tpu.memref_squeeze %dma_wait3A_481 : memref<1x!tpu.dma_semaphore, #tpu.memory_space<semaphore_mem>> -> memref<!tpu.dma_semaphore, #tpu.memory_space<semaphore_mem>>
      tpu.wait_indirect_dma semaphore(%dma_wait3A_482 : memref<!tpu.dma_semaphore, #tpu.memory_space<semaphore_mem>>) src(%dma_wait3A_474 : memref<128x128xf32, #tpu.memory_space<vmem>>) dst(%dma_wait3A_480 : memref<10000x128xf32, #tpu.memory_space<vmem_shared>>)
      %dma_wait3A_483 = arith.constant 0 : i32
      %dma_wait3A_484 = arith.constant 5 : i32
      %dma_wait3A_485 = arith.constant 0 : i32
      %dma_wait3A_486 = arith.constant 0 : i32
      %dma_wait3A_487 = tpu.memref_slice %arg7[%dma_wait3A_483, %dma_wait3A_485, %dma_wait3A_486] : memref<2x128x128xf32, #tpu.memory_space<vmem>> -> memref<1x128x128xf32, #tpu.memory_space<vmem>>
      %dma_wait3A_488 = tpu.memref_squeeze %dma_wait3A_487 : memref<1x128x128xf32, #tpu.memory_space<vmem>> -> memref<128x128xf32, #tpu.memory_space<vmem>>
      %dma_wait3A_489 = arith.constant 0 : i32
      %dma_wait3A_490 = tpu.memref_slice %arg9[%add3A_327, %dma_wait3A_489] : memref<80x128xi32, #tpu.memory_space<vmem>> -> memref<1x128xi32, #tpu.memory_space<vmem>>
      %dma_wait3A_491 = tpu.memref_squeeze %dma_wait3A_490 : memref<1x128xi32, #tpu.memory_space<vmem>> -> memref<128xi32, #tpu.memory_space<vmem>>
      %dma_wait3A_492 = arith.constant 0 : i32
      %dma_wait3A_493 = arith.constant 0 : i32
      %dma_wait3A_494 = tpu.memref_slice %arg10[%dma_wait3A_492, %dma_wait3A_493] : memref<10000x128xf32, #tpu.memory_space<vmem_shared>> -> memref<10000x128xf32, #tpu.memory_space<vmem_shared>>
      %dma_wait3A_495 = tpu.memref_slice %arg12[%dma_wait3A_484] : memref<10x!tpu.dma_semaphore, #tpu.memory_space<semaphore_mem>> -> memref<1x!tpu.dma_semaphore, #tpu.memory_space<semaphore_mem>>
      %dma_wait3A_496 = tpu.memref_squeeze %dma_wait3A_495 : memref<1x!tpu.dma_semaphore, #tpu.memory_space<semaphore_mem>> -> memref<!tpu.dma_semaphore, #tpu.memory_space<semaphore_mem>>
      tpu.wait_indirect_dma semaphore(%dma_wait3A_496 : memref<!tpu.dma_semaphore, #tpu.memory_space<semaphore_mem>>) src(%dma_wait3A_488 : memref<128x128xf32, #tpu.memory_space<vmem>>) dst(%dma_wait3A_494 : memref<10000x128xf32, #tpu.memory_space<vmem_shared>>)
      %dma_wait3A_497 = arith.constant 0 : i32
      %dma_wait3A_498 = arith.constant 6 : i32
      %dma_wait3A_499 = arith.constant 0 : i32
      %dma_wait3A_500 = arith.constant 0 : i32
      %dma_wait3A_501 = tpu.memref_slice %arg7[%dma_wait3A_497, %dma_wait3A_499, %dma_wait3A_500] : memref<2x128x128xf32, #tpu.memory_space<vmem>> -> memref<1x128x128xf32, #tpu.memory_space<vmem>>
      %dma_wait3A_502 = tpu.memref_squeeze %dma_wait3A_501 : memref<1x128x128xf32, #tpu.memory_space<vmem>> -> memref<128x128xf32, #tpu.memory_space<vmem>>
      %dma_wait3A_503 = arith.constant 0 : i32
      %dma_wait3A_504 = tpu.memref_slice %arg9[%add3A_345, %dma_wait3A_503] : memref<80x128xi32, #tpu.memory_space<vmem>> -> memref<1x128xi32, #tpu.memory_space<vmem>>
      %dma_wait3A_505 = tpu.memref_squeeze %dma_wait3A_504 : memref<1x128xi32, #tpu.memory_space<vmem>> -> memref<128xi32, #tpu.memory_space<vmem>>
      %dma_wait3A_506 = arith.constant 0 : i32
      %dma_wait3A_507 = arith.constant 0 : i32
      %dma_wait3A_508 = tpu.memref_slice %arg10[%dma_wait3A_506, %dma_wait3A_507] : memref<10000x128xf32, #tpu.memory_space<vmem_shared>> -> memref<10000x128xf32, #tpu.memory_space<vmem_shared>>
      %dma_wait3A_509 = tpu.memref_slice %arg12[%dma_wait3A_498] : memref<10x!tpu.dma_semaphore, #tpu.memory_space<semaphore_mem>> -> memref<1x!tpu.dma_semaphore, #tpu.memory_space<semaphore_mem>>
      %dma_wait3A_510 = tpu.memref_squeeze %dma_wait3A_509 : memref<1x!tpu.dma_semaphore, #tpu.memory_space<semaphore_mem>> -> memref<!tpu.dma_semaphore, #tpu.memory_space<semaphore_mem>>
      tpu.wait_indirect_dma semaphore(%dma_wait3A_510 : memref<!tpu.dma_semaphore, #tpu.memory_space<semaphore_mem>>) src(%dma_wait3A_502 : memref<128x128xf32, #tpu.memory_space<vmem>>) dst(%dma_wait3A_508 : memref<10000x128xf32, #tpu.memory_space<vmem_shared>>)
      %dma_wait3A_511 = arith.constant 0 : i32
      %dma_wait3A_512 = arith.constant 7 : i32
      %dma_wait3A_513 = arith.constant 0 : i32
      %dma_wait3A_514 = arith.constant 0 : i32
      %dma_wait3A_515 = tpu.memref_slice %arg7[%dma_wait3A_511, %dma_wait3A_513, %dma_wait3A_514] : memref<2x128x128xf32, #tpu.memory_space<vmem>> -> memref<1x128x128xf32, #tpu.memory_space<vmem>>
      %dma_wait3A_516 = tpu.memref_squeeze %dma_wait3A_515 : memref<1x128x128xf32, #tpu.memory_space<vmem>> -> memref<128x128xf32, #tpu.memory_space<vmem>>
      %dma_wait3A_517 = arith.constant 0 : i32
      %dma_wait3A_518 = tpu.memref_slice %arg9[%add3A_363, %dma_wait3A_517] : memref<80x128xi32, #tpu.memory_space<vmem>> -> memref<1x128xi32, #tpu.memory_space<vmem>>
      %dma_wait3A_519 = tpu.memref_squeeze %dma_wait3A_518 : memref<1x128xi32, #tpu.memory_space<vmem>> -> memref<128xi32, #tpu.memory_space<vmem>>
      %dma_wait3A_520 = arith.constant 0 : i32
      %dma_wait3A_521 = arith.constant 0 : i32
      %dma_wait3A_522 = tpu.memref_slice %arg10[%dma_wait3A_520, %dma_wait3A_521] : memref<10000x128xf32, #tpu.memory_space<vmem_shared>> -> memref<10000x128xf32, #tpu.memory_space<vmem_shared>>
      %dma_wait3A_523 = tpu.memref_slice %arg12[%dma_wait3A_512] : memref<10x!tpu.dma_semaphore, #tpu.memory_space<semaphore_mem>> -> memref<1x!tpu.dma_semaphore, #tpu.memory_space<semaphore_mem>>
      %dma_wait3A_524 = tpu.memref_squeeze %dma_wait3A_523 : memref<1x!tpu.dma_semaphore, #tpu.memory_space<semaphore_mem>> -> memref<!tpu.dma_semaphore, #tpu.memory_space<semaphore_mem>>
      tpu.wait_indirect_dma semaphore(%dma_wait3A_524 : memref<!tpu.dma_semaphore, #tpu.memory_space<semaphore_mem>>) src(%dma_wait3A_516 : memref<128x128xf32, #tpu.memory_space<vmem>>) dst(%dma_wait3A_522 : memref<10000x128xf32, #tpu.memory_space<vmem_shared>>)
      %dma_wait3A_525 = arith.constant 0 : i32
      %dma_wait3A_526 = arith.constant 8 : i32
      %dma_wait3A_527 = arith.constant 0 : i32
      %dma_wait3A_528 = arith.constant 0 : i32
      %dma_wait3A_529 = tpu.memref_slice %arg7[%dma_wait3A_525, %dma_wait3A_527, %dma_wait3A_528] : memref<2x128x128xf32, #tpu.memory_space<vmem>> -> memref<1x128x128xf32, #tpu.memory_space<vmem>>
      %dma_wait3A_530 = tpu.memref_squeeze %dma_wait3A_529 : memref<1x128x128xf32, #tpu.memory_space<vmem>> -> memref<128x128xf32, #tpu.memory_space<vmem>>
      %dma_wait3A_531 = arith.constant 0 : i32
      %dma_wait3A_532 = tpu.memref_slice %arg9[%add3A_381, %dma_wait3A_531] : memref<80x128xi32, #tpu.memory_space<vmem>> -> memref<1x128xi32, #tpu.memory_space<vmem>>
      %dma_wait3A_533 = tpu.memref_squeeze %dma_wait3A_532 : memref<1x128xi32, #tpu.memory_space<vmem>> -> memref<128xi32, #tpu.memory_space<vmem>>
      %dma_wait3A_534 = arith.constant 0 : i32
      %dma_wait3A_535 = arith.constant 0 : i32
      %dma_wait3A_536 = tpu.memref_slice %arg10[%dma_wait3A_534, %dma_wait3A_535] : memref<10000x128xf32, #tpu.memory_space<vmem_shared>> -> memref<10000x128xf32, #tpu.memory_space<vmem_shared>>
      %dma_wait3A_537 = tpu.memref_slice %arg12[%dma_wait3A_526] : memref<10x!tpu.dma_semaphore, #tpu.memory_space<semaphore_mem>> -> memref<1x!tpu.dma_semaphore, #tpu.memory_space<semaphore_mem>>
      %dma_wait3A_538 = tpu.memref_squeeze %dma_wait3A_537 : memref<1x!tpu.dma_semaphore, #tpu.memory_space<semaphore_mem>> -> memref<!tpu.dma_semaphore, #tpu.memory_space<semaphore_mem>>
      tpu.wait_indirect_dma semaphore(%dma_wait3A_538 : memref<!tpu.dma_semaphore, #tpu.memory_space<semaphore_mem>>) src(%dma_wait3A_530 : memref<128x128xf32, #tpu.memory_space<vmem>>) dst(%dma_wait3A_536 : memref<10000x128xf32, #tpu.memory_space<vmem_shared>>)
      %dma_wait3A_539 = arith.constant 0 : i32
      %dma_wait3A_540 = arith.constant 9 : i32
      %dma_wait3A_541 = arith.constant 0 : i32
      %dma_wait3A_542 = arith.constant 0 : i32
      %dma_wait3A_543 = tpu.memref_slice %arg7[%dma_wait3A_539, %dma_wait3A_541, %dma_wait3A_542] : memref<2x128x128xf32, #tpu.memory_space<vmem>> -> memref<1x128x128xf32, #tpu.memory_space<vmem>>
      %dma_wait3A_544 = tpu.memref_squeeze %dma_wait3A_543 : memref<1x128x128xf32, #tpu.memory_space<vmem>> -> memref<128x128xf32, #tpu.memory_space<vmem>>
      %dma_wait3A_545 = arith.constant 0 : i32
      %dma_wait3A_546 = tpu.memref_slice %arg9[%add3A_399, %dma_wait3A_545] : memref<80x128xi32, #tpu.memory_space<vmem>> -> memref<1x128xi32, #tpu.memory_space<vmem>>
      %dma_wait3A_547 = tpu.memref_squeeze %dma_wait3A_546 : memref<1x128xi32, #tpu.memory_space<vmem>> -> memref<128xi32, #tpu.memory_space<vmem>>
      %dma_wait3A_548 = arith.constant 0 : i32
      %dma_wait3A_549 = arith.constant 0 : i32
      %dma_wait3A_550 = tpu.memref_slice %arg10[%dma_wait3A_548, %dma_wait3A_549] : memref<10000x128xf32, #tpu.memory_space<vmem_shared>> -> memref<10000x128xf32, #tpu.memory_space<vmem_shared>>
      %dma_wait3A_551 = tpu.memref_slice %arg12[%dma_wait3A_540] : memref<10x!tpu.dma_semaphore, #tpu.memory_space<semaphore_mem>> -> memref<1x!tpu.dma_semaphore, #tpu.memory_space<semaphore_mem>>
      %dma_wait3A_552 = tpu.memref_squeeze %dma_wait3A_551 : memref<1x!tpu.dma_semaphore, #tpu.memory_space<semaphore_mem>> -> memref<!tpu.dma_semaphore, #tpu.memory_space<semaphore_mem>>
      tpu.wait_indirect_dma semaphore(%dma_wait3A_552 : memref<!tpu.dma_semaphore, #tpu.memory_space<semaphore_mem>>) src(%dma_wait3A_544 : memref<128x128xf32, #tpu.memory_space<vmem>>) dst(%dma_wait3A_550 : memref<10000x128xf32, #tpu.memory_space<vmem_shared>>)
      %while3A_553 = arith.constant 0 : i32
      scf.yield %while3A_553 : i32
    }
    %barrier3A_65 = arith.constant 0 : index
    tpu.barrier barrier_id(%barrier3A_65)
    %mul3A_66 = arith.constant 39 : i32
    %mul3A_67 = arith.muli %mul3A_66, %arg1 : i32
    %min3A_68 = arith.constant 1 : i32
    %min3A_69 = arith.minsi %arg1, %min3A_68 : i32
    %add3A_70 = arith.addi %mul3A_67, %min3A_69 : i32
    %lt3A_71 = arith.constant 1 : i32
    %lt3A_72 = arith.cmpi slt, %arg1, %lt3A_71 : i32
    %convert_element_type3A_73 = arith.extui %lt3A_72 : i1 to i32
    %add3A_74 = arith.constant 39 : i32
    %add3A_75 = arith.addi %add3A_74, %convert_element_type3A_73 : i32
    %while3A_76 = arith.constant 0 : i32
    %while3A_77 = arith.constant 0 : i32
    %while3A_78 = arith.subi %add3A_75, %while3A_76 : i32
    %while3A_79 = arith.addi %while3A_76, %while3A_78 : i32
    %while3A_80 = arith.constant 1 : i32
    %while3A_81 = arith.divsi %while3A_78, %while3A_80 : i32
    %while3A_82 = arith.muli %while3A_81, %while3A_80 : i32
    %while3A_83 = arith.addi %while3A_76, %while3A_82 : i32
    %while3A_84 = arith.constant 1 : i32
    %while3A_85 = scf.for %while3A_233 = %while3A_76 to %while3A_83 step %while3A_84 iter_args(%while3A_234 = %while3A_77) -> (i32)  : i32 {
      %add3A_235 = arith.addi %add3A_70, %while3A_233 : i32
      %mul3A_236 = arith.constant 16 : i32
      %mul3A_237 = arith.muli %add3A_235, %mul3A_236 : i32
      %multiple_of3A_238 = tpu.assume_multiple %mul3A_237, 16 : i32
      "tpu.region"() ({
        %run_scoped3A = tpu.sem_alloc : memref<!tpu.dma_semaphore, #tpu.memory_space<semaphore_mem>>
        %dma_start3A = arith.constant 0 : i32
        %dma_start3A_240 = tpu.memref_slice %arg6[%arg0, %multiple_of3A_238, %dma_start3A] : memref<2x10000x128xf32, #tpu.memory_space<hbm>> -> memref<1x16x128xf32, #tpu.memory_space<hbm>>
        %dma_start3A_241 = tpu.memref_squeeze %dma_start3A_240 : memref<1x16x128xf32, #tpu.memory_space<hbm>> -> memref<16x128xf32, #tpu.memory_space<hbm>>
        %dma_start3A_242 = arith.constant 0 : i32
        %dma_start3A_243 = tpu.memref_slice %arg10[%multiple_of3A_238, %dma_start3A_242] : memref<10000x128xf32, #tpu.memory_space<vmem_shared>> -> memref<16x128xf32, #tpu.memory_space<vmem_shared>>
        tpu.enqueue_dma source(%dma_start3A_243 : memref<16x128xf32, #tpu.memory_space<vmem_shared>>) target(%dma_start3A_241 : memref<16x128xf32, #tpu.memory_space<hbm>>) target_semaphore(%run_scoped3A : memref<!tpu.dma_semaphore, #tpu.memory_space<semaphore_mem>>)
        %dma_wait3A = arith.constant 0 : i32
        %dma_wait3A_244 = tpu.memref_slice %arg6[%arg0, %multiple_of3A_238, %dma_wait3A] : memref<2x10000x128xf32, #tpu.memory_space<hbm>> -> memref<1x16x128xf32, #tpu.memory_space<hbm>>
        %dma_wait3A_245 = tpu.memref_squeeze %dma_wait3A_244 : memref<1x16x128xf32, #tpu.memory_space<hbm>> -> memref<16x128xf32, #tpu.memory_space<hbm>>
        %dma_wait3A_246 = arith.constant 0 : i32
        %dma_wait3A_247 = tpu.memref_slice %arg10[%multiple_of3A_238, %dma_wait3A_246] : memref<10000x128xf32, #tpu.memory_space<vmem_shared>> -> memref<16x128xf32, #tpu.memory_space<vmem_shared>>
        tpu.wait_dma2 semaphore(%run_scoped3A : memref<!tpu.dma_semaphore, #tpu.memory_space<semaphore_mem>>) src(%dma_wait3A_247 : memref<16x128xf32, #tpu.memory_space<vmem_shared>>) dst(%dma_wait3A_245 : memref<16x128xf32, #tpu.memory_space<hbm>>)
        tpu.yield
      }) : () -> ()
      %while3A_239 = arith.constant 0 : i32
      scf.yield %while3A_239 : i32
    }
    %while3A_86 = arith.constant 1 : i32
    %while3A_87 = scf.for %while3A_233 = %while3A_83 to %while3A_79 step %while3A_86 iter_args(%while3A_234 = %while3A_85) -> (i32)  : i32 {
      %add3A_235 = arith.addi %add3A_70, %while3A_233 : i32
      %mul3A_236 = arith.constant 16 : i32
      %mul3A_237 = arith.muli %add3A_235, %mul3A_236 : i32
      %multiple_of3A_238 = tpu.assume_multiple %mul3A_237, 16 : i32
      "tpu.region"() ({
        %run_scoped3A = tpu.sem_alloc : memref<!tpu.dma_semaphore, #tpu.memory_space<semaphore_mem>>
        %dma_start3A = arith.constant 0 : i32
        %dma_start3A_240 = tpu.memref_slice %arg6[%arg0, %multiple_of3A_238, %dma_start3A] : memref<2x10000x128xf32, #tpu.memory_space<hbm>> -> memref<1x16x128xf32, #tpu.memory_space<hbm>>
        %dma_start3A_241 = tpu.memref_squeeze %dma_start3A_240 : memref<1x16x128xf32, #tpu.memory_space<hbm>> -> memref<16x128xf32, #tpu.memory_space<hbm>>
        %dma_start3A_242 = arith.constant 0 : i32
        %dma_start3A_243 = tpu.memref_slice %arg10[%multiple_of3A_238, %dma_start3A_242] : memref<10000x128xf32, #tpu.memory_space<vmem_shared>> -> memref<16x128xf32, #tpu.memory_space<vmem_shared>>
        tpu.enqueue_dma source(%dma_start3A_243 : memref<16x128xf32, #tpu.memory_space<vmem_shared>>) target(%dma_start3A_241 : memref<16x128xf32, #tpu.memory_space<hbm>>) target_semaphore(%run_scoped3A : memref<!tpu.dma_semaphore, #tpu.memory_space<semaphore_mem>>)
        %dma_wait3A = arith.constant 0 : i32
        %dma_wait3A_244 = tpu.memref_slice %arg6[%arg0, %multiple_of3A_238, %dma_wait3A] : memref<2x10000x128xf32, #tpu.memory_space<hbm>> -> memref<1x16x128xf32, #tpu.memory_space<hbm>>
        %dma_wait3A_245 = tpu.memref_squeeze %dma_wait3A_244 : memref<1x16x128xf32, #tpu.memory_space<hbm>> -> memref<16x128xf32, #tpu.memory_space<hbm>>
        %dma_wait3A_246 = arith.constant 0 : i32
        %dma_wait3A_247 = tpu.memref_slice %arg10[%multiple_of3A_238, %dma_wait3A_246] : memref<10000x128xf32, #tpu.memory_space<vmem_shared>> -> memref<16x128xf32, #tpu.memory_space<vmem_shared>>
        tpu.wait_dma2 semaphore(%run_scoped3A : memref<!tpu.dma_semaphore, #tpu.memory_space<semaphore_mem>>) src(%dma_wait3A_247 : memref<16x128xf32, #tpu.memory_space<vmem_shared>>) dst(%dma_wait3A_245 : memref<16x128xf32, #tpu.memory_space<hbm>>)
        tpu.yield
      }) : () -> ()
      %while3A_239 = arith.constant 0 : i32
      scf.yield %while3A_239 : i32
    }
    %barrier3A_88 = arith.constant 0 : index
    tpu.barrier barrier_id(%barrier3A_88)
    %mul3A_89 = arith.constant 39 : i32
    %mul3A_90 = arith.muli %mul3A_89, %arg1 : i32
    %min3A_91 = arith.constant 1 : i32
    %min3A_92 = arith.minsi %arg1, %min3A_91 : i32
    %add3A_93 = arith.addi %mul3A_90, %min3A_92 : i32
    %lt3A_94 = arith.constant 1 : i32
    %lt3A_95 = arith.cmpi slt, %arg1, %lt3A_94 : i32
    %convert_element_type3A_96 = arith.extui %lt3A_95 : i1 to i32
    %add3A_97 = arith.constant 39 : i32
    %add3A_98 = arith.addi %add3A_97, %convert_element_type3A_96 : i32
    %while3A_99 = arith.constant 0 : i32
    %while3A_100 = arith.constant 0 : i32
    %while3A_101 = arith.subi %add3A_98, %while3A_99 : i32
    %while3A_102 = arith.addi %while3A_99, %while3A_101 : i32
    %while3A_103 = arith.constant 1 : i32
    %while3A_104 = arith.divsi %while3A_101, %while3A_103 : i32
    %while3A_105 = arith.muli %while3A_104, %while3A_103 : i32
    %while3A_106 = arith.addi %while3A_99, %while3A_105 : i32
    %while3A_107 = arith.constant 1 : i32
    %while3A_108 = scf.for %while3A_233 = %while3A_99 to %while3A_106 step %while3A_107 iter_args(%while3A_234 = %while3A_100) -> (i32)  : i32 {
      %add3A_235 = arith.addi %add3A_93, %while3A_233 : i32
      %mul3A_236 = arith.constant 16 : i32
      %mul3A_237 = arith.muli %add3A_235, %mul3A_236 : i32
      %multiple_of3A_238 = tpu.assume_multiple %mul3A_237, 16 : i32
      %run_scoped3A = arith.constant 1 : i32
      "tpu.region"() ({
        %run_scoped3A_240 = tpu.sem_alloc : memref<!tpu.dma_semaphore, #tpu.memory_space<semaphore_mem>>
        %dma_start3A = arith.constant 0 : i32
        %dma_start3A_241 = arith.constant 0 : i32
        %dma_start3A_242 = tpu.memref_slice %arg7[%run_scoped3A, %dma_start3A, %dma_start3A_241] : memref<2x128x128xf32, #tpu.memory_space<vmem>> -> memref<1x16x128xf32, #tpu.memory_space<vmem>>
        %dma_start3A_243 = tpu.memref_squeeze %dma_start3A_242 : memref<1x16x128xf32, #tpu.memory_space<vmem>> -> memref<16x128xf32, #tpu.memory_space<vmem>>
        %dma_start3A_244 = arith.constant 0 : i32
        %dma_start3A_245 = tpu.memref_slice %arg10[%multiple_of3A_238, %dma_start3A_244] : memref<10000x128xf32, #tpu.memory_space<vmem_shared>> -> memref<16x128xf32, #tpu.memory_space<vmem_shared>>
        %dma_start3A_246 = arith.constant 0 : i32
        %dma_start3A_247 = tpu.memref_slice %arg10[%multiple_of3A_238, %dma_start3A_246] : memref<10000x128xf32, #tpu.memory_space<vmem_shared>> -> memref<16x128xf32, #tpu.memory_space<vmem_shared>>
        %dma_start3A_248 = arith.constant 0 : i32
        %dma_start3A_249 = arith.constant 0 : i32
        %dma_start3A_250 = tpu.memref_slice %arg7[%run_scoped3A, %dma_start3A_248, %dma_start3A_249] : memref<2x128x128xf32, #tpu.memory_space<vmem>> -> memref<1x16x128xf32, #tpu.memory_space<vmem>>
        %dma_start3A_251 = tpu.memref_squeeze %dma_start3A_250 : memref<1x16x128xf32, #tpu.memory_space<vmem>> -> memref<16x128xf32, #tpu.memory_space<vmem>>
        tpu.enqueue_dma source(%dma_start3A_251 : memref<16x128xf32, #tpu.memory_space<vmem>>) target(%dma_start3A_247 : memref<16x128xf32, #tpu.memory_space<vmem_shared>>) target_semaphore(%run_scoped3A_240 : memref<!tpu.dma_semaphore, #tpu.memory_space<semaphore_mem>>)
        %dma_wait3A = arith.constant 0 : i32
        %dma_wait3A_252 = arith.constant 0 : i32
        %dma_wait3A_253 = tpu.memref_slice %arg7[%run_scoped3A, %dma_wait3A, %dma_wait3A_252] : memref<2x128x128xf32, #tpu.memory_space<vmem>> -> memref<1x16x128xf32, #tpu.memory_space<vmem>>
        %dma_wait3A_254 = tpu.memref_squeeze %dma_wait3A_253 : memref<1x16x128xf32, #tpu.memory_space<vmem>> -> memref<16x128xf32, #tpu.memory_space<vmem>>
        %dma_wait3A_255 = arith.constant 0 : i32
        %dma_wait3A_256 = tpu.memref_slice %arg10[%multiple_of3A_238, %dma_wait3A_255] : memref<10000x128xf32, #tpu.memory_space<vmem_shared>> -> memref<16x128xf32, #tpu.memory_space<vmem_shared>>
        %dma_wait3A_257 = arith.constant 0 : i32
        %dma_wait3A_258 = tpu.memref_slice %arg10[%multiple_of3A_238, %dma_wait3A_257] : memref<10000x128xf32, #tpu.memory_space<vmem_shared>> -> memref<16x128xf32, #tpu.memory_space<vmem_shared>>
        %dma_wait3A_259 = arith.constant 0 : i32
        %dma_wait3A_260 = arith.constant 0 : i32
        %dma_wait3A_261 = tpu.memref_slice %arg7[%run_scoped3A, %dma_wait3A_259, %dma_wait3A_260] : memref<2x128x128xf32, #tpu.memory_space<vmem>> -> memref<1x16x128xf32, #tpu.memory_space<vmem>>
        %dma_wait3A_262 = tpu.memref_squeeze %dma_wait3A_261 : memref<1x16x128xf32, #tpu.memory_space<vmem>> -> memref<16x128xf32, #tpu.memory_space<vmem>>
        tpu.wait_dma2 semaphore(%run_scoped3A_240 : memref<!tpu.dma_semaphore, #tpu.memory_space<semaphore_mem>>) src(%dma_wait3A_262 : memref<16x128xf32, #tpu.memory_space<vmem>>) dst(%dma_wait3A_258 : memref<16x128xf32, #tpu.memory_space<vmem_shared>>)
        tpu.yield
      }) : () -> ()
      %while3A_239 = arith.constant 0 : i32
      scf.yield %while3A_239 : i32
    }
    %while3A_109 = arith.constant 1 : i32
    %while3A_110 = scf.for %while3A_233 = %while3A_106 to %while3A_102 step %while3A_109 iter_args(%while3A_234 = %while3A_108) -> (i32)  : i32 {
      %add3A_235 = arith.addi %add3A_93, %while3A_233 : i32
      %mul3A_236 = arith.constant 16 : i32
      %mul3A_237 = arith.muli %add3A_235, %mul3A_236 : i32
      %multiple_of3A_238 = tpu.assume_multiple %mul3A_237, 16 : i32
      %run_scoped3A = arith.constant 1 : i32
      "tpu.region"() ({
        %run_scoped3A_240 = tpu.sem_alloc : memref<!tpu.dma_semaphore, #tpu.memory_space<semaphore_mem>>
        %dma_start3A = arith.constant 0 : i32
        %dma_start3A_241 = arith.constant 0 : i32
        %dma_start3A_242 = tpu.memref_slice %arg7[%run_scoped3A, %dma_start3A, %dma_start3A_241] : memref<2x128x128xf32, #tpu.memory_space<vmem>> -> memref<1x16x128xf32, #tpu.memory_space<vmem>>
        %dma_start3A_243 = tpu.memref_squeeze %dma_start3A_242 : memref<1x16x128xf32, #tpu.memory_space<vmem>> -> memref<16x128xf32, #tpu.memory_space<vmem>>
        %dma_start3A_244 = arith.constant 0 : i32
        %dma_start3A_245 = tpu.memref_slice %arg10[%multiple_of3A_238, %dma_start3A_244] : memref<10000x128xf32, #tpu.memory_space<vmem_shared>> -> memref<16x128xf32, #tpu.memory_space<vmem_shared>>
        %dma_start3A_246 = arith.constant 0 : i32
        %dma_start3A_247 = tpu.memref_slice %arg10[%multiple_of3A_238, %dma_start3A_246] : memref<10000x128xf32, #tpu.memory_space<vmem_shared>> -> memref<16x128xf32, #tpu.memory_space<vmem_shared>>
        %dma_start3A_248 = arith.constant 0 : i32
        %dma_start3A_249 = arith.constant 0 : i32
        %dma_start3A_250 = tpu.memref_slice %arg7[%run_scoped3A, %dma_start3A_248, %dma_start3A_249] : memref<2x128x128xf32, #tpu.memory_space<vmem>> -> memref<1x16x128xf32, #tpu.memory_space<vmem>>
        %dma_start3A_251 = tpu.memref_squeeze %dma_start3A_250 : memref<1x16x128xf32, #tpu.memory_space<vmem>> -> memref<16x128xf32, #tpu.memory_space<vmem>>
        tpu.enqueue_dma source(%dma_start3A_251 : memref<16x128xf32, #tpu.memory_space<vmem>>) target(%dma_start3A_247 : memref<16x128xf32, #tpu.memory_space<vmem_shared>>) target_semaphore(%run_scoped3A_240 : memref<!tpu.dma_semaphore, #tpu.memory_space<semaphore_mem>>)
        %dma_wait3A = arith.constant 0 : i32
        %dma_wait3A_252 = arith.constant 0 : i32
        %dma_wait3A_253 = tpu.memref_slice %arg7[%run_scoped3A, %dma_wait3A, %dma_wait3A_252] : memref<2x128x128xf32, #tpu.memory_space<vmem>> -> memref<1x16x128xf32, #tpu.memory_space<vmem>>
        %dma_wait3A_254 = tpu.memref_squeeze %dma_wait3A_253 : memref<1x16x128xf32, #tpu.memory_space<vmem>> -> memref<16x128xf32, #tpu.memory_space<vmem>>
        %dma_wait3A_255 = arith.constant 0 : i32
        %dma_wait3A_256 = tpu.memref_slice %arg10[%multiple_of3A_238, %dma_wait3A_255] : memref<10000x128xf32, #tpu.memory_space<vmem_shared>> -> memref<16x128xf32, #tpu.memory_space<vmem_shared>>
        %dma_wait3A_257 = arith.constant 0 : i32
        %dma_wait3A_258 = tpu.memref_slice %arg10[%multiple_of3A_238, %dma_wait3A_257] : memref<10000x128xf32, #tpu.memory_space<vmem_shared>> -> memref<16x128xf32, #tpu.memory_space<vmem_shared>>
        %dma_wait3A_259 = arith.constant 0 : i32
        %dma_wait3A_260 = arith.constant 0 : i32
        %dma_wait3A_261 = tpu.memref_slice %arg7[%run_scoped3A, %dma_wait3A_259, %dma_wait3A_260] : memref<2x128x128xf32, #tpu.memory_space<vmem>> -> memref<1x16x128xf32, #tpu.memory_space<vmem>>
        %dma_wait3A_262 = tpu.memref_squeeze %dma_wait3A_261 : memref<1x16x128xf32, #tpu.memory_space<vmem>> -> memref<16x128xf32, #tpu.memory_space<vmem>>
        tpu.wait_dma2 semaphore(%run_scoped3A_240 : memref<!tpu.dma_semaphore, #tpu.memory_space<semaphore_mem>>) src(%dma_wait3A_262 : memref<16x128xf32, #tpu.memory_space<vmem>>) dst(%dma_wait3A_258 : memref<16x128xf32, #tpu.memory_space<vmem_shared>>)
        tpu.yield
      }) : () -> ()
      %while3A_239 = arith.constant 0 : i32
      scf.yield %while3A_239 : i32
    }
    %barrier3A_111 = arith.constant 0 : index
    tpu.barrier barrier_id(%barrier3A_111)
    %add3A_112 = arith.constant 0 : i32
    %add3A_113 = arith.addi %multiple_of3A, %add3A_112 : i32
    %multiple_of3A_114 = tpu.assume_multiple %add3A_113, 8 : i32
    %sub3A_115 = arith.constant 0 : i32
    %sub3A_116 = arith.subi %min3A_35, %sub3A_115 : i32
    %max3A_117 = arith.constant 0 : i32
    %max3A_118 = arith.maxsi %sub3A_116, %max3A_117 : i32
    %min3A_119 = arith.constant 40 : i32
    %min3A_120 = arith.minsi %max3A_118, %min3A_119 : i32
    "tpu.region"() ({
      %run_scoped3A = tpu.sem_alloc : memref<!tpu.dma_semaphore, #tpu.memory_space<semaphore_mem>>
      %dma_start3A = arith.constant 0 : i32
      %dma_start3A_233 = tpu.memref_slice %arg3[%multiple_of3A_114, %dma_start3A] : memref<2560x128xi32, #tpu.memory_space<hbm>> -> memref<40x128xi32, #tpu.memory_space<hbm>>
      %dma_start3A_234 = arith.constant 0 : i32
      %dma_start3A_235 = tpu.memref_slice %arg3[%multiple_of3A_114, %dma_start3A_234] : memref<2560x128xi32, #tpu.memory_space<hbm>> -> memref<40x128xi32, #tpu.memory_space<hbm>>
      tpu.enqueue_dma source(%dma_start3A_235 : memref<40x128xi32, #tpu.memory_space<hbm>>) target(%arg8 : memref<40x128xi32, #tpu.memory_space<vmem>>) target_semaphore(%run_scoped3A : memref<!tpu.dma_semaphore, #tpu.memory_space<semaphore_mem>>)
      %dma_wait3A = arith.constant 0 : i32
      %dma_wait3A_236 = tpu.memref_slice %arg3[%multiple_of3A_114, %dma_wait3A] : memref<2560x128xi32, #tpu.memory_space<hbm>> -> memref<40x128xi32, #tpu.memory_space<hbm>>
      %dma_wait3A_237 = arith.constant 0 : i32
      %dma_wait3A_238 = tpu.memref_slice %arg3[%multiple_of3A_114, %dma_wait3A_237] : memref<2560x128xi32, #tpu.memory_space<hbm>> -> memref<40x128xi32, #tpu.memory_space<hbm>>
      tpu.wait_dma2 semaphore(%run_scoped3A : memref<!tpu.dma_semaphore, #tpu.memory_space<semaphore_mem>>) src(%dma_wait3A_238 : memref<40x128xi32, #tpu.memory_space<hbm>>) dst(%arg8 : memref<40x128xi32, #tpu.memory_space<vmem>>)
      tpu.yield
    }) : () -> ()
    %jit3A_121 = arith.constant 2 : i32
    %div3A_122 = arith.divsi %min3A_120, %jit3A_121 : i32
    %sign3A_123 = arith.constant 0 : i32
    %sign3A_124 = arith.cmpi sgt, %min3A_120, %sign3A_123 : i32
    %sign3A_125 = arith.extui %sign3A_124 : i1 to i32
    %sign3A_126 = arith.constant 0 : i32
    %sign3A_127 = arith.cmpi slt, %min3A_120, %sign3A_126 : i32
    %sign3A_128 = arith.extui %sign3A_127 : i1 to i32
    %sign3A_129 = arith.subi %sign3A_125, %sign3A_128 : i32
    %sign3A_130 = arith.constant 0 : i32
    %sign3A_131 = arith.cmpi sgt, %jit3A_121, %sign3A_130 : i32
    %sign3A_132 = arith.extui %sign3A_131 : i1 to i32
    %sign3A_133 = arith.constant 0 : i32
    %sign3A_134 = arith.cmpi slt, %jit3A_121, %sign3A_133 : i32
    %sign3A_135 = arith.extui %sign3A_134 : i1 to i32
    %sign3A_136 = arith.subi %sign3A_132, %sign3A_135 : i32
    %ne3A_137 = arith.cmpi ne, %sign3A_129, %sign3A_136 : i32
    %rem3A_138 = arith.remsi %min3A_120, %jit3A_121 : i32
    %ne3A_139 = arith.constant 0 : i32
    %ne3A_140 = arith.cmpi ne, %rem3A_138, %ne3A_139 : i32
    %and3A_141 = arith.andi %ne3A_137, %ne3A_140 : i1
    %sub3A_142 = arith.constant 1 : i32
    %sub3A_143 = arith.subi %div3A_122, %sub3A_142 : i32
    %select_n3A_144 = arith.select %and3A_141, %sub3A_143, %div3A_122 : i32
    %while3A_145 = arith.constant 0 : i32
    %while3A_146 = arith.constant 0 : i32
    %while3A_147 = arith.subi %select_n3A_144, %while3A_145 : i32
    %while3A_148 = arith.addi %while3A_145, %while3A_147 : i32
    %while3A_149 = arith.constant 1 : i32
    %while3A_150 = arith.divsi %while3A_147, %while3A_149 : i32
    %while3A_151 = arith.muli %while3A_150, %while3A_149 : i32
    %while3A_152 = arith.addi %while3A_145, %while3A_151 : i32
    %while3A_153 = arith.constant 1 : i32
    %while3A_154 = scf.for %while3A_233 = %while3A_145 to %while3A_152 step %while3A_153 iter_args(%while3A_234 = %while3A_146) -> (i32)  : i32 {
      %gt3A_235 = arith.constant 0 : i32
      %gt3A_236 = arith.cmpi sgt, %while3A_233, %gt3A_235 : i32
      %convert_element_type3A_237 = arith.extui %gt3A_236 : i1 to i32
      %cond3A_238 = arith.constant 0 : i32
      %cond3A_239 = arith.cmpi ne, %convert_element_type3A_237, %cond3A_238 : i32
      scf.if %cond3A_239 {
        %dma_wait3A_348 = arith.constant 0 : i32
        %dma_wait3A_349 = arith.constant 0 : i32
        %dma_wait3A_350 = arith.constant 0 : i32
        %dma_wait3A_351 = arith.constant 0 : i32
        %dma_wait3A_352 = tpu.memref_slice %arg7[%dma_wait3A_348, %dma_wait3A_350, %dma_wait3A_351] : memref<2x128x128xf32, #tpu.memory_space<vmem>> -> memref<1x128x128xf32, #tpu.memory_space<vmem>>
        %dma_wait3A_353 = tpu.memref_squeeze %dma_wait3A_352 : memref<1x128x128xf32, #tpu.memory_space<vmem>> -> memref<128x128xf32, #tpu.memory_space<vmem>>
        %dma_wait3A_354 = arith.constant 0 : i32
        %dma_wait3A_355 = arith.constant 0 : i32
        %dma_wait3A_356 = tpu.memref_slice %arg2[%dma_wait3A_354, %dma_wait3A_355] : memref<10000x128xf32, #tpu.memory_space<hbm>> -> memref<128x128xf32, #tpu.memory_space<hbm>>
        %dma_wait3A_357 = tpu.memref_slice %arg12[%dma_wait3A_349] : memref<10x!tpu.dma_semaphore, #tpu.memory_space<semaphore_mem>> -> memref<1x!tpu.dma_semaphore, #tpu.memory_space<semaphore_mem>>
        %dma_wait3A_358 = tpu.memref_squeeze %dma_wait3A_357 : memref<1x!tpu.dma_semaphore, #tpu.memory_space<semaphore_mem>> -> memref<!tpu.dma_semaphore, #tpu.memory_space<semaphore_mem>>
        %dma_wait3A_359 = arith.constant 0 : i32
        %dma_wait3A_360 = arith.constant 0 : i32
        %dma_wait3A_361 = tpu.memref_slice %arg7[%dma_wait3A_348, %dma_wait3A_359, %dma_wait3A_360] : memref<2x128x128xf32, #tpu.memory_space<vmem>> -> memref<1x128x128xf32, #tpu.memory_space<vmem>>
        %dma_wait3A_362 = tpu.memref_squeeze %dma_wait3A_361 : memref<1x128x128xf32, #tpu.memory_space<vmem>> -> memref<128x128xf32, #tpu.memory_space<vmem>>
        %dma_wait3A_363 = arith.constant 0 : i32
        %dma_wait3A_364 = arith.constant 0 : i32
        %dma_wait3A_365 = tpu.memref_slice %arg2[%dma_wait3A_363, %dma_wait3A_364] : memref<10000x128xf32, #tpu.memory_space<hbm>> -> memref<128x128xf32, #tpu.memory_space<hbm>>
        tpu.wait_dma2 semaphore(%dma_wait3A_358 : memref<!tpu.dma_semaphore, #tpu.memory_space<semaphore_mem>>) src(%dma_wait3A_365 : memref<128x128xf32, #tpu.memory_space<hbm>>) dst(%dma_wait3A_362 : memref<128x128xf32, #tpu.memory_space<vmem>>)
      } else {
      }
      %mul3A_240 = arith.constant 2 : i32
      %mul3A_241 = arith.muli %while3A_233, %mul3A_240 : i32
      %add3A_242 = arith.constant 0 : i32
      %add3A_243 = arith.addi %mul3A_241, %add3A_242 : i32
      %dma_start3A = arith.constant 0 : i32
      %dma_start3A_244 = arith.constant 0 : i32
      %dma_start3A_245 = arith.constant 0 : i32
      %dma_start3A_246 = arith.constant 0 : i32
      %dma_start3A_247 = tpu.memref_slice %arg7[%dma_start3A, %dma_start3A_245, %dma_start3A_246] : memref<2x128x128xf32, #tpu.memory_space<vmem>> -> memref<1x128x128xf32, #tpu.memory_space<vmem>>
      %dma_start3A_248 = tpu.memref_squeeze %dma_start3A_247 : memref<1x128x128xf32, #tpu.memory_space<vmem>> -> memref<128x128xf32, #tpu.memory_space<vmem>>
      %dma_start3A_249 = arith.constant 0 : i32
      %dma_start3A_250 = tpu.memref_slice %arg8[%add3A_243, %dma_start3A_249] : memref<40x128xi32, #tpu.memory_space<vmem>> -> memref<1x128xi32, #tpu.memory_space<vmem>>
      %dma_start3A_251 = tpu.memref_squeeze %dma_start3A_250 : memref<1x128xi32, #tpu.memory_space<vmem>> -> memref<128xi32, #tpu.memory_space<vmem>>
      %dma_start3A_252 = arith.constant 0 : i32
      %dma_start3A_253 = arith.constant 0 : i32
      %dma_start3A_254 = tpu.memref_slice %arg2[%dma_start3A_252, %dma_start3A_253] : memref<10000x128xf32, #tpu.memory_space<hbm>> -> memref<10000x128xf32, #tpu.memory_space<hbm>>
      %dma_start3A_255 = tpu.memref_slice %arg11[%dma_start3A_244] : memref<2x!tpu.dma_semaphore, #tpu.memory_space<semaphore_mem>> -> memref<1x!tpu.dma_semaphore, #tpu.memory_space<semaphore_mem>>
      %dma_start3A_256 = tpu.memref_squeeze %dma_start3A_255 : memref<1x!tpu.dma_semaphore, #tpu.memory_space<semaphore_mem>> -> memref<!tpu.dma_semaphore, #tpu.memory_space<semaphore_mem>>
      tpu.enqueue_indirect_dma source(%dma_start3A_254 : memref<10000x128xf32, #tpu.memory_space<hbm>>) target(%dma_start3A_248 : memref<128x128xf32, #tpu.memory_space<vmem>>) offsets(%dma_start3A_251 : memref<128xi32, #tpu.memory_space<vmem>>) semaphore(%dma_start3A_256 : memref<!tpu.dma_semaphore, #tpu.memory_space<semaphore_mem>>)
      %gt3A_257 = arith.constant 0 : i32
      %gt3A_258 = arith.cmpi sgt, %while3A_233, %gt3A_257 : i32
      %convert_element_type3A_259 = arith.extui %gt3A_258 : i1 to i32
      %cond3A_260 = arith.constant 0 : i32
      %cond3A_261 = arith.cmpi ne, %convert_element_type3A_259, %cond3A_260 : i32
      scf.if %cond3A_261 {
        %dma_wait3A_348 = arith.constant 1 : i32
        %dma_wait3A_349 = arith.constant 1 : i32
        %dma_wait3A_350 = arith.constant 0 : i32
        %dma_wait3A_351 = arith.constant 0 : i32
        %dma_wait3A_352 = tpu.memref_slice %arg7[%dma_wait3A_348, %dma_wait3A_350, %dma_wait3A_351] : memref<2x128x128xf32, #tpu.memory_space<vmem>> -> memref<1x128x128xf32, #tpu.memory_space<vmem>>
        %dma_wait3A_353 = tpu.memref_squeeze %dma_wait3A_352 : memref<1x128x128xf32, #tpu.memory_space<vmem>> -> memref<128x128xf32, #tpu.memory_space<vmem>>
        %dma_wait3A_354 = arith.constant 0 : i32
        %dma_wait3A_355 = arith.constant 0 : i32
        %dma_wait3A_356 = tpu.memref_slice %arg2[%dma_wait3A_354, %dma_wait3A_355] : memref<10000x128xf32, #tpu.memory_space<hbm>> -> memref<128x128xf32, #tpu.memory_space<hbm>>
        %dma_wait3A_357 = tpu.memref_slice %arg12[%dma_wait3A_349] : memref<10x!tpu.dma_semaphore, #tpu.memory_space<semaphore_mem>> -> memref<1x!tpu.dma_semaphore, #tpu.memory_space<semaphore_mem>>
        %dma_wait3A_358 = tpu.memref_squeeze %dma_wait3A_357 : memref<1x!tpu.dma_semaphore, #tpu.memory_space<semaphore_mem>> -> memref<!tpu.dma_semaphore, #tpu.memory_space<semaphore_mem>>
        %dma_wait3A_359 = arith.constant 0 : i32
        %dma_wait3A_360 = arith.constant 0 : i32
        %dma_wait3A_361 = tpu.memref_slice %arg7[%dma_wait3A_348, %dma_wait3A_359, %dma_wait3A_360] : memref<2x128x128xf32, #tpu.memory_space<vmem>> -> memref<1x128x128xf32, #tpu.memory_space<vmem>>
        %dma_wait3A_362 = tpu.memref_squeeze %dma_wait3A_361 : memref<1x128x128xf32, #tpu.memory_space<vmem>> -> memref<128x128xf32, #tpu.memory_space<vmem>>
        %dma_wait3A_363 = arith.constant 0 : i32
        %dma_wait3A_364 = arith.constant 0 : i32
        %dma_wait3A_365 = tpu.memref_slice %arg2[%dma_wait3A_363, %dma_wait3A_364] : memref<10000x128xf32, #tpu.memory_space<hbm>> -> memref<128x128xf32, #tpu.memory_space<hbm>>
        tpu.wait_dma2 semaphore(%dma_wait3A_358 : memref<!tpu.dma_semaphore, #tpu.memory_space<semaphore_mem>>) src(%dma_wait3A_365 : memref<128x128xf32, #tpu.memory_space<hbm>>) dst(%dma_wait3A_362 : memref<128x128xf32, #tpu.memory_space<vmem>>)
      } else {
      }
      %mul3A_262 = arith.constant 2 : i32
      %mul3A_263 = arith.muli %while3A_233, %mul3A_262 : i32
      %add3A_264 = arith.constant 1 : i32
      %add3A_265 = arith.addi %mul3A_263, %add3A_264 : i32
      %dma_start3A_266 = arith.constant 1 : i32
      %dma_start3A_267 = arith.constant 1 : i32
      %dma_start3A_268 = arith.constant 0 : i32
      %dma_start3A_269 = arith.constant 0 : i32
      %dma_start3A_270 = tpu.memref_slice %arg7[%dma_start3A_266, %dma_start3A_268, %dma_start3A_269] : memref<2x128x128xf32, #tpu.memory_space<vmem>> -> memref<1x128x128xf32, #tpu.memory_space<vmem>>
      %dma_start3A_271 = tpu.memref_squeeze %dma_start3A_270 : memref<1x128x128xf32, #tpu.memory_space<vmem>> -> memref<128x128xf32, #tpu.memory_space<vmem>>
      %dma_start3A_272 = arith.constant 0 : i32
      %dma_start3A_273 = tpu.memref_slice %arg8[%add3A_265, %dma_start3A_272] : memref<40x128xi32, #tpu.memory_space<vmem>> -> memref<1x128xi32, #tpu.memory_space<vmem>>
      %dma_start3A_274 = tpu.memref_squeeze %dma_start3A_273 : memref<1x128xi32, #tpu.memory_space<vmem>> -> memref<128xi32, #tpu.memory_space<vmem>>
      %dma_start3A_275 = arith.constant 0 : i32
      %dma_start3A_276 = arith.constant 0 : i32
      %dma_start3A_277 = tpu.memref_slice %arg2[%dma_start3A_275, %dma_start3A_276] : memref<10000x128xf32, #tpu.memory_space<hbm>> -> memref<10000x128xf32, #tpu.memory_space<hbm>>
      %dma_start3A_278 = tpu.memref_slice %arg11[%dma_start3A_267] : memref<2x!tpu.dma_semaphore, #tpu.memory_space<semaphore_mem>> -> memref<1x!tpu.dma_semaphore, #tpu.memory_space<semaphore_mem>>
      %dma_start3A_279 = tpu.memref_squeeze %dma_start3A_278 : memref<1x!tpu.dma_semaphore, #tpu.memory_space<semaphore_mem>> -> memref<!tpu.dma_semaphore, #tpu.memory_space<semaphore_mem>>
      tpu.enqueue_indirect_dma source(%dma_start3A_277 : memref<10000x128xf32, #tpu.memory_space<hbm>>) target(%dma_start3A_271 : memref<128x128xf32, #tpu.memory_space<vmem>>) offsets(%dma_start3A_274 : memref<128xi32, #tpu.memory_space<vmem>>) semaphore(%dma_start3A_279 : memref<!tpu.dma_semaphore, #tpu.memory_space<semaphore_mem>>)
      %dma_wait3A = arith.constant 0 : i32
      %dma_wait3A_280 = arith.constant 0 : i32
      %dma_wait3A_281 = arith.constant 0 : i32
      %dma_wait3A_282 = arith.constant 0 : i32
      %dma_wait3A_283 = tpu.memref_slice %arg7[%dma_wait3A, %dma_wait3A_281, %dma_wait3A_282] : memref<2x128x128xf32, #tpu.memory_space<vmem>> -> memref<1x128x128xf32, #tpu.memory_space<vmem>>
      %dma_wait3A_284 = tpu.memref_squeeze %dma_wait3A_283 : memref<1x128x128xf32, #tpu.memory_space<vmem>> -> memref<128x128xf32, #tpu.memory_space<vmem>>
      %dma_wait3A_285 = arith.constant 0 : i32
      %dma_wait3A_286 = tpu.memref_slice %arg8[%add3A_243, %dma_wait3A_285] : memref<40x128xi32, #tpu.memory_space<vmem>> -> memref<1x128xi32, #tpu.memory_space<vmem>>
      %dma_wait3A_287 = tpu.memref_squeeze %dma_wait3A_286 : memref<1x128xi32, #tpu.memory_space<vmem>> -> memref<128xi32, #tpu.memory_space<vmem>>
      %dma_wait3A_288 = arith.constant 0 : i32
      %dma_wait3A_289 = arith.constant 0 : i32
      %dma_wait3A_290 = tpu.memref_slice %arg2[%dma_wait3A_288, %dma_wait3A_289] : memref<10000x128xf32, #tpu.memory_space<hbm>> -> memref<10000x128xf32, #tpu.memory_space<hbm>>
      %dma_wait3A_291 = tpu.memref_slice %arg11[%dma_wait3A_280] : memref<2x!tpu.dma_semaphore, #tpu.memory_space<semaphore_mem>> -> memref<1x!tpu.dma_semaphore, #tpu.memory_space<semaphore_mem>>
      %dma_wait3A_292 = tpu.memref_squeeze %dma_wait3A_291 : memref<1x!tpu.dma_semaphore, #tpu.memory_space<semaphore_mem>> -> memref<!tpu.dma_semaphore, #tpu.memory_space<semaphore_mem>>
      tpu.wait_indirect_dma semaphore(%dma_wait3A_292 : memref<!tpu.dma_semaphore, #tpu.memory_space<semaphore_mem>>) src(%dma_wait3A_290 : memref<10000x128xf32, #tpu.memory_space<hbm>>) dst(%dma_wait3A_284 : memref<128x128xf32, #tpu.memory_space<vmem>>)
      %mul3A_293 = arith.constant 2 : i32
      %mul3A_294 = arith.muli %while3A_233, %mul3A_293 : i32
      %add3A_295 = arith.constant 0 : i32
      %add3A_296 = arith.addi %add3A_295, %mul3A_294 : i32
      %add3A_297 = arith.constant 0 : i32
      %add3A_298 = arith.addi %add3A_296, %add3A_297 : i32
      %dma_start3A_299 = arith.constant 0 : i32
      %dma_start3A_300 = arith.constant 0 : i32
      %dma_start3A_301 = arith.constant 0 : i32
      %dma_start3A_302 = arith.constant 0 : i32
      %dma_start3A_303 = tpu.memref_slice %arg7[%dma_start3A_299, %dma_start3A_301, %dma_start3A_302] : memref<2x128x128xf32, #tpu.memory_space<vmem>> -> memref<1x128x128xf32, #tpu.memory_space<vmem>>
      %dma_start3A_304 = tpu.memref_squeeze %dma_start3A_303 : memref<1x128x128xf32, #tpu.memory_space<vmem>> -> memref<128x128xf32, #tpu.memory_space<vmem>>
      %dma_start3A_305 = arith.constant 0 : i32
      %dma_start3A_306 = tpu.memref_slice %arg9[%add3A_298, %dma_start3A_305] : memref<80x128xi32, #tpu.memory_space<vmem>> -> memref<1x128xi32, #tpu.memory_space<vmem>>
      %dma_start3A_307 = tpu.memref_squeeze %dma_start3A_306 : memref<1x128xi32, #tpu.memory_space<vmem>> -> memref<128xi32, #tpu.memory_space<vmem>>
      %dma_start3A_308 = arith.constant 0 : i32
      %dma_start3A_309 = arith.constant 0 : i32
      %dma_start3A_310 = tpu.memref_slice %arg10[%dma_start3A_308, %dma_start3A_309] : memref<10000x128xf32, #tpu.memory_space<vmem_shared>> -> memref<10000x128xf32, #tpu.memory_space<vmem_shared>>
      %dma_start3A_311 = tpu.memref_slice %arg12[%dma_start3A_300] : memref<10x!tpu.dma_semaphore, #tpu.memory_space<semaphore_mem>> -> memref<1x!tpu.dma_semaphore, #tpu.memory_space<semaphore_mem>>
      %dma_start3A_312 = tpu.memref_squeeze %dma_start3A_311 : memref<1x!tpu.dma_semaphore, #tpu.memory_space<semaphore_mem>> -> memref<!tpu.dma_semaphore, #tpu.memory_space<semaphore_mem>>
      tpu.enqueue_indirect_dma source(%dma_start3A_304 : memref<128x128xf32, #tpu.memory_space<vmem>>) target(%dma_start3A_310 : memref<10000x128xf32, #tpu.memory_space<vmem_shared>>) offsets(%dma_start3A_307 : memref<128xi32, #tpu.memory_space<vmem>>) semaphore(%dma_start3A_312 : memref<!tpu.dma_semaphore, #tpu.memory_space<semaphore_mem>>) {add = true}
      %dma_wait3A_313 = arith.constant 1 : i32
      %dma_wait3A_314 = arith.constant 1 : i32
      %dma_wait3A_315 = arith.constant 0 : i32
      %dma_wait3A_316 = arith.constant 0 : i32
      %dma_wait3A_317 = tpu.memref_slice %arg7[%dma_wait3A_313, %dma_wait3A_315, %dma_wait3A_316] : memref<2x128x128xf32, #tpu.memory_space<vmem>> -> memref<1x128x128xf32, #tpu.memory_space<vmem>>
      %dma_wait3A_318 = tpu.memref_squeeze %dma_wait3A_317 : memref<1x128x128xf32, #tpu.memory_space<vmem>> -> memref<128x128xf32, #tpu.memory_space<vmem>>
      %dma_wait3A_319 = arith.constant 0 : i32
      %dma_wait3A_320 = tpu.memref_slice %arg8[%add3A_265, %dma_wait3A_319] : memref<40x128xi32, #tpu.memory_space<vmem>> -> memref<1x128xi32, #tpu.memory_space<vmem>>
      %dma_wait3A_321 = tpu.memref_squeeze %dma_wait3A_320 : memref<1x128xi32, #tpu.memory_space<vmem>> -> memref<128xi32, #tpu.memory_space<vmem>>
      %dma_wait3A_322 = arith.constant 0 : i32
      %dma_wait3A_323 = arith.constant 0 : i32
      %dma_wait3A_324 = tpu.memref_slice %arg2[%dma_wait3A_322, %dma_wait3A_323] : memref<10000x128xf32, #tpu.memory_space<hbm>> -> memref<10000x128xf32, #tpu.memory_space<hbm>>
      %dma_wait3A_325 = tpu.memref_slice %arg11[%dma_wait3A_314] : memref<2x!tpu.dma_semaphore, #tpu.memory_space<semaphore_mem>> -> memref<1x!tpu.dma_semaphore, #tpu.memory_space<semaphore_mem>>
      %dma_wait3A_326 = tpu.memref_squeeze %dma_wait3A_325 : memref<1x!tpu.dma_semaphore, #tpu.memory_space<semaphore_mem>> -> memref<!tpu.dma_semaphore, #tpu.memory_space<semaphore_mem>>
      tpu.wait_indirect_dma semaphore(%dma_wait3A_326 : memref<!tpu.dma_semaphore, #tpu.memory_space<semaphore_mem>>) src(%dma_wait3A_324 : memref<10000x128xf32, #tpu.memory_space<hbm>>) dst(%dma_wait3A_318 : memref<128x128xf32, #tpu.memory_space<vmem>>)
      %mul3A_327 = arith.constant 2 : i32
      %mul3A_328 = arith.muli %while3A_233, %mul3A_327 : i32
      %add3A_329 = arith.constant 0 : i32
      %add3A_330 = arith.addi %add3A_329, %mul3A_328 : i32
      %add3A_331 = arith.constant 1 : i32
      %add3A_332 = arith.addi %add3A_330, %add3A_331 : i32
      %dma_start3A_333 = arith.constant 1 : i32
      %dma_start3A_334 = arith.constant 1 : i32
      %dma_start3A_335 = arith.constant 0 : i32
      %dma_start3A_336 = arith.constant 0 : i32
      %dma_start3A_337 = tpu.memref_slice %arg7[%dma_start3A_333, %dma_start3A_335, %dma_start3A_336] : memref<2x128x128xf32, #tpu.memory_space<vmem>> -> memref<1x128x128xf32, #tpu.memory_space<vmem>>
      %dma_start3A_338 = tpu.memref_squeeze %dma_start3A_337 : memref<1x128x128xf32, #tpu.memory_space<vmem>> -> memref<128x128xf32, #tpu.memory_space<vmem>>
      %dma_start3A_339 = arith.constant 0 : i32
      %dma_start3A_340 = tpu.memref_slice %arg9[%add3A_332, %dma_start3A_339] : memref<80x128xi32, #tpu.memory_space<vmem>> -> memref<1x128xi32, #tpu.memory_space<vmem>>
      %dma_start3A_341 = tpu.memref_squeeze %dma_start3A_340 : memref<1x128xi32, #tpu.memory_space<vmem>> -> memref<128xi32, #tpu.memory_space<vmem>>
      %dma_start3A_342 = arith.constant 0 : i32
      %dma_start3A_343 = arith.constant 0 : i32
      %dma_start3A_344 = tpu.memref_slice %arg10[%dma_start3A_342, %dma_start3A_343] : memref<10000x128xf32, #tpu.memory_space<vmem_shared>> -> memref<10000x128xf32, #tpu.memory_space<vmem_shared>>
      %dma_start3A_345 = tpu.memref_slice %arg12[%dma_start3A_334] : memref<10x!tpu.dma_semaphore, #tpu.memory_space<semaphore_mem>> -> memref<1x!tpu.dma_semaphore, #tpu.memory_space<semaphore_mem>>
      %dma_start3A_346 = tpu.memref_squeeze %dma_start3A_345 : memref<1x!tpu.dma_semaphore, #tpu.memory_space<semaphore_mem>> -> memref<!tpu.dma_semaphore, #tpu.memory_space<semaphore_mem>>
      tpu.enqueue_indirect_dma source(%dma_start3A_338 : memref<128x128xf32, #tpu.memory_space<vmem>>) target(%dma_start3A_344 : memref<10000x128xf32, #tpu.memory_space<vmem_shared>>) offsets(%dma_start3A_341 : memref<128xi32, #tpu.memory_space<vmem>>) semaphore(%dma_start3A_346 : memref<!tpu.dma_semaphore, #tpu.memory_space<semaphore_mem>>) {add = true}
      %while3A_347 = arith.constant 0 : i32
      scf.yield %while3A_347 : i32
    }
    %while3A_155 = arith.constant 1 : i32
    %while3A_156 = scf.for %while3A_233 = %while3A_152 to %while3A_148 step %while3A_155 iter_args(%while3A_234 = %while3A_154) -> (i32)  : i32 {
      %gt3A_235 = arith.constant 0 : i32
      %gt3A_236 = arith.cmpi sgt, %while3A_233, %gt3A_235 : i32
      %convert_element_type3A_237 = arith.extui %gt3A_236 : i1 to i32
      %cond3A_238 = arith.constant 0 : i32
      %cond3A_239 = arith.cmpi ne, %convert_element_type3A_237, %cond3A_238 : i32
      scf.if %cond3A_239 {
        %dma_wait3A_348 = arith.constant 0 : i32
        %dma_wait3A_349 = arith.constant 0 : i32
        %dma_wait3A_350 = arith.constant 0 : i32
        %dma_wait3A_351 = arith.constant 0 : i32
        %dma_wait3A_352 = tpu.memref_slice %arg7[%dma_wait3A_348, %dma_wait3A_350, %dma_wait3A_351] : memref<2x128x128xf32, #tpu.memory_space<vmem>> -> memref<1x128x128xf32, #tpu.memory_space<vmem>>
        %dma_wait3A_353 = tpu.memref_squeeze %dma_wait3A_352 : memref<1x128x128xf32, #tpu.memory_space<vmem>> -> memref<128x128xf32, #tpu.memory_space<vmem>>
        %dma_wait3A_354 = arith.constant 0 : i32
        %dma_wait3A_355 = arith.constant 0 : i32
        %dma_wait3A_356 = tpu.memref_slice %arg2[%dma_wait3A_354, %dma_wait3A_355] : memref<10000x128xf32, #tpu.memory_space<hbm>> -> memref<128x128xf32, #tpu.memory_space<hbm>>
        %dma_wait3A_357 = tpu.memref_slice %arg12[%dma_wait3A_349] : memref<10x!tpu.dma_semaphore, #tpu.memory_space<semaphore_mem>> -> memref<1x!tpu.dma_semaphore, #tpu.memory_space<semaphore_mem>>
        %dma_wait3A_358 = tpu.memref_squeeze %dma_wait3A_357 : memref<1x!tpu.dma_semaphore, #tpu.memory_space<semaphore_mem>> -> memref<!tpu.dma_semaphore, #tpu.memory_space<semaphore_mem>>
        %dma_wait3A_359 = arith.constant 0 : i32
        %dma_wait3A_360 = arith.constant 0 : i32
        %dma_wait3A_361 = tpu.memref_slice %arg7[%dma_wait3A_348, %dma_wait3A_359, %dma_wait3A_360] : memref<2x128x128xf32, #tpu.memory_space<vmem>> -> memref<1x128x128xf32, #tpu.memory_space<vmem>>
        %dma_wait3A_362 = tpu.memref_squeeze %dma_wait3A_361 : memref<1x128x128xf32, #tpu.memory_space<vmem>> -> memref<128x128xf32, #tpu.memory_space<vmem>>
        %dma_wait3A_363 = arith.constant 0 : i32
        %dma_wait3A_364 = arith.constant 0 : i32
        %dma_wait3A_365 = tpu.memref_slice %arg2[%dma_wait3A_363, %dma_wait3A_364] : memref<10000x128xf32, #tpu.memory_space<hbm>> -> memref<128x128xf32, #tpu.memory_space<hbm>>
        tpu.wait_dma2 semaphore(%dma_wait3A_358 : memref<!tpu.dma_semaphore, #tpu.memory_space<semaphore_mem>>) src(%dma_wait3A_365 : memref<128x128xf32, #tpu.memory_space<hbm>>) dst(%dma_wait3A_362 : memref<128x128xf32, #tpu.memory_space<vmem>>)
      } else {
      }
      %mul3A_240 = arith.constant 2 : i32
      %mul3A_241 = arith.muli %while3A_233, %mul3A_240 : i32
      %add3A_242 = arith.constant 0 : i32
      %add3A_243 = arith.addi %mul3A_241, %add3A_242 : i32
      %dma_start3A = arith.constant 0 : i32
      %dma_start3A_244 = arith.constant 0 : i32
      %dma_start3A_245 = arith.constant 0 : i32
      %dma_start3A_246 = arith.constant 0 : i32
      %dma_start3A_247 = tpu.memref_slice %arg7[%dma_start3A, %dma_start3A_245, %dma_start3A_246] : memref<2x128x128xf32, #tpu.memory_space<vmem>> -> memref<1x128x128xf32, #tpu.memory_space<vmem>>
      %dma_start3A_248 = tpu.memref_squeeze %dma_start3A_247 : memref<1x128x128xf32, #tpu.memory_space<vmem>> -> memref<128x128xf32, #tpu.memory_space<vmem>>
      %dma_start3A_249 = arith.constant 0 : i32
      %dma_start3A_250 = tpu.memref_slice %arg8[%add3A_243, %dma_start3A_249] : memref<40x128xi32, #tpu.memory_space<vmem>> -> memref<1x128xi32, #tpu.memory_space<vmem>>
      %dma_start3A_251 = tpu.memref_squeeze %dma_start3A_250 : memref<1x128xi32, #tpu.memory_space<vmem>> -> memref<128xi32, #tpu.memory_space<vmem>>
      %dma_start3A_252 = arith.constant 0 : i32
      %dma_start3A_253 = arith.constant 0 : i32
      %dma_start3A_254 = tpu.memref_slice %arg2[%dma_start3A_252, %dma_start3A_253] : memref<10000x128xf32, #tpu.memory_space<hbm>> -> memref<10000x128xf32, #tpu.memory_space<hbm>>
      %dma_start3A_255 = tpu.memref_slice %arg11[%dma_start3A_244] : memref<2x!tpu.dma_semaphore, #tpu.memory_space<semaphore_mem>> -> memref<1x!tpu.dma_semaphore, #tpu.memory_space<semaphore_mem>>
      %dma_start3A_256 = tpu.memref_squeeze %dma_start3A_255 : memref<1x!tpu.dma_semaphore, #tpu.memory_space<semaphore_mem>> -> memref<!tpu.dma_semaphore, #tpu.memory_space<semaphore_mem>>
      tpu.enqueue_indirect_dma source(%dma_start3A_254 : memref<10000x128xf32, #tpu.memory_space<hbm>>) target(%dma_start3A_248 : memref<128x128xf32, #tpu.memory_space<vmem>>) offsets(%dma_start3A_251 : memref<128xi32, #tpu.memory_space<vmem>>) semaphore(%dma_start3A_256 : memref<!tpu.dma_semaphore, #tpu.memory_space<semaphore_mem>>)
      %gt3A_257 = arith.constant 0 : i32
      %gt3A_258 = arith.cmpi sgt, %while3A_233, %gt3A_257 : i32
      %convert_element_type3A_259 = arith.extui %gt3A_258 : i1 to i32
      %cond3A_260 = arith.constant 0 : i32
      %cond3A_261 = arith.cmpi ne, %convert_element_type3A_259, %cond3A_260 : i32
      scf.if %cond3A_261 {
        %dma_wait3A_348 = arith.constant 1 : i32
        %dma_wait3A_349 = arith.constant 1 : i32
        %dma_wait3A_350 = arith.constant 0 : i32
        %dma_wait3A_351 = arith.constant 0 : i32
        %dma_wait3A_352 = tpu.memref_slice %arg7[%dma_wait3A_348, %dma_wait3A_350, %dma_wait3A_351] : memref<2x128x128xf32, #tpu.memory_space<vmem>> -> memref<1x128x128xf32, #tpu.memory_space<vmem>>
        %dma_wait3A_353 = tpu.memref_squeeze %dma_wait3A_352 : memref<1x128x128xf32, #tpu.memory_space<vmem>> -> memref<128x128xf32, #tpu.memory_space<vmem>>
        %dma_wait3A_354 = arith.constant 0 : i32
        %dma_wait3A_355 = arith.constant 0 : i32
        %dma_wait3A_356 = tpu.memref_slice %arg2[%dma_wait3A_354, %dma_wait3A_355] : memref<10000x128xf32, #tpu.memory_space<hbm>> -> memref<128x128xf32, #tpu.memory_space<hbm>>
        %dma_wait3A_357 = tpu.memref_slice %arg12[%dma_wait3A_349] : memref<10x!tpu.dma_semaphore, #tpu.memory_space<semaphore_mem>> -> memref<1x!tpu.dma_semaphore, #tpu.memory_space<semaphore_mem>>
        %dma_wait3A_358 = tpu.memref_squeeze %dma_wait3A_357 : memref<1x!tpu.dma_semaphore, #tpu.memory_space<semaphore_mem>> -> memref<!tpu.dma_semaphore, #tpu.memory_space<semaphore_mem>>
        %dma_wait3A_359 = arith.constant 0 : i32
        %dma_wait3A_360 = arith.constant 0 : i32
        %dma_wait3A_361 = tpu.memref_slice %arg7[%dma_wait3A_348, %dma_wait3A_359, %dma_wait3A_360] : memref<2x128x128xf32, #tpu.memory_space<vmem>> -> memref<1x128x128xf32, #tpu.memory_space<vmem>>
        %dma_wait3A_362 = tpu.memref_squeeze %dma_wait3A_361 : memref<1x128x128xf32, #tpu.memory_space<vmem>> -> memref<128x128xf32, #tpu.memory_space<vmem>>
        %dma_wait3A_363 = arith.constant 0 : i32
        %dma_wait3A_364 = arith.constant 0 : i32
        %dma_wait3A_365 = tpu.memref_slice %arg2[%dma_wait3A_363, %dma_wait3A_364] : memref<10000x128xf32, #tpu.memory_space<hbm>> -> memref<128x128xf32, #tpu.memory_space<hbm>>
        tpu.wait_dma2 semaphore(%dma_wait3A_358 : memref<!tpu.dma_semaphore, #tpu.memory_space<semaphore_mem>>) src(%dma_wait3A_365 : memref<128x128xf32, #tpu.memory_space<hbm>>) dst(%dma_wait3A_362 : memref<128x128xf32, #tpu.memory_space<vmem>>)
      } else {
      }
      %mul3A_262 = arith.constant 2 : i32
      %mul3A_263 = arith.muli %while3A_233, %mul3A_262 : i32
      %add3A_264 = arith.constant 1 : i32
      %add3A_265 = arith.addi %mul3A_263, %add3A_264 : i32
      %dma_start3A_266 = arith.constant 1 : i32
      %dma_start3A_267 = arith.constant 1 : i32
      %dma_start3A_268 = arith.constant 0 : i32
      %dma_start3A_269 = arith.constant 0 : i32
      %dma_start3A_270 = tpu.memref_slice %arg7[%dma_start3A_266, %dma_start3A_268, %dma_start3A_269] : memref<2x128x128xf32, #tpu.memory_space<vmem>> -> memref<1x128x128xf32, #tpu.memory_space<vmem>>
      %dma_start3A_271 = tpu.memref_squeeze %dma_start3A_270 : memref<1x128x128xf32, #tpu.memory_space<vmem>> -> memref<128x128xf32, #tpu.memory_space<vmem>>
      %dma_start3A_272 = arith.constant 0 : i32
      %dma_start3A_273 = tpu.memref_slice %arg8[%add3A_265, %dma_start3A_272] : memref<40x128xi32, #tpu.memory_space<vmem>> -> memref<1x128xi32, #tpu.memory_space<vmem>>
      %dma_start3A_274 = tpu.memref_squeeze %dma_start3A_273 : memref<1x128xi32, #tpu.memory_space<vmem>> -> memref<128xi32, #tpu.memory_space<vmem>>
      %dma_start3A_275 = arith.constant 0 : i32
      %dma_start3A_276 = arith.constant 0 : i32
      %dma_start3A_277 = tpu.memref_slice %arg2[%dma_start3A_275, %dma_start3A_276] : memref<10000x128xf32, #tpu.memory_space<hbm>> -> memref<10000x128xf32, #tpu.memory_space<hbm>>
      %dma_start3A_278 = tpu.memref_slice %arg11[%dma_start3A_267] : memref<2x!tpu.dma_semaphore, #tpu.memory_space<semaphore_mem>> -> memref<1x!tpu.dma_semaphore, #tpu.memory_space<semaphore_mem>>
      %dma_start3A_279 = tpu.memref_squeeze %dma_start3A_278 : memref<1x!tpu.dma_semaphore, #tpu.memory_space<semaphore_mem>> -> memref<!tpu.dma_semaphore, #tpu.memory_space<semaphore_mem>>
      tpu.enqueue_indirect_dma source(%dma_start3A_277 : memref<10000x128xf32, #tpu.memory_space<hbm>>) target(%dma_start3A_271 : memref<128x128xf32, #tpu.memory_space<vmem>>) offsets(%dma_start3A_274 : memref<128xi32, #tpu.memory_space<vmem>>) semaphore(%dma_start3A_279 : memref<!tpu.dma_semaphore, #tpu.memory_space<semaphore_mem>>)
      %dma_wait3A = arith.constant 0 : i32
      %dma_wait3A_280 = arith.constant 0 : i32
      %dma_wait3A_281 = arith.constant 0 : i32
      %dma_wait3A_282 = arith.constant 0 : i32
      %dma_wait3A_283 = tpu.memref_slice %arg7[%dma_wait3A, %dma_wait3A_281, %dma_wait3A_282] : memref<2x128x128xf32, #tpu.memory_space<vmem>> -> memref<1x128x128xf32, #tpu.memory_space<vmem>>
      %dma_wait3A_284 = tpu.memref_squeeze %dma_wait3A_283 : memref<1x128x128xf32, #tpu.memory_space<vmem>> -> memref<128x128xf32, #tpu.memory_space<vmem>>
      %dma_wait3A_285 = arith.constant 0 : i32
      %dma_wait3A_286 = tpu.memref_slice %arg8[%add3A_243, %dma_wait3A_285] : memref<40x128xi32, #tpu.memory_space<vmem>> -> memref<1x128xi32, #tpu.memory_space<vmem>>
      %dma_wait3A_287 = tpu.memref_squeeze %dma_wait3A_286 : memref<1x128xi32, #tpu.memory_space<vmem>> -> memref<128xi32, #tpu.memory_space<vmem>>
      %dma_wait3A_288 = arith.constant 0 : i32
      %dma_wait3A_289 = arith.constant 0 : i32
      %dma_wait3A_290 = tpu.memref_slice %arg2[%dma_wait3A_288, %dma_wait3A_289] : memref<10000x128xf32, #tpu.memory_space<hbm>> -> memref<10000x128xf32, #tpu.memory_space<hbm>>
      %dma_wait3A_291 = tpu.memref_slice %arg11[%dma_wait3A_280] : memref<2x!tpu.dma_semaphore, #tpu.memory_space<semaphore_mem>> -> memref<1x!tpu.dma_semaphore, #tpu.memory_space<semaphore_mem>>
      %dma_wait3A_292 = tpu.memref_squeeze %dma_wait3A_291 : memref<1x!tpu.dma_semaphore, #tpu.memory_space<semaphore_mem>> -> memref<!tpu.dma_semaphore, #tpu.memory_space<semaphore_mem>>
      tpu.wait_indirect_dma semaphore(%dma_wait3A_292 : memref<!tpu.dma_semaphore, #tpu.memory_space<semaphore_mem>>) src(%dma_wait3A_290 : memref<10000x128xf32, #tpu.memory_space<hbm>>) dst(%dma_wait3A_284 : memref<128x128xf32, #tpu.memory_space<vmem>>)
      %mul3A_293 = arith.constant 2 : i32
      %mul3A_294 = arith.muli %while3A_233, %mul3A_293 : i32
      %add3A_295 = arith.constant 0 : i32
      %add3A_296 = arith.addi %add3A_295, %mul3A_294 : i32
      %add3A_297 = arith.constant 0 : i32
      %add3A_298 = arith.addi %add3A_296, %add3A_297 : i32
      %dma_start3A_299 = arith.constant 0 : i32
      %dma_start3A_300 = arith.constant 0 : i32
      %dma_start3A_301 = arith.constant 0 : i32
      %dma_start3A_302 = arith.constant 0 : i32
      %dma_start3A_303 = tpu.memref_slice %arg7[%dma_start3A_299, %dma_start3A_301, %dma_start3A_302] : memref<2x128x128xf32, #tpu.memory_space<vmem>> -> memref<1x128x128xf32, #tpu.memory_space<vmem>>
      %dma_start3A_304 = tpu.memref_squeeze %dma_start3A_303 : memref<1x128x128xf32, #tpu.memory_space<vmem>> -> memref<128x128xf32, #tpu.memory_space<vmem>>
      %dma_start3A_305 = arith.constant 0 : i32
      %dma_start3A_306 = tpu.memref_slice %arg9[%add3A_298, %dma_start3A_305] : memref<80x128xi32, #tpu.memory_space<vmem>> -> memref<1x128xi32, #tpu.memory_space<vmem>>
      %dma_start3A_307 = tpu.memref_squeeze %dma_start3A_306 : memref<1x128xi32, #tpu.memory_space<vmem>> -> memref<128xi32, #tpu.memory_space<vmem>>
      %dma_start3A_308 = arith.constant 0 : i32
      %dma_start3A_309 = arith.constant 0 : i32
      %dma_start3A_310 = tpu.memref_slice %arg10[%dma_start3A_308, %dma_start3A_309] : memref<10000x128xf32, #tpu.memory_space<vmem_shared>> -> memref<10000x128xf32, #tpu.memory_space<vmem_shared>>
      %dma_start3A_311 = tpu.memref_slice %arg12[%dma_start3A_300] : memref<10x!tpu.dma_semaphore, #tpu.memory_space<semaphore_mem>> -> memref<1x!tpu.dma_semaphore, #tpu.memory_space<semaphore_mem>>
      %dma_start3A_312 = tpu.memref_squeeze %dma_start3A_311 : memref<1x!tpu.dma_semaphore, #tpu.memory_space<semaphore_mem>> -> memref<!tpu.dma_semaphore, #tpu.memory_space<semaphore_mem>>
      tpu.enqueue_indirect_dma source(%dma_start3A_304 : memref<128x128xf32, #tpu.memory_space<vmem>>) target(%dma_start3A_310 : memref<10000x128xf32, #tpu.memory_space<vmem_shared>>) offsets(%dma_start3A_307 : memref<128xi32, #tpu.memory_space<vmem>>) semaphore(%dma_start3A_312 : memref<!tpu.dma_semaphore, #tpu.memory_space<semaphore_mem>>) {add = true}
      %dma_wait3A_313 = arith.constant 1 : i32
      %dma_wait3A_314 = arith.constant 1 : i32
      %dma_wait3A_315 = arith.constant 0 : i32
      %dma_wait3A_316 = arith.constant 0 : i32
      %dma_wait3A_317 = tpu.memref_slice %arg7[%dma_wait3A_313, %dma_wait3A_315, %dma_wait3A_316] : memref<2x128x128xf32, #tpu.memory_space<vmem>> -> memref<1x128x128xf32, #tpu.memory_space<vmem>>
      %dma_wait3A_318 = tpu.memref_squeeze %dma_wait3A_317 : memref<1x128x128xf32, #tpu.memory_space<vmem>> -> memref<128x128xf32, #tpu.memory_space<vmem>>
      %dma_wait3A_319 = arith.constant 0 : i32
      %dma_wait3A_320 = tpu.memref_slice %arg8[%add3A_265, %dma_wait3A_319] : memref<40x128xi32, #tpu.memory_space<vmem>> -> memref<1x128xi32, #tpu.memory_space<vmem>>
      %dma_wait3A_321 = tpu.memref_squeeze %dma_wait3A_320 : memref<1x128xi32, #tpu.memory_space<vmem>> -> memref<128xi32, #tpu.memory_space<vmem>>
      %dma_wait3A_322 = arith.constant 0 : i32
      %dma_wait3A_323 = arith.constant 0 : i32
      %dma_wait3A_324 = tpu.memref_slice %arg2[%dma_wait3A_322, %dma_wait3A_323] : memref<10000x128xf32, #tpu.memory_space<hbm>> -> memref<10000x128xf32, #tpu.memory_space<hbm>>
      %dma_wait3A_325 = tpu.memref_slice %arg11[%dma_wait3A_314] : memref<2x!tpu.dma_semaphore, #tpu.memory_space<semaphore_mem>> -> memref<1x!tpu.dma_semaphore, #tpu.memory_space<semaphore_mem>>
      %dma_wait3A_326 = tpu.memref_squeeze %dma_wait3A_325 : memref<1x!tpu.dma_semaphore, #tpu.memory_space<semaphore_mem>> -> memref<!tpu.dma_semaphore, #tpu.memory_space<semaphore_mem>>
      tpu.wait_indirect_dma semaphore(%dma_wait3A_326 : memref<!tpu.dma_semaphore, #tpu.memory_space<semaphore_mem>>) src(%dma_wait3A_324 : memref<10000x128xf32, #tpu.memory_space<hbm>>) dst(%dma_wait3A_318 : memref<128x128xf32, #tpu.memory_space<vmem>>)
      %mul3A_327 = arith.constant 2 : i32
      %mul3A_328 = arith.muli %while3A_233, %mul3A_327 : i32
      %add3A_329 = arith.constant 0 : i32
      %add3A_330 = arith.addi %add3A_329, %mul3A_328 : i32
      %add3A_331 = arith.constant 1 : i32
      %add3A_332 = arith.addi %add3A_330, %add3A_331 : i32
      %dma_start3A_333 = arith.constant 1 : i32
      %dma_start3A_334 = arith.constant 1 : i32
      %dma_start3A_335 = arith.constant 0 : i32
      %dma_start3A_336 = arith.constant 0 : i32
      %dma_start3A_337 = tpu.memref_slice %arg7[%dma_start3A_333, %dma_start3A_335, %dma_start3A_336] : memref<2x128x128xf32, #tpu.memory_space<vmem>> -> memref<1x128x128xf32, #tpu.memory_space<vmem>>
      %dma_start3A_338 = tpu.memref_squeeze %dma_start3A_337 : memref<1x128x128xf32, #tpu.memory_space<vmem>> -> memref<128x128xf32, #tpu.memory_space<vmem>>
      %dma_start3A_339 = arith.constant 0 : i32
      %dma_start3A_340 = tpu.memref_slice %arg9[%add3A_332, %dma_start3A_339] : memref<80x128xi32, #tpu.memory_space<vmem>> -> memref<1x128xi32, #tpu.memory_space<vmem>>
      %dma_start3A_341 = tpu.memref_squeeze %dma_start3A_340 : memref<1x128xi32, #tpu.memory_space<vmem>> -> memref<128xi32, #tpu.memory_space<vmem>>
      %dma_start3A_342 = arith.constant 0 : i32
      %dma_start3A_343 = arith.constant 0 : i32
      %dma_start3A_344 = tpu.memref_slice %arg10[%dma_start3A_342, %dma_start3A_343] : memref<10000x128xf32, #tpu.memory_space<vmem_shared>> -> memref<10000x128xf32, #tpu.memory_space<vmem_shared>>
      %dma_start3A_345 = tpu.memref_slice %arg12[%dma_start3A_334] : memref<10x!tpu.dma_semaphore, #tpu.memory_space<semaphore_mem>> -> memref<1x!tpu.dma_semaphore, #tpu.memory_space<semaphore_mem>>
      %dma_start3A_346 = tpu.memref_squeeze %dma_start3A_345 : memref<1x!tpu.dma_semaphore, #tpu.memory_space<semaphore_mem>> -> memref<!tpu.dma_semaphore, #tpu.memory_space<semaphore_mem>>
      tpu.enqueue_indirect_dma source(%dma_start3A_338 : memref<128x128xf32, #tpu.memory_space<vmem>>) target(%dma_start3A_344 : memref<10000x128xf32, #tpu.memory_space<vmem_shared>>) offsets(%dma_start3A_341 : memref<128xi32, #tpu.memory_space<vmem>>) semaphore(%dma_start3A_346 : memref<!tpu.dma_semaphore, #tpu.memory_space<semaphore_mem>>) {add = true}
      %while3A_347 = arith.constant 0 : i32
      scf.yield %while3A_347 : i32
    }
    %gt3A = arith.constant 0 : i32
    %gt3A_157 = arith.cmpi sgt, %min3A_120, %gt3A : i32
    %convert_element_type3A_158 = arith.extui %gt3A_157 : i1 to i32
    %cond3A = arith.constant 0 : i32
    %cond3A_159 = arith.cmpi ne, %convert_element_type3A_158, %cond3A : i32
    scf.if %cond3A_159 {
      %dma_wait3A = arith.constant 0 : i32
      %dma_wait3A_233 = arith.constant 0 : i32
      %dma_wait3A_234 = arith.constant 0 : i32
      %dma_wait3A_235 = arith.constant 0 : i32
      %dma_wait3A_236 = tpu.memref_slice %arg7[%dma_wait3A, %dma_wait3A_234, %dma_wait3A_235] : memref<2x128x128xf32, #tpu.memory_space<vmem>> -> memref<1x128x128xf32, #tpu.memory_space<vmem>>
      %dma_wait3A_237 = tpu.memref_squeeze %dma_wait3A_236 : memref<1x128x128xf32, #tpu.memory_space<vmem>> -> memref<128x128xf32, #tpu.memory_space<vmem>>
      %dma_wait3A_238 = arith.constant 0 : i32
      %dma_wait3A_239 = arith.constant 0 : i32
      %dma_wait3A_240 = tpu.memref_slice %arg2[%dma_wait3A_238, %dma_wait3A_239] : memref<10000x128xf32, #tpu.memory_space<hbm>> -> memref<128x128xf32, #tpu.memory_space<hbm>>
      %dma_wait3A_241 = tpu.memref_slice %arg12[%dma_wait3A_233] : memref<10x!tpu.dma_semaphore, #tpu.memory_space<semaphore_mem>> -> memref<1x!tpu.dma_semaphore, #tpu.memory_space<semaphore_mem>>
      %dma_wait3A_242 = tpu.memref_squeeze %dma_wait3A_241 : memref<1x!tpu.dma_semaphore, #tpu.memory_space<semaphore_mem>> -> memref<!tpu.dma_semaphore, #tpu.memory_space<semaphore_mem>>
      %dma_wait3A_243 = arith.constant 0 : i32
      %dma_wait3A_244 = arith.constant 0 : i32
      %dma_wait3A_245 = tpu.memref_slice %arg7[%dma_wait3A, %dma_wait3A_243, %dma_wait3A_244] : memref<2x128x128xf32, #tpu.memory_space<vmem>> -> memref<1x128x128xf32, #tpu.memory_space<vmem>>
      %dma_wait3A_246 = tpu.memref_squeeze %dma_wait3A_245 : memref<1x128x128xf32, #tpu.memory_space<vmem>> -> memref<128x128xf32, #tpu.memory_space<vmem>>
      %dma_wait3A_247 = arith.constant 0 : i32
      %dma_wait3A_248 = arith.constant 0 : i32
      %dma_wait3A_249 = tpu.memref_slice %arg2[%dma_wait3A_247, %dma_wait3A_248] : memref<10000x128xf32, #tpu.memory_space<hbm>> -> memref<128x128xf32, #tpu.memory_space<hbm>>
      tpu.wait_dma2 semaphore(%dma_wait3A_242 : memref<!tpu.dma_semaphore, #tpu.memory_space<semaphore_mem>>) src(%dma_wait3A_249 : memref<128x128xf32, #tpu.memory_space<hbm>>) dst(%dma_wait3A_246 : memref<128x128xf32, #tpu.memory_space<vmem>>)
      %dma_wait3A_250 = arith.constant 1 : i32
      %dma_wait3A_251 = arith.constant 1 : i32
      %dma_wait3A_252 = arith.constant 0 : i32
      %dma_wait3A_253 = arith.constant 0 : i32
      %dma_wait3A_254 = tpu.memref_slice %arg7[%dma_wait3A_250, %dma_wait3A_252, %dma_wait3A_253] : memref<2x128x128xf32, #tpu.memory_space<vmem>> -> memref<1x128x128xf32, #tpu.memory_space<vmem>>
      %dma_wait3A_255 = tpu.memref_squeeze %dma_wait3A_254 : memref<1x128x128xf32, #tpu.memory_space<vmem>> -> memref<128x128xf32, #tpu.memory_space<vmem>>
      %dma_wait3A_256 = arith.constant 0 : i32
      %dma_wait3A_257 = arith.constant 0 : i32
      %dma_wait3A_258 = tpu.memref_slice %arg2[%dma_wait3A_256, %dma_wait3A_257] : memref<10000x128xf32, #tpu.memory_space<hbm>> -> memref<128x128xf32, #tpu.memory_space<hbm>>
      %dma_wait3A_259 = tpu.memref_slice %arg12[%dma_wait3A_251] : memref<10x!tpu.dma_semaphore, #tpu.memory_space<semaphore_mem>> -> memref<1x!tpu.dma_semaphore, #tpu.memory_space<semaphore_mem>>
      %dma_wait3A_260 = tpu.memref_squeeze %dma_wait3A_259 : memref<1x!tpu.dma_semaphore, #tpu.memory_space<semaphore_mem>> -> memref<!tpu.dma_semaphore, #tpu.memory_space<semaphore_mem>>
      %dma_wait3A_261 = arith.constant 0 : i32
      %dma_wait3A_262 = arith.constant 0 : i32
      %dma_wait3A_263 = tpu.memref_slice %arg7[%dma_wait3A_250, %dma_wait3A_261, %dma_wait3A_262] : memref<2x128x128xf32, #tpu.memory_space<vmem>> -> memref<1x128x128xf32, #tpu.memory_space<vmem>>
      %dma_wait3A_264 = tpu.memref_squeeze %dma_wait3A_263 : memref<1x128x128xf32, #tpu.memory_space<vmem>> -> memref<128x128xf32, #tpu.memory_space<vmem>>
      %dma_wait3A_265 = arith.constant 0 : i32
      %dma_wait3A_266 = arith.constant 0 : i32
      %dma_wait3A_267 = tpu.memref_slice %arg2[%dma_wait3A_265, %dma_wait3A_266] : memref<10000x128xf32, #tpu.memory_space<hbm>> -> memref<128x128xf32, #tpu.memory_space<hbm>>
      tpu.wait_dma2 semaphore(%dma_wait3A_260 : memref<!tpu.dma_semaphore, #tpu.memory_space<semaphore_mem>>) src(%dma_wait3A_267 : memref<128x128xf32, #tpu.memory_space<hbm>>) dst(%dma_wait3A_264 : memref<128x128xf32, #tpu.memory_space<vmem>>)
    } else {
    }
    %add3A_160 = arith.constant 40 : i32
    %add3A_161 = arith.addi %multiple_of3A, %add3A_160 : i32
    %multiple_of3A_162 = tpu.assume_multiple %add3A_161, 8 : i32
    %sub3A_163 = arith.constant 40 : i32
    %sub3A_164 = arith.subi %min3A_35, %sub3A_163 : i32
    %max3A_165 = arith.constant 0 : i32
    %max3A_166 = arith.maxsi %sub3A_164, %max3A_165 : i32
    %min3A_167 = arith.constant 40 : i32
    %min3A_168 = arith.minsi %max3A_166, %min3A_167 : i32
    "tpu.region"() ({
      %run_scoped3A = tpu.sem_alloc : memref<!tpu.dma_semaphore, #tpu.memory_space<semaphore_mem>>
      %dma_start3A = arith.constant 0 : i32
      %dma_start3A_233 = tpu.memref_slice %arg3[%multiple_of3A_162, %dma_start3A] : memref<2560x128xi32, #tpu.memory_space<hbm>> -> memref<40x128xi32, #tpu.memory_space<hbm>>
      %dma_start3A_234 = arith.constant 0 : i32
      %dma_start3A_235 = tpu.memref_slice %arg3[%multiple_of3A_162, %dma_start3A_234] : memref<2560x128xi32, #tpu.memory_space<hbm>> -> memref<40x128xi32, #tpu.memory_space<hbm>>
      tpu.enqueue_dma source(%dma_start3A_235 : memref<40x128xi32, #tpu.memory_space<hbm>>) target(%arg8 : memref<40x128xi32, #tpu.memory_space<vmem>>) target_semaphore(%run_scoped3A : memref<!tpu.dma_semaphore, #tpu.memory_space<semaphore_mem>>)
      %dma_wait3A = arith.constant 0 : i32
      %dma_wait3A_236 = tpu.memref_slice %arg3[%multiple_of3A_162, %dma_wait3A] : memref<2560x128xi32, #tpu.memory_space<hbm>> -> memref<40x128xi32, #tpu.memory_space<hbm>>
      %dma_wait3A_237 = arith.constant 0 : i32
      %dma_wait3A_238 = tpu.memref_slice %arg3[%multiple_of3A_162, %dma_wait3A_237] : memref<2560x128xi32, #tpu.memory_space<hbm>> -> memref<40x128xi32, #tpu.memory_space<hbm>>
      tpu.wait_dma2 semaphore(%run_scoped3A : memref<!tpu.dma_semaphore, #tpu.memory_space<semaphore_mem>>) src(%dma_wait3A_238 : memref<40x128xi32, #tpu.memory_space<hbm>>) dst(%arg8 : memref<40x128xi32, #tpu.memory_space<vmem>>)
      tpu.yield
    }) : () -> ()
    %jit3A_169 = arith.constant 2 : i32
    %div3A_170 = arith.divsi %min3A_168, %jit3A_169 : i32
    %sign3A_171 = arith.constant 0 : i32
    %sign3A_172 = arith.cmpi sgt, %min3A_168, %sign3A_171 : i32
    %sign3A_173 = arith.extui %sign3A_172 : i1 to i32
    %sign3A_174 = arith.constant 0 : i32
    %sign3A_175 = arith.cmpi slt, %min3A_168, %sign3A_174 : i32
    %sign3A_176 = arith.extui %sign3A_175 : i1 to i32
    %sign3A_177 = arith.subi %sign3A_173, %sign3A_176 : i32
    %sign3A_178 = arith.constant 0 : i32
    %sign3A_179 = arith.cmpi sgt, %jit3A_169, %sign3A_178 : i32
    %sign3A_180 = arith.extui %sign3A_179 : i1 to i32
    %sign3A_181 = arith.constant 0 : i32
    %sign3A_182 = arith.cmpi slt, %jit3A_169, %sign3A_181 : i32
    %sign3A_183 = arith.extui %sign3A_182 : i1 to i32
    %sign3A_184 = arith.subi %sign3A_180, %sign3A_183 : i32
    %ne3A_185 = arith.cmpi ne, %sign3A_177, %sign3A_184 : i32
    %rem3A_186 = arith.remsi %min3A_168, %jit3A_169 : i32
    %ne3A_187 = arith.constant 0 : i32
    %ne3A_188 = arith.cmpi ne, %rem3A_186, %ne3A_187 : i32
    %and3A_189 = arith.andi %ne3A_185, %ne3A_188 : i1
    %sub3A_190 = arith.constant 1 : i32
    %sub3A_191 = arith.subi %div3A_170, %sub3A_190 : i32
    %select_n3A_192 = arith.select %and3A_189, %sub3A_191, %div3A_170 : i32
    %while3A_193 = arith.constant 0 : i32
    %while3A_194 = arith.constant 0 : i32
    %while3A_195 = arith.subi %select_n3A_192, %while3A_193 : i32
    %while3A_196 = arith.addi %while3A_193, %while3A_195 : i32
    %while3A_197 = arith.constant 1 : i32
    %while3A_198 = arith.divsi %while3A_195, %while3A_197 : i32
    %while3A_199 = arith.muli %while3A_198, %while3A_197 : i32
    %while3A_200 = arith.addi %while3A_193, %while3A_199 : i32
    %while3A_201 = arith.constant 1 : i32
    %while3A_202 = scf.for %while3A_233 = %while3A_193 to %while3A_200 step %while3A_201 iter_args(%while3A_234 = %while3A_194) -> (i32)  : i32 {
      %gt3A_235 = arith.constant 0 : i32
      %gt3A_236 = arith.cmpi sgt, %while3A_233, %gt3A_235 : i32
      %convert_element_type3A_237 = arith.extui %gt3A_236 : i1 to i32
      %cond3A_238 = arith.constant 0 : i32
      %cond3A_239 = arith.cmpi ne, %convert_element_type3A_237, %cond3A_238 : i32
      scf.if %cond3A_239 {
        %dma_wait3A_348 = arith.constant 0 : i32
        %dma_wait3A_349 = arith.constant 0 : i32
        %dma_wait3A_350 = arith.constant 0 : i32
        %dma_wait3A_351 = arith.constant 0 : i32
        %dma_wait3A_352 = tpu.memref_slice %arg7[%dma_wait3A_348, %dma_wait3A_350, %dma_wait3A_351] : memref<2x128x128xf32, #tpu.memory_space<vmem>> -> memref<1x128x128xf32, #tpu.memory_space<vmem>>
        %dma_wait3A_353 = tpu.memref_squeeze %dma_wait3A_352 : memref<1x128x128xf32, #tpu.memory_space<vmem>> -> memref<128x128xf32, #tpu.memory_space<vmem>>
        %dma_wait3A_354 = arith.constant 0 : i32
        %dma_wait3A_355 = arith.constant 0 : i32
        %dma_wait3A_356 = tpu.memref_slice %arg2[%dma_wait3A_354, %dma_wait3A_355] : memref<10000x128xf32, #tpu.memory_space<hbm>> -> memref<128x128xf32, #tpu.memory_space<hbm>>
        %dma_wait3A_357 = tpu.memref_slice %arg12[%dma_wait3A_349] : memref<10x!tpu.dma_semaphore, #tpu.memory_space<semaphore_mem>> -> memref<1x!tpu.dma_semaphore, #tpu.memory_space<semaphore_mem>>
        %dma_wait3A_358 = tpu.memref_squeeze %dma_wait3A_357 : memref<1x!tpu.dma_semaphore, #tpu.memory_space<semaphore_mem>> -> memref<!tpu.dma_semaphore, #tpu.memory_space<semaphore_mem>>
        %dma_wait3A_359 = arith.constant 0 : i32
        %dma_wait3A_360 = arith.constant 0 : i32
        %dma_wait3A_361 = tpu.memref_slice %arg7[%dma_wait3A_348, %dma_wait3A_359, %dma_wait3A_360] : memref<2x128x128xf32, #tpu.memory_space<vmem>> -> memref<1x128x128xf32, #tpu.memory_space<vmem>>
        %dma_wait3A_362 = tpu.memref_squeeze %dma_wait3A_361 : memref<1x128x128xf32, #tpu.memory_space<vmem>> -> memref<128x128xf32, #tpu.memory_space<vmem>>
        %dma_wait3A_363 = arith.constant 0 : i32
        %dma_wait3A_364 = arith.constant 0 : i32
        %dma_wait3A_365 = tpu.memref_slice %arg2[%dma_wait3A_363, %dma_wait3A_364] : memref<10000x128xf32, #tpu.memory_space<hbm>> -> memref<128x128xf32, #tpu.memory_space<hbm>>
        tpu.wait_dma2 semaphore(%dma_wait3A_358 : memref<!tpu.dma_semaphore, #tpu.memory_space<semaphore_mem>>) src(%dma_wait3A_365 : memref<128x128xf32, #tpu.memory_space<hbm>>) dst(%dma_wait3A_362 : memref<128x128xf32, #tpu.memory_space<vmem>>)
      } else {
      }
      %mul3A_240 = arith.constant 2 : i32
      %mul3A_241 = arith.muli %while3A_233, %mul3A_240 : i32
      %add3A_242 = arith.constant 0 : i32
      %add3A_243 = arith.addi %mul3A_241, %add3A_242 : i32
      %dma_start3A = arith.constant 0 : i32
      %dma_start3A_244 = arith.constant 0 : i32
      %dma_start3A_245 = arith.constant 0 : i32
      %dma_start3A_246 = arith.constant 0 : i32
      %dma_start3A_247 = tpu.memref_slice %arg7[%dma_start3A, %dma_start3A_245, %dma_start3A_246] : memref<2x128x128xf32, #tpu.memory_space<vmem>> -> memref<1x128x128xf32, #tpu.memory_space<vmem>>
      %dma_start3A_248 = tpu.memref_squeeze %dma_start3A_247 : memref<1x128x128xf32, #tpu.memory_space<vmem>> -> memref<128x128xf32, #tpu.memory_space<vmem>>
      %dma_start3A_249 = arith.constant 0 : i32
      %dma_start3A_250 = tpu.memref_slice %arg8[%add3A_243, %dma_start3A_249] : memref<40x128xi32, #tpu.memory_space<vmem>> -> memref<1x128xi32, #tpu.memory_space<vmem>>
      %dma_start3A_251 = tpu.memref_squeeze %dma_start3A_250 : memref<1x128xi32, #tpu.memory_space<vmem>> -> memref<128xi32, #tpu.memory_space<vmem>>
      %dma_start3A_252 = arith.constant 0 : i32
      %dma_start3A_253 = arith.constant 0 : i32
      %dma_start3A_254 = tpu.memref_slice %arg2[%dma_start3A_252, %dma_start3A_253] : memref<10000x128xf32, #tpu.memory_space<hbm>> -> memref<10000x128xf32, #tpu.memory_space<hbm>>
      %dma_start3A_255 = tpu.memref_slice %arg11[%dma_start3A_244] : memref<2x!tpu.dma_semaphore, #tpu.memory_space<semaphore_mem>> -> memref<1x!tpu.dma_semaphore, #tpu.memory_space<semaphore_mem>>
      %dma_start3A_256 = tpu.memref_squeeze %dma_start3A_255 : memref<1x!tpu.dma_semaphore, #tpu.memory_space<semaphore_mem>> -> memref<!tpu.dma_semaphore, #tpu.memory_space<semaphore_mem>>
      tpu.enqueue_indirect_dma source(%dma_start3A_254 : memref<10000x128xf32, #tpu.memory_space<hbm>>) target(%dma_start3A_248 : memref<128x128xf32, #tpu.memory_space<vmem>>) offsets(%dma_start3A_251 : memref<128xi32, #tpu.memory_space<vmem>>) semaphore(%dma_start3A_256 : memref<!tpu.dma_semaphore, #tpu.memory_space<semaphore_mem>>)
      %gt3A_257 = arith.constant 0 : i32
      %gt3A_258 = arith.cmpi sgt, %while3A_233, %gt3A_257 : i32
      %convert_element_type3A_259 = arith.extui %gt3A_258 : i1 to i32
      %cond3A_260 = arith.constant 0 : i32
      %cond3A_261 = arith.cmpi ne, %convert_element_type3A_259, %cond3A_260 : i32
      scf.if %cond3A_261 {
        %dma_wait3A_348 = arith.constant 1 : i32
        %dma_wait3A_349 = arith.constant 1 : i32
        %dma_wait3A_350 = arith.constant 0 : i32
        %dma_wait3A_351 = arith.constant 0 : i32
        %dma_wait3A_352 = tpu.memref_slice %arg7[%dma_wait3A_348, %dma_wait3A_350, %dma_wait3A_351] : memref<2x128x128xf32, #tpu.memory_space<vmem>> -> memref<1x128x128xf32, #tpu.memory_space<vmem>>
        %dma_wait3A_353 = tpu.memref_squeeze %dma_wait3A_352 : memref<1x128x128xf32, #tpu.memory_space<vmem>> -> memref<128x128xf32, #tpu.memory_space<vmem>>
        %dma_wait3A_354 = arith.constant 0 : i32
        %dma_wait3A_355 = arith.constant 0 : i32
        %dma_wait3A_356 = tpu.memref_slice %arg2[%dma_wait3A_354, %dma_wait3A_355] : memref<10000x128xf32, #tpu.memory_space<hbm>> -> memref<128x128xf32, #tpu.memory_space<hbm>>
        %dma_wait3A_357 = tpu.memref_slice %arg12[%dma_wait3A_349] : memref<10x!tpu.dma_semaphore, #tpu.memory_space<semaphore_mem>> -> memref<1x!tpu.dma_semaphore, #tpu.memory_space<semaphore_mem>>
        %dma_wait3A_358 = tpu.memref_squeeze %dma_wait3A_357 : memref<1x!tpu.dma_semaphore, #tpu.memory_space<semaphore_mem>> -> memref<!tpu.dma_semaphore, #tpu.memory_space<semaphore_mem>>
        %dma_wait3A_359 = arith.constant 0 : i32
        %dma_wait3A_360 = arith.constant 0 : i32
        %dma_wait3A_361 = tpu.memref_slice %arg7[%dma_wait3A_348, %dma_wait3A_359, %dma_wait3A_360] : memref<2x128x128xf32, #tpu.memory_space<vmem>> -> memref<1x128x128xf32, #tpu.memory_space<vmem>>
        %dma_wait3A_362 = tpu.memref_squeeze %dma_wait3A_361 : memref<1x128x128xf32, #tpu.memory_space<vmem>> -> memref<128x128xf32, #tpu.memory_space<vmem>>
        %dma_wait3A_363 = arith.constant 0 : i32
        %dma_wait3A_364 = arith.constant 0 : i32
        %dma_wait3A_365 = tpu.memref_slice %arg2[%dma_wait3A_363, %dma_wait3A_364] : memref<10000x128xf32, #tpu.memory_space<hbm>> -> memref<128x128xf32, #tpu.memory_space<hbm>>
        tpu.wait_dma2 semaphore(%dma_wait3A_358 : memref<!tpu.dma_semaphore, #tpu.memory_space<semaphore_mem>>) src(%dma_wait3A_365 : memref<128x128xf32, #tpu.memory_space<hbm>>) dst(%dma_wait3A_362 : memref<128x128xf32, #tpu.memory_space<vmem>>)
      } else {
      }
      %mul3A_262 = arith.constant 2 : i32
      %mul3A_263 = arith.muli %while3A_233, %mul3A_262 : i32
      %add3A_264 = arith.constant 1 : i32
      %add3A_265 = arith.addi %mul3A_263, %add3A_264 : i32
      %dma_start3A_266 = arith.constant 1 : i32
      %dma_start3A_267 = arith.constant 1 : i32
      %dma_start3A_268 = arith.constant 0 : i32
      %dma_start3A_269 = arith.constant 0 : i32
      %dma_start3A_270 = tpu.memref_slice %arg7[%dma_start3A_266, %dma_start3A_268, %dma_start3A_269] : memref<2x128x128xf32, #tpu.memory_space<vmem>> -> memref<1x128x128xf32, #tpu.memory_space<vmem>>
      %dma_start3A_271 = tpu.memref_squeeze %dma_start3A_270 : memref<1x128x128xf32, #tpu.memory_space<vmem>> -> memref<128x128xf32, #tpu.memory_space<vmem>>
      %dma_start3A_272 = arith.constant 0 : i32
      %dma_start3A_273 = tpu.memref_slice %arg8[%add3A_265, %dma_start3A_272] : memref<40x128xi32, #tpu.memory_space<vmem>> -> memref<1x128xi32, #tpu.memory_space<vmem>>
      %dma_start3A_274 = tpu.memref_squeeze %dma_start3A_273 : memref<1x128xi32, #tpu.memory_space<vmem>> -> memref<128xi32, #tpu.memory_space<vmem>>
      %dma_start3A_275 = arith.constant 0 : i32
      %dma_start3A_276 = arith.constant 0 : i32
      %dma_start3A_277 = tpu.memref_slice %arg2[%dma_start3A_275, %dma_start3A_276] : memref<10000x128xf32, #tpu.memory_space<hbm>> -> memref<10000x128xf32, #tpu.memory_space<hbm>>
      %dma_start3A_278 = tpu.memref_slice %arg11[%dma_start3A_267] : memref<2x!tpu.dma_semaphore, #tpu.memory_space<semaphore_mem>> -> memref<1x!tpu.dma_semaphore, #tpu.memory_space<semaphore_mem>>
      %dma_start3A_279 = tpu.memref_squeeze %dma_start3A_278 : memref<1x!tpu.dma_semaphore, #tpu.memory_space<semaphore_mem>> -> memref<!tpu.dma_semaphore, #tpu.memory_space<semaphore_mem>>
      tpu.enqueue_indirect_dma source(%dma_start3A_277 : memref<10000x128xf32, #tpu.memory_space<hbm>>) target(%dma_start3A_271 : memref<128x128xf32, #tpu.memory_space<vmem>>) offsets(%dma_start3A_274 : memref<128xi32, #tpu.memory_space<vmem>>) semaphore(%dma_start3A_279 : memref<!tpu.dma_semaphore, #tpu.memory_space<semaphore_mem>>)
      %dma_wait3A = arith.constant 0 : i32
      %dma_wait3A_280 = arith.constant 0 : i32
      %dma_wait3A_281 = arith.constant 0 : i32
      %dma_wait3A_282 = arith.constant 0 : i32
      %dma_wait3A_283 = tpu.memref_slice %arg7[%dma_wait3A, %dma_wait3A_281, %dma_wait3A_282] : memref<2x128x128xf32, #tpu.memory_space<vmem>> -> memref<1x128x128xf32, #tpu.memory_space<vmem>>
      %dma_wait3A_284 = tpu.memref_squeeze %dma_wait3A_283 : memref<1x128x128xf32, #tpu.memory_space<vmem>> -> memref<128x128xf32, #tpu.memory_space<vmem>>
      %dma_wait3A_285 = arith.constant 0 : i32
      %dma_wait3A_286 = tpu.memref_slice %arg8[%add3A_243, %dma_wait3A_285] : memref<40x128xi32, #tpu.memory_space<vmem>> -> memref<1x128xi32, #tpu.memory_space<vmem>>
      %dma_wait3A_287 = tpu.memref_squeeze %dma_wait3A_286 : memref<1x128xi32, #tpu.memory_space<vmem>> -> memref<128xi32, #tpu.memory_space<vmem>>
      %dma_wait3A_288 = arith.constant 0 : i32
      %dma_wait3A_289 = arith.constant 0 : i32
      %dma_wait3A_290 = tpu.memref_slice %arg2[%dma_wait3A_288, %dma_wait3A_289] : memref<10000x128xf32, #tpu.memory_space<hbm>> -> memref<10000x128xf32, #tpu.memory_space<hbm>>
      %dma_wait3A_291 = tpu.memref_slice %arg11[%dma_wait3A_280] : memref<2x!tpu.dma_semaphore, #tpu.memory_space<semaphore_mem>> -> memref<1x!tpu.dma_semaphore, #tpu.memory_space<semaphore_mem>>
      %dma_wait3A_292 = tpu.memref_squeeze %dma_wait3A_291 : memref<1x!tpu.dma_semaphore, #tpu.memory_space<semaphore_mem>> -> memref<!tpu.dma_semaphore, #tpu.memory_space<semaphore_mem>>
      tpu.wait_indirect_dma semaphore(%dma_wait3A_292 : memref<!tpu.dma_semaphore, #tpu.memory_space<semaphore_mem>>) src(%dma_wait3A_290 : memref<10000x128xf32, #tpu.memory_space<hbm>>) dst(%dma_wait3A_284 : memref<128x128xf32, #tpu.memory_space<vmem>>)
      %mul3A_293 = arith.constant 2 : i32
      %mul3A_294 = arith.muli %while3A_233, %mul3A_293 : i32
      %add3A_295 = arith.constant 40 : i32
      %add3A_296 = arith.addi %add3A_295, %mul3A_294 : i32
      %add3A_297 = arith.constant 0 : i32
      %add3A_298 = arith.addi %add3A_296, %add3A_297 : i32
      %dma_start3A_299 = arith.constant 0 : i32
      %dma_start3A_300 = arith.constant 0 : i32
      %dma_start3A_301 = arith.constant 0 : i32
      %dma_start3A_302 = arith.constant 0 : i32
      %dma_start3A_303 = tpu.memref_slice %arg7[%dma_start3A_299, %dma_start3A_301, %dma_start3A_302] : memref<2x128x128xf32, #tpu.memory_space<vmem>> -> memref<1x128x128xf32, #tpu.memory_space<vmem>>
      %dma_start3A_304 = tpu.memref_squeeze %dma_start3A_303 : memref<1x128x128xf32, #tpu.memory_space<vmem>> -> memref<128x128xf32, #tpu.memory_space<vmem>>
      %dma_start3A_305 = arith.constant 0 : i32
      %dma_start3A_306 = tpu.memref_slice %arg9[%add3A_298, %dma_start3A_305] : memref<80x128xi32, #tpu.memory_space<vmem>> -> memref<1x128xi32, #tpu.memory_space<vmem>>
      %dma_start3A_307 = tpu.memref_squeeze %dma_start3A_306 : memref<1x128xi32, #tpu.memory_space<vmem>> -> memref<128xi32, #tpu.memory_space<vmem>>
      %dma_start3A_308 = arith.constant 0 : i32
      %dma_start3A_309 = arith.constant 0 : i32
      %dma_start3A_310 = tpu.memref_slice %arg10[%dma_start3A_308, %dma_start3A_309] : memref<10000x128xf32, #tpu.memory_space<vmem_shared>> -> memref<10000x128xf32, #tpu.memory_space<vmem_shared>>
      %dma_start3A_311 = tpu.memref_slice %arg12[%dma_start3A_300] : memref<10x!tpu.dma_semaphore, #tpu.memory_space<semaphore_mem>> -> memref<1x!tpu.dma_semaphore, #tpu.memory_space<semaphore_mem>>
      %dma_start3A_312 = tpu.memref_squeeze %dma_start3A_311 : memref<1x!tpu.dma_semaphore, #tpu.memory_space<semaphore_mem>> -> memref<!tpu.dma_semaphore, #tpu.memory_space<semaphore_mem>>
      tpu.enqueue_indirect_dma source(%dma_start3A_304 : memref<128x128xf32, #tpu.memory_space<vmem>>) target(%dma_start3A_310 : memref<10000x128xf32, #tpu.memory_space<vmem_shared>>) offsets(%dma_start3A_307 : memref<128xi32, #tpu.memory_space<vmem>>) semaphore(%dma_start3A_312 : memref<!tpu.dma_semaphore, #tpu.memory_space<semaphore_mem>>) {add = true}
      %dma_wait3A_313 = arith.constant 1 : i32
      %dma_wait3A_314 = arith.constant 1 : i32
      %dma_wait3A_315 = arith.constant 0 : i32
      %dma_wait3A_316 = arith.constant 0 : i32
      %dma_wait3A_317 = tpu.memref_slice %arg7[%dma_wait3A_313, %dma_wait3A_315, %dma_wait3A_316] : memref<2x128x128xf32, #tpu.memory_space<vmem>> -> memref<1x128x128xf32, #tpu.memory_space<vmem>>
      %dma_wait3A_318 = tpu.memref_squeeze %dma_wait3A_317 : memref<1x128x128xf32, #tpu.memory_space<vmem>> -> memref<128x128xf32, #tpu.memory_space<vmem>>
      %dma_wait3A_319 = arith.constant 0 : i32
      %dma_wait3A_320 = tpu.memref_slice %arg8[%add3A_265, %dma_wait3A_319] : memref<40x128xi32, #tpu.memory_space<vmem>> -> memref<1x128xi32, #tpu.memory_space<vmem>>
      %dma_wait3A_321 = tpu.memref_squeeze %dma_wait3A_320 : memref<1x128xi32, #tpu.memory_space<vmem>> -> memref<128xi32, #tpu.memory_space<vmem>>
      %dma_wait3A_322 = arith.constant 0 : i32
      %dma_wait3A_323 = arith.constant 0 : i32
      %dma_wait3A_324 = tpu.memref_slice %arg2[%dma_wait3A_322, %dma_wait3A_323] : memref<10000x128xf32, #tpu.memory_space<hbm>> -> memref<10000x128xf32, #tpu.memory_space<hbm>>
      %dma_wait3A_325 = tpu.memref_slice %arg11[%dma_wait3A_314] : memref<2x!tpu.dma_semaphore, #tpu.memory_space<semaphore_mem>> -> memref<1x!tpu.dma_semaphore, #tpu.memory_space<semaphore_mem>>
      %dma_wait3A_326 = tpu.memref_squeeze %dma_wait3A_325 : memref<1x!tpu.dma_semaphore, #tpu.memory_space<semaphore_mem>> -> memref<!tpu.dma_semaphore, #tpu.memory_space<semaphore_mem>>
      tpu.wait_indirect_dma semaphore(%dma_wait3A_326 : memref<!tpu.dma_semaphore, #tpu.memory_space<semaphore_mem>>) src(%dma_wait3A_324 : memref<10000x128xf32, #tpu.memory_space<hbm>>) dst(%dma_wait3A_318 : memref<128x128xf32, #tpu.memory_space<vmem>>)
      %mul3A_327 = arith.constant 2 : i32
      %mul3A_328 = arith.muli %while3A_233, %mul3A_327 : i32
      %add3A_329 = arith.constant 40 : i32
      %add3A_330 = arith.addi %add3A_329, %mul3A_328 : i32
      %add3A_331 = arith.constant 1 : i32
      %add3A_332 = arith.addi %add3A_330, %add3A_331 : i32
      %dma_start3A_333 = arith.constant 1 : i32
      %dma_start3A_334 = arith.constant 1 : i32
      %dma_start3A_335 = arith.constant 0 : i32
      %dma_start3A_336 = arith.constant 0 : i32
      %dma_start3A_337 = tpu.memref_slice %arg7[%dma_start3A_333, %dma_start3A_335, %dma_start3A_336] : memref<2x128x128xf32, #tpu.memory_space<vmem>> -> memref<1x128x128xf32, #tpu.memory_space<vmem>>
      %dma_start3A_338 = tpu.memref_squeeze %dma_start3A_337 : memref<1x128x128xf32, #tpu.memory_space<vmem>> -> memref<128x128xf32, #tpu.memory_space<vmem>>
      %dma_start3A_339 = arith.constant 0 : i32
      %dma_start3A_340 = tpu.memref_slice %arg9[%add3A_332, %dma_start3A_339] : memref<80x128xi32, #tpu.memory_space<vmem>> -> memref<1x128xi32, #tpu.memory_space<vmem>>
      %dma_start3A_341 = tpu.memref_squeeze %dma_start3A_340 : memref<1x128xi32, #tpu.memory_space<vmem>> -> memref<128xi32, #tpu.memory_space<vmem>>
      %dma_start3A_342 = arith.constant 0 : i32
      %dma_start3A_343 = arith.constant 0 : i32
      %dma_start3A_344 = tpu.memref_slice %arg10[%dma_start3A_342, %dma_start3A_343] : memref<10000x128xf32, #tpu.memory_space<vmem_shared>> -> memref<10000x128xf32, #tpu.memory_space<vmem_shared>>
      %dma_start3A_345 = tpu.memref_slice %arg12[%dma_start3A_334] : memref<10x!tpu.dma_semaphore, #tpu.memory_space<semaphore_mem>> -> memref<1x!tpu.dma_semaphore, #tpu.memory_space<semaphore_mem>>
      %dma_start3A_346 = tpu.memref_squeeze %dma_start3A_345 : memref<1x!tpu.dma_semaphore, #tpu.memory_space<semaphore_mem>> -> memref<!tpu.dma_semaphore, #tpu.memory_space<semaphore_mem>>
      tpu.enqueue_indirect_dma source(%dma_start3A_338 : memref<128x128xf32, #tpu.memory_space<vmem>>) target(%dma_start3A_344 : memref<10000x128xf32, #tpu.memory_space<vmem_shared>>) offsets(%dma_start3A_341 : memref<128xi32, #tpu.memory_space<vmem>>) semaphore(%dma_start3A_346 : memref<!tpu.dma_semaphore, #tpu.memory_space<semaphore_mem>>) {add = true}
      %while3A_347 = arith.constant 0 : i32
      scf.yield %while3A_347 : i32
    }
    %while3A_203 = arith.constant 1 : i32
    %while3A_204 = scf.for %while3A_233 = %while3A_200 to %while3A_196 step %while3A_203 iter_args(%while3A_234 = %while3A_202) -> (i32)  : i32 {
      %gt3A_235 = arith.constant 0 : i32
      %gt3A_236 = arith.cmpi sgt, %while3A_233, %gt3A_235 : i32
      %convert_element_type3A_237 = arith.extui %gt3A_236 : i1 to i32
      %cond3A_238 = arith.constant 0 : i32
      %cond3A_239 = arith.cmpi ne, %convert_element_type3A_237, %cond3A_238 : i32
      scf.if %cond3A_239 {
        %dma_wait3A_348 = arith.constant 0 : i32
        %dma_wait3A_349 = arith.constant 0 : i32
        %dma_wait3A_350 = arith.constant 0 : i32
        %dma_wait3A_351 = arith.constant 0 : i32
        %dma_wait3A_352 = tpu.memref_slice %arg7[%dma_wait3A_348, %dma_wait3A_350, %dma_wait3A_351] : memref<2x128x128xf32, #tpu.memory_space<vmem>> -> memref<1x128x128xf32, #tpu.memory_space<vmem>>
        %dma_wait3A_353 = tpu.memref_squeeze %dma_wait3A_352 : memref<1x128x128xf32, #tpu.memory_space<vmem>> -> memref<128x128xf32, #tpu.memory_space<vmem>>
        %dma_wait3A_354 = arith.constant 0 : i32
        %dma_wait3A_355 = arith.constant 0 : i32
        %dma_wait3A_356 = tpu.memref_slice %arg2[%dma_wait3A_354, %dma_wait3A_355] : memref<10000x128xf32, #tpu.memory_space<hbm>> -> memref<128x128xf32, #tpu.memory_space<hbm>>
        %dma_wait3A_357 = tpu.memref_slice %arg12[%dma_wait3A_349] : memref<10x!tpu.dma_semaphore, #tpu.memory_space<semaphore_mem>> -> memref<1x!tpu.dma_semaphore, #tpu.memory_space<semaphore_mem>>
        %dma_wait3A_358 = tpu.memref_squeeze %dma_wait3A_357 : memref<1x!tpu.dma_semaphore, #tpu.memory_space<semaphore_mem>> -> memref<!tpu.dma_semaphore, #tpu.memory_space<semaphore_mem>>
        %dma_wait3A_359 = arith.constant 0 : i32
        %dma_wait3A_360 = arith.constant 0 : i32
        %dma_wait3A_361 = tpu.memref_slice %arg7[%dma_wait3A_348, %dma_wait3A_359, %dma_wait3A_360] : memref<2x128x128xf32, #tpu.memory_space<vmem>> -> memref<1x128x128xf32, #tpu.memory_space<vmem>>
        %dma_wait3A_362 = tpu.memref_squeeze %dma_wait3A_361 : memref<1x128x128xf32, #tpu.memory_space<vmem>> -> memref<128x128xf32, #tpu.memory_space<vmem>>
        %dma_wait3A_363 = arith.constant 0 : i32
        %dma_wait3A_364 = arith.constant 0 : i32
        %dma_wait3A_365 = tpu.memref_slice %arg2[%dma_wait3A_363, %dma_wait3A_364] : memref<10000x128xf32, #tpu.memory_space<hbm>> -> memref<128x128xf32, #tpu.memory_space<hbm>>
        tpu.wait_dma2 semaphore(%dma_wait3A_358 : memref<!tpu.dma_semaphore, #tpu.memory_space<semaphore_mem>>) src(%dma_wait3A_365 : memref<128x128xf32, #tpu.memory_space<hbm>>) dst(%dma_wait3A_362 : memref<128x128xf32, #tpu.memory_space<vmem>>)
      } else {
      }
      %mul3A_240 = arith.constant 2 : i32
      %mul3A_241 = arith.muli %while3A_233, %mul3A_240 : i32
      %add3A_242 = arith.constant 0 : i32
      %add3A_243 = arith.addi %mul3A_241, %add3A_242 : i32
      %dma_start3A = arith.constant 0 : i32
      %dma_start3A_244 = arith.constant 0 : i32
      %dma_start3A_245 = arith.constant 0 : i32
      %dma_start3A_246 = arith.constant 0 : i32
      %dma_start3A_247 = tpu.memref_slice %arg7[%dma_start3A, %dma_start3A_245, %dma_start3A_246] : memref<2x128x128xf32, #tpu.memory_space<vmem>> -> memref<1x128x128xf32, #tpu.memory_space<vmem>>
      %dma_start3A_248 = tpu.memref_squeeze %dma_start3A_247 : memref<1x128x128xf32, #tpu.memory_space<vmem>> -> memref<128x128xf32, #tpu.memory_space<vmem>>
      %dma_start3A_249 = arith.constant 0 : i32
      %dma_start3A_250 = tpu.memref_slice %arg8[%add3A_243, %dma_start3A_249] : memref<40x128xi32, #tpu.memory_space<vmem>> -> memref<1x128xi32, #tpu.memory_space<vmem>>
      %dma_start3A_251 = tpu.memref_squeeze %dma_start3A_250 : memref<1x128xi32, #tpu.memory_space<vmem>> -> memref<128xi32, #tpu.memory_space<vmem>>
      %dma_start3A_252 = arith.constant 0 : i32
      %dma_start3A_253 = arith.constant 0 : i32
      %dma_start3A_254 = tpu.memref_slice %arg2[%dma_start3A_252, %dma_start3A_253] : memref<10000x128xf32, #tpu.memory_space<hbm>> -> memref<10000x128xf32, #tpu.memory_space<hbm>>
      %dma_start3A_255 = tpu.memref_slice %arg11[%dma_start3A_244] : memref<2x!tpu.dma_semaphore, #tpu.memory_space<semaphore_mem>> -> memref<1x!tpu.dma_semaphore, #tpu.memory_space<semaphore_mem>>
      %dma_start3A_256 = tpu.memref_squeeze %dma_start3A_255 : memref<1x!tpu.dma_semaphore, #tpu.memory_space<semaphore_mem>> -> memref<!tpu.dma_semaphore, #tpu.memory_space<semaphore_mem>>
      tpu.enqueue_indirect_dma source(%dma_start3A_254 : memref<10000x128xf32, #tpu.memory_space<hbm>>) target(%dma_start3A_248 : memref<128x128xf32, #tpu.memory_space<vmem>>) offsets(%dma_start3A_251 : memref<128xi32, #tpu.memory_space<vmem>>) semaphore(%dma_start3A_256 : memref<!tpu.dma_semaphore, #tpu.memory_space<semaphore_mem>>)
      %gt3A_257 = arith.constant 0 : i32
      %gt3A_258 = arith.cmpi sgt, %while3A_233, %gt3A_257 : i32
      %convert_element_type3A_259 = arith.extui %gt3A_258 : i1 to i32
      %cond3A_260 = arith.constant 0 : i32
      %cond3A_261 = arith.cmpi ne, %convert_element_type3A_259, %cond3A_260 : i32
      scf.if %cond3A_261 {
        %dma_wait3A_348 = arith.constant 1 : i32
        %dma_wait3A_349 = arith.constant 1 : i32
        %dma_wait3A_350 = arith.constant 0 : i32
        %dma_wait3A_351 = arith.constant 0 : i32
        %dma_wait3A_352 = tpu.memref_slice %arg7[%dma_wait3A_348, %dma_wait3A_350, %dma_wait3A_351] : memref<2x128x128xf32, #tpu.memory_space<vmem>> -> memref<1x128x128xf32, #tpu.memory_space<vmem>>
        %dma_wait3A_353 = tpu.memref_squeeze %dma_wait3A_352 : memref<1x128x128xf32, #tpu.memory_space<vmem>> -> memref<128x128xf32, #tpu.memory_space<vmem>>
        %dma_wait3A_354 = arith.constant 0 : i32
        %dma_wait3A_355 = arith.constant 0 : i32
        %dma_wait3A_356 = tpu.memref_slice %arg2[%dma_wait3A_354, %dma_wait3A_355] : memref<10000x128xf32, #tpu.memory_space<hbm>> -> memref<128x128xf32, #tpu.memory_space<hbm>>
        %dma_wait3A_357 = tpu.memref_slice %arg12[%dma_wait3A_349] : memref<10x!tpu.dma_semaphore, #tpu.memory_space<semaphore_mem>> -> memref<1x!tpu.dma_semaphore, #tpu.memory_space<semaphore_mem>>
        %dma_wait3A_358 = tpu.memref_squeeze %dma_wait3A_357 : memref<1x!tpu.dma_semaphore, #tpu.memory_space<semaphore_mem>> -> memref<!tpu.dma_semaphore, #tpu.memory_space<semaphore_mem>>
        %dma_wait3A_359 = arith.constant 0 : i32
        %dma_wait3A_360 = arith.constant 0 : i32
        %dma_wait3A_361 = tpu.memref_slice %arg7[%dma_wait3A_348, %dma_wait3A_359, %dma_wait3A_360] : memref<2x128x128xf32, #tpu.memory_space<vmem>> -> memref<1x128x128xf32, #tpu.memory_space<vmem>>
        %dma_wait3A_362 = tpu.memref_squeeze %dma_wait3A_361 : memref<1x128x128xf32, #tpu.memory_space<vmem>> -> memref<128x128xf32, #tpu.memory_space<vmem>>
        %dma_wait3A_363 = arith.constant 0 : i32
        %dma_wait3A_364 = arith.constant 0 : i32
        %dma_wait3A_365 = tpu.memref_slice %arg2[%dma_wait3A_363, %dma_wait3A_364] : memref<10000x128xf32, #tpu.memory_space<hbm>> -> memref<128x128xf32, #tpu.memory_space<hbm>>
        tpu.wait_dma2 semaphore(%dma_wait3A_358 : memref<!tpu.dma_semaphore, #tpu.memory_space<semaphore_mem>>) src(%dma_wait3A_365 : memref<128x128xf32, #tpu.memory_space<hbm>>) dst(%dma_wait3A_362 : memref<128x128xf32, #tpu.memory_space<vmem>>)
      } else {
      }
      %mul3A_262 = arith.constant 2 : i32
      %mul3A_263 = arith.muli %while3A_233, %mul3A_262 : i32
      %add3A_264 = arith.constant 1 : i32
      %add3A_265 = arith.addi %mul3A_263, %add3A_264 : i32
      %dma_start3A_266 = arith.constant 1 : i32
      %dma_start3A_267 = arith.constant 1 : i32
      %dma_start3A_268 = arith.constant 0 : i32
      %dma_start3A_269 = arith.constant 0 : i32
      %dma_start3A_270 = tpu.memref_slice %arg7[%dma_start3A_266, %dma_start3A_268, %dma_start3A_269] : memref<2x128x128xf32, #tpu.memory_space<vmem>> -> memref<1x128x128xf32, #tpu.memory_space<vmem>>
      %dma_start3A_271 = tpu.memref_squeeze %dma_start3A_270 : memref<1x128x128xf32, #tpu.memory_space<vmem>> -> memref<128x128xf32, #tpu.memory_space<vmem>>
      %dma_start3A_272 = arith.constant 0 : i32
      %dma_start3A_273 = tpu.memref_slice %arg8[%add3A_265, %dma_start3A_272] : memref<40x128xi32, #tpu.memory_space<vmem>> -> memref<1x128xi32, #tpu.memory_space<vmem>>
      %dma_start3A_274 = tpu.memref_squeeze %dma_start3A_273 : memref<1x128xi32, #tpu.memory_space<vmem>> -> memref<128xi32, #tpu.memory_space<vmem>>
      %dma_start3A_275 = arith.constant 0 : i32
      %dma_start3A_276 = arith.constant 0 : i32
      %dma_start3A_277 = tpu.memref_slice %arg2[%dma_start3A_275, %dma_start3A_276] : memref<10000x128xf32, #tpu.memory_space<hbm>> -> memref<10000x128xf32, #tpu.memory_space<hbm>>
      %dma_start3A_278 = tpu.memref_slice %arg11[%dma_start3A_267] : memref<2x!tpu.dma_semaphore, #tpu.memory_space<semaphore_mem>> -> memref<1x!tpu.dma_semaphore, #tpu.memory_space<semaphore_mem>>
      %dma_start3A_279 = tpu.memref_squeeze %dma_start3A_278 : memref<1x!tpu.dma_semaphore, #tpu.memory_space<semaphore_mem>> -> memref<!tpu.dma_semaphore, #tpu.memory_space<semaphore_mem>>
      tpu.enqueue_indirect_dma source(%dma_start3A_277 : memref<10000x128xf32, #tpu.memory_space<hbm>>) target(%dma_start3A_271 : memref<128x128xf32, #tpu.memory_space<vmem>>) offsets(%dma_start3A_274 : memref<128xi32, #tpu.memory_space<vmem>>) semaphore(%dma_start3A_279 : memref<!tpu.dma_semaphore, #tpu.memory_space<semaphore_mem>>)
      %dma_wait3A = arith.constant 0 : i32
      %dma_wait3A_280 = arith.constant 0 : i32
      %dma_wait3A_281 = arith.constant 0 : i32
      %dma_wait3A_282 = arith.constant 0 : i32
      %dma_wait3A_283 = tpu.memref_slice %arg7[%dma_wait3A, %dma_wait3A_281, %dma_wait3A_282] : memref<2x128x128xf32, #tpu.memory_space<vmem>> -> memref<1x128x128xf32, #tpu.memory_space<vmem>>
      %dma_wait3A_284 = tpu.memref_squeeze %dma_wait3A_283 : memref<1x128x128xf32, #tpu.memory_space<vmem>> -> memref<128x128xf32, #tpu.memory_space<vmem>>
      %dma_wait3A_285 = arith.constant 0 : i32
      %dma_wait3A_286 = tpu.memref_slice %arg8[%add3A_243, %dma_wait3A_285] : memref<40x128xi32, #tpu.memory_space<vmem>> -> memref<1x128xi32, #tpu.memory_space<vmem>>
      %dma_wait3A_287 = tpu.memref_squeeze %dma_wait3A_286 : memref<1x128xi32, #tpu.memory_space<vmem>> -> memref<128xi32, #tpu.memory_space<vmem>>
      %dma_wait3A_288 = arith.constant 0 : i32
      %dma_wait3A_289 = arith.constant 0 : i32
      %dma_wait3A_290 = tpu.memref_slice %arg2[%dma_wait3A_288, %dma_wait3A_289] : memref<10000x128xf32, #tpu.memory_space<hbm>> -> memref<10000x128xf32, #tpu.memory_space<hbm>>
      %dma_wait3A_291 = tpu.memref_slice %arg11[%dma_wait3A_280] : memref<2x!tpu.dma_semaphore, #tpu.memory_space<semaphore_mem>> -> memref<1x!tpu.dma_semaphore, #tpu.memory_space<semaphore_mem>>
      %dma_wait3A_292 = tpu.memref_squeeze %dma_wait3A_291 : memref<1x!tpu.dma_semaphore, #tpu.memory_space<semaphore_mem>> -> memref<!tpu.dma_semaphore, #tpu.memory_space<semaphore_mem>>
      tpu.wait_indirect_dma semaphore(%dma_wait3A_292 : memref<!tpu.dma_semaphore, #tpu.memory_space<semaphore_mem>>) src(%dma_wait3A_290 : memref<10000x128xf32, #tpu.memory_space<hbm>>) dst(%dma_wait3A_284 : memref<128x128xf32, #tpu.memory_space<vmem>>)
      %mul3A_293 = arith.constant 2 : i32
      %mul3A_294 = arith.muli %while3A_233, %mul3A_293 : i32
      %add3A_295 = arith.constant 40 : i32
      %add3A_296 = arith.addi %add3A_295, %mul3A_294 : i32
      %add3A_297 = arith.constant 0 : i32
      %add3A_298 = arith.addi %add3A_296, %add3A_297 : i32
      %dma_start3A_299 = arith.constant 0 : i32
      %dma_start3A_300 = arith.constant 0 : i32
      %dma_start3A_301 = arith.constant 0 : i32
      %dma_start3A_302 = arith.constant 0 : i32
      %dma_start3A_303 = tpu.memref_slice %arg7[%dma_start3A_299, %dma_start3A_301, %dma_start3A_302] : memref<2x128x128xf32, #tpu.memory_space<vmem>> -> memref<1x128x128xf32, #tpu.memory_space<vmem>>
      %dma_start3A_304 = tpu.memref_squeeze %dma_start3A_303 : memref<1x128x128xf32, #tpu.memory_space<vmem>> -> memref<128x128xf32, #tpu.memory_space<vmem>>
      %dma_start3A_305 = arith.constant 0 : i32
      %dma_start3A_306 = tpu.memref_slice %arg9[%add3A_298, %dma_start3A_305] : memref<80x128xi32, #tpu.memory_space<vmem>> -> memref<1x128xi32, #tpu.memory_space<vmem>>
      %dma_start3A_307 = tpu.memref_squeeze %dma_start3A_306 : memref<1x128xi32, #tpu.memory_space<vmem>> -> memref<128xi32, #tpu.memory_space<vmem>>
      %dma_start3A_308 = arith.constant 0 : i32
      %dma_start3A_309 = arith.constant 0 : i32
      %dma_start3A_310 = tpu.memref_slice %arg10[%dma_start3A_308, %dma_start3A_309] : memref<10000x128xf32, #tpu.memory_space<vmem_shared>> -> memref<10000x128xf32, #tpu.memory_space<vmem_shared>>
      %dma_start3A_311 = tpu.memref_slice %arg12[%dma_start3A_300] : memref<10x!tpu.dma_semaphore, #tpu.memory_space<semaphore_mem>> -> memref<1x!tpu.dma_semaphore, #tpu.memory_space<semaphore_mem>>
      %dma_start3A_312 = tpu.memref_squeeze %dma_start3A_311 : memref<1x!tpu.dma_semaphore, #tpu.memory_space<semaphore_mem>> -> memref<!tpu.dma_semaphore, #tpu.memory_space<semaphore_mem>>
      tpu.enqueue_indirect_dma source(%dma_start3A_304 : memref<128x128xf32, #tpu.memory_space<vmem>>) target(%dma_start3A_310 : memref<10000x128xf32, #tpu.memory_space<vmem_shared>>) offsets(%dma_start3A_307 : memref<128xi32, #tpu.memory_space<vmem>>) semaphore(%dma_start3A_312 : memref<!tpu.dma_semaphore, #tpu.memory_space<semaphore_mem>>) {add = true}
      %dma_wait3A_313 = arith.constant 1 : i32
      %dma_wait3A_314 = arith.constant 1 : i32
      %dma_wait3A_315 = arith.constant 0 : i32
      %dma_wait3A_316 = arith.constant 0 : i32
      %dma_wait3A_317 = tpu.memref_slice %arg7[%dma_wait3A_313, %dma_wait3A_315, %dma_wait3A_316] : memref<2x128x128xf32, #tpu.memory_space<vmem>> -> memref<1x128x128xf32, #tpu.memory_space<vmem>>
      %dma_wait3A_318 = tpu.memref_squeeze %dma_wait3A_317 : memref<1x128x128xf32, #tpu.memory_space<vmem>> -> memref<128x128xf32, #tpu.memory_space<vmem>>
      %dma_wait3A_319 = arith.constant 0 : i32
      %dma_wait3A_320 = tpu.memref_slice %arg8[%add3A_265, %dma_wait3A_319] : memref<40x128xi32, #tpu.memory_space<vmem>> -> memref<1x128xi32, #tpu.memory_space<vmem>>
      %dma_wait3A_321 = tpu.memref_squeeze %dma_wait3A_320 : memref<1x128xi32, #tpu.memory_space<vmem>> -> memref<128xi32, #tpu.memory_space<vmem>>
      %dma_wait3A_322 = arith.constant 0 : i32
      %dma_wait3A_323 = arith.constant 0 : i32
      %dma_wait3A_324 = tpu.memref_slice %arg2[%dma_wait3A_322, %dma_wait3A_323] : memref<10000x128xf32, #tpu.memory_space<hbm>> -> memref<10000x128xf32, #tpu.memory_space<hbm>>
      %dma_wait3A_325 = tpu.memref_slice %arg11[%dma_wait3A_314] : memref<2x!tpu.dma_semaphore, #tpu.memory_space<semaphore_mem>> -> memref<1x!tpu.dma_semaphore, #tpu.memory_space<semaphore_mem>>
      %dma_wait3A_326 = tpu.memref_squeeze %dma_wait3A_325 : memref<1x!tpu.dma_semaphore, #tpu.memory_space<semaphore_mem>> -> memref<!tpu.dma_semaphore, #tpu.memory_space<semaphore_mem>>
      tpu.wait_indirect_dma semaphore(%dma_wait3A_326 : memref<!tpu.dma_semaphore, #tpu.memory_space<semaphore_mem>>) src(%dma_wait3A_324 : memref<10000x128xf32, #tpu.memory_space<hbm>>) dst(%dma_wait3A_318 : memref<128x128xf32, #tpu.memory_space<vmem>>)
      %mul3A_327 = arith.constant 2 : i32
      %mul3A_328 = arith.muli %while3A_233, %mul3A_327 : i32
      %add3A_329 = arith.constant 40 : i32
      %add3A_330 = arith.addi %add3A_329, %mul3A_328 : i32
      %add3A_331 = arith.constant 1 : i32
      %add3A_332 = arith.addi %add3A_330, %add3A_331 : i32
      %dma_start3A_333 = arith.constant 1 : i32
      %dma_start3A_334 = arith.constant 1 : i32
      %dma_start3A_335 = arith.constant 0 : i32
      %dma_start3A_336 = arith.constant 0 : i32
      %dma_start3A_337 = tpu.memref_slice %arg7[%dma_start3A_333, %dma_start3A_335, %dma_start3A_336] : memref<2x128x128xf32, #tpu.memory_space<vmem>> -> memref<1x128x128xf32, #tpu.memory_space<vmem>>
      %dma_start3A_338 = tpu.memref_squeeze %dma_start3A_337 : memref<1x128x128xf32, #tpu.memory_space<vmem>> -> memref<128x128xf32, #tpu.memory_space<vmem>>
      %dma_start3A_339 = arith.constant 0 : i32
      %dma_start3A_340 = tpu.memref_slice %arg9[%add3A_332, %dma_start3A_339] : memref<80x128xi32, #tpu.memory_space<vmem>> -> memref<1x128xi32, #tpu.memory_space<vmem>>
      %dma_start3A_341 = tpu.memref_squeeze %dma_start3A_340 : memref<1x128xi32, #tpu.memory_space<vmem>> -> memref<128xi32, #tpu.memory_space<vmem>>
      %dma_start3A_342 = arith.constant 0 : i32
      %dma_start3A_343 = arith.constant 0 : i32
      %dma_start3A_344 = tpu.memref_slice %arg10[%dma_start3A_342, %dma_start3A_343] : memref<10000x128xf32, #tpu.memory_space<vmem_shared>> -> memref<10000x128xf32, #tpu.memory_space<vmem_shared>>
      %dma_start3A_345 = tpu.memref_slice %arg12[%dma_start3A_334] : memref<10x!tpu.dma_semaphore, #tpu.memory_space<semaphore_mem>> -> memref<1x!tpu.dma_semaphore, #tpu.memory_space<semaphore_mem>>
      %dma_start3A_346 = tpu.memref_squeeze %dma_start3A_345 : memref<1x!tpu.dma_semaphore, #tpu.memory_space<semaphore_mem>> -> memref<!tpu.dma_semaphore, #tpu.memory_space<semaphore_mem>>
      tpu.enqueue_indirect_dma source(%dma_start3A_338 : memref<128x128xf32, #tpu.memory_space<vmem>>) target(%dma_start3A_344 : memref<10000x128xf32, #tpu.memory_space<vmem_shared>>) offsets(%dma_start3A_341 : memref<128xi32, #tpu.memory_space<vmem>>) semaphore(%dma_start3A_346 : memref<!tpu.dma_semaphore, #tpu.memory_space<semaphore_mem>>) {add = true}
      %while3A_347 = arith.constant 0 : i32
      scf.yield %while3A_347 : i32
    }
    %gt3A_205 = arith.constant 0 : i32
    %gt3A_206 = arith.cmpi sgt, %min3A_168, %gt3A_205 : i32
    %convert_element_type3A_207 = arith.extui %gt3A_206 : i1 to i32
    %cond3A_208 = arith.constant 0 : i32
    %cond3A_209 = arith.cmpi ne, %convert_element_type3A_207, %cond3A_208 : i32
    scf.if %cond3A_209 {
      %dma_wait3A = arith.constant 0 : i32
      %dma_wait3A_233 = arith.constant 0 : i32
      %dma_wait3A_234 = arith.constant 0 : i32
      %dma_wait3A_235 = arith.constant 0 : i32
      %dma_wait3A_236 = tpu.memref_slice %arg7[%dma_wait3A, %dma_wait3A_234, %dma_wait3A_235] : memref<2x128x128xf32, #tpu.memory_space<vmem>> -> memref<1x128x128xf32, #tpu.memory_space<vmem>>
      %dma_wait3A_237 = tpu.memref_squeeze %dma_wait3A_236 : memref<1x128x128xf32, #tpu.memory_space<vmem>> -> memref<128x128xf32, #tpu.memory_space<vmem>>
      %dma_wait3A_238 = arith.constant 0 : i32
      %dma_wait3A_239 = arith.constant 0 : i32
      %dma_wait3A_240 = tpu.memref_slice %arg2[%dma_wait3A_238, %dma_wait3A_239] : memref<10000x128xf32, #tpu.memory_space<hbm>> -> memref<128x128xf32, #tpu.memory_space<hbm>>
      %dma_wait3A_241 = tpu.memref_slice %arg12[%dma_wait3A_233] : memref<10x!tpu.dma_semaphore, #tpu.memory_space<semaphore_mem>> -> memref<1x!tpu.dma_semaphore, #tpu.memory_space<semaphore_mem>>
      %dma_wait3A_242 = tpu.memref_squeeze %dma_wait3A_241 : memref<1x!tpu.dma_semaphore, #tpu.memory_space<semaphore_mem>> -> memref<!tpu.dma_semaphore, #tpu.memory_space<semaphore_mem>>
      %dma_wait3A_243 = arith.constant 0 : i32
      %dma_wait3A_244 = arith.constant 0 : i32
      %dma_wait3A_245 = tpu.memref_slice %arg7[%dma_wait3A, %dma_wait3A_243, %dma_wait3A_244] : memref<2x128x128xf32, #tpu.memory_space<vmem>> -> memref<1x128x128xf32, #tpu.memory_space<vmem>>
      %dma_wait3A_246 = tpu.memref_squeeze %dma_wait3A_245 : memref<1x128x128xf32, #tpu.memory_space<vmem>> -> memref<128x128xf32, #tpu.memory_space<vmem>>
      %dma_wait3A_247 = arith.constant 0 : i32
      %dma_wait3A_248 = arith.constant 0 : i32
      %dma_wait3A_249 = tpu.memref_slice %arg2[%dma_wait3A_247, %dma_wait3A_248] : memref<10000x128xf32, #tpu.memory_space<hbm>> -> memref<128x128xf32, #tpu.memory_space<hbm>>
      tpu.wait_dma2 semaphore(%dma_wait3A_242 : memref<!tpu.dma_semaphore, #tpu.memory_space<semaphore_mem>>) src(%dma_wait3A_249 : memref<128x128xf32, #tpu.memory_space<hbm>>) dst(%dma_wait3A_246 : memref<128x128xf32, #tpu.memory_space<vmem>>)
      %dma_wait3A_250 = arith.constant 1 : i32
      %dma_wait3A_251 = arith.constant 1 : i32
      %dma_wait3A_252 = arith.constant 0 : i32
      %dma_wait3A_253 = arith.constant 0 : i32
      %dma_wait3A_254 = tpu.memref_slice %arg7[%dma_wait3A_250, %dma_wait3A_252, %dma_wait3A_253] : memref<2x128x128xf32, #tpu.memory_space<vmem>> -> memref<1x128x128xf32, #tpu.memory_space<vmem>>
      %dma_wait3A_255 = tpu.memref_squeeze %dma_wait3A_254 : memref<1x128x128xf32, #tpu.memory_space<vmem>> -> memref<128x128xf32, #tpu.memory_space<vmem>>
      %dma_wait3A_256 = arith.constant 0 : i32
      %dma_wait3A_257 = arith.constant 0 : i32
      %dma_wait3A_258 = tpu.memref_slice %arg2[%dma_wait3A_256, %dma_wait3A_257] : memref<10000x128xf32, #tpu.memory_space<hbm>> -> memref<128x128xf32, #tpu.memory_space<hbm>>
      %dma_wait3A_259 = tpu.memref_slice %arg12[%dma_wait3A_251] : memref<10x!tpu.dma_semaphore, #tpu.memory_space<semaphore_mem>> -> memref<1x!tpu.dma_semaphore, #tpu.memory_space<semaphore_mem>>
      %dma_wait3A_260 = tpu.memref_squeeze %dma_wait3A_259 : memref<1x!tpu.dma_semaphore, #tpu.memory_space<semaphore_mem>> -> memref<!tpu.dma_semaphore, #tpu.memory_space<semaphore_mem>>
      %dma_wait3A_261 = arith.constant 0 : i32
      %dma_wait3A_262 = arith.constant 0 : i32
      %dma_wait3A_263 = tpu.memref_slice %arg7[%dma_wait3A_250, %dma_wait3A_261, %dma_wait3A_262] : memref<2x128x128xf32, #tpu.memory_space<vmem>> -> memref<1x128x128xf32, #tpu.memory_space<vmem>>
      %dma_wait3A_264 = tpu.memref_squeeze %dma_wait3A_263 : memref<1x128x128xf32, #tpu.memory_space<vmem>> -> memref<128x128xf32, #tpu.memory_space<vmem>>
      %dma_wait3A_265 = arith.constant 0 : i32
      %dma_wait3A_266 = arith.constant 0 : i32
      %dma_wait3A_267 = tpu.memref_slice %arg2[%dma_wait3A_265, %dma_wait3A_266] : memref<10000x128xf32, #tpu.memory_space<hbm>> -> memref<128x128xf32, #tpu.memory_space<hbm>>
      tpu.wait_dma2 semaphore(%dma_wait3A_260 : memref<!tpu.dma_semaphore, #tpu.memory_space<semaphore_mem>>) src(%dma_wait3A_267 : memref<128x128xf32, #tpu.memory_space<hbm>>) dst(%dma_wait3A_264 : memref<128x128xf32, #tpu.memory_space<vmem>>)
    } else {
    }
    %barrier3A_210 = arith.constant 0 : index
    tpu.barrier barrier_id(%barrier3A_210)
    %mul3A_211 = arith.constant 39 : i32
    %mul3A_212 = arith.muli %mul3A_211, %arg1 : i32
    %min3A_213 = arith.constant 1 : i32
    %min3A_214 = arith.minsi %arg1, %min3A_213 : i32
    %add3A_215 = arith.addi %mul3A_212, %min3A_214 : i32
    %lt3A_216 = arith.constant 1 : i32
    %lt3A_217 = arith.cmpi slt, %arg1, %lt3A_216 : i32
    %convert_element_type3A_218 = arith.extui %lt3A_217 : i1 to i32
    %add3A_219 = arith.constant 39 : i32
    %add3A_220 = arith.addi %add3A_219, %convert_element_type3A_218 : i32
    %while3A_221 = arith.constant 0 : i32
    %while3A_222 = arith.constant 0 : i32
    %while3A_223 = arith.subi %add3A_220, %while3A_221 : i32
    %while3A_224 = arith.addi %while3A_221, %while3A_223 : i32
    %while3A_225 = arith.constant 1 : i32
    %while3A_226 = arith.divsi %while3A_223, %while3A_225 : i32
    %while3A_227 = arith.muli %while3A_226, %while3A_225 : i32
    %while3A_228 = arith.addi %while3A_221, %while3A_227 : i32
    %while3A_229 = arith.constant 1 : i32
    %while3A_230 = scf.for %while3A_233 = %while3A_221 to %while3A_228 step %while3A_229 iter_args(%while3A_234 = %while3A_222) -> (i32)  : i32 {
      %add3A_235 = arith.addi %add3A_215, %while3A_233 : i32
      %mul3A_236 = arith.constant 16 : i32
      %mul3A_237 = arith.muli %add3A_235, %mul3A_236 : i32
      %multiple_of3A_238 = tpu.assume_multiple %mul3A_237, 16 : i32
      "tpu.region"() ({
        %run_scoped3A = tpu.sem_alloc : memref<!tpu.dma_semaphore, #tpu.memory_space<semaphore_mem>>
        %dma_start3A = arith.constant 0 : i32
        %dma_start3A_240 = tpu.memref_slice %arg5[%arg0, %multiple_of3A_238, %dma_start3A] : memref<2x10000x128xf32, #tpu.memory_space<hbm>> -> memref<1x16x128xf32, #tpu.memory_space<hbm>>
        %dma_start3A_241 = tpu.memref_squeeze %dma_start3A_240 : memref<1x16x128xf32, #tpu.memory_space<hbm>> -> memref<16x128xf32, #tpu.memory_space<hbm>>
        %dma_start3A_242 = arith.constant 0 : i32
        %dma_start3A_243 = tpu.memref_slice %arg10[%multiple_of3A_238, %dma_start3A_242] : memref<10000x128xf32, #tpu.memory_space<vmem_shared>> -> memref<16x128xf32, #tpu.memory_space<vmem_shared>>
        tpu.enqueue_dma source(%dma_start3A_243 : memref<16x128xf32, #tpu.memory_space<vmem_shared>>) target(%dma_start3A_241 : memref<16x128xf32, #tpu.memory_space<hbm>>) target_semaphore(%run_scoped3A : memref<!tpu.dma_semaphore, #tpu.memory_space<semaphore_mem>>)
        %dma_wait3A = arith.constant 0 : i32
        %dma_wait3A_244 = tpu.memref_slice %arg5[%arg0, %multiple_of3A_238, %dma_wait3A] : memref<2x10000x128xf32, #tpu.memory_space<hbm>> -> memref<1x16x128xf32, #tpu.memory_space<hbm>>
        %dma_wait3A_245 = tpu.memref_squeeze %dma_wait3A_244 : memref<1x16x128xf32, #tpu.memory_space<hbm>> -> memref<16x128xf32, #tpu.memory_space<hbm>>
        %dma_wait3A_246 = arith.constant 0 : i32
        %dma_wait3A_247 = tpu.memref_slice %arg10[%multiple_of3A_238, %dma_wait3A_246] : memref<10000x128xf32, #tpu.memory_space<vmem_shared>> -> memref<16x128xf32, #tpu.memory_space<vmem_shared>>
        tpu.wait_dma2 semaphore(%run_scoped3A : memref<!tpu.dma_semaphore, #tpu.memory_space<semaphore_mem>>) src(%dma_wait3A_247 : memref<16x128xf32, #tpu.memory_space<vmem_shared>>) dst(%dma_wait3A_245 : memref<16x128xf32, #tpu.memory_space<hbm>>)
        tpu.yield
      }) : () -> ()
      %while3A_239 = arith.constant 0 : i32
      scf.yield %while3A_239 : i32
    }
    %while3A_231 = arith.constant 1 : i32
    %while3A_232 = scf.for %while3A_233 = %while3A_228 to %while3A_224 step %while3A_231 iter_args(%while3A_234 = %while3A_230) -> (i32)  : i32 {
      %add3A_235 = arith.addi %add3A_215, %while3A_233 : i32
      %mul3A_236 = arith.constant 16 : i32
      %mul3A_237 = arith.muli %add3A_235, %mul3A_236 : i32
      %multiple_of3A_238 = tpu.assume_multiple %mul3A_237, 16 : i32
      "tpu.region"() ({
        %run_scoped3A = tpu.sem_alloc : memref<!tpu.dma_semaphore, #tpu.memory_space<semaphore_mem>>
        %dma_start3A = arith.constant 0 : i32
        %dma_start3A_240 = tpu.memref_slice %arg5[%arg0, %multiple_of3A_238, %dma_start3A] : memref<2x10000x128xf32, #tpu.memory_space<hbm>> -> memref<1x16x128xf32, #tpu.memory_space<hbm>>
        %dma_start3A_241 = tpu.memref_squeeze %dma_start3A_240 : memref<1x16x128xf32, #tpu.memory_space<hbm>> -> memref<16x128xf32, #tpu.memory_space<hbm>>
        %dma_start3A_242 = arith.constant 0 : i32
        %dma_start3A_243 = tpu.memref_slice %arg10[%multiple_of3A_238, %dma_start3A_242] : memref<10000x128xf32, #tpu.memory_space<vmem_shared>> -> memref<16x128xf32, #tpu.memory_space<vmem_shared>>
        tpu.enqueue_dma source(%dma_start3A_243 : memref<16x128xf32, #tpu.memory_space<vmem_shared>>) target(%dma_start3A_241 : memref<16x128xf32, #tpu.memory_space<hbm>>) target_semaphore(%run_scoped3A : memref<!tpu.dma_semaphore, #tpu.memory_space<semaphore_mem>>)
        %dma_wait3A = arith.constant 0 : i32
        %dma_wait3A_244 = tpu.memref_slice %arg5[%arg0, %multiple_of3A_238, %dma_wait3A] : memref<2x10000x128xf32, #tpu.memory_space<hbm>> -> memref<1x16x128xf32, #tpu.memory_space<hbm>>
        %dma_wait3A_245 = tpu.memref_squeeze %dma_wait3A_244 : memref<1x16x128xf32, #tpu.memory_space<hbm>> -> memref<16x128xf32, #tpu.memory_space<hbm>>
        %dma_wait3A_246 = arith.constant 0 : i32
        %dma_wait3A_247 = tpu.memref_slice %arg10[%multiple_of3A_238, %dma_wait3A_246] : memref<10000x128xf32, #tpu.memory_space<vmem_shared>> -> memref<16x128xf32, #tpu.memory_space<vmem_shared>>
        tpu.wait_dma2 semaphore(%run_scoped3A : memref<!tpu.dma_semaphore, #tpu.memory_space<semaphore_mem>>) src(%dma_wait3A_247 : memref<16x128xf32, #tpu.memory_space<vmem_shared>>) dst(%dma_wait3A_245 : memref<16x128xf32, #tpu.memory_space<hbm>>)
        tpu.yield
      }) : () -> ()
      %while3A_239 = arith.constant 0 : i32
      scf.yield %while3A_239 : i32
    }
    return
  }
}

#map = affine_map<(d0, d1) -> (0, 0)>
#map1 = affine_map<(d0, d1) -> (0, 0, 0)>
module attributes {stable_mosaic.version = 14 : i64} {
  func.func @body(%arg0: i32, %arg1: i32, %arg2: memref<10000x128xf32, #tpu.memory_space<hbm>>, %arg3: memref<2560x128xi32, #tpu.memory_space<hbm>>, %arg4: memref<2560x128xi32, #tpu.memory_space<hbm>>, %arg5: memref<2x10000x128xf32, #tpu.memory_space<hbm>>, %arg6: memref<2x128x128xf32, #tpu.memory_space<vmem>>, %arg7: memref<40x128xi32, #tpu.memory_space<vmem>>, %arg8: memref<40x128xi32, #tpu.memory_space<vmem>>, %arg9: memref<10000x128xf32, #tpu.memory_space<vmem_shared>>, %arg10: memref<2x!tpu.dma_semaphore, #tpu.memory_space<semaphore_mem>>, %arg11: memref<2x!tpu.dma_semaphore, #tpu.memory_space<semaphore_mem>>) attributes {dimension_semantics = [#tpu.dimension_semantics<core_parallel>, #tpu.dimension_semantics<subcore_parallel>], iteration_bounds = array<i64: 2, 16>, scalar_prefetch = 0 : i64, scratch_operands = 6 : i64, tpu.core_type = #tpu.core_type<sc_vector_subcore>, window_params = [{transform_indices = #map}, {transform_indices = #map}, {transform_indices = #map}, {transform_indices = #map1}]} {
    %mul3A = arith.constant 2 : i32
    %mul3A_0 = arith.muli %arg1, %mul3A : i32
    %add3A = arith.addi %mul3A_0, %arg0 : i32
    %broadcast_in_dim3A = arith.constant 0.000000e+00 : f32
    %broadcast_in_dim3A_1 = vector.broadcast %broadcast_in_dim3A : f32 to vector<16xf32>
    %scan3A = arith.constant 0 : i32
    %scan3A_2 = arith.constant 0 : i32
    %scan3A_3 = arith.constant 128 : i32
    %scan3A_4 = arith.addi %scan3A_2, %scan3A_3 : i32
    %scan3A_5 = arith.constant 1 : i32
    %scan3A_6 = scf.for %scan3A_148 = %scan3A_2 to %scan3A_4 step %scan3A_5 iter_args(%scan3A_149 = %scan3A) -> (i32)  : i32 {
      %swap3A = arith.constant 0 : i32
      %swap3A_150 = arith.index_cast %swap3A : i32 to index
      %swap3A_151 = arith.index_cast %scan3A_148 : i32 to index
      %swap3A_152 = arith.constant 0 : index
      %swap3A_153 = tpu.vector_load %arg6[%swap3A_150, %swap3A_151, %swap3A_152] {strides = array<i32>} : memref<2x128x128xf32, #tpu.memory_space<vmem>>, vector<1x1x16xf32>,
      %swap3A_154 = vector.shape_cast %swap3A_153 : vector<1x1x16xf32> to vector<16xf32>
      %swap3A_155 = vector.shape_cast %broadcast_in_dim3A_1 : vector<16xf32> to vector<1x1x16xf32>
      tpu.vector_store %arg6[%swap3A_150, %swap3A_151, %swap3A_152], %swap3A_155 {strides = array<i32>} : memref<2x128x128xf32, #tpu.memory_space<vmem>>, vector<1x1x16xf32>,
      %swap3A_156 = arith.constant 0 : i32
      %swap3A_157 = arith.index_cast %swap3A_156 : i32 to index
      %swap3A_158 = arith.index_cast %scan3A_148 : i32 to index
      %swap3A_159 = arith.constant 16 : index
      %swap3A_160 = tpu.vector_load %arg6[%swap3A_157, %swap3A_158, %swap3A_159] {strides = array<i32>} : memref<2x128x128xf32, #tpu.memory_space<vmem>>, vector<1x1x16xf32>,
      %swap3A_161 = vector.shape_cast %swap3A_160 : vector<1x1x16xf32> to vector<16xf32>
      %swap3A_162 = vector.shape_cast %broadcast_in_dim3A_1 : vector<16xf32> to vector<1x1x16xf32>
      tpu.vector_store %arg6[%swap3A_157, %swap3A_158, %swap3A_159], %swap3A_162 {strides = array<i32>} : memref<2x128x128xf32, #tpu.memory_space<vmem>>, vector<1x1x16xf32>,
      %swap3A_163 = arith.constant 0 : i32
      %swap3A_164 = arith.index_cast %swap3A_163 : i32 to index
      %swap3A_165 = arith.index_cast %scan3A_148 : i32 to index
      %swap3A_166 = arith.constant 32 : index
      %swap3A_167 = tpu.vector_load %arg6[%swap3A_164, %swap3A_165, %swap3A_166] {strides = array<i32>} : memref<2x128x128xf32, #tpu.memory_space<vmem>>, vector<1x1x16xf32>,
      %swap3A_168 = vector.shape_cast %swap3A_167 : vector<1x1x16xf32> to vector<16xf32>
      %swap3A_169 = vector.shape_cast %broadcast_in_dim3A_1 : vector<16xf32> to vector<1x1x16xf32>
      tpu.vector_store %arg6[%swap3A_164, %swap3A_165, %swap3A_166], %swap3A_169 {strides = array<i32>} : memref<2x128x128xf32, #tpu.memory_space<vmem>>, vector<1x1x16xf32>,
      %swap3A_170 = arith.constant 0 : i32
      %swap3A_171 = arith.index_cast %swap3A_170 : i32 to index
      %swap3A_172 = arith.index_cast %scan3A_148 : i32 to index
      %swap3A_173 = arith.constant 48 : index
      %swap3A_174 = tpu.vector_load %arg6[%swap3A_171, %swap3A_172, %swap3A_173] {strides = array<i32>} : memref<2x128x128xf32, #tpu.memory_space<vmem>>, vector<1x1x16xf32>,
      %swap3A_175 = vector.shape_cast %swap3A_174 : vector<1x1x16xf32> to vector<16xf32>
      %swap3A_176 = vector.shape_cast %broadcast_in_dim3A_1 : vector<16xf32> to vector<1x1x16xf32>
      tpu.vector_store %arg6[%swap3A_171, %swap3A_172, %swap3A_173], %swap3A_176 {strides = array<i32>} : memref<2x128x128xf32, #tpu.memory_space<vmem>>, vector<1x1x16xf32>,
      %swap3A_177 = arith.constant 0 : i32
      %swap3A_178 = arith.index_cast %swap3A_177 : i32 to index
      %swap3A_179 = arith.index_cast %scan3A_148 : i32 to index
      %swap3A_180 = arith.constant 64 : index
      %swap3A_181 = tpu.vector_load %arg6[%swap3A_178, %swap3A_179, %swap3A_180] {strides = array<i32>} : memref<2x128x128xf32, #tpu.memory_space<vmem>>, vector<1x1x16xf32>,
      %swap3A_182 = vector.shape_cast %swap3A_181 : vector<1x1x16xf32> to vector<16xf32>
      %swap3A_183 = vector.shape_cast %broadcast_in_dim3A_1 : vector<16xf32> to vector<1x1x16xf32>
      tpu.vector_store %arg6[%swap3A_178, %swap3A_179, %swap3A_180], %swap3A_183 {strides = array<i32>} : memref<2x128x128xf32, #tpu.memory_space<vmem>>, vector<1x1x16xf32>,
      %swap3A_184 = arith.constant 0 : i32
      %swap3A_185 = arith.index_cast %swap3A_184 : i32 to index
      %swap3A_186 = arith.index_cast %scan3A_148 : i32 to index
      %swap3A_187 = arith.constant 80 : index
      %swap3A_188 = tpu.vector_load %arg6[%swap3A_185, %swap3A_186, %swap3A_187] {strides = array<i32>} : memref<2x128x128xf32, #tpu.memory_space<vmem>>, vector<1x1x16xf32>,
      %swap3A_189 = vector.shape_cast %swap3A_188 : vector<1x1x16xf32> to vector<16xf32>
      %swap3A_190 = vector.shape_cast %broadcast_in_dim3A_1 : vector<16xf32> to vector<1x1x16xf32>
      tpu.vector_store %arg6[%swap3A_185, %swap3A_186, %swap3A_187], %swap3A_190 {strides = array<i32>} : memref<2x128x128xf32, #tpu.memory_space<vmem>>, vector<1x1x16xf32>,
      %swap3A_191 = arith.constant 0 : i32
      %swap3A_192 = arith.index_cast %swap3A_191 : i32 to index
      %swap3A_193 = arith.index_cast %scan3A_148 : i32 to index
      %swap3A_194 = arith.constant 96 : index
      %swap3A_195 = tpu.vector_load %arg6[%swap3A_192, %swap3A_193, %swap3A_194] {strides = array<i32>} : memref<2x128x128xf32, #tpu.memory_space<vmem>>, vector<1x1x16xf32>,
      %swap3A_196 = vector.shape_cast %swap3A_195 : vector<1x1x16xf32> to vector<16xf32>
      %swap3A_197 = vector.shape_cast %broadcast_in_dim3A_1 : vector<16xf32> to vector<1x1x16xf32>
      tpu.vector_store %arg6[%swap3A_192, %swap3A_193, %swap3A_194], %swap3A_197 {strides = array<i32>} : memref<2x128x128xf32, #tpu.memory_space<vmem>>, vector<1x1x16xf32>,
      %swap3A_198 = arith.constant 0 : i32
      %swap3A_199 = arith.index_cast %swap3A_198 : i32 to index
      %swap3A_200 = arith.index_cast %scan3A_148 : i32 to index
      %swap3A_201 = arith.constant 112 : index
      %swap3A_202 = tpu.vector_load %arg6[%swap3A_199, %swap3A_200, %swap3A_201] {strides = array<i32>} : memref<2x128x128xf32, #tpu.memory_space<vmem>>, vector<1x1x16xf32>,
      %swap3A_203 = vector.shape_cast %swap3A_202 : vector<1x1x16xf32> to vector<16xf32>
      %swap3A_204 = vector.shape_cast %broadcast_in_dim3A_1 : vector<16xf32> to vector<1x1x16xf32>
      tpu.vector_store %arg6[%swap3A_199, %swap3A_200, %swap3A_201], %swap3A_204 {strides = array<i32>} : memref<2x128x128xf32, #tpu.memory_space<vmem>>, vector<1x1x16xf32>,
      %scan3A_205 = arith.constant 0 : i32
      scf.yield %scan3A_205 : i32
    }
    %scan3A_7 = arith.constant 128 : i32
    %mul3A_8 = arith.constant 39 : i32
    %mul3A_9 = arith.muli %mul3A_8, %arg1 : i32
    %min3A = arith.constant 1 : i32
    %min3A_10 = arith.minsi %arg1, %min3A : i32
    %add3A_11 = arith.addi %mul3A_9, %min3A_10 : i32
    %lt3A = arith.constant 1 : i32
    %lt3A_12 = arith.cmpi slt, %arg1, %lt3A : i32
    %convert_element_type3A = arith.extui %lt3A_12 : i1 to i32
    %add3A_13 = arith.constant 39 : i32
    %add3A_14 = arith.addi %add3A_13, %convert_element_type3A : i32
    %while3A = arith.constant 0 : i32
    %while3A_15 = arith.constant 0 : i32
    %while3A_16 = arith.subi %add3A_14, %while3A : i32
    %while3A_17 = arith.addi %while3A, %while3A_16 : i32
    %while3A_18 = arith.constant 1 : i32
    %while3A_19 = arith.divsi %while3A_16, %while3A_18 : i32
    %while3A_20 = arith.muli %while3A_19, %while3A_18 : i32
    %while3A_21 = arith.addi %while3A, %while3A_20 : i32
    %while3A_22 = arith.constant 1 : i32
    %while3A_23 = scf.for %while3A_148 = %while3A to %while3A_21 step %while3A_22 iter_args(%while3A_149 = %while3A_15) -> (i32)  : i32 {
      %add3A_150 = arith.addi %add3A_11, %while3A_148 : i32
      %mul3A_151 = arith.constant 16 : i32
      %mul3A_152 = arith.muli %add3A_150, %mul3A_151 : i32
      %multiple_of3A_153 = tpu.assume_multiple %mul3A_152, 16 : i32
      %run_scoped3A = arith.constant 0 : i32
      "tpu.region"() ({
        %run_scoped3A_155 = tpu.sem_alloc : memref<!tpu.dma_semaphore, #tpu.memory_space<semaphore_mem>>
        %dma_start3A = arith.constant 0 : i32
        %dma_start3A_156 = arith.constant 0 : i32
        %dma_start3A_157 = tpu.memref_slice %arg6[%run_scoped3A, %dma_start3A, %dma_start3A_156] : memref<2x128x128xf32, #tpu.memory_space<vmem>> -> memref<1x16x128xf32, #tpu.memory_space<vmem>>
        %dma_start3A_158 = tpu.memref_squeeze %dma_start3A_157 : memref<1x16x128xf32, #tpu.memory_space<vmem>> -> memref<16x128xf32, #tpu.memory_space<vmem>>
        %dma_start3A_159 = arith.constant 0 : i32
        %dma_start3A_160 = tpu.memref_slice %arg9[%multiple_of3A_153, %dma_start3A_159] : memref<10000x128xf32, #tpu.memory_space<vmem_shared>> -> memref<16x128xf32, #tpu.memory_space<vmem_shared>>
        %dma_start3A_161 = arith.constant 0 : i32
        %dma_start3A_162 = tpu.memref_slice %arg9[%multiple_of3A_153, %dma_start3A_161] : memref<10000x128xf32, #tpu.memory_space<vmem_shared>> -> memref<16x128xf32, #tpu.memory_space<vmem_shared>>
        %dma_start3A_163 = arith.constant 0 : i32
        %dma_start3A_164 = arith.constant 0 : i32
        %dma_start3A_165 = tpu.memref_slice %arg6[%run_scoped3A, %dma_start3A_163, %dma_start3A_164] : memref<2x128x128xf32, #tpu.memory_space<vmem>> -> memref<1x16x128xf32, #tpu.memory_space<vmem>>
        %dma_start3A_166 = tpu.memref_squeeze %dma_start3A_165 : memref<1x16x128xf32, #tpu.memory_space<vmem>> -> memref<16x128xf32, #tpu.memory_space<vmem>>
        tpu.enqueue_dma source(%dma_start3A_166 : memref<16x128xf32, #tpu.memory_space<vmem>>) target(%dma_start3A_162 : memref<16x128xf32, #tpu.memory_space<vmem_shared>>) target_semaphore(%run_scoped3A_155 : memref<!tpu.dma_semaphore, #tpu.memory_space<semaphore_mem>>)
        %dma_wait3A = arith.constant 0 : i32
        %dma_wait3A_167 = arith.constant 0 : i32
        %dma_wait3A_168 = tpu.memref_slice %arg6[%run_scoped3A, %dma_wait3A, %dma_wait3A_167] : memref<2x128x128xf32, #tpu.memory_space<vmem>> -> memref<1x16x128xf32, #tpu.memory_space<vmem>>
        %dma_wait3A_169 = tpu.memref_squeeze %dma_wait3A_168 : memref<1x16x128xf32, #tpu.memory_space<vmem>> -> memref<16x128xf32, #tpu.memory_space<vmem>>
        %dma_wait3A_170 = arith.constant 0 : i32
        %dma_wait3A_171 = tpu.memref_slice %arg9[%multiple_of3A_153, %dma_wait3A_170] : memref<10000x128xf32, #tpu.memory_space<vmem_shared>> -> memref<16x128xf32, #tpu.memory_space<vmem_shared>>
        %dma_wait3A_172 = arith.constant 0 : i32
        %dma_wait3A_173 = tpu.memref_slice %arg9[%multiple_of3A_153, %dma_wait3A_172] : memref<10000x128xf32, #tpu.memory_space<vmem_shared>> -> memref<16x128xf32, #tpu.memory_space<vmem_shared>>
        %dma_wait3A_174 = arith.constant 0 : i32
        %dma_wait3A_175 = arith.constant 0 : i32
        %dma_wait3A_176 = tpu.memref_slice %arg6[%run_scoped3A, %dma_wait3A_174, %dma_wait3A_175] : memref<2x128x128xf32, #tpu.memory_space<vmem>> -> memref<1x16x128xf32, #tpu.memory_space<vmem>>
        %dma_wait3A_177 = tpu.memref_squeeze %dma_wait3A_176 : memref<1x16x128xf32, #tpu.memory_space<vmem>> -> memref<16x128xf32, #tpu.memory_space<vmem>>
        tpu.wait_dma2 semaphore(%run_scoped3A_155 : memref<!tpu.dma_semaphore, #tpu.memory_space<semaphore_mem>>) src(%dma_wait3A_177 : memref<16x128xf32, #tpu.memory_space<vmem>>) dst(%dma_wait3A_173 : memref<16x128xf32, #tpu.memory_space<vmem_shared>>)
        tpu.yield
      }) : () -> ()
      %while3A_154 = arith.constant 0 : i32
      scf.yield %while3A_154 : i32
    }
    %while3A_24 = arith.constant 1 : i32
    %while3A_25 = scf.for %while3A_148 = %while3A_21 to %while3A_17 step %while3A_24 iter_args(%while3A_149 = %while3A_23) -> (i32)  : i32 {
      %add3A_150 = arith.addi %add3A_11, %while3A_148 : i32
      %mul3A_151 = arith.constant 16 : i32
      %mul3A_152 = arith.muli %add3A_150, %mul3A_151 : i32
      %multiple_of3A_153 = tpu.assume_multiple %mul3A_152, 16 : i32
      %run_scoped3A = arith.constant 0 : i32
      "tpu.region"() ({
        %run_scoped3A_155 = tpu.sem_alloc : memref<!tpu.dma_semaphore, #tpu.memory_space<semaphore_mem>>
        %dma_start3A = arith.constant 0 : i32
        %dma_start3A_156 = arith.constant 0 : i32
        %dma_start3A_157 = tpu.memref_slice %arg6[%run_scoped3A, %dma_start3A, %dma_start3A_156] : memref<2x128x128xf32, #tpu.memory_space<vmem>> -> memref<1x16x128xf32, #tpu.memory_space<vmem>>
        %dma_start3A_158 = tpu.memref_squeeze %dma_start3A_157 : memref<1x16x128xf32, #tpu.memory_space<vmem>> -> memref<16x128xf32, #tpu.memory_space<vmem>>
        %dma_start3A_159 = arith.constant 0 : i32
        %dma_start3A_160 = tpu.memref_slice %arg9[%multiple_of3A_153, %dma_start3A_159] : memref<10000x128xf32, #tpu.memory_space<vmem_shared>> -> memref<16x128xf32, #tpu.memory_space<vmem_shared>>
        %dma_start3A_161 = arith.constant 0 : i32
        %dma_start3A_162 = tpu.memref_slice %arg9[%multiple_of3A_153, %dma_start3A_161] : memref<10000x128xf32, #tpu.memory_space<vmem_shared>> -> memref<16x128xf32, #tpu.memory_space<vmem_shared>>
        %dma_start3A_163 = arith.constant 0 : i32
        %dma_start3A_164 = arith.constant 0 : i32
        %dma_start3A_165 = tpu.memref_slice %arg6[%run_scoped3A, %dma_start3A_163, %dma_start3A_164] : memref<2x128x128xf32, #tpu.memory_space<vmem>> -> memref<1x16x128xf32, #tpu.memory_space<vmem>>
        %dma_start3A_166 = tpu.memref_squeeze %dma_start3A_165 : memref<1x16x128xf32, #tpu.memory_space<vmem>> -> memref<16x128xf32, #tpu.memory_space<vmem>>
        tpu.enqueue_dma source(%dma_start3A_166 : memref<16x128xf32, #tpu.memory_space<vmem>>) target(%dma_start3A_162 : memref<16x128xf32, #tpu.memory_space<vmem_shared>>) target_semaphore(%run_scoped3A_155 : memref<!tpu.dma_semaphore, #tpu.memory_space<semaphore_mem>>)
        %dma_wait3A = arith.constant 0 : i32
        %dma_wait3A_167 = arith.constant 0 : i32
        %dma_wait3A_168 = tpu.memref_slice %arg6[%run_scoped3A, %dma_wait3A, %dma_wait3A_167] : memref<2x128x128xf32, #tpu.memory_space<vmem>> -> memref<1x16x128xf32, #tpu.memory_space<vmem>>
        %dma_wait3A_169 = tpu.memref_squeeze %dma_wait3A_168 : memref<1x16x128xf32, #tpu.memory_space<vmem>> -> memref<16x128xf32, #tpu.memory_space<vmem>>
        %dma_wait3A_170 = arith.constant 0 : i32
        %dma_wait3A_171 = tpu.memref_slice %arg9[%multiple_of3A_153, %dma_wait3A_170] : memref<10000x128xf32, #tpu.memory_space<vmem_shared>> -> memref<16x128xf32, #tpu.memory_space<vmem_shared>>
        %dma_wait3A_172 = arith.constant 0 : i32
        %dma_wait3A_173 = tpu.memref_slice %arg9[%multiple_of3A_153, %dma_wait3A_172] : memref<10000x128xf32, #tpu.memory_space<vmem_shared>> -> memref<16x128xf32, #tpu.memory_space<vmem_shared>>
        %dma_wait3A_174 = arith.constant 0 : i32
        %dma_wait3A_175 = arith.constant 0 : i32
        %dma_wait3A_176 = tpu.memref_slice %arg6[%run_scoped3A, %dma_wait3A_174, %dma_wait3A_175] : memref<2x128x128xf32, #tpu.memory_space<vmem>> -> memref<1x16x128xf32, #tpu.memory_space<vmem>>
        %dma_wait3A_177 = tpu.memref_squeeze %dma_wait3A_176 : memref<1x16x128xf32, #tpu.memory_space<vmem>> -> memref<16x128xf32, #tpu.memory_space<vmem>>
        tpu.wait_dma2 semaphore(%run_scoped3A_155 : memref<!tpu.dma_semaphore, #tpu.memory_space<semaphore_mem>>) src(%dma_wait3A_177 : memref<16x128xf32, #tpu.memory_space<vmem>>) dst(%dma_wait3A_173 : memref<16x128xf32, #tpu.memory_space<vmem_shared>>)
        tpu.yield
      }) : () -> ()
      %while3A_154 = arith.constant 0 : i32
      scf.yield %while3A_154 : i32
    }
    %barrier3A = arith.constant 0 : index
    tpu.barrier barrier_id(%barrier3A)
    %mul3A_26 = arith.constant 80 : i32
    %mul3A_27 = arith.muli %add3A, %mul3A_26 : i32
    %multiple_of3A = tpu.assume_multiple %mul3A_27, 80 : i32
    %mul3A_28 = arith.constant 80 : i32
    %mul3A_29 = arith.muli %add3A, %mul3A_28 : i32
    %sub3A = arith.constant 2500 : i32
    %sub3A_30 = arith.subi %sub3A, %mul3A_29 : i32
    %max3A = arith.constant 0 : i32
    %max3A_31 = arith.maxsi %sub3A_30, %max3A : i32
    %min3A_32 = arith.constant 80 : i32
    %min3A_33 = arith.minsi %max3A_31, %min3A_32 : i32
    %add3A_34 = arith.constant 0 : i32
    %add3A_35 = arith.addi %multiple_of3A, %add3A_34 : i32
    %multiple_of3A_36 = tpu.assume_multiple %add3A_35, 8 : i32
    %sub3A_37 = arith.constant 0 : i32
    %sub3A_38 = arith.subi %min3A_33, %sub3A_37 : i32
    %max3A_39 = arith.constant 0 : i32
    %max3A_40 = arith.maxsi %sub3A_38, %max3A_39 : i32
    %min3A_41 = arith.constant 40 : i32
    %min3A_42 = arith.minsi %max3A_40, %min3A_41 : i32
    "tpu.region"() ({
      %run_scoped3A = tpu.sem_alloc : memref<!tpu.dma_semaphore, #tpu.memory_space<semaphore_mem>>
      %dma_start3A = arith.constant 0 : i32
      %dma_start3A_148 = tpu.memref_slice %arg3[%multiple_of3A_36, %dma_start3A] : memref<2560x128xi32, #tpu.memory_space<hbm>> -> memref<40x128xi32, #tpu.memory_space<hbm>>
      %dma_start3A_149 = arith.constant 0 : i32
      %dma_start3A_150 = tpu.memref_slice %arg3[%multiple_of3A_36, %dma_start3A_149] : memref<2560x128xi32, #tpu.memory_space<hbm>> -> memref<40x128xi32, #tpu.memory_space<hbm>>
      tpu.enqueue_dma source(%dma_start3A_150 : memref<40x128xi32, #tpu.memory_space<hbm>>) target(%arg7 : memref<40x128xi32, #tpu.memory_space<vmem>>) target_semaphore(%run_scoped3A : memref<!tpu.dma_semaphore, #tpu.memory_space<semaphore_mem>>)
      %dma_wait3A = arith.constant 0 : i32
      %dma_wait3A_151 = tpu.memref_slice %arg3[%multiple_of3A_36, %dma_wait3A] : memref<2560x128xi32, #tpu.memory_space<hbm>> -> memref<40x128xi32, #tpu.memory_space<hbm>>
      %dma_wait3A_152 = arith.constant 0 : i32
      %dma_wait3A_153 = tpu.memref_slice %arg3[%multiple_of3A_36, %dma_wait3A_152] : memref<2560x128xi32, #tpu.memory_space<hbm>> -> memref<40x128xi32, #tpu.memory_space<hbm>>
      tpu.wait_dma2 semaphore(%run_scoped3A : memref<!tpu.dma_semaphore, #tpu.memory_space<semaphore_mem>>) src(%dma_wait3A_153 : memref<40x128xi32, #tpu.memory_space<hbm>>) dst(%arg7 : memref<40x128xi32, #tpu.memory_space<vmem>>)
      tpu.yield
    }) : () -> ()
    "tpu.region"() ({
      %run_scoped3A = tpu.sem_alloc : memref<!tpu.dma_semaphore, #tpu.memory_space<semaphore_mem>>
      %dma_start3A = arith.constant 0 : i32
      %dma_start3A_148 = tpu.memref_slice %arg4[%multiple_of3A_36, %dma_start3A] : memref<2560x128xi32, #tpu.memory_space<hbm>> -> memref<40x128xi32, #tpu.memory_space<hbm>>
      %dma_start3A_149 = arith.constant 0 : i32
      %dma_start3A_150 = tpu.memref_slice %arg4[%multiple_of3A_36, %dma_start3A_149] : memref<2560x128xi32, #tpu.memory_space<hbm>> -> memref<40x128xi32, #tpu.memory_space<hbm>>
      tpu.enqueue_dma source(%dma_start3A_150 : memref<40x128xi32, #tpu.memory_space<hbm>>) target(%arg8 : memref<40x128xi32, #tpu.memory_space<vmem>>) target_semaphore(%run_scoped3A : memref<!tpu.dma_semaphore, #tpu.memory_space<semaphore_mem>>)
      %dma_wait3A = arith.constant 0 : i32
      %dma_wait3A_151 = tpu.memref_slice %arg4[%multiple_of3A_36, %dma_wait3A] : memref<2560x128xi32, #tpu.memory_space<hbm>> -> memref<40x128xi32, #tpu.memory_space<hbm>>
      %dma_wait3A_152 = arith.constant 0 : i32
      %dma_wait3A_153 = tpu.memref_slice %arg4[%multiple_of3A_36, %dma_wait3A_152] : memref<2560x128xi32, #tpu.memory_space<hbm>> -> memref<40x128xi32, #tpu.memory_space<hbm>>
      tpu.wait_dma2 semaphore(%run_scoped3A : memref<!tpu.dma_semaphore, #tpu.memory_space<semaphore_mem>>) src(%dma_wait3A_153 : memref<40x128xi32, #tpu.memory_space<hbm>>) dst(%arg8 : memref<40x128xi32, #tpu.memory_space<vmem>>)
      tpu.yield
    }) : () -> ()
    %jit3A = arith.constant 2 : i32
    %div3A = arith.divsi %min3A_42, %jit3A : i32
    %sign3A = arith.constant 0 : i32
    %sign3A_43 = arith.cmpi sgt, %min3A_42, %sign3A : i32
    %sign3A_44 = arith.extui %sign3A_43 : i1 to i32
    %sign3A_45 = arith.constant 0 : i32
    %sign3A_46 = arith.cmpi slt, %min3A_42, %sign3A_45 : i32
    %sign3A_47 = arith.extui %sign3A_46 : i1 to i32
    %sign3A_48 = arith.subi %sign3A_44, %sign3A_47 : i32
    %sign3A_49 = arith.constant 0 : i32
    %sign3A_50 = arith.cmpi sgt, %jit3A, %sign3A_49 : i32
    %sign3A_51 = arith.extui %sign3A_50 : i1 to i32
    %sign3A_52 = arith.constant 0 : i32
    %sign3A_53 = arith.cmpi slt, %jit3A, %sign3A_52 : i32
    %sign3A_54 = arith.extui %sign3A_53 : i1 to i32
    %sign3A_55 = arith.subi %sign3A_51, %sign3A_54 : i32
    %ne3A = arith.cmpi ne, %sign3A_48, %sign3A_55 : i32
    %rem3A = arith.remsi %min3A_42, %jit3A : i32
    %ne3A_56 = arith.constant 0 : i32
    %ne3A_57 = arith.cmpi ne, %rem3A, %ne3A_56 : i32
    %and3A = arith.andi %ne3A, %ne3A_57 : i1
    %sub3A_58 = arith.constant 1 : i32
    %sub3A_59 = arith.subi %div3A, %sub3A_58 : i32
    %select_n3A = arith.select %and3A, %sub3A_59, %div3A : i32
    %while3A_60 = arith.constant 0 : i32
    %while3A_61 = arith.constant 0 : i32
    %while3A_62 = arith.subi %select_n3A, %while3A_60 : i32
    %while3A_63 = arith.addi %while3A_60, %while3A_62 : i32
    %while3A_64 = arith.constant 1 : i32
    %while3A_65 = arith.divsi %while3A_62, %while3A_64 : i32
    %while3A_66 = arith.muli %while3A_65, %while3A_64 : i32
    %while3A_67 = arith.addi %while3A_60, %while3A_66 : i32
    %while3A_68 = arith.constant 1 : i32
    %while3A_69 = scf.for %while3A_148 = %while3A_60 to %while3A_67 step %while3A_68 iter_args(%while3A_149 = %while3A_61) -> (i32)  : i32 {
      %gt3A_150 = arith.constant 0 : i32
      %gt3A_151 = arith.cmpi sgt, %while3A_148, %gt3A_150 : i32
      %convert_element_type3A_152 = arith.extui %gt3A_151 : i1 to i32
      %cond3A_153 = arith.constant 0 : i32
      %cond3A_154 = arith.cmpi ne, %convert_element_type3A_152, %cond3A_153 : i32
      scf.if %cond3A_154 {
        %dma_wait3A_259 = arith.constant 0 : i32
        %dma_wait3A_260 = arith.constant 0 : i32
        %dma_wait3A_261 = arith.constant 0 : i32
        %dma_wait3A_262 = arith.constant 0 : i32
        %dma_wait3A_263 = tpu.memref_slice %arg6[%dma_wait3A_259, %dma_wait3A_261, %dma_wait3A_262] : memref<2x128x128xf32, #tpu.memory_space<vmem>> -> memref<1x128x128xf32, #tpu.memory_space<vmem>>
        %dma_wait3A_264 = tpu.memref_squeeze %dma_wait3A_263 : memref<1x128x128xf32, #tpu.memory_space<vmem>> -> memref<128x128xf32, #tpu.memory_space<vmem>>
        %dma_wait3A_265 = arith.constant 0 : i32
        %dma_wait3A_266 = arith.constant 0 : i32
        %dma_wait3A_267 = tpu.memref_slice %arg2[%dma_wait3A_265, %dma_wait3A_266] : memref<10000x128xf32, #tpu.memory_space<hbm>> -> memref<128x128xf32, #tpu.memory_space<hbm>>
        %dma_wait3A_268 = tpu.memref_slice %arg11[%dma_wait3A_260] : memref<2x!tpu.dma_semaphore, #tpu.memory_space<semaphore_mem>> -> memref<1x!tpu.dma_semaphore, #tpu.memory_space<semaphore_mem>>
        %dma_wait3A_269 = tpu.memref_squeeze %dma_wait3A_268 : memref<1x!tpu.dma_semaphore, #tpu.memory_space<semaphore_mem>> -> memref<!tpu.dma_semaphore, #tpu.memory_space<semaphore_mem>>
        %dma_wait3A_270 = arith.constant 0 : i32
        %dma_wait3A_271 = arith.constant 0 : i32
        %dma_wait3A_272 = tpu.memref_slice %arg6[%dma_wait3A_259, %dma_wait3A_270, %dma_wait3A_271] : memref<2x128x128xf32, #tpu.memory_space<vmem>> -> memref<1x128x128xf32, #tpu.memory_space<vmem>>
        %dma_wait3A_273 = tpu.memref_squeeze %dma_wait3A_272 : memref<1x128x128xf32, #tpu.memory_space<vmem>> -> memref<128x128xf32, #tpu.memory_space<vmem>>
        %dma_wait3A_274 = arith.constant 0 : i32
        %dma_wait3A_275 = arith.constant 0 : i32
        %dma_wait3A_276 = tpu.memref_slice %arg2[%dma_wait3A_274, %dma_wait3A_275] : memref<10000x128xf32, #tpu.memory_space<hbm>> -> memref<128x128xf32, #tpu.memory_space<hbm>>
        tpu.wait_dma2 semaphore(%dma_wait3A_269 : memref<!tpu.dma_semaphore, #tpu.memory_space<semaphore_mem>>) src(%dma_wait3A_276 : memref<128x128xf32, #tpu.memory_space<hbm>>) dst(%dma_wait3A_273 : memref<128x128xf32, #tpu.memory_space<vmem>>)
      } else {
      }
      %mul3A_155 = arith.constant 2 : i32
      %mul3A_156 = arith.muli %while3A_148, %mul3A_155 : i32
      %add3A_157 = arith.constant 0 : i32
      %add3A_158 = arith.addi %mul3A_156, %add3A_157 : i32
      %dma_start3A = arith.constant 0 : i32
      %dma_start3A_159 = arith.constant 0 : i32
      %dma_start3A_160 = arith.constant 0 : i32
      %dma_start3A_161 = arith.constant 0 : i32
      %dma_start3A_162 = tpu.memref_slice %arg6[%dma_start3A, %dma_start3A_160, %dma_start3A_161] : memref<2x128x128xf32, #tpu.memory_space<vmem>> -> memref<1x128x128xf32, #tpu.memory_space<vmem>>
      %dma_start3A_163 = tpu.memref_squeeze %dma_start3A_162 : memref<1x128x128xf32, #tpu.memory_space<vmem>> -> memref<128x128xf32, #tpu.memory_space<vmem>>
      %dma_start3A_164 = arith.constant 0 : i32
      %dma_start3A_165 = tpu.memref_slice %arg7[%add3A_158, %dma_start3A_164] : memref<40x128xi32, #tpu.memory_space<vmem>> -> memref<1x128xi32, #tpu.memory_space<vmem>>
      %dma_start3A_166 = tpu.memref_squeeze %dma_start3A_165 : memref<1x128xi32, #tpu.memory_space<vmem>> -> memref<128xi32, #tpu.memory_space<vmem>>
      %dma_start3A_167 = arith.constant 0 : i32
      %dma_start3A_168 = arith.constant 0 : i32
      %dma_start3A_169 = tpu.memref_slice %arg2[%dma_start3A_167, %dma_start3A_168] : memref<10000x128xf32, #tpu.memory_space<hbm>> -> memref<10000x128xf32, #tpu.memory_space<hbm>>
      %dma_start3A_170 = tpu.memref_slice %arg10[%dma_start3A_159] : memref<2x!tpu.dma_semaphore, #tpu.memory_space<semaphore_mem>> -> memref<1x!tpu.dma_semaphore, #tpu.memory_space<semaphore_mem>>
      %dma_start3A_171 = tpu.memref_squeeze %dma_start3A_170 : memref<1x!tpu.dma_semaphore, #tpu.memory_space<semaphore_mem>> -> memref<!tpu.dma_semaphore, #tpu.memory_space<semaphore_mem>>
      tpu.enqueue_indirect_dma source(%dma_start3A_169 : memref<10000x128xf32, #tpu.memory_space<hbm>>) target(%dma_start3A_163 : memref<128x128xf32, #tpu.memory_space<vmem>>) offsets(%dma_start3A_166 : memref<128xi32, #tpu.memory_space<vmem>>) semaphore(%dma_start3A_171 : memref<!tpu.dma_semaphore, #tpu.memory_space<semaphore_mem>>)
      %gt3A_172 = arith.constant 0 : i32
      %gt3A_173 = arith.cmpi sgt, %while3A_148, %gt3A_172 : i32
      %convert_element_type3A_174 = arith.extui %gt3A_173 : i1 to i32
      %cond3A_175 = arith.constant 0 : i32
      %cond3A_176 = arith.cmpi ne, %convert_element_type3A_174, %cond3A_175 : i32
      scf.if %cond3A_176 {
        %dma_wait3A_259 = arith.constant 1 : i32
        %dma_wait3A_260 = arith.constant 1 : i32
        %dma_wait3A_261 = arith.constant 0 : i32
        %dma_wait3A_262 = arith.constant 0 : i32
        %dma_wait3A_263 = tpu.memref_slice %arg6[%dma_wait3A_259, %dma_wait3A_261, %dma_wait3A_262] : memref<2x128x128xf32, #tpu.memory_space<vmem>> -> memref<1x128x128xf32, #tpu.memory_space<vmem>>
        %dma_wait3A_264 = tpu.memref_squeeze %dma_wait3A_263 : memref<1x128x128xf32, #tpu.memory_space<vmem>> -> memref<128x128xf32, #tpu.memory_space<vmem>>
        %dma_wait3A_265 = arith.constant 0 : i32
        %dma_wait3A_266 = arith.constant 0 : i32
        %dma_wait3A_267 = tpu.memref_slice %arg2[%dma_wait3A_265, %dma_wait3A_266] : memref<10000x128xf32, #tpu.memory_space<hbm>> -> memref<128x128xf32, #tpu.memory_space<hbm>>
        %dma_wait3A_268 = tpu.memref_slice %arg11[%dma_wait3A_260] : memref<2x!tpu.dma_semaphore, #tpu.memory_space<semaphore_mem>> -> memref<1x!tpu.dma_semaphore, #tpu.memory_space<semaphore_mem>>
        %dma_wait3A_269 = tpu.memref_squeeze %dma_wait3A_268 : memref<1x!tpu.dma_semaphore, #tpu.memory_space<semaphore_mem>> -> memref<!tpu.dma_semaphore, #tpu.memory_space<semaphore_mem>>
        %dma_wait3A_270 = arith.constant 0 : i32
        %dma_wait3A_271 = arith.constant 0 : i32
        %dma_wait3A_272 = tpu.memref_slice %arg6[%dma_wait3A_259, %dma_wait3A_270, %dma_wait3A_271] : memref<2x128x128xf32, #tpu.memory_space<vmem>> -> memref<1x128x128xf32, #tpu.memory_space<vmem>>
        %dma_wait3A_273 = tpu.memref_squeeze %dma_wait3A_272 : memref<1x128x128xf32, #tpu.memory_space<vmem>> -> memref<128x128xf32, #tpu.memory_space<vmem>>
        %dma_wait3A_274 = arith.constant 0 : i32
        %dma_wait3A_275 = arith.constant 0 : i32
        %dma_wait3A_276 = tpu.memref_slice %arg2[%dma_wait3A_274, %dma_wait3A_275] : memref<10000x128xf32, #tpu.memory_space<hbm>> -> memref<128x128xf32, #tpu.memory_space<hbm>>
        tpu.wait_dma2 semaphore(%dma_wait3A_269 : memref<!tpu.dma_semaphore, #tpu.memory_space<semaphore_mem>>) src(%dma_wait3A_276 : memref<128x128xf32, #tpu.memory_space<hbm>>) dst(%dma_wait3A_273 : memref<128x128xf32, #tpu.memory_space<vmem>>)
      } else {
      }
      %mul3A_177 = arith.constant 2 : i32
      %mul3A_178 = arith.muli %while3A_148, %mul3A_177 : i32
      %add3A_179 = arith.constant 1 : i32
      %add3A_180 = arith.addi %mul3A_178, %add3A_179 : i32
      %dma_start3A_181 = arith.constant 1 : i32
      %dma_start3A_182 = arith.constant 1 : i32
      %dma_start3A_183 = arith.constant 0 : i32
      %dma_start3A_184 = arith.constant 0 : i32
      %dma_start3A_185 = tpu.memref_slice %arg6[%dma_start3A_181, %dma_start3A_183, %dma_start3A_184] : memref<2x128x128xf32, #tpu.memory_space<vmem>> -> memref<1x128x128xf32, #tpu.memory_space<vmem>>
      %dma_start3A_186 = tpu.memref_squeeze %dma_start3A_185 : memref<1x128x128xf32, #tpu.memory_space<vmem>> -> memref<128x128xf32, #tpu.memory_space<vmem>>
      %dma_start3A_187 = arith.constant 0 : i32
      %dma_start3A_188 = tpu.memref_slice %arg7[%add3A_180, %dma_start3A_187] : memref<40x128xi32, #tpu.memory_space<vmem>> -> memref<1x128xi32, #tpu.memory_space<vmem>>
      %dma_start3A_189 = tpu.memref_squeeze %dma_start3A_188 : memref<1x128xi32, #tpu.memory_space<vmem>> -> memref<128xi32, #tpu.memory_space<vmem>>
      %dma_start3A_190 = arith.constant 0 : i32
      %dma_start3A_191 = arith.constant 0 : i32
      %dma_start3A_192 = tpu.memref_slice %arg2[%dma_start3A_190, %dma_start3A_191] : memref<10000x128xf32, #tpu.memory_space<hbm>> -> memref<10000x128xf32, #tpu.memory_space<hbm>>
      %dma_start3A_193 = tpu.memref_slice %arg10[%dma_start3A_182] : memref<2x!tpu.dma_semaphore, #tpu.memory_space<semaphore_mem>> -> memref<1x!tpu.dma_semaphore, #tpu.memory_space<semaphore_mem>>
      %dma_start3A_194 = tpu.memref_squeeze %dma_start3A_193 : memref<1x!tpu.dma_semaphore, #tpu.memory_space<semaphore_mem>> -> memref<!tpu.dma_semaphore, #tpu.memory_space<semaphore_mem>>
      tpu.enqueue_indirect_dma source(%dma_start3A_192 : memref<10000x128xf32, #tpu.memory_space<hbm>>) target(%dma_start3A_186 : memref<128x128xf32, #tpu.memory_space<vmem>>) offsets(%dma_start3A_189 : memref<128xi32, #tpu.memory_space<vmem>>) semaphore(%dma_start3A_194 : memref<!tpu.dma_semaphore, #tpu.memory_space<semaphore_mem>>)
      %dma_wait3A = arith.constant 0 : i32
      %dma_wait3A_195 = arith.constant 0 : i32
      %dma_wait3A_196 = arith.constant 0 : i32
      %dma_wait3A_197 = arith.constant 0 : i32
      %dma_wait3A_198 = tpu.memref_slice %arg6[%dma_wait3A, %dma_wait3A_196, %dma_wait3A_197] : memref<2x128x128xf32, #tpu.memory_space<vmem>> -> memref<1x128x128xf32, #tpu.memory_space<vmem>>
      %dma_wait3A_199 = tpu.memref_squeeze %dma_wait3A_198 : memref<1x128x128xf32, #tpu.memory_space<vmem>> -> memref<128x128xf32, #tpu.memory_space<vmem>>
      %dma_wait3A_200 = arith.constant 0 : i32
      %dma_wait3A_201 = tpu.memref_slice %arg7[%add3A_158, %dma_wait3A_200] : memref<40x128xi32, #tpu.memory_space<vmem>> -> memref<1x128xi32, #tpu.memory_space<vmem>>
      %dma_wait3A_202 = tpu.memref_squeeze %dma_wait3A_201 : memref<1x128xi32, #tpu.memory_space<vmem>> -> memref<128xi32, #tpu.memory_space<vmem>>
      %dma_wait3A_203 = arith.constant 0 : i32
      %dma_wait3A_204 = arith.constant 0 : i32
      %dma_wait3A_205 = tpu.memref_slice %arg2[%dma_wait3A_203, %dma_wait3A_204] : memref<10000x128xf32, #tpu.memory_space<hbm>> -> memref<10000x128xf32, #tpu.memory_space<hbm>>
      %dma_wait3A_206 = tpu.memref_slice %arg10[%dma_wait3A_195] : memref<2x!tpu.dma_semaphore, #tpu.memory_space<semaphore_mem>> -> memref<1x!tpu.dma_semaphore, #tpu.memory_space<semaphore_mem>>
      %dma_wait3A_207 = tpu.memref_squeeze %dma_wait3A_206 : memref<1x!tpu.dma_semaphore, #tpu.memory_space<semaphore_mem>> -> memref<!tpu.dma_semaphore, #tpu.memory_space<semaphore_mem>>
      tpu.wait_indirect_dma semaphore(%dma_wait3A_207 : memref<!tpu.dma_semaphore, #tpu.memory_space<semaphore_mem>>) src(%dma_wait3A_205 : memref<10000x128xf32, #tpu.memory_space<hbm>>) dst(%dma_wait3A_199 : memref<128x128xf32, #tpu.memory_space<vmem>>)
      %mul3A_208 = arith.constant 2 : i32
      %mul3A_209 = arith.muli %while3A_148, %mul3A_208 : i32
      %add3A_210 = arith.constant 0 : i32
      %add3A_211 = arith.addi %mul3A_209, %add3A_210 : i32
      %dma_start3A_212 = arith.constant 0 : i32
      %dma_start3A_213 = arith.constant 0 : i32
      %dma_start3A_214 = arith.constant 0 : i32
      %dma_start3A_215 = arith.constant 0 : i32
      %dma_start3A_216 = tpu.memref_slice %arg6[%dma_start3A_212, %dma_start3A_214, %dma_start3A_215] : memref<2x128x128xf32, #tpu.memory_space<vmem>> -> memref<1x128x128xf32, #tpu.memory_space<vmem>>
      %dma_start3A_217 = tpu.memref_squeeze %dma_start3A_216 : memref<1x128x128xf32, #tpu.memory_space<vmem>> -> memref<128x128xf32, #tpu.memory_space<vmem>>
      %dma_start3A_218 = arith.constant 0 : i32
      %dma_start3A_219 = tpu.memref_slice %arg8[%add3A_211, %dma_start3A_218] : memref<40x128xi32, #tpu.memory_space<vmem>> -> memref<1x128xi32, #tpu.memory_space<vmem>>
      %dma_start3A_220 = tpu.memref_squeeze %dma_start3A_219 : memref<1x128xi32, #tpu.memory_space<vmem>> -> memref<128xi32, #tpu.memory_space<vmem>>
      %dma_start3A_221 = arith.constant 0 : i32
      %dma_start3A_222 = arith.constant 0 : i32
      %dma_start3A_223 = tpu.memref_slice %arg9[%dma_start3A_221, %dma_start3A_222] : memref<10000x128xf32, #tpu.memory_space<vmem_shared>> -> memref<10000x128xf32, #tpu.memory_space<vmem_shared>>
      %dma_start3A_224 = tpu.memref_slice %arg11[%dma_start3A_213] : memref<2x!tpu.dma_semaphore, #tpu.memory_space<semaphore_mem>> -> memref<1x!tpu.dma_semaphore, #tpu.memory_space<semaphore_mem>>
      %dma_start3A_225 = tpu.memref_squeeze %dma_start3A_224 : memref<1x!tpu.dma_semaphore, #tpu.memory_space<semaphore_mem>> -> memref<!tpu.dma_semaphore, #tpu.memory_space<semaphore_mem>>
      tpu.enqueue_indirect_dma source(%dma_start3A_217 : memref<128x128xf32, #tpu.memory_space<vmem>>) target(%dma_start3A_223 : memref<10000x128xf32, #tpu.memory_space<vmem_shared>>) offsets(%dma_start3A_220 : memref<128xi32, #tpu.memory_space<vmem>>) semaphore(%dma_start3A_225 : memref<!tpu.dma_semaphore, #tpu.memory_space<semaphore_mem>>) {add = true}
      %dma_wait3A_226 = arith.constant 1 : i32
      %dma_wait3A_227 = arith.constant 1 : i32
      %dma_wait3A_228 = arith.constant 0 : i32
      %dma_wait3A_229 = arith.constant 0 : i32
      %dma_wait3A_230 = tpu.memref_slice %arg6[%dma_wait3A_226, %dma_wait3A_228, %dma_wait3A_229] : memref<2x128x128xf32, #tpu.memory_space<vmem>> -> memref<1x128x128xf32, #tpu.memory_space<vmem>>
      %dma_wait3A_231 = tpu.memref_squeeze %dma_wait3A_230 : memref<1x128x128xf32, #tpu.memory_space<vmem>> -> memref<128x128xf32, #tpu.memory_space<vmem>>
      %dma_wait3A_232 = arith.constant 0 : i32
      %dma_wait3A_233 = tpu.memref_slice %arg7[%add3A_180, %dma_wait3A_232] : memref<40x128xi32, #tpu.memory_space<vmem>> -> memref<1x128xi32, #tpu.memory_space<vmem>>
      %dma_wait3A_234 = tpu.memref_squeeze %dma_wait3A_233 : memref<1x128xi32, #tpu.memory_space<vmem>> -> memref<128xi32, #tpu.memory_space<vmem>>
      %dma_wait3A_235 = arith.constant 0 : i32
      %dma_wait3A_236 = arith.constant 0 : i32
      %dma_wait3A_237 = tpu.memref_slice %arg2[%dma_wait3A_235, %dma_wait3A_236] : memref<10000x128xf32, #tpu.memory_space<hbm>> -> memref<10000x128xf32, #tpu.memory_space<hbm>>
      %dma_wait3A_238 = tpu.memref_slice %arg10[%dma_wait3A_227] : memref<2x!tpu.dma_semaphore, #tpu.memory_space<semaphore_mem>> -> memref<1x!tpu.dma_semaphore, #tpu.memory_space<semaphore_mem>>
      %dma_wait3A_239 = tpu.memref_squeeze %dma_wait3A_238 : memref<1x!tpu.dma_semaphore, #tpu.memory_space<semaphore_mem>> -> memref<!tpu.dma_semaphore, #tpu.memory_space<semaphore_mem>>
      tpu.wait_indirect_dma semaphore(%dma_wait3A_239 : memref<!tpu.dma_semaphore, #tpu.memory_space<semaphore_mem>>) src(%dma_wait3A_237 : memref<10000x128xf32, #tpu.memory_space<hbm>>) dst(%dma_wait3A_231 : memref<128x128xf32, #tpu.memory_space<vmem>>)
      %mul3A_240 = arith.constant 2 : i32
      %mul3A_241 = arith.muli %while3A_148, %mul3A_240 : i32
      %add3A_242 = arith.constant 1 : i32
      %add3A_243 = arith.addi %mul3A_241, %add3A_242 : i32
      %dma_start3A_244 = arith.constant 1 : i32
      %dma_start3A_245 = arith.constant 1 : i32
      %dma_start3A_246 = arith.constant 0 : i32
      %dma_start3A_247 = arith.constant 0 : i32
      %dma_start3A_248 = tpu.memref_slice %arg6[%dma_start3A_244, %dma_start3A_246, %dma_start3A_247] : memref<2x128x128xf32, #tpu.memory_space<vmem>> -> memref<1x128x128xf32, #tpu.memory_space<vmem>>
      %dma_start3A_249 = tpu.memref_squeeze %dma_start3A_248 : memref<1x128x128xf32, #tpu.memory_space<vmem>> -> memref<128x128xf32, #tpu.memory_space<vmem>>
      %dma_start3A_250 = arith.constant 0 : i32
      %dma_start3A_251 = tpu.memref_slice %arg8[%add3A_243, %dma_start3A_250] : memref<40x128xi32, #tpu.memory_space<vmem>> -> memref<1x128xi32, #tpu.memory_space<vmem>>
      %dma_start3A_252 = tpu.memref_squeeze %dma_start3A_251 : memref<1x128xi32, #tpu.memory_space<vmem>> -> memref<128xi32, #tpu.memory_space<vmem>>
      %dma_start3A_253 = arith.constant 0 : i32
      %dma_start3A_254 = arith.constant 0 : i32
      %dma_start3A_255 = tpu.memref_slice %arg9[%dma_start3A_253, %dma_start3A_254] : memref<10000x128xf32, #tpu.memory_space<vmem_shared>> -> memref<10000x128xf32, #tpu.memory_space<vmem_shared>>
      %dma_start3A_256 = tpu.memref_slice %arg11[%dma_start3A_245] : memref<2x!tpu.dma_semaphore, #tpu.memory_space<semaphore_mem>> -> memref<1x!tpu.dma_semaphore, #tpu.memory_space<semaphore_mem>>
      %dma_start3A_257 = tpu.memref_squeeze %dma_start3A_256 : memref<1x!tpu.dma_semaphore, #tpu.memory_space<semaphore_mem>> -> memref<!tpu.dma_semaphore, #tpu.memory_space<semaphore_mem>>
      tpu.enqueue_indirect_dma source(%dma_start3A_249 : memref<128x128xf32, #tpu.memory_space<vmem>>) target(%dma_start3A_255 : memref<10000x128xf32, #tpu.memory_space<vmem_shared>>) offsets(%dma_start3A_252 : memref<128xi32, #tpu.memory_space<vmem>>) semaphore(%dma_start3A_257 : memref<!tpu.dma_semaphore, #tpu.memory_space<semaphore_mem>>) {add = true}
      %while3A_258 = arith.constant 0 : i32
      scf.yield %while3A_258 : i32
    }
    %while3A_70 = arith.constant 1 : i32
    %while3A_71 = scf.for %while3A_148 = %while3A_67 to %while3A_63 step %while3A_70 iter_args(%while3A_149 = %while3A_69) -> (i32)  : i32 {
      %gt3A_150 = arith.constant 0 : i32
      %gt3A_151 = arith.cmpi sgt, %while3A_148, %gt3A_150 : i32
      %convert_element_type3A_152 = arith.extui %gt3A_151 : i1 to i32
      %cond3A_153 = arith.constant 0 : i32
      %cond3A_154 = arith.cmpi ne, %convert_element_type3A_152, %cond3A_153 : i32
      scf.if %cond3A_154 {
        %dma_wait3A_259 = arith.constant 0 : i32
        %dma_wait3A_260 = arith.constant 0 : i32
        %dma_wait3A_261 = arith.constant 0 : i32
        %dma_wait3A_262 = arith.constant 0 : i32
        %dma_wait3A_263 = tpu.memref_slice %arg6[%dma_wait3A_259, %dma_wait3A_261, %dma_wait3A_262] : memref<2x128x128xf32, #tpu.memory_space<vmem>> -> memref<1x128x128xf32, #tpu.memory_space<vmem>>
        %dma_wait3A_264 = tpu.memref_squeeze %dma_wait3A_263 : memref<1x128x128xf32, #tpu.memory_space<vmem>> -> memref<128x128xf32, #tpu.memory_space<vmem>>
        %dma_wait3A_265 = arith.constant 0 : i32
        %dma_wait3A_266 = arith.constant 0 : i32
        %dma_wait3A_267 = tpu.memref_slice %arg2[%dma_wait3A_265, %dma_wait3A_266] : memref<10000x128xf32, #tpu.memory_space<hbm>> -> memref<128x128xf32, #tpu.memory_space<hbm>>
        %dma_wait3A_268 = tpu.memref_slice %arg11[%dma_wait3A_260] : memref<2x!tpu.dma_semaphore, #tpu.memory_space<semaphore_mem>> -> memref<1x!tpu.dma_semaphore, #tpu.memory_space<semaphore_mem>>
        %dma_wait3A_269 = tpu.memref_squeeze %dma_wait3A_268 : memref<1x!tpu.dma_semaphore, #tpu.memory_space<semaphore_mem>> -> memref<!tpu.dma_semaphore, #tpu.memory_space<semaphore_mem>>
        %dma_wait3A_270 = arith.constant 0 : i32
        %dma_wait3A_271 = arith.constant 0 : i32
        %dma_wait3A_272 = tpu.memref_slice %arg6[%dma_wait3A_259, %dma_wait3A_270, %dma_wait3A_271] : memref<2x128x128xf32, #tpu.memory_space<vmem>> -> memref<1x128x128xf32, #tpu.memory_space<vmem>>
        %dma_wait3A_273 = tpu.memref_squeeze %dma_wait3A_272 : memref<1x128x128xf32, #tpu.memory_space<vmem>> -> memref<128x128xf32, #tpu.memory_space<vmem>>
        %dma_wait3A_274 = arith.constant 0 : i32
        %dma_wait3A_275 = arith.constant 0 : i32
        %dma_wait3A_276 = tpu.memref_slice %arg2[%dma_wait3A_274, %dma_wait3A_275] : memref<10000x128xf32, #tpu.memory_space<hbm>> -> memref<128x128xf32, #tpu.memory_space<hbm>>
        tpu.wait_dma2 semaphore(%dma_wait3A_269 : memref<!tpu.dma_semaphore, #tpu.memory_space<semaphore_mem>>) src(%dma_wait3A_276 : memref<128x128xf32, #tpu.memory_space<hbm>>) dst(%dma_wait3A_273 : memref<128x128xf32, #tpu.memory_space<vmem>>)
      } else {
      }
      %mul3A_155 = arith.constant 2 : i32
      %mul3A_156 = arith.muli %while3A_148, %mul3A_155 : i32
      %add3A_157 = arith.constant 0 : i32
      %add3A_158 = arith.addi %mul3A_156, %add3A_157 : i32
      %dma_start3A = arith.constant 0 : i32
      %dma_start3A_159 = arith.constant 0 : i32
      %dma_start3A_160 = arith.constant 0 : i32
      %dma_start3A_161 = arith.constant 0 : i32
      %dma_start3A_162 = tpu.memref_slice %arg6[%dma_start3A, %dma_start3A_160, %dma_start3A_161] : memref<2x128x128xf32, #tpu.memory_space<vmem>> -> memref<1x128x128xf32, #tpu.memory_space<vmem>>
      %dma_start3A_163 = tpu.memref_squeeze %dma_start3A_162 : memref<1x128x128xf32, #tpu.memory_space<vmem>> -> memref<128x128xf32, #tpu.memory_space<vmem>>
      %dma_start3A_164 = arith.constant 0 : i32
      %dma_start3A_165 = tpu.memref_slice %arg7[%add3A_158, %dma_start3A_164] : memref<40x128xi32, #tpu.memory_space<vmem>> -> memref<1x128xi32, #tpu.memory_space<vmem>>
      %dma_start3A_166 = tpu.memref_squeeze %dma_start3A_165 : memref<1x128xi32, #tpu.memory_space<vmem>> -> memref<128xi32, #tpu.memory_space<vmem>>
      %dma_start3A_167 = arith.constant 0 : i32
      %dma_start3A_168 = arith.constant 0 : i32
      %dma_start3A_169 = tpu.memref_slice %arg2[%dma_start3A_167, %dma_start3A_168] : memref<10000x128xf32, #tpu.memory_space<hbm>> -> memref<10000x128xf32, #tpu.memory_space<hbm>>
      %dma_start3A_170 = tpu.memref_slice %arg10[%dma_start3A_159] : memref<2x!tpu.dma_semaphore, #tpu.memory_space<semaphore_mem>> -> memref<1x!tpu.dma_semaphore, #tpu.memory_space<semaphore_mem>>
      %dma_start3A_171 = tpu.memref_squeeze %dma_start3A_170 : memref<1x!tpu.dma_semaphore, #tpu.memory_space<semaphore_mem>> -> memref<!tpu.dma_semaphore, #tpu.memory_space<semaphore_mem>>
      tpu.enqueue_indirect_dma source(%dma_start3A_169 : memref<10000x128xf32, #tpu.memory_space<hbm>>) target(%dma_start3A_163 : memref<128x128xf32, #tpu.memory_space<vmem>>) offsets(%dma_start3A_166 : memref<128xi32, #tpu.memory_space<vmem>>) semaphore(%dma_start3A_171 : memref<!tpu.dma_semaphore, #tpu.memory_space<semaphore_mem>>)
      %gt3A_172 = arith.constant 0 : i32
      %gt3A_173 = arith.cmpi sgt, %while3A_148, %gt3A_172 : i32
      %convert_element_type3A_174 = arith.extui %gt3A_173 : i1 to i32
      %cond3A_175 = arith.constant 0 : i32
      %cond3A_176 = arith.cmpi ne, %convert_element_type3A_174, %cond3A_175 : i32
      scf.if %cond3A_176 {
        %dma_wait3A_259 = arith.constant 1 : i32
        %dma_wait3A_260 = arith.constant 1 : i32
        %dma_wait3A_261 = arith.constant 0 : i32
        %dma_wait3A_262 = arith.constant 0 : i32
        %dma_wait3A_263 = tpu.memref_slice %arg6[%dma_wait3A_259, %dma_wait3A_261, %dma_wait3A_262] : memref<2x128x128xf32, #tpu.memory_space<vmem>> -> memref<1x128x128xf32, #tpu.memory_space<vmem>>
        %dma_wait3A_264 = tpu.memref_squeeze %dma_wait3A_263 : memref<1x128x128xf32, #tpu.memory_space<vmem>> -> memref<128x128xf32, #tpu.memory_space<vmem>>
        %dma_wait3A_265 = arith.constant 0 : i32
        %dma_wait3A_266 = arith.constant 0 : i32
        %dma_wait3A_267 = tpu.memref_slice %arg2[%dma_wait3A_265, %dma_wait3A_266] : memref<10000x128xf32, #tpu.memory_space<hbm>> -> memref<128x128xf32, #tpu.memory_space<hbm>>
        %dma_wait3A_268 = tpu.memref_slice %arg11[%dma_wait3A_260] : memref<2x!tpu.dma_semaphore, #tpu.memory_space<semaphore_mem>> -> memref<1x!tpu.dma_semaphore, #tpu.memory_space<semaphore_mem>>
        %dma_wait3A_269 = tpu.memref_squeeze %dma_wait3A_268 : memref<1x!tpu.dma_semaphore, #tpu.memory_space<semaphore_mem>> -> memref<!tpu.dma_semaphore, #tpu.memory_space<semaphore_mem>>
        %dma_wait3A_270 = arith.constant 0 : i32
        %dma_wait3A_271 = arith.constant 0 : i32
        %dma_wait3A_272 = tpu.memref_slice %arg6[%dma_wait3A_259, %dma_wait3A_270, %dma_wait3A_271] : memref<2x128x128xf32, #tpu.memory_space<vmem>> -> memref<1x128x128xf32, #tpu.memory_space<vmem>>
        %dma_wait3A_273 = tpu.memref_squeeze %dma_wait3A_272 : memref<1x128x128xf32, #tpu.memory_space<vmem>> -> memref<128x128xf32, #tpu.memory_space<vmem>>
        %dma_wait3A_274 = arith.constant 0 : i32
        %dma_wait3A_275 = arith.constant 0 : i32
        %dma_wait3A_276 = tpu.memref_slice %arg2[%dma_wait3A_274, %dma_wait3A_275] : memref<10000x128xf32, #tpu.memory_space<hbm>> -> memref<128x128xf32, #tpu.memory_space<hbm>>
        tpu.wait_dma2 semaphore(%dma_wait3A_269 : memref<!tpu.dma_semaphore, #tpu.memory_space<semaphore_mem>>) src(%dma_wait3A_276 : memref<128x128xf32, #tpu.memory_space<hbm>>) dst(%dma_wait3A_273 : memref<128x128xf32, #tpu.memory_space<vmem>>)
      } else {
      }
      %mul3A_177 = arith.constant 2 : i32
      %mul3A_178 = arith.muli %while3A_148, %mul3A_177 : i32
      %add3A_179 = arith.constant 1 : i32
      %add3A_180 = arith.addi %mul3A_178, %add3A_179 : i32
      %dma_start3A_181 = arith.constant 1 : i32
      %dma_start3A_182 = arith.constant 1 : i32
      %dma_start3A_183 = arith.constant 0 : i32
      %dma_start3A_184 = arith.constant 0 : i32
      %dma_start3A_185 = tpu.memref_slice %arg6[%dma_start3A_181, %dma_start3A_183, %dma_start3A_184] : memref<2x128x128xf32, #tpu.memory_space<vmem>> -> memref<1x128x128xf32, #tpu.memory_space<vmem>>
      %dma_start3A_186 = tpu.memref_squeeze %dma_start3A_185 : memref<1x128x128xf32, #tpu.memory_space<vmem>> -> memref<128x128xf32, #tpu.memory_space<vmem>>
      %dma_start3A_187 = arith.constant 0 : i32
      %dma_start3A_188 = tpu.memref_slice %arg7[%add3A_180, %dma_start3A_187] : memref<40x128xi32, #tpu.memory_space<vmem>> -> memref<1x128xi32, #tpu.memory_space<vmem>>
      %dma_start3A_189 = tpu.memref_squeeze %dma_start3A_188 : memref<1x128xi32, #tpu.memory_space<vmem>> -> memref<128xi32, #tpu.memory_space<vmem>>
      %dma_start3A_190 = arith.constant 0 : i32
      %dma_start3A_191 = arith.constant 0 : i32
      %dma_start3A_192 = tpu.memref_slice %arg2[%dma_start3A_190, %dma_start3A_191] : memref<10000x128xf32, #tpu.memory_space<hbm>> -> memref<10000x128xf32, #tpu.memory_space<hbm>>
      %dma_start3A_193 = tpu.memref_slice %arg10[%dma_start3A_182] : memref<2x!tpu.dma_semaphore, #tpu.memory_space<semaphore_mem>> -> memref<1x!tpu.dma_semaphore, #tpu.memory_space<semaphore_mem>>
      %dma_start3A_194 = tpu.memref_squeeze %dma_start3A_193 : memref<1x!tpu.dma_semaphore, #tpu.memory_space<semaphore_mem>> -> memref<!tpu.dma_semaphore, #tpu.memory_space<semaphore_mem>>
      tpu.enqueue_indirect_dma source(%dma_start3A_192 : memref<10000x128xf32, #tpu.memory_space<hbm>>) target(%dma_start3A_186 : memref<128x128xf32, #tpu.memory_space<vmem>>) offsets(%dma_start3A_189 : memref<128xi32, #tpu.memory_space<vmem>>) semaphore(%dma_start3A_194 : memref<!tpu.dma_semaphore, #tpu.memory_space<semaphore_mem>>)
      %dma_wait3A = arith.constant 0 : i32
      %dma_wait3A_195 = arith.constant 0 : i32
      %dma_wait3A_196 = arith.constant 0 : i32
      %dma_wait3A_197 = arith.constant 0 : i32
      %dma_wait3A_198 = tpu.memref_slice %arg6[%dma_wait3A, %dma_wait3A_196, %dma_wait3A_197] : memref<2x128x128xf32, #tpu.memory_space<vmem>> -> memref<1x128x128xf32, #tpu.memory_space<vmem>>
      %dma_wait3A_199 = tpu.memref_squeeze %dma_wait3A_198 : memref<1x128x128xf32, #tpu.memory_space<vmem>> -> memref<128x128xf32, #tpu.memory_space<vmem>>
      %dma_wait3A_200 = arith.constant 0 : i32
      %dma_wait3A_201 = tpu.memref_slice %arg7[%add3A_158, %dma_wait3A_200] : memref<40x128xi32, #tpu.memory_space<vmem>> -> memref<1x128xi32, #tpu.memory_space<vmem>>
      %dma_wait3A_202 = tpu.memref_squeeze %dma_wait3A_201 : memref<1x128xi32, #tpu.memory_space<vmem>> -> memref<128xi32, #tpu.memory_space<vmem>>
      %dma_wait3A_203 = arith.constant 0 : i32
      %dma_wait3A_204 = arith.constant 0 : i32
      %dma_wait3A_205 = tpu.memref_slice %arg2[%dma_wait3A_203, %dma_wait3A_204] : memref<10000x128xf32, #tpu.memory_space<hbm>> -> memref<10000x128xf32, #tpu.memory_space<hbm>>
      %dma_wait3A_206 = tpu.memref_slice %arg10[%dma_wait3A_195] : memref<2x!tpu.dma_semaphore, #tpu.memory_space<semaphore_mem>> -> memref<1x!tpu.dma_semaphore, #tpu.memory_space<semaphore_mem>>
      %dma_wait3A_207 = tpu.memref_squeeze %dma_wait3A_206 : memref<1x!tpu.dma_semaphore, #tpu.memory_space<semaphore_mem>> -> memref<!tpu.dma_semaphore, #tpu.memory_space<semaphore_mem>>
      tpu.wait_indirect_dma semaphore(%dma_wait3A_207 : memref<!tpu.dma_semaphore, #tpu.memory_space<semaphore_mem>>) src(%dma_wait3A_205 : memref<10000x128xf32, #tpu.memory_space<hbm>>) dst(%dma_wait3A_199 : memref<128x128xf32, #tpu.memory_space<vmem>>)
      %mul3A_208 = arith.constant 2 : i32
      %mul3A_209 = arith.muli %while3A_148, %mul3A_208 : i32
      %add3A_210 = arith.constant 0 : i32
      %add3A_211 = arith.addi %mul3A_209, %add3A_210 : i32
      %dma_start3A_212 = arith.constant 0 : i32
      %dma_start3A_213 = arith.constant 0 : i32
      %dma_start3A_214 = arith.constant 0 : i32
      %dma_start3A_215 = arith.constant 0 : i32
      %dma_start3A_216 = tpu.memref_slice %arg6[%dma_start3A_212, %dma_start3A_214, %dma_start3A_215] : memref<2x128x128xf32, #tpu.memory_space<vmem>> -> memref<1x128x128xf32, #tpu.memory_space<vmem>>
      %dma_start3A_217 = tpu.memref_squeeze %dma_start3A_216 : memref<1x128x128xf32, #tpu.memory_space<vmem>> -> memref<128x128xf32, #tpu.memory_space<vmem>>
      %dma_start3A_218 = arith.constant 0 : i32
      %dma_start3A_219 = tpu.memref_slice %arg8[%add3A_211, %dma_start3A_218] : memref<40x128xi32, #tpu.memory_space<vmem>> -> memref<1x128xi32, #tpu.memory_space<vmem>>
      %dma_start3A_220 = tpu.memref_squeeze %dma_start3A_219 : memref<1x128xi32, #tpu.memory_space<vmem>> -> memref<128xi32, #tpu.memory_space<vmem>>
      %dma_start3A_221 = arith.constant 0 : i32
      %dma_start3A_222 = arith.constant 0 : i32
      %dma_start3A_223 = tpu.memref_slice %arg9[%dma_start3A_221, %dma_start3A_222] : memref<10000x128xf32, #tpu.memory_space<vmem_shared>> -> memref<10000x128xf32, #tpu.memory_space<vmem_shared>>
      %dma_start3A_224 = tpu.memref_slice %arg11[%dma_start3A_213] : memref<2x!tpu.dma_semaphore, #tpu.memory_space<semaphore_mem>> -> memref<1x!tpu.dma_semaphore, #tpu.memory_space<semaphore_mem>>
      %dma_start3A_225 = tpu.memref_squeeze %dma_start3A_224 : memref<1x!tpu.dma_semaphore, #tpu.memory_space<semaphore_mem>> -> memref<!tpu.dma_semaphore, #tpu.memory_space<semaphore_mem>>
      tpu.enqueue_indirect_dma source(%dma_start3A_217 : memref<128x128xf32, #tpu.memory_space<vmem>>) target(%dma_start3A_223 : memref<10000x128xf32, #tpu.memory_space<vmem_shared>>) offsets(%dma_start3A_220 : memref<128xi32, #tpu.memory_space<vmem>>) semaphore(%dma_start3A_225 : memref<!tpu.dma_semaphore, #tpu.memory_space<semaphore_mem>>) {add = true}
      %dma_wait3A_226 = arith.constant 1 : i32
      %dma_wait3A_227 = arith.constant 1 : i32
      %dma_wait3A_228 = arith.constant 0 : i32
      %dma_wait3A_229 = arith.constant 0 : i32
      %dma_wait3A_230 = tpu.memref_slice %arg6[%dma_wait3A_226, %dma_wait3A_228, %dma_wait3A_229] : memref<2x128x128xf32, #tpu.memory_space<vmem>> -> memref<1x128x128xf32, #tpu.memory_space<vmem>>
      %dma_wait3A_231 = tpu.memref_squeeze %dma_wait3A_230 : memref<1x128x128xf32, #tpu.memory_space<vmem>> -> memref<128x128xf32, #tpu.memory_space<vmem>>
      %dma_wait3A_232 = arith.constant 0 : i32
      %dma_wait3A_233 = tpu.memref_slice %arg7[%add3A_180, %dma_wait3A_232] : memref<40x128xi32, #tpu.memory_space<vmem>> -> memref<1x128xi32, #tpu.memory_space<vmem>>
      %dma_wait3A_234 = tpu.memref_squeeze %dma_wait3A_233 : memref<1x128xi32, #tpu.memory_space<vmem>> -> memref<128xi32, #tpu.memory_space<vmem>>
      %dma_wait3A_235 = arith.constant 0 : i32
      %dma_wait3A_236 = arith.constant 0 : i32
      %dma_wait3A_237 = tpu.memref_slice %arg2[%dma_wait3A_235, %dma_wait3A_236] : memref<10000x128xf32, #tpu.memory_space<hbm>> -> memref<10000x128xf32, #tpu.memory_space<hbm>>
      %dma_wait3A_238 = tpu.memref_slice %arg10[%dma_wait3A_227] : memref<2x!tpu.dma_semaphore, #tpu.memory_space<semaphore_mem>> -> memref<1x!tpu.dma_semaphore, #tpu.memory_space<semaphore_mem>>
      %dma_wait3A_239 = tpu.memref_squeeze %dma_wait3A_238 : memref<1x!tpu.dma_semaphore, #tpu.memory_space<semaphore_mem>> -> memref<!tpu.dma_semaphore, #tpu.memory_space<semaphore_mem>>
      tpu.wait_indirect_dma semaphore(%dma_wait3A_239 : memref<!tpu.dma_semaphore, #tpu.memory_space<semaphore_mem>>) src(%dma_wait3A_237 : memref<10000x128xf32, #tpu.memory_space<hbm>>) dst(%dma_wait3A_231 : memref<128x128xf32, #tpu.memory_space<vmem>>)
      %mul3A_240 = arith.constant 2 : i32
      %mul3A_241 = arith.muli %while3A_148, %mul3A_240 : i32
      %add3A_242 = arith.constant 1 : i32
      %add3A_243 = arith.addi %mul3A_241, %add3A_242 : i32
      %dma_start3A_244 = arith.constant 1 : i32
      %dma_start3A_245 = arith.constant 1 : i32
      %dma_start3A_246 = arith.constant 0 : i32
      %dma_start3A_247 = arith.constant 0 : i32
      %dma_start3A_248 = tpu.memref_slice %arg6[%dma_start3A_244, %dma_start3A_246, %dma_start3A_247] : memref<2x128x128xf32, #tpu.memory_space<vmem>> -> memref<1x128x128xf32, #tpu.memory_space<vmem>>
      %dma_start3A_249 = tpu.memref_squeeze %dma_start3A_248 : memref<1x128x128xf32, #tpu.memory_space<vmem>> -> memref<128x128xf32, #tpu.memory_space<vmem>>
      %dma_start3A_250 = arith.constant 0 : i32
      %dma_start3A_251 = tpu.memref_slice %arg8[%add3A_243, %dma_start3A_250] : memref<40x128xi32, #tpu.memory_space<vmem>> -> memref<1x128xi32, #tpu.memory_space<vmem>>
      %dma_start3A_252 = tpu.memref_squeeze %dma_start3A_251 : memref<1x128xi32, #tpu.memory_space<vmem>> -> memref<128xi32, #tpu.memory_space<vmem>>
      %dma_start3A_253 = arith.constant 0 : i32
      %dma_start3A_254 = arith.constant 0 : i32
      %dma_start3A_255 = tpu.memref_slice %arg9[%dma_start3A_253, %dma_start3A_254] : memref<10000x128xf32, #tpu.memory_space<vmem_shared>> -> memref<10000x128xf32, #tpu.memory_space<vmem_shared>>
      %dma_start3A_256 = tpu.memref_slice %arg11[%dma_start3A_245] : memref<2x!tpu.dma_semaphore, #tpu.memory_space<semaphore_mem>> -> memref<1x!tpu.dma_semaphore, #tpu.memory_space<semaphore_mem>>
      %dma_start3A_257 = tpu.memref_squeeze %dma_start3A_256 : memref<1x!tpu.dma_semaphore, #tpu.memory_space<semaphore_mem>> -> memref<!tpu.dma_semaphore, #tpu.memory_space<semaphore_mem>>
      tpu.enqueue_indirect_dma source(%dma_start3A_249 : memref<128x128xf32, #tpu.memory_space<vmem>>) target(%dma_start3A_255 : memref<10000x128xf32, #tpu.memory_space<vmem_shared>>) offsets(%dma_start3A_252 : memref<128xi32, #tpu.memory_space<vmem>>) semaphore(%dma_start3A_257 : memref<!tpu.dma_semaphore, #tpu.memory_space<semaphore_mem>>) {add = true}
      %while3A_258 = arith.constant 0 : i32
      scf.yield %while3A_258 : i32
    }
    %gt3A = arith.constant 0 : i32
    %gt3A_72 = arith.cmpi sgt, %min3A_42, %gt3A : i32
    %convert_element_type3A_73 = arith.extui %gt3A_72 : i1 to i32
    %cond3A = arith.constant 0 : i32
    %cond3A_74 = arith.cmpi ne, %convert_element_type3A_73, %cond3A : i32
    scf.if %cond3A_74 {
      %dma_wait3A = arith.constant 0 : i32
      %dma_wait3A_148 = arith.constant 0 : i32
      %dma_wait3A_149 = arith.constant 0 : i32
      %dma_wait3A_150 = arith.constant 0 : i32
      %dma_wait3A_151 = tpu.memref_slice %arg6[%dma_wait3A, %dma_wait3A_149, %dma_wait3A_150] : memref<2x128x128xf32, #tpu.memory_space<vmem>> -> memref<1x128x128xf32, #tpu.memory_space<vmem>>
      %dma_wait3A_152 = tpu.memref_squeeze %dma_wait3A_151 : memref<1x128x128xf32, #tpu.memory_space<vmem>> -> memref<128x128xf32, #tpu.memory_space<vmem>>
      %dma_wait3A_153 = arith.constant 0 : i32
      %dma_wait3A_154 = arith.constant 0 : i32
      %dma_wait3A_155 = tpu.memref_slice %arg2[%dma_wait3A_153, %dma_wait3A_154] : memref<10000x128xf32, #tpu.memory_space<hbm>> -> memref<128x128xf32, #tpu.memory_space<hbm>>
      %dma_wait3A_156 = tpu.memref_slice %arg11[%dma_wait3A_148] : memref<2x!tpu.dma_semaphore, #tpu.memory_space<semaphore_mem>> -> memref<1x!tpu.dma_semaphore, #tpu.memory_space<semaphore_mem>>
      %dma_wait3A_157 = tpu.memref_squeeze %dma_wait3A_156 : memref<1x!tpu.dma_semaphore, #tpu.memory_space<semaphore_mem>> -> memref<!tpu.dma_semaphore, #tpu.memory_space<semaphore_mem>>
      %dma_wait3A_158 = arith.constant 0 : i32
      %dma_wait3A_159 = arith.constant 0 : i32
      %dma_wait3A_160 = tpu.memref_slice %arg6[%dma_wait3A, %dma_wait3A_158, %dma_wait3A_159] : memref<2x128x128xf32, #tpu.memory_space<vmem>> -> memref<1x128x128xf32, #tpu.memory_space<vmem>>
      %dma_wait3A_161 = tpu.memref_squeeze %dma_wait3A_160 : memref<1x128x128xf32, #tpu.memory_space<vmem>> -> memref<128x128xf32, #tpu.memory_space<vmem>>
      %dma_wait3A_162 = arith.constant 0 : i32
      %dma_wait3A_163 = arith.constant 0 : i32
      %dma_wait3A_164 = tpu.memref_slice %arg2[%dma_wait3A_162, %dma_wait3A_163] : memref<10000x128xf32, #tpu.memory_space<hbm>> -> memref<128x128xf32, #tpu.memory_space<hbm>>
      tpu.wait_dma2 semaphore(%dma_wait3A_157 : memref<!tpu.dma_semaphore, #tpu.memory_space<semaphore_mem>>) src(%dma_wait3A_164 : memref<128x128xf32, #tpu.memory_space<hbm>>) dst(%dma_wait3A_161 : memref<128x128xf32, #tpu.memory_space<vmem>>)
      %dma_wait3A_165 = arith.constant 1 : i32
      %dma_wait3A_166 = arith.constant 1 : i32
      %dma_wait3A_167 = arith.constant 0 : i32
      %dma_wait3A_168 = arith.constant 0 : i32
      %dma_wait3A_169 = tpu.memref_slice %arg6[%dma_wait3A_165, %dma_wait3A_167, %dma_wait3A_168] : memref<2x128x128xf32, #tpu.memory_space<vmem>> -> memref<1x128x128xf32, #tpu.memory_space<vmem>>
      %dma_wait3A_170 = tpu.memref_squeeze %dma_wait3A_169 : memref<1x128x128xf32, #tpu.memory_space<vmem>> -> memref<128x128xf32, #tpu.memory_space<vmem>>
      %dma_wait3A_171 = arith.constant 0 : i32
      %dma_wait3A_172 = arith.constant 0 : i32
      %dma_wait3A_173 = tpu.memref_slice %arg2[%dma_wait3A_171, %dma_wait3A_172] : memref<10000x128xf32, #tpu.memory_space<hbm>> -> memref<128x128xf32, #tpu.memory_space<hbm>>
      %dma_wait3A_174 = tpu.memref_slice %arg11[%dma_wait3A_166] : memref<2x!tpu.dma_semaphore, #tpu.memory_space<semaphore_mem>> -> memref<1x!tpu.dma_semaphore, #tpu.memory_space<semaphore_mem>>
      %dma_wait3A_175 = tpu.memref_squeeze %dma_wait3A_174 : memref<1x!tpu.dma_semaphore, #tpu.memory_space<semaphore_mem>> -> memref<!tpu.dma_semaphore, #tpu.memory_space<semaphore_mem>>
      %dma_wait3A_176 = arith.constant 0 : i32
      %dma_wait3A_177 = arith.constant 0 : i32
      %dma_wait3A_178 = tpu.memref_slice %arg6[%dma_wait3A_165, %dma_wait3A_176, %dma_wait3A_177] : memref<2x128x128xf32, #tpu.memory_space<vmem>> -> memref<1x128x128xf32, #tpu.memory_space<vmem>>
      %dma_wait3A_179 = tpu.memref_squeeze %dma_wait3A_178 : memref<1x128x128xf32, #tpu.memory_space<vmem>> -> memref<128x128xf32, #tpu.memory_space<vmem>>
      %dma_wait3A_180 = arith.constant 0 : i32
      %dma_wait3A_181 = arith.constant 0 : i32
      %dma_wait3A_182 = tpu.memref_slice %arg2[%dma_wait3A_180, %dma_wait3A_181] : memref<10000x128xf32, #tpu.memory_space<hbm>> -> memref<128x128xf32, #tpu.memory_space<hbm>>
      tpu.wait_dma2 semaphore(%dma_wait3A_175 : memref<!tpu.dma_semaphore, #tpu.memory_space<semaphore_mem>>) src(%dma_wait3A_182 : memref<128x128xf32, #tpu.memory_space<hbm>>) dst(%dma_wait3A_179 : memref<128x128xf32, #tpu.memory_space<vmem>>)
    } else {
    }
    %add3A_75 = arith.constant 40 : i32
    %add3A_76 = arith.addi %multiple_of3A, %add3A_75 : i32
    %multiple_of3A_77 = tpu.assume_multiple %add3A_76, 8 : i32
    %sub3A_78 = arith.constant 40 : i32
    %sub3A_79 = arith.subi %min3A_33, %sub3A_78 : i32
    %max3A_80 = arith.constant 0 : i32
    %max3A_81 = arith.maxsi %sub3A_79, %max3A_80 : i32
    %min3A_82 = arith.constant 40 : i32
    %min3A_83 = arith.minsi %max3A_81, %min3A_82 : i32
    "tpu.region"() ({
      %run_scoped3A = tpu.sem_alloc : memref<!tpu.dma_semaphore, #tpu.memory_space<semaphore_mem>>
      %dma_start3A = arith.constant 0 : i32
      %dma_start3A_148 = tpu.memref_slice %arg3[%multiple_of3A_77, %dma_start3A] : memref<2560x128xi32, #tpu.memory_space<hbm>> -> memref<40x128xi32, #tpu.memory_space<hbm>>
      %dma_start3A_149 = arith.constant 0 : i32
      %dma_start3A_150 = tpu.memref_slice %arg3[%multiple_of3A_77, %dma_start3A_149] : memref<2560x128xi32, #tpu.memory_space<hbm>> -> memref<40x128xi32, #tpu.memory_space<hbm>>
      tpu.enqueue_dma source(%dma_start3A_150 : memref<40x128xi32, #tpu.memory_space<hbm>>) target(%arg7 : memref<40x128xi32, #tpu.memory_space<vmem>>) target_semaphore(%run_scoped3A : memref<!tpu.dma_semaphore, #tpu.memory_space<semaphore_mem>>)
      %dma_wait3A = arith.constant 0 : i32
      %dma_wait3A_151 = tpu.memref_slice %arg3[%multiple_of3A_77, %dma_wait3A] : memref<2560x128xi32, #tpu.memory_space<hbm>> -> memref<40x128xi32, #tpu.memory_space<hbm>>
      %dma_wait3A_152 = arith.constant 0 : i32
      %dma_wait3A_153 = tpu.memref_slice %arg3[%multiple_of3A_77, %dma_wait3A_152] : memref<2560x128xi32, #tpu.memory_space<hbm>> -> memref<40x128xi32, #tpu.memory_space<hbm>>
      tpu.wait_dma2 semaphore(%run_scoped3A : memref<!tpu.dma_semaphore, #tpu.memory_space<semaphore_mem>>) src(%dma_wait3A_153 : memref<40x128xi32, #tpu.memory_space<hbm>>) dst(%arg7 : memref<40x128xi32, #tpu.memory_space<vmem>>)
      tpu.yield
    }) : () -> ()
    "tpu.region"() ({
      %run_scoped3A = tpu.sem_alloc : memref<!tpu.dma_semaphore, #tpu.memory_space<semaphore_mem>>
      %dma_start3A = arith.constant 0 : i32
      %dma_start3A_148 = tpu.memref_slice %arg4[%multiple_of3A_77, %dma_start3A] : memref<2560x128xi32, #tpu.memory_space<hbm>> -> memref<40x128xi32, #tpu.memory_space<hbm>>
      %dma_start3A_149 = arith.constant 0 : i32
      %dma_start3A_150 = tpu.memref_slice %arg4[%multiple_of3A_77, %dma_start3A_149] : memref<2560x128xi32, #tpu.memory_space<hbm>> -> memref<40x128xi32, #tpu.memory_space<hbm>>
      tpu.enqueue_dma source(%dma_start3A_150 : memref<40x128xi32, #tpu.memory_space<hbm>>) target(%arg8 : memref<40x128xi32, #tpu.memory_space<vmem>>) target_semaphore(%run_scoped3A : memref<!tpu.dma_semaphore, #tpu.memory_space<semaphore_mem>>)
      %dma_wait3A = arith.constant 0 : i32
      %dma_wait3A_151 = tpu.memref_slice %arg4[%multiple_of3A_77, %dma_wait3A] : memref<2560x128xi32, #tpu.memory_space<hbm>> -> memref<40x128xi32, #tpu.memory_space<hbm>>
      %dma_wait3A_152 = arith.constant 0 : i32
      %dma_wait3A_153 = tpu.memref_slice %arg4[%multiple_of3A_77, %dma_wait3A_152] : memref<2560x128xi32, #tpu.memory_space<hbm>> -> memref<40x128xi32, #tpu.memory_space<hbm>>
      tpu.wait_dma2 semaphore(%run_scoped3A : memref<!tpu.dma_semaphore, #tpu.memory_space<semaphore_mem>>) src(%dma_wait3A_153 : memref<40x128xi32, #tpu.memory_space<hbm>>) dst(%arg8 : memref<40x128xi32, #tpu.memory_space<vmem>>)
      tpu.yield
    }) : () -> ()
    %jit3A_84 = arith.constant 2 : i32
    %div3A_85 = arith.divsi %min3A_83, %jit3A_84 : i32
    %sign3A_86 = arith.constant 0 : i32
    %sign3A_87 = arith.cmpi sgt, %min3A_83, %sign3A_86 : i32
    %sign3A_88 = arith.extui %sign3A_87 : i1 to i32
    %sign3A_89 = arith.constant 0 : i32
    %sign3A_90 = arith.cmpi slt, %min3A_83, %sign3A_89 : i32
    %sign3A_91 = arith.extui %sign3A_90 : i1 to i32
    %sign3A_92 = arith.subi %sign3A_88, %sign3A_91 : i32
    %sign3A_93 = arith.constant 0 : i32
    %sign3A_94 = arith.cmpi sgt, %jit3A_84, %sign3A_93 : i32
    %sign3A_95 = arith.extui %sign3A_94 : i1 to i32
    %sign3A_96 = arith.constant 0 : i32
    %sign3A_97 = arith.cmpi slt, %jit3A_84, %sign3A_96 : i32
    %sign3A_98 = arith.extui %sign3A_97 : i1 to i32
    %sign3A_99 = arith.subi %sign3A_95, %sign3A_98 : i32
    %ne3A_100 = arith.cmpi ne, %sign3A_92, %sign3A_99 : i32
    %rem3A_101 = arith.remsi %min3A_83, %jit3A_84 : i32
    %ne3A_102 = arith.constant 0 : i32
    %ne3A_103 = arith.cmpi ne, %rem3A_101, %ne3A_102 : i32
    %and3A_104 = arith.andi %ne3A_100, %ne3A_103 : i1
    %sub3A_105 = arith.constant 1 : i32
    %sub3A_106 = arith.subi %div3A_85, %sub3A_105 : i32
    %select_n3A_107 = arith.select %and3A_104, %sub3A_106, %div3A_85 : i32
    %while3A_108 = arith.constant 0 : i32
    %while3A_109 = arith.constant 0 : i32
    %while3A_110 = arith.subi %select_n3A_107, %while3A_108 : i32
    %while3A_111 = arith.addi %while3A_108, %while3A_110 : i32
    %while3A_112 = arith.constant 1 : i32
    %while3A_113 = arith.divsi %while3A_110, %while3A_112 : i32
    %while3A_114 = arith.muli %while3A_113, %while3A_112 : i32
    %while3A_115 = arith.addi %while3A_108, %while3A_114 : i32
    %while3A_116 = arith.constant 1 : i32
    %while3A_117 = scf.for %while3A_148 = %while3A_108 to %while3A_115 step %while3A_116 iter_args(%while3A_149 = %while3A_109) -> (i32)  : i32 {
      %gt3A_150 = arith.constant 0 : i32
      %gt3A_151 = arith.cmpi sgt, %while3A_148, %gt3A_150 : i32
      %convert_element_type3A_152 = arith.extui %gt3A_151 : i1 to i32
      %cond3A_153 = arith.constant 0 : i32
      %cond3A_154 = arith.cmpi ne, %convert_element_type3A_152, %cond3A_153 : i32
      scf.if %cond3A_154 {
        %dma_wait3A_259 = arith.constant 0 : i32
        %dma_wait3A_260 = arith.constant 0 : i32
        %dma_wait3A_261 = arith.constant 0 : i32
        %dma_wait3A_262 = arith.constant 0 : i32
        %dma_wait3A_263 = tpu.memref_slice %arg6[%dma_wait3A_259, %dma_wait3A_261, %dma_wait3A_262] : memref<2x128x128xf32, #tpu.memory_space<vmem>> -> memref<1x128x128xf32, #tpu.memory_space<vmem>>
        %dma_wait3A_264 = tpu.memref_squeeze %dma_wait3A_263 : memref<1x128x128xf32, #tpu.memory_space<vmem>> -> memref<128x128xf32, #tpu.memory_space<vmem>>
        %dma_wait3A_265 = arith.constant 0 : i32
        %dma_wait3A_266 = arith.constant 0 : i32
        %dma_wait3A_267 = tpu.memref_slice %arg2[%dma_wait3A_265, %dma_wait3A_266] : memref<10000x128xf32, #tpu.memory_space<hbm>> -> memref<128x128xf32, #tpu.memory_space<hbm>>
        %dma_wait3A_268 = tpu.memref_slice %arg11[%dma_wait3A_260] : memref<2x!tpu.dma_semaphore, #tpu.memory_space<semaphore_mem>> -> memref<1x!tpu.dma_semaphore, #tpu.memory_space<semaphore_mem>>
        %dma_wait3A_269 = tpu.memref_squeeze %dma_wait3A_268 : memref<1x!tpu.dma_semaphore, #tpu.memory_space<semaphore_mem>> -> memref<!tpu.dma_semaphore, #tpu.memory_space<semaphore_mem>>
        %dma_wait3A_270 = arith.constant 0 : i32
        %dma_wait3A_271 = arith.constant 0 : i32
        %dma_wait3A_272 = tpu.memref_slice %arg6[%dma_wait3A_259, %dma_wait3A_270, %dma_wait3A_271] : memref<2x128x128xf32, #tpu.memory_space<vmem>> -> memref<1x128x128xf32, #tpu.memory_space<vmem>>
        %dma_wait3A_273 = tpu.memref_squeeze %dma_wait3A_272 : memref<1x128x128xf32, #tpu.memory_space<vmem>> -> memref<128x128xf32, #tpu.memory_space<vmem>>
        %dma_wait3A_274 = arith.constant 0 : i32
        %dma_wait3A_275 = arith.constant 0 : i32
        %dma_wait3A_276 = tpu.memref_slice %arg2[%dma_wait3A_274, %dma_wait3A_275] : memref<10000x128xf32, #tpu.memory_space<hbm>> -> memref<128x128xf32, #tpu.memory_space<hbm>>
        tpu.wait_dma2 semaphore(%dma_wait3A_269 : memref<!tpu.dma_semaphore, #tpu.memory_space<semaphore_mem>>) src(%dma_wait3A_276 : memref<128x128xf32, #tpu.memory_space<hbm>>) dst(%dma_wait3A_273 : memref<128x128xf32, #tpu.memory_space<vmem>>)
      } else {
      }
      %mul3A_155 = arith.constant 2 : i32
      %mul3A_156 = arith.muli %while3A_148, %mul3A_155 : i32
      %add3A_157 = arith.constant 0 : i32
      %add3A_158 = arith.addi %mul3A_156, %add3A_157 : i32
      %dma_start3A = arith.constant 0 : i32
      %dma_start3A_159 = arith.constant 0 : i32
      %dma_start3A_160 = arith.constant 0 : i32
      %dma_start3A_161 = arith.constant 0 : i32
      %dma_start3A_162 = tpu.memref_slice %arg6[%dma_start3A, %dma_start3A_160, %dma_start3A_161] : memref<2x128x128xf32, #tpu.memory_space<vmem>> -> memref<1x128x128xf32, #tpu.memory_space<vmem>>
      %dma_start3A_163 = tpu.memref_squeeze %dma_start3A_162 : memref<1x128x128xf32, #tpu.memory_space<vmem>> -> memref<128x128xf32, #tpu.memory_space<vmem>>
      %dma_start3A_164 = arith.constant 0 : i32
      %dma_start3A_165 = tpu.memref_slice %arg7[%add3A_158, %dma_start3A_164] : memref<40x128xi32, #tpu.memory_space<vmem>> -> memref<1x128xi32, #tpu.memory_space<vmem>>
      %dma_start3A_166 = tpu.memref_squeeze %dma_start3A_165 : memref<1x128xi32, #tpu.memory_space<vmem>> -> memref<128xi32, #tpu.memory_space<vmem>>
      %dma_start3A_167 = arith.constant 0 : i32
      %dma_start3A_168 = arith.constant 0 : i32
      %dma_start3A_169 = tpu.memref_slice %arg2[%dma_start3A_167, %dma_start3A_168] : memref<10000x128xf32, #tpu.memory_space<hbm>> -> memref<10000x128xf32, #tpu.memory_space<hbm>>
      %dma_start3A_170 = tpu.memref_slice %arg10[%dma_start3A_159] : memref<2x!tpu.dma_semaphore, #tpu.memory_space<semaphore_mem>> -> memref<1x!tpu.dma_semaphore, #tpu.memory_space<semaphore_mem>>
      %dma_start3A_171 = tpu.memref_squeeze %dma_start3A_170 : memref<1x!tpu.dma_semaphore, #tpu.memory_space<semaphore_mem>> -> memref<!tpu.dma_semaphore, #tpu.memory_space<semaphore_mem>>
      tpu.enqueue_indirect_dma source(%dma_start3A_169 : memref<10000x128xf32, #tpu.memory_space<hbm>>) target(%dma_start3A_163 : memref<128x128xf32, #tpu.memory_space<vmem>>) offsets(%dma_start3A_166 : memref<128xi32, #tpu.memory_space<vmem>>) semaphore(%dma_start3A_171 : memref<!tpu.dma_semaphore, #tpu.memory_space<semaphore_mem>>)
      %gt3A_172 = arith.constant 0 : i32
      %gt3A_173 = arith.cmpi sgt, %while3A_148, %gt3A_172 : i32
      %convert_element_type3A_174 = arith.extui %gt3A_173 : i1 to i32
      %cond3A_175 = arith.constant 0 : i32
      %cond3A_176 = arith.cmpi ne, %convert_element_type3A_174, %cond3A_175 : i32
      scf.if %cond3A_176 {
        %dma_wait3A_259 = arith.constant 1 : i32
        %dma_wait3A_260 = arith.constant 1 : i32
        %dma_wait3A_261 = arith.constant 0 : i32
        %dma_wait3A_262 = arith.constant 0 : i32
        %dma_wait3A_263 = tpu.memref_slice %arg6[%dma_wait3A_259, %dma_wait3A_261, %dma_wait3A_262] : memref<2x128x128xf32, #tpu.memory_space<vmem>> -> memref<1x128x128xf32, #tpu.memory_space<vmem>>
        %dma_wait3A_264 = tpu.memref_squeeze %dma_wait3A_263 : memref<1x128x128xf32, #tpu.memory_space<vmem>> -> memref<128x128xf32, #tpu.memory_space<vmem>>
        %dma_wait3A_265 = arith.constant 0 : i32
        %dma_wait3A_266 = arith.constant 0 : i32
        %dma_wait3A_267 = tpu.memref_slice %arg2[%dma_wait3A_265, %dma_wait3A_266] : memref<10000x128xf32, #tpu.memory_space<hbm>> -> memref<128x128xf32, #tpu.memory_space<hbm>>
        %dma_wait3A_268 = tpu.memref_slice %arg11[%dma_wait3A_260] : memref<2x!tpu.dma_semaphore, #tpu.memory_space<semaphore_mem>> -> memref<1x!tpu.dma_semaphore, #tpu.memory_space<semaphore_mem>>
        %dma_wait3A_269 = tpu.memref_squeeze %dma_wait3A_268 : memref<1x!tpu.dma_semaphore, #tpu.memory_space<semaphore_mem>> -> memref<!tpu.dma_semaphore, #tpu.memory_space<semaphore_mem>>
        %dma_wait3A_270 = arith.constant 0 : i32
        %dma_wait3A_271 = arith.constant 0 : i32
        %dma_wait3A_272 = tpu.memref_slice %arg6[%dma_wait3A_259, %dma_wait3A_270, %dma_wait3A_271] : memref<2x128x128xf32, #tpu.memory_space<vmem>> -> memref<1x128x128xf32, #tpu.memory_space<vmem>>
        %dma_wait3A_273 = tpu.memref_squeeze %dma_wait3A_272 : memref<1x128x128xf32, #tpu.memory_space<vmem>> -> memref<128x128xf32, #tpu.memory_space<vmem>>
        %dma_wait3A_274 = arith.constant 0 : i32
        %dma_wait3A_275 = arith.constant 0 : i32
        %dma_wait3A_276 = tpu.memref_slice %arg2[%dma_wait3A_274, %dma_wait3A_275] : memref<10000x128xf32, #tpu.memory_space<hbm>> -> memref<128x128xf32, #tpu.memory_space<hbm>>
        tpu.wait_dma2 semaphore(%dma_wait3A_269 : memref<!tpu.dma_semaphore, #tpu.memory_space<semaphore_mem>>) src(%dma_wait3A_276 : memref<128x128xf32, #tpu.memory_space<hbm>>) dst(%dma_wait3A_273 : memref<128x128xf32, #tpu.memory_space<vmem>>)
      } else {
      }
      %mul3A_177 = arith.constant 2 : i32
      %mul3A_178 = arith.muli %while3A_148, %mul3A_177 : i32
      %add3A_179 = arith.constant 1 : i32
      %add3A_180 = arith.addi %mul3A_178, %add3A_179 : i32
      %dma_start3A_181 = arith.constant 1 : i32
      %dma_start3A_182 = arith.constant 1 : i32
      %dma_start3A_183 = arith.constant 0 : i32
      %dma_start3A_184 = arith.constant 0 : i32
      %dma_start3A_185 = tpu.memref_slice %arg6[%dma_start3A_181, %dma_start3A_183, %dma_start3A_184] : memref<2x128x128xf32, #tpu.memory_space<vmem>> -> memref<1x128x128xf32, #tpu.memory_space<vmem>>
      %dma_start3A_186 = tpu.memref_squeeze %dma_start3A_185 : memref<1x128x128xf32, #tpu.memory_space<vmem>> -> memref<128x128xf32, #tpu.memory_space<vmem>>
      %dma_start3A_187 = arith.constant 0 : i32
      %dma_start3A_188 = tpu.memref_slice %arg7[%add3A_180, %dma_start3A_187] : memref<40x128xi32, #tpu.memory_space<vmem>> -> memref<1x128xi32, #tpu.memory_space<vmem>>
      %dma_start3A_189 = tpu.memref_squeeze %dma_start3A_188 : memref<1x128xi32, #tpu.memory_space<vmem>> -> memref<128xi32, #tpu.memory_space<vmem>>
      %dma_start3A_190 = arith.constant 0 : i32
      %dma_start3A_191 = arith.constant 0 : i32
      %dma_start3A_192 = tpu.memref_slice %arg2[%dma_start3A_190, %dma_start3A_191] : memref<10000x128xf32, #tpu.memory_space<hbm>> -> memref<10000x128xf32, #tpu.memory_space<hbm>>
      %dma_start3A_193 = tpu.memref_slice %arg10[%dma_start3A_182] : memref<2x!tpu.dma_semaphore, #tpu.memory_space<semaphore_mem>> -> memref<1x!tpu.dma_semaphore, #tpu.memory_space<semaphore_mem>>
      %dma_start3A_194 = tpu.memref_squeeze %dma_start3A_193 : memref<1x!tpu.dma_semaphore, #tpu.memory_space<semaphore_mem>> -> memref<!tpu.dma_semaphore, #tpu.memory_space<semaphore_mem>>
      tpu.enqueue_indirect_dma source(%dma_start3A_192 : memref<10000x128xf32, #tpu.memory_space<hbm>>) target(%dma_start3A_186 : memref<128x128xf32, #tpu.memory_space<vmem>>) offsets(%dma_start3A_189 : memref<128xi32, #tpu.memory_space<vmem>>) semaphore(%dma_start3A_194 : memref<!tpu.dma_semaphore, #tpu.memory_space<semaphore_mem>>)
      %dma_wait3A = arith.constant 0 : i32
      %dma_wait3A_195 = arith.constant 0 : i32
      %dma_wait3A_196 = arith.constant 0 : i32
      %dma_wait3A_197 = arith.constant 0 : i32
      %dma_wait3A_198 = tpu.memref_slice %arg6[%dma_wait3A, %dma_wait3A_196, %dma_wait3A_197] : memref<2x128x128xf32, #tpu.memory_space<vmem>> -> memref<1x128x128xf32, #tpu.memory_space<vmem>>
      %dma_wait3A_199 = tpu.memref_squeeze %dma_wait3A_198 : memref<1x128x128xf32, #tpu.memory_space<vmem>> -> memref<128x128xf32, #tpu.memory_space<vmem>>
      %dma_wait3A_200 = arith.constant 0 : i32
      %dma_wait3A_201 = tpu.memref_slice %arg7[%add3A_158, %dma_wait3A_200] : memref<40x128xi32, #tpu.memory_space<vmem>> -> memref<1x128xi32, #tpu.memory_space<vmem>>
      %dma_wait3A_202 = tpu.memref_squeeze %dma_wait3A_201 : memref<1x128xi32, #tpu.memory_space<vmem>> -> memref<128xi32, #tpu.memory_space<vmem>>
      %dma_wait3A_203 = arith.constant 0 : i32
      %dma_wait3A_204 = arith.constant 0 : i32
      %dma_wait3A_205 = tpu.memref_slice %arg2[%dma_wait3A_203, %dma_wait3A_204] : memref<10000x128xf32, #tpu.memory_space<hbm>> -> memref<10000x128xf32, #tpu.memory_space<hbm>>
      %dma_wait3A_206 = tpu.memref_slice %arg10[%dma_wait3A_195] : memref<2x!tpu.dma_semaphore, #tpu.memory_space<semaphore_mem>> -> memref<1x!tpu.dma_semaphore, #tpu.memory_space<semaphore_mem>>
      %dma_wait3A_207 = tpu.memref_squeeze %dma_wait3A_206 : memref<1x!tpu.dma_semaphore, #tpu.memory_space<semaphore_mem>> -> memref<!tpu.dma_semaphore, #tpu.memory_space<semaphore_mem>>
      tpu.wait_indirect_dma semaphore(%dma_wait3A_207 : memref<!tpu.dma_semaphore, #tpu.memory_space<semaphore_mem>>) src(%dma_wait3A_205 : memref<10000x128xf32, #tpu.memory_space<hbm>>) dst(%dma_wait3A_199 : memref<128x128xf32, #tpu.memory_space<vmem>>)
      %mul3A_208 = arith.constant 2 : i32
      %mul3A_209 = arith.muli %while3A_148, %mul3A_208 : i32
      %add3A_210 = arith.constant 0 : i32
      %add3A_211 = arith.addi %mul3A_209, %add3A_210 : i32
      %dma_start3A_212 = arith.constant 0 : i32
      %dma_start3A_213 = arith.constant 0 : i32
      %dma_start3A_214 = arith.constant 0 : i32
      %dma_start3A_215 = arith.constant 0 : i32
      %dma_start3A_216 = tpu.memref_slice %arg6[%dma_start3A_212, %dma_start3A_214, %dma_start3A_215] : memref<2x128x128xf32, #tpu.memory_space<vmem>> -> memref<1x128x128xf32, #tpu.memory_space<vmem>>
      %dma_start3A_217 = tpu.memref_squeeze %dma_start3A_216 : memref<1x128x128xf32, #tpu.memory_space<vmem>> -> memref<128x128xf32, #tpu.memory_space<vmem>>
      %dma_start3A_218 = arith.constant 0 : i32
      %dma_start3A_219 = tpu.memref_slice %arg8[%add3A_211, %dma_start3A_218] : memref<40x128xi32, #tpu.memory_space<vmem>> -> memref<1x128xi32, #tpu.memory_space<vmem>>
      %dma_start3A_220 = tpu.memref_squeeze %dma_start3A_219 : memref<1x128xi32, #tpu.memory_space<vmem>> -> memref<128xi32, #tpu.memory_space<vmem>>
      %dma_start3A_221 = arith.constant 0 : i32
      %dma_start3A_222 = arith.constant 0 : i32
      %dma_start3A_223 = tpu.memref_slice %arg9[%dma_start3A_221, %dma_start3A_222] : memref<10000x128xf32, #tpu.memory_space<vmem_shared>> -> memref<10000x128xf32, #tpu.memory_space<vmem_shared>>
      %dma_start3A_224 = tpu.memref_slice %arg11[%dma_start3A_213] : memref<2x!tpu.dma_semaphore, #tpu.memory_space<semaphore_mem>> -> memref<1x!tpu.dma_semaphore, #tpu.memory_space<semaphore_mem>>
      %dma_start3A_225 = tpu.memref_squeeze %dma_start3A_224 : memref<1x!tpu.dma_semaphore, #tpu.memory_space<semaphore_mem>> -> memref<!tpu.dma_semaphore, #tpu.memory_space<semaphore_mem>>
      tpu.enqueue_indirect_dma source(%dma_start3A_217 : memref<128x128xf32, #tpu.memory_space<vmem>>) target(%dma_start3A_223 : memref<10000x128xf32, #tpu.memory_space<vmem_shared>>) offsets(%dma_start3A_220 : memref<128xi32, #tpu.memory_space<vmem>>) semaphore(%dma_start3A_225 : memref<!tpu.dma_semaphore, #tpu.memory_space<semaphore_mem>>) {add = true}
      %dma_wait3A_226 = arith.constant 1 : i32
      %dma_wait3A_227 = arith.constant 1 : i32
      %dma_wait3A_228 = arith.constant 0 : i32
      %dma_wait3A_229 = arith.constant 0 : i32
      %dma_wait3A_230 = tpu.memref_slice %arg6[%dma_wait3A_226, %dma_wait3A_228, %dma_wait3A_229] : memref<2x128x128xf32, #tpu.memory_space<vmem>> -> memref<1x128x128xf32, #tpu.memory_space<vmem>>
      %dma_wait3A_231 = tpu.memref_squeeze %dma_wait3A_230 : memref<1x128x128xf32, #tpu.memory_space<vmem>> -> memref<128x128xf32, #tpu.memory_space<vmem>>
      %dma_wait3A_232 = arith.constant 0 : i32
      %dma_wait3A_233 = tpu.memref_slice %arg7[%add3A_180, %dma_wait3A_232] : memref<40x128xi32, #tpu.memory_space<vmem>> -> memref<1x128xi32, #tpu.memory_space<vmem>>
      %dma_wait3A_234 = tpu.memref_squeeze %dma_wait3A_233 : memref<1x128xi32, #tpu.memory_space<vmem>> -> memref<128xi32, #tpu.memory_space<vmem>>
      %dma_wait3A_235 = arith.constant 0 : i32
      %dma_wait3A_236 = arith.constant 0 : i32
      %dma_wait3A_237 = tpu.memref_slice %arg2[%dma_wait3A_235, %dma_wait3A_236] : memref<10000x128xf32, #tpu.memory_space<hbm>> -> memref<10000x128xf32, #tpu.memory_space<hbm>>
      %dma_wait3A_238 = tpu.memref_slice %arg10[%dma_wait3A_227] : memref<2x!tpu.dma_semaphore, #tpu.memory_space<semaphore_mem>> -> memref<1x!tpu.dma_semaphore, #tpu.memory_space<semaphore_mem>>
      %dma_wait3A_239 = tpu.memref_squeeze %dma_wait3A_238 : memref<1x!tpu.dma_semaphore, #tpu.memory_space<semaphore_mem>> -> memref<!tpu.dma_semaphore, #tpu.memory_space<semaphore_mem>>
      tpu.wait_indirect_dma semaphore(%dma_wait3A_239 : memref<!tpu.dma_semaphore, #tpu.memory_space<semaphore_mem>>) src(%dma_wait3A_237 : memref<10000x128xf32, #tpu.memory_space<hbm>>) dst(%dma_wait3A_231 : memref<128x128xf32, #tpu.memory_space<vmem>>)
      %mul3A_240 = arith.constant 2 : i32
      %mul3A_241 = arith.muli %while3A_148, %mul3A_240 : i32
      %add3A_242 = arith.constant 1 : i32
      %add3A_243 = arith.addi %mul3A_241, %add3A_242 : i32
      %dma_start3A_244 = arith.constant 1 : i32
      %dma_start3A_245 = arith.constant 1 : i32
      %dma_start3A_246 = arith.constant 0 : i32
      %dma_start3A_247 = arith.constant 0 : i32
      %dma_start3A_248 = tpu.memref_slice %arg6[%dma_start3A_244, %dma_start3A_246, %dma_start3A_247] : memref<2x128x128xf32, #tpu.memory_space<vmem>> -> memref<1x128x128xf32, #tpu.memory_space<vmem>>
      %dma_start3A_249 = tpu.memref_squeeze %dma_start3A_248 : memref<1x128x128xf32, #tpu.memory_space<vmem>> -> memref<128x128xf32, #tpu.memory_space<vmem>>
      %dma_start3A_250 = arith.constant 0 : i32
      %dma_start3A_251 = tpu.memref_slice %arg8[%add3A_243, %dma_start3A_250] : memref<40x128xi32, #tpu.memory_space<vmem>> -> memref<1x128xi32, #tpu.memory_space<vmem>>
      %dma_start3A_252 = tpu.memref_squeeze %dma_start3A_251 : memref<1x128xi32, #tpu.memory_space<vmem>> -> memref<128xi32, #tpu.memory_space<vmem>>
      %dma_start3A_253 = arith.constant 0 : i32
      %dma_start3A_254 = arith.constant 0 : i32
      %dma_start3A_255 = tpu.memref_slice %arg9[%dma_start3A_253, %dma_start3A_254] : memref<10000x128xf32, #tpu.memory_space<vmem_shared>> -> memref<10000x128xf32, #tpu.memory_space<vmem_shared>>
      %dma_start3A_256 = tpu.memref_slice %arg11[%dma_start3A_245] : memref<2x!tpu.dma_semaphore, #tpu.memory_space<semaphore_mem>> -> memref<1x!tpu.dma_semaphore, #tpu.memory_space<semaphore_mem>>
      %dma_start3A_257 = tpu.memref_squeeze %dma_start3A_256 : memref<1x!tpu.dma_semaphore, #tpu.memory_space<semaphore_mem>> -> memref<!tpu.dma_semaphore, #tpu.memory_space<semaphore_mem>>
      tpu.enqueue_indirect_dma source(%dma_start3A_249 : memref<128x128xf32, #tpu.memory_space<vmem>>) target(%dma_start3A_255 : memref<10000x128xf32, #tpu.memory_space<vmem_shared>>) offsets(%dma_start3A_252 : memref<128xi32, #tpu.memory_space<vmem>>) semaphore(%dma_start3A_257 : memref<!tpu.dma_semaphore, #tpu.memory_space<semaphore_mem>>) {add = true}
      %while3A_258 = arith.constant 0 : i32
      scf.yield %while3A_258 : i32
    }
    %while3A_118 = arith.constant 1 : i32
    %while3A_119 = scf.for %while3A_148 = %while3A_115 to %while3A_111 step %while3A_118 iter_args(%while3A_149 = %while3A_117) -> (i32)  : i32 {
      %gt3A_150 = arith.constant 0 : i32
      %gt3A_151 = arith.cmpi sgt, %while3A_148, %gt3A_150 : i32
      %convert_element_type3A_152 = arith.extui %gt3A_151 : i1 to i32
      %cond3A_153 = arith.constant 0 : i32
      %cond3A_154 = arith.cmpi ne, %convert_element_type3A_152, %cond3A_153 : i32
      scf.if %cond3A_154 {
        %dma_wait3A_259 = arith.constant 0 : i32
        %dma_wait3A_260 = arith.constant 0 : i32
        %dma_wait3A_261 = arith.constant 0 : i32
        %dma_wait3A_262 = arith.constant 0 : i32
        %dma_wait3A_263 = tpu.memref_slice %arg6[%dma_wait3A_259, %dma_wait3A_261, %dma_wait3A_262] : memref<2x128x128xf32, #tpu.memory_space<vmem>> -> memref<1x128x128xf32, #tpu.memory_space<vmem>>
        %dma_wait3A_264 = tpu.memref_squeeze %dma_wait3A_263 : memref<1x128x128xf32, #tpu.memory_space<vmem>> -> memref<128x128xf32, #tpu.memory_space<vmem>>
        %dma_wait3A_265 = arith.constant 0 : i32
        %dma_wait3A_266 = arith.constant 0 : i32
        %dma_wait3A_267 = tpu.memref_slice %arg2[%dma_wait3A_265, %dma_wait3A_266] : memref<10000x128xf32, #tpu.memory_space<hbm>> -> memref<128x128xf32, #tpu.memory_space<hbm>>
        %dma_wait3A_268 = tpu.memref_slice %arg11[%dma_wait3A_260] : memref<2x!tpu.dma_semaphore, #tpu.memory_space<semaphore_mem>> -> memref<1x!tpu.dma_semaphore, #tpu.memory_space<semaphore_mem>>
        %dma_wait3A_269 = tpu.memref_squeeze %dma_wait3A_268 : memref<1x!tpu.dma_semaphore, #tpu.memory_space<semaphore_mem>> -> memref<!tpu.dma_semaphore, #tpu.memory_space<semaphore_mem>>
        %dma_wait3A_270 = arith.constant 0 : i32
        %dma_wait3A_271 = arith.constant 0 : i32
        %dma_wait3A_272 = tpu.memref_slice %arg6[%dma_wait3A_259, %dma_wait3A_270, %dma_wait3A_271] : memref<2x128x128xf32, #tpu.memory_space<vmem>> -> memref<1x128x128xf32, #tpu.memory_space<vmem>>
        %dma_wait3A_273 = tpu.memref_squeeze %dma_wait3A_272 : memref<1x128x128xf32, #tpu.memory_space<vmem>> -> memref<128x128xf32, #tpu.memory_space<vmem>>
        %dma_wait3A_274 = arith.constant 0 : i32
        %dma_wait3A_275 = arith.constant 0 : i32
        %dma_wait3A_276 = tpu.memref_slice %arg2[%dma_wait3A_274, %dma_wait3A_275] : memref<10000x128xf32, #tpu.memory_space<hbm>> -> memref<128x128xf32, #tpu.memory_space<hbm>>
        tpu.wait_dma2 semaphore(%dma_wait3A_269 : memref<!tpu.dma_semaphore, #tpu.memory_space<semaphore_mem>>) src(%dma_wait3A_276 : memref<128x128xf32, #tpu.memory_space<hbm>>) dst(%dma_wait3A_273 : memref<128x128xf32, #tpu.memory_space<vmem>>)
      } else {
      }
      %mul3A_155 = arith.constant 2 : i32
      %mul3A_156 = arith.muli %while3A_148, %mul3A_155 : i32
      %add3A_157 = arith.constant 0 : i32
      %add3A_158 = arith.addi %mul3A_156, %add3A_157 : i32
      %dma_start3A = arith.constant 0 : i32
      %dma_start3A_159 = arith.constant 0 : i32
      %dma_start3A_160 = arith.constant 0 : i32
      %dma_start3A_161 = arith.constant 0 : i32
      %dma_start3A_162 = tpu.memref_slice %arg6[%dma_start3A, %dma_start3A_160, %dma_start3A_161] : memref<2x128x128xf32, #tpu.memory_space<vmem>> -> memref<1x128x128xf32, #tpu.memory_space<vmem>>
      %dma_start3A_163 = tpu.memref_squeeze %dma_start3A_162 : memref<1x128x128xf32, #tpu.memory_space<vmem>> -> memref<128x128xf32, #tpu.memory_space<vmem>>
      %dma_start3A_164 = arith.constant 0 : i32
      %dma_start3A_165 = tpu.memref_slice %arg7[%add3A_158, %dma_start3A_164] : memref<40x128xi32, #tpu.memory_space<vmem>> -> memref<1x128xi32, #tpu.memory_space<vmem>>
      %dma_start3A_166 = tpu.memref_squeeze %dma_start3A_165 : memref<1x128xi32, #tpu.memory_space<vmem>> -> memref<128xi32, #tpu.memory_space<vmem>>
      %dma_start3A_167 = arith.constant 0 : i32
      %dma_start3A_168 = arith.constant 0 : i32
      %dma_start3A_169 = tpu.memref_slice %arg2[%dma_start3A_167, %dma_start3A_168] : memref<10000x128xf32, #tpu.memory_space<hbm>> -> memref<10000x128xf32, #tpu.memory_space<hbm>>
      %dma_start3A_170 = tpu.memref_slice %arg10[%dma_start3A_159] : memref<2x!tpu.dma_semaphore, #tpu.memory_space<semaphore_mem>> -> memref<1x!tpu.dma_semaphore, #tpu.memory_space<semaphore_mem>>
      %dma_start3A_171 = tpu.memref_squeeze %dma_start3A_170 : memref<1x!tpu.dma_semaphore, #tpu.memory_space<semaphore_mem>> -> memref<!tpu.dma_semaphore, #tpu.memory_space<semaphore_mem>>
      tpu.enqueue_indirect_dma source(%dma_start3A_169 : memref<10000x128xf32, #tpu.memory_space<hbm>>) target(%dma_start3A_163 : memref<128x128xf32, #tpu.memory_space<vmem>>) offsets(%dma_start3A_166 : memref<128xi32, #tpu.memory_space<vmem>>) semaphore(%dma_start3A_171 : memref<!tpu.dma_semaphore, #tpu.memory_space<semaphore_mem>>)
      %gt3A_172 = arith.constant 0 : i32
      %gt3A_173 = arith.cmpi sgt, %while3A_148, %gt3A_172 : i32
      %convert_element_type3A_174 = arith.extui %gt3A_173 : i1 to i32
      %cond3A_175 = arith.constant 0 : i32
      %cond3A_176 = arith.cmpi ne, %convert_element_type3A_174, %cond3A_175 : i32
      scf.if %cond3A_176 {
        %dma_wait3A_259 = arith.constant 1 : i32
        %dma_wait3A_260 = arith.constant 1 : i32
        %dma_wait3A_261 = arith.constant 0 : i32
        %dma_wait3A_262 = arith.constant 0 : i32
        %dma_wait3A_263 = tpu.memref_slice %arg6[%dma_wait3A_259, %dma_wait3A_261, %dma_wait3A_262] : memref<2x128x128xf32, #tpu.memory_space<vmem>> -> memref<1x128x128xf32, #tpu.memory_space<vmem>>
        %dma_wait3A_264 = tpu.memref_squeeze %dma_wait3A_263 : memref<1x128x128xf32, #tpu.memory_space<vmem>> -> memref<128x128xf32, #tpu.memory_space<vmem>>
        %dma_wait3A_265 = arith.constant 0 : i32
        %dma_wait3A_266 = arith.constant 0 : i32
        %dma_wait3A_267 = tpu.memref_slice %arg2[%dma_wait3A_265, %dma_wait3A_266] : memref<10000x128xf32, #tpu.memory_space<hbm>> -> memref<128x128xf32, #tpu.memory_space<hbm>>
        %dma_wait3A_268 = tpu.memref_slice %arg11[%dma_wait3A_260] : memref<2x!tpu.dma_semaphore, #tpu.memory_space<semaphore_mem>> -> memref<1x!tpu.dma_semaphore, #tpu.memory_space<semaphore_mem>>
        %dma_wait3A_269 = tpu.memref_squeeze %dma_wait3A_268 : memref<1x!tpu.dma_semaphore, #tpu.memory_space<semaphore_mem>> -> memref<!tpu.dma_semaphore, #tpu.memory_space<semaphore_mem>>
        %dma_wait3A_270 = arith.constant 0 : i32
        %dma_wait3A_271 = arith.constant 0 : i32
        %dma_wait3A_272 = tpu.memref_slice %arg6[%dma_wait3A_259, %dma_wait3A_270, %dma_wait3A_271] : memref<2x128x128xf32, #tpu.memory_space<vmem>> -> memref<1x128x128xf32, #tpu.memory_space<vmem>>
        %dma_wait3A_273 = tpu.memref_squeeze %dma_wait3A_272 : memref<1x128x128xf32, #tpu.memory_space<vmem>> -> memref<128x128xf32, #tpu.memory_space<vmem>>
        %dma_wait3A_274 = arith.constant 0 : i32
        %dma_wait3A_275 = arith.constant 0 : i32
        %dma_wait3A_276 = tpu.memref_slice %arg2[%dma_wait3A_274, %dma_wait3A_275] : memref<10000x128xf32, #tpu.memory_space<hbm>> -> memref<128x128xf32, #tpu.memory_space<hbm>>
        tpu.wait_dma2 semaphore(%dma_wait3A_269 : memref<!tpu.dma_semaphore, #tpu.memory_space<semaphore_mem>>) src(%dma_wait3A_276 : memref<128x128xf32, #tpu.memory_space<hbm>>) dst(%dma_wait3A_273 : memref<128x128xf32, #tpu.memory_space<vmem>>)
      } else {
      }
      %mul3A_177 = arith.constant 2 : i32
      %mul3A_178 = arith.muli %while3A_148, %mul3A_177 : i32
      %add3A_179 = arith.constant 1 : i32
      %add3A_180 = arith.addi %mul3A_178, %add3A_179 : i32
      %dma_start3A_181 = arith.constant 1 : i32
      %dma_start3A_182 = arith.constant 1 : i32
      %dma_start3A_183 = arith.constant 0 : i32
      %dma_start3A_184 = arith.constant 0 : i32
      %dma_start3A_185 = tpu.memref_slice %arg6[%dma_start3A_181, %dma_start3A_183, %dma_start3A_184] : memref<2x128x128xf32, #tpu.memory_space<vmem>> -> memref<1x128x128xf32, #tpu.memory_space<vmem>>
      %dma_start3A_186 = tpu.memref_squeeze %dma_start3A_185 : memref<1x128x128xf32, #tpu.memory_space<vmem>> -> memref<128x128xf32, #tpu.memory_space<vmem>>
      %dma_start3A_187 = arith.constant 0 : i32
      %dma_start3A_188 = tpu.memref_slice %arg7[%add3A_180, %dma_start3A_187] : memref<40x128xi32, #tpu.memory_space<vmem>> -> memref<1x128xi32, #tpu.memory_space<vmem>>
      %dma_start3A_189 = tpu.memref_squeeze %dma_start3A_188 : memref<1x128xi32, #tpu.memory_space<vmem>> -> memref<128xi32, #tpu.memory_space<vmem>>
      %dma_start3A_190 = arith.constant 0 : i32
      %dma_start3A_191 = arith.constant 0 : i32
      %dma_start3A_192 = tpu.memref_slice %arg2[%dma_start3A_190, %dma_start3A_191] : memref<10000x128xf32, #tpu.memory_space<hbm>> -> memref<10000x128xf32, #tpu.memory_space<hbm>>
      %dma_start3A_193 = tpu.memref_slice %arg10[%dma_start3A_182] : memref<2x!tpu.dma_semaphore, #tpu.memory_space<semaphore_mem>> -> memref<1x!tpu.dma_semaphore, #tpu.memory_space<semaphore_mem>>
      %dma_start3A_194 = tpu.memref_squeeze %dma_start3A_193 : memref<1x!tpu.dma_semaphore, #tpu.memory_space<semaphore_mem>> -> memref<!tpu.dma_semaphore, #tpu.memory_space<semaphore_mem>>
      tpu.enqueue_indirect_dma source(%dma_start3A_192 : memref<10000x128xf32, #tpu.memory_space<hbm>>) target(%dma_start3A_186 : memref<128x128xf32, #tpu.memory_space<vmem>>) offsets(%dma_start3A_189 : memref<128xi32, #tpu.memory_space<vmem>>) semaphore(%dma_start3A_194 : memref<!tpu.dma_semaphore, #tpu.memory_space<semaphore_mem>>)
      %dma_wait3A = arith.constant 0 : i32
      %dma_wait3A_195 = arith.constant 0 : i32
      %dma_wait3A_196 = arith.constant 0 : i32
      %dma_wait3A_197 = arith.constant 0 : i32
      %dma_wait3A_198 = tpu.memref_slice %arg6[%dma_wait3A, %dma_wait3A_196, %dma_wait3A_197] : memref<2x128x128xf32, #tpu.memory_space<vmem>> -> memref<1x128x128xf32, #tpu.memory_space<vmem>>
      %dma_wait3A_199 = tpu.memref_squeeze %dma_wait3A_198 : memref<1x128x128xf32, #tpu.memory_space<vmem>> -> memref<128x128xf32, #tpu.memory_space<vmem>>
      %dma_wait3A_200 = arith.constant 0 : i32
      %dma_wait3A_201 = tpu.memref_slice %arg7[%add3A_158, %dma_wait3A_200] : memref<40x128xi32, #tpu.memory_space<vmem>> -> memref<1x128xi32, #tpu.memory_space<vmem>>
      %dma_wait3A_202 = tpu.memref_squeeze %dma_wait3A_201 : memref<1x128xi32, #tpu.memory_space<vmem>> -> memref<128xi32, #tpu.memory_space<vmem>>
      %dma_wait3A_203 = arith.constant 0 : i32
      %dma_wait3A_204 = arith.constant 0 : i32
      %dma_wait3A_205 = tpu.memref_slice %arg2[%dma_wait3A_203, %dma_wait3A_204] : memref<10000x128xf32, #tpu.memory_space<hbm>> -> memref<10000x128xf32, #tpu.memory_space<hbm>>
      %dma_wait3A_206 = tpu.memref_slice %arg10[%dma_wait3A_195] : memref<2x!tpu.dma_semaphore, #tpu.memory_space<semaphore_mem>> -> memref<1x!tpu.dma_semaphore, #tpu.memory_space<semaphore_mem>>
      %dma_wait3A_207 = tpu.memref_squeeze %dma_wait3A_206 : memref<1x!tpu.dma_semaphore, #tpu.memory_space<semaphore_mem>> -> memref<!tpu.dma_semaphore, #tpu.memory_space<semaphore_mem>>
      tpu.wait_indirect_dma semaphore(%dma_wait3A_207 : memref<!tpu.dma_semaphore, #tpu.memory_space<semaphore_mem>>) src(%dma_wait3A_205 : memref<10000x128xf32, #tpu.memory_space<hbm>>) dst(%dma_wait3A_199 : memref<128x128xf32, #tpu.memory_space<vmem>>)
      %mul3A_208 = arith.constant 2 : i32
      %mul3A_209 = arith.muli %while3A_148, %mul3A_208 : i32
      %add3A_210 = arith.constant 0 : i32
      %add3A_211 = arith.addi %mul3A_209, %add3A_210 : i32
      %dma_start3A_212 = arith.constant 0 : i32
      %dma_start3A_213 = arith.constant 0 : i32
      %dma_start3A_214 = arith.constant 0 : i32
      %dma_start3A_215 = arith.constant 0 : i32
      %dma_start3A_216 = tpu.memref_slice %arg6[%dma_start3A_212, %dma_start3A_214, %dma_start3A_215] : memref<2x128x128xf32, #tpu.memory_space<vmem>> -> memref<1x128x128xf32, #tpu.memory_space<vmem>>
      %dma_start3A_217 = tpu.memref_squeeze %dma_start3A_216 : memref<1x128x128xf32, #tpu.memory_space<vmem>> -> memref<128x128xf32, #tpu.memory_space<vmem>>
      %dma_start3A_218 = arith.constant 0 : i32
      %dma_start3A_219 = tpu.memref_slice %arg8[%add3A_211, %dma_start3A_218] : memref<40x128xi32, #tpu.memory_space<vmem>> -> memref<1x128xi32, #tpu.memory_space<vmem>>
      %dma_start3A_220 = tpu.memref_squeeze %dma_start3A_219 : memref<1x128xi32, #tpu.memory_space<vmem>> -> memref<128xi32, #tpu.memory_space<vmem>>
      %dma_start3A_221 = arith.constant 0 : i32
      %dma_start3A_222 = arith.constant 0 : i32
      %dma_start3A_223 = tpu.memref_slice %arg9[%dma_start3A_221, %dma_start3A_222] : memref<10000x128xf32, #tpu.memory_space<vmem_shared>> -> memref<10000x128xf32, #tpu.memory_space<vmem_shared>>
      %dma_start3A_224 = tpu.memref_slice %arg11[%dma_start3A_213] : memref<2x!tpu.dma_semaphore, #tpu.memory_space<semaphore_mem>> -> memref<1x!tpu.dma_semaphore, #tpu.memory_space<semaphore_mem>>
      %dma_start3A_225 = tpu.memref_squeeze %dma_start3A_224 : memref<1x!tpu.dma_semaphore, #tpu.memory_space<semaphore_mem>> -> memref<!tpu.dma_semaphore, #tpu.memory_space<semaphore_mem>>
      tpu.enqueue_indirect_dma source(%dma_start3A_217 : memref<128x128xf32, #tpu.memory_space<vmem>>) target(%dma_start3A_223 : memref<10000x128xf32, #tpu.memory_space<vmem_shared>>) offsets(%dma_start3A_220 : memref<128xi32, #tpu.memory_space<vmem>>) semaphore(%dma_start3A_225 : memref<!tpu.dma_semaphore, #tpu.memory_space<semaphore_mem>>) {add = true}
      %dma_wait3A_226 = arith.constant 1 : i32
      %dma_wait3A_227 = arith.constant 1 : i32
      %dma_wait3A_228 = arith.constant 0 : i32
      %dma_wait3A_229 = arith.constant 0 : i32
      %dma_wait3A_230 = tpu.memref_slice %arg6[%dma_wait3A_226, %dma_wait3A_228, %dma_wait3A_229] : memref<2x128x128xf32, #tpu.memory_space<vmem>> -> memref<1x128x128xf32, #tpu.memory_space<vmem>>
      %dma_wait3A_231 = tpu.memref_squeeze %dma_wait3A_230 : memref<1x128x128xf32, #tpu.memory_space<vmem>> -> memref<128x128xf32, #tpu.memory_space<vmem>>
      %dma_wait3A_232 = arith.constant 0 : i32
      %dma_wait3A_233 = tpu.memref_slice %arg7[%add3A_180, %dma_wait3A_232] : memref<40x128xi32, #tpu.memory_space<vmem>> -> memref<1x128xi32, #tpu.memory_space<vmem>>
      %dma_wait3A_234 = tpu.memref_squeeze %dma_wait3A_233 : memref<1x128xi32, #tpu.memory_space<vmem>> -> memref<128xi32, #tpu.memory_space<vmem>>
      %dma_wait3A_235 = arith.constant 0 : i32
      %dma_wait3A_236 = arith.constant 0 : i32
      %dma_wait3A_237 = tpu.memref_slice %arg2[%dma_wait3A_235, %dma_wait3A_236] : memref<10000x128xf32, #tpu.memory_space<hbm>> -> memref<10000x128xf32, #tpu.memory_space<hbm>>
      %dma_wait3A_238 = tpu.memref_slice %arg10[%dma_wait3A_227] : memref<2x!tpu.dma_semaphore, #tpu.memory_space<semaphore_mem>> -> memref<1x!tpu.dma_semaphore, #tpu.memory_space<semaphore_mem>>
      %dma_wait3A_239 = tpu.memref_squeeze %dma_wait3A_238 : memref<1x!tpu.dma_semaphore, #tpu.memory_space<semaphore_mem>> -> memref<!tpu.dma_semaphore, #tpu.memory_space<semaphore_mem>>
      tpu.wait_indirect_dma semaphore(%dma_wait3A_239 : memref<!tpu.dma_semaphore, #tpu.memory_space<semaphore_mem>>) src(%dma_wait3A_237 : memref<10000x128xf32, #tpu.memory_space<hbm>>) dst(%dma_wait3A_231 : memref<128x128xf32, #tpu.memory_space<vmem>>)
      %mul3A_240 = arith.constant 2 : i32
      %mul3A_241 = arith.muli %while3A_148, %mul3A_240 : i32
      %add3A_242 = arith.constant 1 : i32
      %add3A_243 = arith.addi %mul3A_241, %add3A_242 : i32
      %dma_start3A_244 = arith.constant 1 : i32
      %dma_start3A_245 = arith.constant 1 : i32
      %dma_start3A_246 = arith.constant 0 : i32
      %dma_start3A_247 = arith.constant 0 : i32
      %dma_start3A_248 = tpu.memref_slice %arg6[%dma_start3A_244, %dma_start3A_246, %dma_start3A_247] : memref<2x128x128xf32, #tpu.memory_space<vmem>> -> memref<1x128x128xf32, #tpu.memory_space<vmem>>
      %dma_start3A_249 = tpu.memref_squeeze %dma_start3A_248 : memref<1x128x128xf32, #tpu.memory_space<vmem>> -> memref<128x128xf32, #tpu.memory_space<vmem>>
      %dma_start3A_250 = arith.constant 0 : i32
      %dma_start3A_251 = tpu.memref_slice %arg8[%add3A_243, %dma_start3A_250] : memref<40x128xi32, #tpu.memory_space<vmem>> -> memref<1x128xi32, #tpu.memory_space<vmem>>
      %dma_start3A_252 = tpu.memref_squeeze %dma_start3A_251 : memref<1x128xi32, #tpu.memory_space<vmem>> -> memref<128xi32, #tpu.memory_space<vmem>>
      %dma_start3A_253 = arith.constant 0 : i32
      %dma_start3A_254 = arith.constant 0 : i32
      %dma_start3A_255 = tpu.memref_slice %arg9[%dma_start3A_253, %dma_start3A_254] : memref<10000x128xf32, #tpu.memory_space<vmem_shared>> -> memref<10000x128xf32, #tpu.memory_space<vmem_shared>>
      %dma_start3A_256 = tpu.memref_slice %arg11[%dma_start3A_245] : memref<2x!tpu.dma_semaphore, #tpu.memory_space<semaphore_mem>> -> memref<1x!tpu.dma_semaphore, #tpu.memory_space<semaphore_mem>>
      %dma_start3A_257 = tpu.memref_squeeze %dma_start3A_256 : memref<1x!tpu.dma_semaphore, #tpu.memory_space<semaphore_mem>> -> memref<!tpu.dma_semaphore, #tpu.memory_space<semaphore_mem>>
      tpu.enqueue_indirect_dma source(%dma_start3A_249 : memref<128x128xf32, #tpu.memory_space<vmem>>) target(%dma_start3A_255 : memref<10000x128xf32, #tpu.memory_space<vmem_shared>>) offsets(%dma_start3A_252 : memref<128xi32, #tpu.memory_space<vmem>>) semaphore(%dma_start3A_257 : memref<!tpu.dma_semaphore, #tpu.memory_space<semaphore_mem>>) {add = true}
      %while3A_258 = arith.constant 0 : i32
      scf.yield %while3A_258 : i32
    }
    %gt3A_120 = arith.constant 0 : i32
    %gt3A_121 = arith.cmpi sgt, %min3A_83, %gt3A_120 : i32
    %convert_element_type3A_122 = arith.extui %gt3A_121 : i1 to i32
    %cond3A_123 = arith.constant 0 : i32
    %cond3A_124 = arith.cmpi ne, %convert_element_type3A_122, %cond3A_123 : i32
    scf.if %cond3A_124 {
      %dma_wait3A = arith.constant 0 : i32
      %dma_wait3A_148 = arith.constant 0 : i32
      %dma_wait3A_149 = arith.constant 0 : i32
      %dma_wait3A_150 = arith.constant 0 : i32
      %dma_wait3A_151 = tpu.memref_slice %arg6[%dma_wait3A, %dma_wait3A_149, %dma_wait3A_150] : memref<2x128x128xf32, #tpu.memory_space<vmem>> -> memref<1x128x128xf32, #tpu.memory_space<vmem>>
      %dma_wait3A_152 = tpu.memref_squeeze %dma_wait3A_151 : memref<1x128x128xf32, #tpu.memory_space<vmem>> -> memref<128x128xf32, #tpu.memory_space<vmem>>
      %dma_wait3A_153 = arith.constant 0 : i32
      %dma_wait3A_154 = arith.constant 0 : i32
      %dma_wait3A_155 = tpu.memref_slice %arg2[%dma_wait3A_153, %dma_wait3A_154] : memref<10000x128xf32, #tpu.memory_space<hbm>> -> memref<128x128xf32, #tpu.memory_space<hbm>>
      %dma_wait3A_156 = tpu.memref_slice %arg11[%dma_wait3A_148] : memref<2x!tpu.dma_semaphore, #tpu.memory_space<semaphore_mem>> -> memref<1x!tpu.dma_semaphore, #tpu.memory_space<semaphore_mem>>
      %dma_wait3A_157 = tpu.memref_squeeze %dma_wait3A_156 : memref<1x!tpu.dma_semaphore, #tpu.memory_space<semaphore_mem>> -> memref<!tpu.dma_semaphore, #tpu.memory_space<semaphore_mem>>
      %dma_wait3A_158 = arith.constant 0 : i32
      %dma_wait3A_159 = arith.constant 0 : i32
      %dma_wait3A_160 = tpu.memref_slice %arg6[%dma_wait3A, %dma_wait3A_158, %dma_wait3A_159] : memref<2x128x128xf32, #tpu.memory_space<vmem>> -> memref<1x128x128xf32, #tpu.memory_space<vmem>>
      %dma_wait3A_161 = tpu.memref_squeeze %dma_wait3A_160 : memref<1x128x128xf32, #tpu.memory_space<vmem>> -> memref<128x128xf32, #tpu.memory_space<vmem>>
      %dma_wait3A_162 = arith.constant 0 : i32
      %dma_wait3A_163 = arith.constant 0 : i32
      %dma_wait3A_164 = tpu.memref_slice %arg2[%dma_wait3A_162, %dma_wait3A_163] : memref<10000x128xf32, #tpu.memory_space<hbm>> -> memref<128x128xf32, #tpu.memory_space<hbm>>
      tpu.wait_dma2 semaphore(%dma_wait3A_157 : memref<!tpu.dma_semaphore, #tpu.memory_space<semaphore_mem>>) src(%dma_wait3A_164 : memref<128x128xf32, #tpu.memory_space<hbm>>) dst(%dma_wait3A_161 : memref<128x128xf32, #tpu.memory_space<vmem>>)
      %dma_wait3A_165 = arith.constant 1 : i32
      %dma_wait3A_166 = arith.constant 1 : i32
      %dma_wait3A_167 = arith.constant 0 : i32
      %dma_wait3A_168 = arith.constant 0 : i32
      %dma_wait3A_169 = tpu.memref_slice %arg6[%dma_wait3A_165, %dma_wait3A_167, %dma_wait3A_168] : memref<2x128x128xf32, #tpu.memory_space<vmem>> -> memref<1x128x128xf32, #tpu.memory_space<vmem>>
      %dma_wait3A_170 = tpu.memref_squeeze %dma_wait3A_169 : memref<1x128x128xf32, #tpu.memory_space<vmem>> -> memref<128x128xf32, #tpu.memory_space<vmem>>
      %dma_wait3A_171 = arith.constant 0 : i32
      %dma_wait3A_172 = arith.constant 0 : i32
      %dma_wait3A_173 = tpu.memref_slice %arg2[%dma_wait3A_171, %dma_wait3A_172] : memref<10000x128xf32, #tpu.memory_space<hbm>> -> memref<128x128xf32, #tpu.memory_space<hbm>>
      %dma_wait3A_174 = tpu.memref_slice %arg11[%dma_wait3A_166] : memref<2x!tpu.dma_semaphore, #tpu.memory_space<semaphore_mem>> -> memref<1x!tpu.dma_semaphore, #tpu.memory_space<semaphore_mem>>
      %dma_wait3A_175 = tpu.memref_squeeze %dma_wait3A_174 : memref<1x!tpu.dma_semaphore, #tpu.memory_space<semaphore_mem>> -> memref<!tpu.dma_semaphore, #tpu.memory_space<semaphore_mem>>
      %dma_wait3A_176 = arith.constant 0 : i32
      %dma_wait3A_177 = arith.constant 0 : i32
      %dma_wait3A_178 = tpu.memref_slice %arg6[%dma_wait3A_165, %dma_wait3A_176, %dma_wait3A_177] : memref<2x128x128xf32, #tpu.memory_space<vmem>> -> memref<1x128x128xf32, #tpu.memory_space<vmem>>
      %dma_wait3A_179 = tpu.memref_squeeze %dma_wait3A_178 : memref<1x128x128xf32, #tpu.memory_space<vmem>> -> memref<128x128xf32, #tpu.memory_space<vmem>>
      %dma_wait3A_180 = arith.constant 0 : i32
      %dma_wait3A_181 = arith.constant 0 : i32
      %dma_wait3A_182 = tpu.memref_slice %arg2[%dma_wait3A_180, %dma_wait3A_181] : memref<10000x128xf32, #tpu.memory_space<hbm>> -> memref<128x128xf32, #tpu.memory_space<hbm>>
      tpu.wait_dma2 semaphore(%dma_wait3A_175 : memref<!tpu.dma_semaphore, #tpu.memory_space<semaphore_mem>>) src(%dma_wait3A_182 : memref<128x128xf32, #tpu.memory_space<hbm>>) dst(%dma_wait3A_179 : memref<128x128xf32, #tpu.memory_space<vmem>>)
    } else {
    }
    %barrier3A_125 = arith.constant 0 : index
    tpu.barrier barrier_id(%barrier3A_125)
    %mul3A_126 = arith.constant 39 : i32
    %mul3A_127 = arith.muli %mul3A_126, %arg1 : i32
    %min3A_128 = arith.constant 1 : i32
    %min3A_129 = arith.minsi %arg1, %min3A_128 : i32
    %add3A_130 = arith.addi %mul3A_127, %min3A_129 : i32
    %lt3A_131 = arith.constant 1 : i32
    %lt3A_132 = arith.cmpi slt, %arg1, %lt3A_131 : i32
    %convert_element_type3A_133 = arith.extui %lt3A_132 : i1 to i32
    %add3A_134 = arith.constant 39 : i32
    %add3A_135 = arith.addi %add3A_134, %convert_element_type3A_133 : i32
    %while3A_136 = arith.constant 0 : i32
    %while3A_137 = arith.constant 0 : i32
    %while3A_138 = arith.subi %add3A_135, %while3A_136 : i32
    %while3A_139 = arith.addi %while3A_136, %while3A_138 : i32
    %while3A_140 = arith.constant 1 : i32
    %while3A_141 = arith.divsi %while3A_138, %while3A_140 : i32
    %while3A_142 = arith.muli %while3A_141, %while3A_140 : i32
    %while3A_143 = arith.addi %while3A_136, %while3A_142 : i32
    %while3A_144 = arith.constant 1 : i32
    %while3A_145 = scf.for %while3A_148 = %while3A_136 to %while3A_143 step %while3A_144 iter_args(%while3A_149 = %while3A_137) -> (i32)  : i32 {
      %add3A_150 = arith.addi %add3A_130, %while3A_148 : i32
      %mul3A_151 = arith.constant 16 : i32
      %mul3A_152 = arith.muli %add3A_150, %mul3A_151 : i32
      %multiple_of3A_153 = tpu.assume_multiple %mul3A_152, 16 : i32
      "tpu.region"() ({
        %run_scoped3A = tpu.sem_alloc : memref<!tpu.dma_semaphore, #tpu.memory_space<semaphore_mem>>
        %dma_start3A = arith.constant 0 : i32
        %dma_start3A_155 = tpu.memref_slice %arg5[%arg0, %multiple_of3A_153, %dma_start3A] : memref<2x10000x128xf32, #tpu.memory_space<hbm>> -> memref<1x16x128xf32, #tpu.memory_space<hbm>>
        %dma_start3A_156 = tpu.memref_squeeze %dma_start3A_155 : memref<1x16x128xf32, #tpu.memory_space<hbm>> -> memref<16x128xf32, #tpu.memory_space<hbm>>
        %dma_start3A_157 = arith.constant 0 : i32
        %dma_start3A_158 = tpu.memref_slice %arg9[%multiple_of3A_153, %dma_start3A_157] : memref<10000x128xf32, #tpu.memory_space<vmem_shared>> -> memref<16x128xf32, #tpu.memory_space<vmem_shared>>
        tpu.enqueue_dma source(%dma_start3A_158 : memref<16x128xf32, #tpu.memory_space<vmem_shared>>) target(%dma_start3A_156 : memref<16x128xf32, #tpu.memory_space<hbm>>) target_semaphore(%run_scoped3A : memref<!tpu.dma_semaphore, #tpu.memory_space<semaphore_mem>>)
        %dma_wait3A = arith.constant 0 : i32
        %dma_wait3A_159 = tpu.memref_slice %arg5[%arg0, %multiple_of3A_153, %dma_wait3A] : memref<2x10000x128xf32, #tpu.memory_space<hbm>> -> memref<1x16x128xf32, #tpu.memory_space<hbm>>
        %dma_wait3A_160 = tpu.memref_squeeze %dma_wait3A_159 : memref<1x16x128xf32, #tpu.memory_space<hbm>> -> memref<16x128xf32, #tpu.memory_space<hbm>>
        %dma_wait3A_161 = arith.constant 0 : i32
        %dma_wait3A_162 = tpu.memref_slice %arg9[%multiple_of3A_153, %dma_wait3A_161] : memref<10000x128xf32, #tpu.memory_space<vmem_shared>> -> memref<16x128xf32, #tpu.memory_space<vmem_shared>>
        tpu.wait_dma2 semaphore(%run_scoped3A : memref<!tpu.dma_semaphore, #tpu.memory_space<semaphore_mem>>) src(%dma_wait3A_162 : memref<16x128xf32, #tpu.memory_space<vmem_shared>>) dst(%dma_wait3A_160 : memref<16x128xf32, #tpu.memory_space<hbm>>)
        tpu.yield
      }) : () -> ()
      %while3A_154 = arith.constant 0 : i32
      scf.yield %while3A_154 : i32
    }
    %while3A_146 = arith.constant 1 : i32
    %while3A_147 = scf.for %while3A_148 = %while3A_143 to %while3A_139 step %while3A_146 iter_args(%while3A_149 = %while3A_145) -> (i32)  : i32 {
      %add3A_150 = arith.addi %add3A_130, %while3A_148 : i32
      %mul3A_151 = arith.constant 16 : i32
      %mul3A_152 = arith.muli %add3A_150, %mul3A_151 : i32
      %multiple_of3A_153 = tpu.assume_multiple %mul3A_152, 16 : i32
      "tpu.region"() ({
        %run_scoped3A = tpu.sem_alloc : memref<!tpu.dma_semaphore, #tpu.memory_space<semaphore_mem>>
        %dma_start3A = arith.constant 0 : i32
        %dma_start3A_155 = tpu.memref_slice %arg5[%arg0, %multiple_of3A_153, %dma_start3A] : memref<2x10000x128xf32, #tpu.memory_space<hbm>> -> memref<1x16x128xf32, #tpu.memory_space<hbm>>
        %dma_start3A_156 = tpu.memref_squeeze %dma_start3A_155 : memref<1x16x128xf32, #tpu.memory_space<hbm>> -> memref<16x128xf32, #tpu.memory_space<hbm>>
        %dma_start3A_157 = arith.constant 0 : i32
        %dma_start3A_158 = tpu.memref_slice %arg9[%multiple_of3A_153, %dma_start3A_157] : memref<10000x128xf32, #tpu.memory_space<vmem_shared>> -> memref<16x128xf32, #tpu.memory_space<vmem_shared>>
        tpu.enqueue_dma source(%dma_start3A_158 : memref<16x128xf32, #tpu.memory_space<vmem_shared>>) target(%dma_start3A_156 : memref<16x128xf32, #tpu.memory_space<hbm>>) target_semaphore(%run_scoped3A : memref<!tpu.dma_semaphore, #tpu.memory_space<semaphore_mem>>)
        %dma_wait3A = arith.constant 0 : i32
        %dma_wait3A_159 = tpu.memref_slice %arg5[%arg0, %multiple_of3A_153, %dma_wait3A] : memref<2x10000x128xf32, #tpu.memory_space<hbm>> -> memref<1x16x128xf32, #tpu.memory_space<hbm>>
        %dma_wait3A_160 = tpu.memref_squeeze %dma_wait3A_159 : memref<1x16x128xf32, #tpu.memory_space<hbm>> -> memref<16x128xf32, #tpu.memory_space<hbm>>
        %dma_wait3A_161 = arith.constant 0 : i32
        %dma_wait3A_162 = tpu.memref_slice %arg9[%multiple_of3A_153, %dma_wait3A_161] : memref<10000x128xf32, #tpu.memory_space<vmem_shared>> -> memref<16x128xf32, #tpu.memory_space<vmem_shared>>
        tpu.wait_dma2 semaphore(%run_scoped3A : memref<!tpu.dma_semaphore, #tpu.memory_space<semaphore_mem>>) src(%dma_wait3A_162 : memref<16x128xf32, #tpu.memory_space<vmem_shared>>) dst(%dma_wait3A_160 : memref<16x128xf32, #tpu.memory_space<hbm>>)
        tpu.yield
      }) : () -> ()
      %while3A_154 = arith.constant 0 : i32
      scf.yield %while3A_154 : i32
    }
    return
  }
}

#map = affine_map<(d0, d1) -> (0, 0)>
module attributes {stable_mosaic.version = 14 : i64} {
  func.func @body(%arg0: i32, %arg1: i32, %arg2: memref<10000x128xf32, #tpu.memory_space<hbm>>, %arg3: memref<80x128xi32, #tpu.memory_space<hbm>>, %arg4: memref<80x128xi32, #tpu.memory_space<hbm>>, %arg5: memref<10240x128xf32, #tpu.memory_space<hbm>>, %arg6: memref<10240x128xf32, #tpu.memory_space<hbm>>, %arg7: memref<80x128xi32, #tpu.memory_space<vmem>>, %arg8: memref<80x128xi32, #tpu.memory_space<vmem>>, %arg9: memref<128x128xf32, #tpu.memory_space<vmem>>, %arg10: memref<128x128xf32, #tpu.memory_space<vmem>>, %arg11: memref<2x!tpu.dma_semaphore, #tpu.memory_space<semaphore_mem>>) attributes {dimension_semantics = [#tpu.dimension_semantics<core_parallel>, #tpu.dimension_semantics<subcore_parallel>], iteration_bounds = array<i64: 2, 16>, scalar_prefetch = 0 : i64, scratch_operands = 5 : i64, tpu.core_type = #tpu.core_type<sc_vector_subcore>, window_params = [{transform_indices = #map}, {transform_indices = #map}, {transform_indices = #map}, {transform_indices = #map}, {transform_indices = #map}]} {
    %mul3A = arith.constant 2 : i32
    %mul3A_0 = arith.muli %arg1, %mul3A : i32
    %add3A = arith.addi %mul3A_0, %arg0 : i32
    "tpu.region"() ({
      %run_scoped3A = tpu.sem_alloc : memref<!tpu.dma_semaphore, #tpu.memory_space<semaphore_mem>>
      tpu.enqueue_dma source(%arg3 : memref<80x128xi32, #tpu.memory_space<hbm>>) target(%arg7 : memref<80x128xi32, #tpu.memory_space<vmem>>) target_semaphore(%run_scoped3A : memref<!tpu.dma_semaphore, #tpu.memory_space<semaphore_mem>>)
      tpu.wait_dma2 semaphore(%run_scoped3A : memref<!tpu.dma_semaphore, #tpu.memory_space<semaphore_mem>>) src(%arg3 : memref<80x128xi32, #tpu.memory_space<hbm>>) dst(%arg7 : memref<80x128xi32, #tpu.memory_space<vmem>>)
      tpu.yield
    }) : () -> ()
    "tpu.region"() ({
      %run_scoped3A = tpu.sem_alloc : memref<!tpu.dma_semaphore, #tpu.memory_space<semaphore_mem>>
      tpu.enqueue_dma source(%arg4 : memref<80x128xi32, #tpu.memory_space<hbm>>) target(%arg8 : memref<80x128xi32, #tpu.memory_space<vmem>>) target_semaphore(%run_scoped3A : memref<!tpu.dma_semaphore, #tpu.memory_space<semaphore_mem>>)
      tpu.wait_dma2 semaphore(%run_scoped3A : memref<!tpu.dma_semaphore, #tpu.memory_space<semaphore_mem>>) src(%arg4 : memref<80x128xi32, #tpu.memory_space<hbm>>) dst(%arg8 : memref<80x128xi32, #tpu.memory_space<vmem>>)
      tpu.yield
    }) : () -> ()
    %lt3A = arith.constant 16 : i32
    %lt3A_1 = arith.cmpi slt, %add3A, %lt3A : i32
    %convert_element_type3A = arith.extui %lt3A_1 : i1 to i32
    %add3A_2 = arith.constant 2 : i32
    %add3A_3 = arith.addi %add3A_2, %convert_element_type3A : i32
    %while3A = arith.constant 0 : i32
    %while3A_4 = arith.constant 0 : i32
    %while3A_5 = arith.subi %add3A_3, %while3A : i32
    %while3A_6 = arith.addi %while3A, %while3A_5 : i32
    %while3A_7 = arith.constant 1 : i32
    %while3A_8 = arith.divsi %while3A_5, %while3A_7 : i32
    %while3A_9 = arith.muli %while3A_8, %while3A_7 : i32
    %while3A_10 = arith.addi %while3A, %while3A_9 : i32
    %while3A_11 = arith.constant 1 : i32
    %while3A_12 = scf.for %while3A_15 = %while3A to %while3A_10 step %while3A_11 iter_args(%while3A_16 = %while3A_4) -> (i32)  : i32 {
      %mul3A_17 = arith.constant 32 : i32
      %mul3A_18 = arith.muli %mul3A_17, %while3A_15 : i32
      %add3A_19 = arith.addi %add3A, %mul3A_18 : i32
      %dma_start3A = arith.constant 0 : i32
      %dma_start3A_20 = arith.constant 0 : i32
      %dma_start3A_21 = tpu.memref_slice %arg7[%add3A_19, %dma_start3A_20] : memref<80x128xi32, #tpu.memory_space<vmem>> -> memref<1x128xi32, #tpu.memory_space<vmem>>
      %dma_start3A_22 = tpu.memref_squeeze %dma_start3A_21 : memref<1x128xi32, #tpu.memory_space<vmem>> -> memref<128xi32, #tpu.memory_space<vmem>>
      %dma_start3A_23 = arith.constant 0 : i32
      %dma_start3A_24 = arith.constant 0 : i32
      %dma_start3A_25 = tpu.memref_slice %arg2[%dma_start3A_23, %dma_start3A_24] : memref<10000x128xf32, #tpu.memory_space<hbm>> -> memref<10000x128xf32, #tpu.memory_space<hbm>>
      %dma_start3A_26 = tpu.memref_slice %arg11[%dma_start3A] : memref<2x!tpu.dma_semaphore, #tpu.memory_space<semaphore_mem>> -> memref<1x!tpu.dma_semaphore, #tpu.memory_space<semaphore_mem>>
      %dma_start3A_27 = tpu.memref_squeeze %dma_start3A_26 : memref<1x!tpu.dma_semaphore, #tpu.memory_space<semaphore_mem>> -> memref<!tpu.dma_semaphore, #tpu.memory_space<semaphore_mem>>
      tpu.enqueue_indirect_dma source(%dma_start3A_25 : memref<10000x128xf32, #tpu.memory_space<hbm>>) target(%arg9 : memref<128x128xf32, #tpu.memory_space<vmem>>) offsets(%dma_start3A_22 : memref<128xi32, #tpu.memory_space<vmem>>) semaphore(%dma_start3A_27 : memref<!tpu.dma_semaphore, #tpu.memory_space<semaphore_mem>>)
      %dma_start3A_28 = arith.constant 1 : i32
      %dma_start3A_29 = arith.constant 0 : i32
      %dma_start3A_30 = tpu.memref_slice %arg8[%add3A_19, %dma_start3A_29] : memref<80x128xi32, #tpu.memory_space<vmem>> -> memref<1x128xi32, #tpu.memory_space<vmem>>
      %dma_start3A_31 = tpu.memref_squeeze %dma_start3A_30 : memref<1x128xi32, #tpu.memory_space<vmem>> -> memref<128xi32, #tpu.memory_space<vmem>>
      %dma_start3A_32 = arith.constant 0 : i32
      %dma_start3A_33 = arith.constant 0 : i32
      %dma_start3A_34 = tpu.memref_slice %arg2[%dma_start3A_32, %dma_start3A_33] : memref<10000x128xf32, #tpu.memory_space<hbm>> -> memref<10000x128xf32, #tpu.memory_space<hbm>>
      %dma_start3A_35 = tpu.memref_slice %arg11[%dma_start3A_28] : memref<2x!tpu.dma_semaphore, #tpu.memory_space<semaphore_mem>> -> memref<1x!tpu.dma_semaphore, #tpu.memory_space<semaphore_mem>>
      %dma_start3A_36 = tpu.memref_squeeze %dma_start3A_35 : memref<1x!tpu.dma_semaphore, #tpu.memory_space<semaphore_mem>> -> memref<!tpu.dma_semaphore, #tpu.memory_space<semaphore_mem>>
      tpu.enqueue_indirect_dma source(%dma_start3A_34 : memref<10000x128xf32, #tpu.memory_space<hbm>>) target(%arg10 : memref<128x128xf32, #tpu.memory_space<vmem>>) offsets(%dma_start3A_31 : memref<128xi32, #tpu.memory_space<vmem>>) semaphore(%dma_start3A_36 : memref<!tpu.dma_semaphore, #tpu.memory_space<semaphore_mem>>)
      %mul3A_37 = arith.constant 128 : i32
      %mul3A_38 = arith.muli %add3A_19, %mul3A_37 : i32
      %multiple_of3A = tpu.assume_multiple %mul3A_38, 128 : i32
      %dma_wait3A = arith.constant 0 : i32
      %dma_wait3A_39 = arith.constant 0 : i32
      %dma_wait3A_40 = tpu.memref_slice %arg7[%add3A_19, %dma_wait3A_39] : memref<80x128xi32, #tpu.memory_space<vmem>> -> memref<1x128xi32, #tpu.memory_space<vmem>>
      %dma_wait3A_41 = tpu.memref_squeeze %dma_wait3A_40 : memref<1x128xi32, #tpu.memory_space<vmem>> -> memref<128xi32, #tpu.memory_space<vmem>>
      %dma_wait3A_42 = arith.constant 0 : i32
      %dma_wait3A_43 = arith.constant 0 : i32
      %dma_wait3A_44 = tpu.memref_slice %arg2[%dma_wait3A_42, %dma_wait3A_43] : memref<10000x128xf32, #tpu.memory_space<hbm>> -> memref<10000x128xf32, #tpu.memory_space<hbm>>
      %dma_wait3A_45 = tpu.memref_slice %arg11[%dma_wait3A] : memref<2x!tpu.dma_semaphore, #tpu.memory_space<semaphore_mem>> -> memref<1x!tpu.dma_semaphore, #tpu.memory_space<semaphore_mem>>
      %dma_wait3A_46 = tpu.memref_squeeze %dma_wait3A_45 : memref<1x!tpu.dma_semaphore, #tpu.memory_space<semaphore_mem>> -> memref<!tpu.dma_semaphore, #tpu.memory_space<semaphore_mem>>
      tpu.wait_indirect_dma semaphore(%dma_wait3A_46 : memref<!tpu.dma_semaphore, #tpu.memory_space<semaphore_mem>>) src(%dma_wait3A_44 : memref<10000x128xf32, #tpu.memory_space<hbm>>) dst(%arg9 : memref<128x128xf32, #tpu.memory_space<vmem>>)
      "tpu.region"() ({
        %run_scoped3A = tpu.sem_alloc : memref<!tpu.dma_semaphore, #tpu.memory_space<semaphore_mem>>
        %dma_start3A_57 = arith.constant 0 : i32
        %dma_start3A_58 = tpu.memref_slice %arg5[%multiple_of3A, %dma_start3A_57] : memref<10240x128xf32, #tpu.memory_space<hbm>> -> memref<128x128xf32, #tpu.memory_space<hbm>>
        %dma_start3A_59 = arith.constant 0 : i32
        %dma_start3A_60 = tpu.memref_slice %arg5[%multiple_of3A, %dma_start3A_59] : memref<10240x128xf32, #tpu.memory_space<hbm>> -> memref<128x128xf32, #tpu.memory_space<hbm>>
        tpu.enqueue_dma source(%arg9 : memref<128x128xf32, #tpu.memory_space<vmem>>) target(%dma_start3A_60 : memref<128x128xf32, #tpu.memory_space<hbm>>) target_semaphore(%run_scoped3A : memref<!tpu.dma_semaphore, #tpu.memory_space<semaphore_mem>>)
        %dma_wait3A_61 = arith.constant 0 : i32
        %dma_wait3A_62 = tpu.memref_slice %arg5[%multiple_of3A, %dma_wait3A_61] : memref<10240x128xf32, #tpu.memory_space<hbm>> -> memref<128x128xf32, #tpu.memory_space<hbm>>
        %dma_wait3A_63 = arith.constant 0 : i32
        %dma_wait3A_64 = tpu.memref_slice %arg5[%multiple_of3A, %dma_wait3A_63] : memref<10240x128xf32, #tpu.memory_space<hbm>> -> memref<128x128xf32, #tpu.memory_space<hbm>>
        tpu.wait_dma2 semaphore(%run_scoped3A : memref<!tpu.dma_semaphore, #tpu.memory_space<semaphore_mem>>) src(%arg9 : memref<128x128xf32, #tpu.memory_space<vmem>>) dst(%dma_wait3A_64 : memref<128x128xf32, #tpu.memory_space<hbm>>)
        tpu.yield
      }) : () -> ()
      %dma_wait3A_47 = arith.constant 1 : i32
      %dma_wait3A_48 = arith.constant 0 : i32
      %dma_wait3A_49 = tpu.memref_slice %arg8[%add3A_19, %dma_wait3A_48] : memref<80x128xi32, #tpu.memory_space<vmem>> -> memref<1x128xi32, #tpu.memory_space<vmem>>
      %dma_wait3A_50 = tpu.memref_squeeze %dma_wait3A_49 : memref<1x128xi32, #tpu.memory_space<vmem>> -> memref<128xi32, #tpu.memory_space<vmem>>
      %dma_wait3A_51 = arith.constant 0 : i32
      %dma_wait3A_52 = arith.constant 0 : i32
      %dma_wait3A_53 = tpu.memref_slice %arg2[%dma_wait3A_51, %dma_wait3A_52] : memref<10000x128xf32, #tpu.memory_space<hbm>> -> memref<10000x128xf32, #tpu.memory_space<hbm>>
      %dma_wait3A_54 = tpu.memref_slice %arg11[%dma_wait3A_47] : memref<2x!tpu.dma_semaphore, #tpu.memory_space<semaphore_mem>> -> memref<1x!tpu.dma_semaphore, #tpu.memory_space<semaphore_mem>>
      %dma_wait3A_55 = tpu.memref_squeeze %dma_wait3A_54 : memref<1x!tpu.dma_semaphore, #tpu.memory_space<semaphore_mem>> -> memref<!tpu.dma_semaphore, #tpu.memory_space<semaphore_mem>>
      tpu.wait_indirect_dma semaphore(%dma_wait3A_55 : memref<!tpu.dma_semaphore, #tpu.memory_space<semaphore_mem>>) src(%dma_wait3A_53 : memref<10000x128xf32, #tpu.memory_space<hbm>>) dst(%arg10 : memref<128x128xf32, #tpu.memory_space<vmem>>)
      "tpu.region"() ({
        %run_scoped3A = tpu.sem_alloc : memref<!tpu.dma_semaphore, #tpu.memory_space<semaphore_mem>>
        %dma_start3A_57 = arith.constant 0 : i32
        %dma_start3A_58 = tpu.memref_slice %arg6[%multiple_of3A, %dma_start3A_57] : memref<10240x128xf32, #tpu.memory_space<hbm>> -> memref<128x128xf32, #tpu.memory_space<hbm>>
        %dma_start3A_59 = arith.constant 0 : i32
        %dma_start3A_60 = tpu.memref_slice %arg6[%multiple_of3A, %dma_start3A_59] : memref<10240x128xf32, #tpu.memory_space<hbm>> -> memref<128x128xf32, #tpu.memory_space<hbm>>
        tpu.enqueue_dma source(%arg10 : memref<128x128xf32, #tpu.memory_space<vmem>>) target(%dma_start3A_60 : memref<128x128xf32, #tpu.memory_space<hbm>>) target_semaphore(%run_scoped3A : memref<!tpu.dma_semaphore, #tpu.memory_space<semaphore_mem>>)
        %dma_wait3A_61 = arith.constant 0 : i32
        %dma_wait3A_62 = tpu.memref_slice %arg6[%multiple_of3A, %dma_wait3A_61] : memref<10240x128xf32, #tpu.memory_space<hbm>> -> memref<128x128xf32, #tpu.memory_space<hbm>>
        %dma_wait3A_63 = arith.constant 0 : i32
        %dma_wait3A_64 = tpu.memref_slice %arg6[%multiple_of3A, %dma_wait3A_63] : memref<10240x128xf32, #tpu.memory_space<hbm>> -> memref<128x128xf32, #tpu.memory_space<hbm>>
        tpu.wait_dma2 semaphore(%run_scoped3A : memref<!tpu.dma_semaphore, #tpu.memory_space<semaphore_mem>>) src(%arg10 : memref<128x128xf32, #tpu.memory_space<vmem>>) dst(%dma_wait3A_64 : memref<128x128xf32, #tpu.memory_space<hbm>>)
        tpu.yield
      }) : () -> ()
      %while3A_56 = arith.constant 0 : i32
      scf.yield %while3A_56 : i32
    }
    %while3A_13 = arith.constant 1 : i32
    %while3A_14 = scf.for %while3A_15 = %while3A_10 to %while3A_6 step %while3A_13 iter_args(%while3A_16 = %while3A_12) -> (i32)  : i32 {
      %mul3A_17 = arith.constant 32 : i32
      %mul3A_18 = arith.muli %mul3A_17, %while3A_15 : i32
      %add3A_19 = arith.addi %add3A, %mul3A_18 : i32
      %dma_start3A = arith.constant 0 : i32
      %dma_start3A_20 = arith.constant 0 : i32
      %dma_start3A_21 = tpu.memref_slice %arg7[%add3A_19, %dma_start3A_20] : memref<80x128xi32, #tpu.memory_space<vmem>> -> memref<1x128xi32, #tpu.memory_space<vmem>>
      %dma_start3A_22 = tpu.memref_squeeze %dma_start3A_21 : memref<1x128xi32, #tpu.memory_space<vmem>> -> memref<128xi32, #tpu.memory_space<vmem>>
      %dma_start3A_23 = arith.constant 0 : i32
      %dma_start3A_24 = arith.constant 0 : i32
      %dma_start3A_25 = tpu.memref_slice %arg2[%dma_start3A_23, %dma_start3A_24] : memref<10000x128xf32, #tpu.memory_space<hbm>> -> memref<10000x128xf32, #tpu.memory_space<hbm>>
      %dma_start3A_26 = tpu.memref_slice %arg11[%dma_start3A] : memref<2x!tpu.dma_semaphore, #tpu.memory_space<semaphore_mem>> -> memref<1x!tpu.dma_semaphore, #tpu.memory_space<semaphore_mem>>
      %dma_start3A_27 = tpu.memref_squeeze %dma_start3A_26 : memref<1x!tpu.dma_semaphore, #tpu.memory_space<semaphore_mem>> -> memref<!tpu.dma_semaphore, #tpu.memory_space<semaphore_mem>>
      tpu.enqueue_indirect_dma source(%dma_start3A_25 : memref<10000x128xf32, #tpu.memory_space<hbm>>) target(%arg9 : memref<128x128xf32, #tpu.memory_space<vmem>>) offsets(%dma_start3A_22 : memref<128xi32, #tpu.memory_space<vmem>>) semaphore(%dma_start3A_27 : memref<!tpu.dma_semaphore, #tpu.memory_space<semaphore_mem>>)
      %dma_start3A_28 = arith.constant 1 : i32
      %dma_start3A_29 = arith.constant 0 : i32
      %dma_start3A_30 = tpu.memref_slice %arg8[%add3A_19, %dma_start3A_29] : memref<80x128xi32, #tpu.memory_space<vmem>> -> memref<1x128xi32, #tpu.memory_space<vmem>>
      %dma_start3A_31 = tpu.memref_squeeze %dma_start3A_30 : memref<1x128xi32, #tpu.memory_space<vmem>> -> memref<128xi32, #tpu.memory_space<vmem>>
      %dma_start3A_32 = arith.constant 0 : i32
      %dma_start3A_33 = arith.constant 0 : i32
      %dma_start3A_34 = tpu.memref_slice %arg2[%dma_start3A_32, %dma_start3A_33] : memref<10000x128xf32, #tpu.memory_space<hbm>> -> memref<10000x128xf32, #tpu.memory_space<hbm>>
      %dma_start3A_35 = tpu.memref_slice %arg11[%dma_start3A_28] : memref<2x!tpu.dma_semaphore, #tpu.memory_space<semaphore_mem>> -> memref<1x!tpu.dma_semaphore, #tpu.memory_space<semaphore_mem>>
      %dma_start3A_36 = tpu.memref_squeeze %dma_start3A_35 : memref<1x!tpu.dma_semaphore, #tpu.memory_space<semaphore_mem>> -> memref<!tpu.dma_semaphore, #tpu.memory_space<semaphore_mem>>
      tpu.enqueue_indirect_dma source(%dma_start3A_34 : memref<10000x128xf32, #tpu.memory_space<hbm>>) target(%arg10 : memref<128x128xf32, #tpu.memory_space<vmem>>) offsets(%dma_start3A_31 : memref<128xi32, #tpu.memory_space<vmem>>) semaphore(%dma_start3A_36 : memref<!tpu.dma_semaphore, #tpu.memory_space<semaphore_mem>>)
      %mul3A_37 = arith.constant 128 : i32
      %mul3A_38 = arith.muli %add3A_19, %mul3A_37 : i32
      %multiple_of3A = tpu.assume_multiple %mul3A_38, 128 : i32
      %dma_wait3A = arith.constant 0 : i32
      %dma_wait3A_39 = arith.constant 0 : i32
      %dma_wait3A_40 = tpu.memref_slice %arg7[%add3A_19, %dma_wait3A_39] : memref<80x128xi32, #tpu.memory_space<vmem>> -> memref<1x128xi32, #tpu.memory_space<vmem>>
      %dma_wait3A_41 = tpu.memref_squeeze %dma_wait3A_40 : memref<1x128xi32, #tpu.memory_space<vmem>> -> memref<128xi32, #tpu.memory_space<vmem>>
      %dma_wait3A_42 = arith.constant 0 : i32
      %dma_wait3A_43 = arith.constant 0 : i32
      %dma_wait3A_44 = tpu.memref_slice %arg2[%dma_wait3A_42, %dma_wait3A_43] : memref<10000x128xf32, #tpu.memory_space<hbm>> -> memref<10000x128xf32, #tpu.memory_space<hbm>>
      %dma_wait3A_45 = tpu.memref_slice %arg11[%dma_wait3A] : memref<2x!tpu.dma_semaphore, #tpu.memory_space<semaphore_mem>> -> memref<1x!tpu.dma_semaphore, #tpu.memory_space<semaphore_mem>>
      %dma_wait3A_46 = tpu.memref_squeeze %dma_wait3A_45 : memref<1x!tpu.dma_semaphore, #tpu.memory_space<semaphore_mem>> -> memref<!tpu.dma_semaphore, #tpu.memory_space<semaphore_mem>>
      tpu.wait_indirect_dma semaphore(%dma_wait3A_46 : memref<!tpu.dma_semaphore, #tpu.memory_space<semaphore_mem>>) src(%dma_wait3A_44 : memref<10000x128xf32, #tpu.memory_space<hbm>>) dst(%arg9 : memref<128x128xf32, #tpu.memory_space<vmem>>)
      "tpu.region"() ({
        %run_scoped3A = tpu.sem_alloc : memref<!tpu.dma_semaphore, #tpu.memory_space<semaphore_mem>>
        %dma_start3A_57 = arith.constant 0 : i32
        %dma_start3A_58 = tpu.memref_slice %arg5[%multiple_of3A, %dma_start3A_57] : memref<10240x128xf32, #tpu.memory_space<hbm>> -> memref<128x128xf32, #tpu.memory_space<hbm>>
        %dma_start3A_59 = arith.constant 0 : i32
        %dma_start3A_60 = tpu.memref_slice %arg5[%multiple_of3A, %dma_start3A_59] : memref<10240x128xf32, #tpu.memory_space<hbm>> -> memref<128x128xf32, #tpu.memory_space<hbm>>
        tpu.enqueue_dma source(%arg9 : memref<128x128xf32, #tpu.memory_space<vmem>>) target(%dma_start3A_60 : memref<128x128xf32, #tpu.memory_space<hbm>>) target_semaphore(%run_scoped3A : memref<!tpu.dma_semaphore, #tpu.memory_space<semaphore_mem>>)
        %dma_wait3A_61 = arith.constant 0 : i32
        %dma_wait3A_62 = tpu.memref_slice %arg5[%multiple_of3A, %dma_wait3A_61] : memref<10240x128xf32, #tpu.memory_space<hbm>> -> memref<128x128xf32, #tpu.memory_space<hbm>>
        %dma_wait3A_63 = arith.constant 0 : i32
        %dma_wait3A_64 = tpu.memref_slice %arg5[%multiple_of3A, %dma_wait3A_63] : memref<10240x128xf32, #tpu.memory_space<hbm>> -> memref<128x128xf32, #tpu.memory_space<hbm>>
        tpu.wait_dma2 semaphore(%run_scoped3A : memref<!tpu.dma_semaphore, #tpu.memory_space<semaphore_mem>>) src(%arg9 : memref<128x128xf32, #tpu.memory_space<vmem>>) dst(%dma_wait3A_64 : memref<128x128xf32, #tpu.memory_space<hbm>>)
        tpu.yield
      }) : () -> ()
      %dma_wait3A_47 = arith.constant 1 : i32
      %dma_wait3A_48 = arith.constant 0 : i32
      %dma_wait3A_49 = tpu.memref_slice %arg8[%add3A_19, %dma_wait3A_48] : memref<80x128xi32, #tpu.memory_space<vmem>> -> memref<1x128xi32, #tpu.memory_space<vmem>>
      %dma_wait3A_50 = tpu.memref_squeeze %dma_wait3A_49 : memref<1x128xi32, #tpu.memory_space<vmem>> -> memref<128xi32, #tpu.memory_space<vmem>>
      %dma_wait3A_51 = arith.constant 0 : i32
      %dma_wait3A_52 = arith.constant 0 : i32
      %dma_wait3A_53 = tpu.memref_slice %arg2[%dma_wait3A_51, %dma_wait3A_52] : memref<10000x128xf32, #tpu.memory_space<hbm>> -> memref<10000x128xf32, #tpu.memory_space<hbm>>
      %dma_wait3A_54 = tpu.memref_slice %arg11[%dma_wait3A_47] : memref<2x!tpu.dma_semaphore, #tpu.memory_space<semaphore_mem>> -> memref<1x!tpu.dma_semaphore, #tpu.memory_space<semaphore_mem>>
      %dma_wait3A_55 = tpu.memref_squeeze %dma_wait3A_54 : memref<1x!tpu.dma_semaphore, #tpu.memory_space<semaphore_mem>> -> memref<!tpu.dma_semaphore, #tpu.memory_space<semaphore_mem>>
      tpu.wait_indirect_dma semaphore(%dma_wait3A_55 : memref<!tpu.dma_semaphore, #tpu.memory_space<semaphore_mem>>) src(%dma_wait3A_53 : memref<10000x128xf32, #tpu.memory_space<hbm>>) dst(%arg10 : memref<128x128xf32, #tpu.memory_space<vmem>>)
      "tpu.region"() ({
        %run_scoped3A = tpu.sem_alloc : memref<!tpu.dma_semaphore, #tpu.memory_space<semaphore_mem>>
        %dma_start3A_57 = arith.constant 0 : i32
        %dma_start3A_58 = tpu.memref_slice %arg6[%multiple_of3A, %dma_start3A_57] : memref<10240x128xf32, #tpu.memory_space<hbm>> -> memref<128x128xf32, #tpu.memory_space<hbm>>
        %dma_start3A_59 = arith.constant 0 : i32
        %dma_start3A_60 = tpu.memref_slice %arg6[%multiple_of3A, %dma_start3A_59] : memref<10240x128xf32, #tpu.memory_space<hbm>> -> memref<128x128xf32, #tpu.memory_space<hbm>>
        tpu.enqueue_dma source(%arg10 : memref<128x128xf32, #tpu.memory_space<vmem>>) target(%dma_start3A_60 : memref<128x128xf32, #tpu.memory_space<hbm>>) target_semaphore(%run_scoped3A : memref<!tpu.dma_semaphore, #tpu.memory_space<semaphore_mem>>)
        %dma_wait3A_61 = arith.constant 0 : i32
        %dma_wait3A_62 = tpu.memref_slice %arg6[%multiple_of3A, %dma_wait3A_61] : memref<10240x128xf32, #tpu.memory_space<hbm>> -> memref<128x128xf32, #tpu.memory_space<hbm>>
        %dma_wait3A_63 = arith.constant 0 : i32
        %dma_wait3A_64 = tpu.memref_slice %arg6[%multiple_of3A, %dma_wait3A_63] : memref<10240x128xf32, #tpu.memory_space<hbm>> -> memref<128x128xf32, #tpu.memory_space<hbm>>
        tpu.wait_dma2 semaphore(%run_scoped3A : memref<!tpu.dma_semaphore, #tpu.memory_space<semaphore_mem>>) src(%arg10 : memref<128x128xf32, #tpu.memory_space<vmem>>) dst(%dma_wait3A_64 : memref<128x128xf32, #tpu.memory_space<hbm>>)
        tpu.yield
      }) : () -> ()
      %while3A_56 = arith.constant 0 : i32
      scf.yield %while3A_56 : i32
    }
    return
  }
}

module attributes {stable_mosaic.version = 14 : i64} {
  func.func @_pre_body(%arg0: i32, %arg1: memref<1000x128xf32, #tpu.memory_space<vmem>>, %arg2: memref<128x128xf32, #tpu.memory_space<vmem>>, %arg3: memref<128x128xf32, #tpu.memory_space<vmem>>, %arg4: memref<1x128xf32, #tpu.memory_space<vmem>>, %arg5: memref<1000x128xf32, #tpu.memory_space<vmem>>, %arg6: memref<1000x128xf32, #tpu.memory_space<vmem>>) attributes {dimension_semantics = [#tpu.dimension_semantics<arbitrary>], iteration_bounds = array<i64: 10>, scalar_prefetch = 0 : i64, scratch_operands = 0 : i64, tpu.core_type = #tpu.core_type<tc>, window_params = [{transform_indices = @transform_0, window_bounds = array<i64: 1000, 128>}, {pipeline_mode = #tpu.pipeline_mode<synchronous>, transform_indices = @transform_1, window_bounds = array<i64: 128, 128>}, {pipeline_mode = #tpu.pipeline_mode<synchronous>, transform_indices = @transform_2, window_bounds = array<i64: 128, 128>}, {pipeline_mode = #tpu.pipeline_mode<synchronous>, transform_indices = @transform_3, window_bounds = array<i64: 1, 128>}, {transform_indices = @transform_4, window_bounds = array<i64: 1000, 128>}, {transform_indices = @transform_5, window_bounds = array<i64: 1000, 128>}]} {
    %get3A = arith.constant 0 : index
    %get3A_0 = arith.constant 0 : index
    %get3A_1 = vector.load %arg1[%get3A, %get3A_0] : memref<1000x128xf32, #tpu.memory_space<vmem>>, vector<1000x128xf32>
    %get3A_2 = arith.constant 0 : index
    %get3A_3 = arith.constant 0 : index
    %get3A_4 = vector.load %arg2[%get3A_2, %get3A_3] : memref<128x128xf32, #tpu.memory_space<vmem>>, vector<128x128xf32>
    %dot_general3A = arith.constant dense<0.000000e+00> : vector<1000x128xf32>
    %dot_general3A_5 = tpu.matmul %get3A_1, %get3A_4, %dot_general3A {dimension_numbers = #tpu.dot_dimension_numbers<[1], [0], [0], [1], [0, 0, 1, 1], [], []>, transpose_lhs_hint = false} : vector<1000x128xf32>, vector<128x128xf32>, vector<1000x128xf32> -> vector<1000x128xf32>
    %swap3A = arith.constant 0 : index
    %swap3A_6 = arith.constant 0 : index
    %swap3A_7 = vector.load %arg5[%swap3A, %swap3A_6] : memref<1000x128xf32, #tpu.memory_space<vmem>>, vector<1000x128xf32>
    tpu.vector_store %arg5[%swap3A, %swap3A_6], %dot_general3A_5 {strides = array<i32>} : memref<1000x128xf32, #tpu.memory_space<vmem>>, vector<1000x128xf32>,
    %get3A_8 = arith.constant 0 : index
    %get3A_9 = arith.constant 0 : index
    %get3A_10 = vector.load %arg3[%get3A_8, %get3A_9] : memref<128x128xf32, #tpu.memory_space<vmem>>, vector<128x128xf32>
    %dot_general3A_11 = arith.constant dense<0.000000e+00> : vector<1000x128xf32>
    %dot_general3A_12 = tpu.matmul %get3A_1, %get3A_10, %dot_general3A_11 {dimension_numbers = #tpu.dot_dimension_numbers<[1], [0], [0], [1], [0, 0, 1, 1], [], []>, transpose_lhs_hint = false} : vector<1000x128xf32>, vector<128x128xf32>, vector<1000x128xf32> -> vector<1000x128xf32>
    %get3A_13 = arith.constant 0 : index
    %get3A_14 = arith.constant 0 : index
    %get3A_15 = vector.load %arg4[%get3A_13, %get3A_14] : memref<1x128xf32, #tpu.memory_space<vmem>>, vector<1x128xf32>
    %add3A = vector.broadcast %get3A_15 : vector<1x128xf32> to vector<1000x128xf32>
    %add3A_16 = arith.addf %dot_general3A_12, %add3A : vector<1000x128xf32>
    %swap3A_17 = arith.constant 0 : index
    %swap3A_18 = arith.constant 0 : index
    %swap3A_19 = vector.load %arg6[%swap3A_17, %swap3A_18] : memref<1000x128xf32, #tpu.memory_space<vmem>>, vector<1000x128xf32>
    tpu.vector_store %arg6[%swap3A_17, %swap3A_18], %add3A_16 {strides = array<i32>} : memref<1000x128xf32, #tpu.memory_space<vmem>>, vector<1000x128xf32>,
    return
  }
  func.func @transform_0(%arg0: i32) -> (i32, i32) {
    %c0_i32 = arith.constant 0 : i32
    %c0_i32_0 = arith.constant 0 : i32
    return %arg0, %c0_i32 : i32, i32
  }
  func.func @transform_1(%arg0: i32) -> (i32, i32) {
    %c0_i32 = arith.constant 0 : i32
    %c0_i32_0 = arith.constant 0 : i32
    %c0_i32_1 = arith.constant 0 : i32
    return %c0_i32, %c0_i32_0 : i32, i32
  }
  func.func @transform_2(%arg0: i32) -> (i32, i32) {
    %c0_i32 = arith.constant 0 : i32
    %c0_i32_0 = arith.constant 0 : i32
    %c0_i32_1 = arith.constant 0 : i32
    return %c0_i32, %c0_i32_0 : i32, i32
  }
  func.func @transform_3(%arg0: i32) -> (i32, i32) {
    %c0_i32 = arith.constant 0 : i32
    %c0_i32_0 = arith.constant 0 : i32
    %c0_i32_1 = arith.constant 0 : i32
    return %c0_i32, %c0_i32_0 : i32, i32
  }
  func.func @transform_4(%arg0: i32) -> (i32, i32) {
    %c0_i32 = arith.constant 0 : i32
    %c0_i32_0 = arith.constant 0 : i32
    return %arg0, %c0_i32 : i32, i32
  }
  func.func @transform_5(%arg0: i32) -> (i32, i32) {
    %c0_i32 = arith.constant 0 : i32
    %c0_i32_0 = arith.constant 0 : i32
    return %arg0, %c0_i32 : i32, i32
  }
}

module attributes {stable_mosaic.version = 14 : i64} {
  func.func @_mid_body(%arg0: i32, %arg1: memref<1000x128xf32, #tpu.memory_space<vmem>>, %arg2: memref<2x1000x128xf32, #tpu.memory_space<vmem>>, %arg3: memref<2x1000x128xf32, #tpu.memory_space<vmem>>, %arg4: memref<128x128xf32, #tpu.memory_space<vmem>>, %arg5: memref<128x128xf32, #tpu.memory_space<vmem>>, %arg6: memref<1x128xf32, #tpu.memory_space<vmem>>, %arg7: memref<1000x128xf32, #tpu.memory_space<vmem>>, %arg8: memref<1000x128xf32, #tpu.memory_space<vmem>>) attributes {dimension_semantics = [#tpu.dimension_semantics<arbitrary>], iteration_bounds = array<i64: 10>, scalar_prefetch = 0 : i64, scratch_operands = 0 : i64, tpu.core_type = #tpu.core_type<tc>, window_params = [{transform_indices = @transform_0, window_bounds = array<i64: 1000, 128>}, {transform_indices = @transform_1, window_bounds = array<i64: 2, 1000, 128>}, {transform_indices = @transform_2, window_bounds = array<i64: 2, 1000, 128>}, {pipeline_mode = #tpu.pipeline_mode<synchronous>, transform_indices = @transform_3, window_bounds = array<i64: 128, 128>}, {pipeline_mode = #tpu.pipeline_mode<synchronous>, transform_indices = @transform_4, window_bounds = array<i64: 128, 128>}, {pipeline_mode = #tpu.pipeline_mode<synchronous>, transform_indices = @transform_5, window_bounds = array<i64: 1, 128>}, {transform_indices = @transform_6, window_bounds = array<i64: 1000, 128>}, {transform_indices = @transform_7, window_bounds = array<i64: 1000, 128>}]} {
    %get3A = arith.constant 0 : index
    %get3A_0 = arith.constant 0 : index
    %get3A_1 = arith.constant 0 : index
    %get3A_2 = vector.load %arg2[%get3A, %get3A_0, %get3A_1] : memref<2x1000x128xf32, #tpu.memory_space<vmem>>, vector<1x1000x128xf32>
    %get3A_3 = vector.shape_cast %get3A_2 : vector<1x1000x128xf32> to vector<1000x128xf32>
    %get3A_4 = arith.constant 1 : index
    %get3A_5 = arith.constant 0 : index
    %get3A_6 = arith.constant 0 : index
    %get3A_7 = vector.load %arg2[%get3A_4, %get3A_5, %get3A_6] : memref<2x1000x128xf32, #tpu.memory_space<vmem>>, vector<1x1000x128xf32>
    %get3A_8 = vector.shape_cast %get3A_7 : vector<1x1000x128xf32> to vector<1000x128xf32>
    %add3A = arith.addf %get3A_3, %get3A_8 : vector<1000x128xf32>
    %get3A_9 = arith.constant 0 : index
    %get3A_10 = arith.constant 0 : index
    %get3A_11 = arith.constant 0 : index
    %get3A_12 = vector.load %arg3[%get3A_9, %get3A_10, %get3A_11] : memref<2x1000x128xf32, #tpu.memory_space<vmem>>, vector<1x1000x1xf32>
    %get3A_13 = vector.shape_cast %get3A_12 : vector<1x1000x1xf32> to vector<1000x1xf32>
    %get3A_14 = arith.constant 1 : index
    %get3A_15 = arith.constant 0 : index
    %get3A_16 = arith.constant 0 : index
    %get3A_17 = vector.load %arg3[%get3A_14, %get3A_15, %get3A_16] : memref<2x1000x128xf32, #tpu.memory_space<vmem>>, vector<1x1000x1xf32>
    %get3A_18 = vector.shape_cast %get3A_17 : vector<1x1000x1xf32> to vector<1000x1xf32>
    %add3A_19 = arith.addf %get3A_13, %get3A_18 : vector<1000x1xf32>
    %max3A = arith.constant 1.000000e+00 : f32
    %max3A_20 = vector.broadcast %max3A : f32 to vector<1000x1xf32>
    %max3A_21 = arith.maximumf %add3A_19, %max3A_20 : vector<1000x1xf32>
    %div3A = arith.constant 1.000000e+00 : f32
    %div3A_22 = vector.broadcast %div3A : f32 to vector<1000x1xf32>
    %div3A_23 = arith.divf %div3A_22, %max3A_21 : vector<1000x1xf32>
    %get3A_24 = arith.constant 0 : index
    %get3A_25 = arith.constant 0 : index
    %get3A_26 = vector.load %arg1[%get3A_24, %get3A_25] : memref<1000x128xf32, #tpu.memory_space<vmem>>, vector<1000x128xf32>
    %mul3A = vector.broadcast %div3A_23 : vector<1000x1xf32> to vector<1000x128xf32>
    %mul3A_27 = arith.mulf %add3A, %mul3A : vector<1000x128xf32>
    %add3A_28 = arith.addf %get3A_26, %mul3A_27 : vector<1000x128xf32>
    %max3A_29 = arith.constant 0.000000e+00 : f32
    %max3A_30 = vector.broadcast %max3A_29 : f32 to vector<1000x128xf32>
    %max3A_31 = arith.maximumf %add3A_28, %max3A_30 : vector<1000x128xf32>
    %get3A_32 = arith.constant 0 : index
    %get3A_33 = arith.constant 0 : index
    %get3A_34 = vector.load %arg4[%get3A_32, %get3A_33] : memref<128x128xf32, #tpu.memory_space<vmem>>, vector<128x128xf32>
    %dot_general3A = arith.constant dense<0.000000e+00> : vector<1000x128xf32>
    %dot_general3A_35 = tpu.matmul %max3A_31, %get3A_34, %dot_general3A {dimension_numbers = #tpu.dot_dimension_numbers<[1], [0], [0], [1], [0, 0, 1, 1], [], []>, transpose_lhs_hint = false} : vector<1000x128xf32>, vector<128x128xf32>, vector<1000x128xf32> -> vector<1000x128xf32>
    %swap3A = arith.constant 0 : index
    %swap3A_36 = arith.constant 0 : index
    %swap3A_37 = vector.load %arg7[%swap3A, %swap3A_36] : memref<1000x128xf32, #tpu.memory_space<vmem>>, vector<1000x128xf32>
    tpu.vector_store %arg7[%swap3A, %swap3A_36], %dot_general3A_35 {strides = array<i32>} : memref<1000x128xf32, #tpu.memory_space<vmem>>, vector<1000x128xf32>,
    %get3A_38 = arith.constant 0 : index
    %get3A_39 = arith.constant 0 : index
    %get3A_40 = vector.load %arg5[%get3A_38, %get3A_39] : memref<128x128xf32, #tpu.memory_space<vmem>>, vector<128x128xf32>
    %dot_general3A_41 = arith.constant dense<0.000000e+00> : vector<1000x128xf32>
    %dot_general3A_42 = tpu.matmul %max3A_31, %get3A_40, %dot_general3A_41 {dimension_numbers = #tpu.dot_dimension_numbers<[1], [0], [0], [1], [0, 0, 1, 1], [], []>, transpose_lhs_hint = false} : vector<1000x128xf32>, vector<128x128xf32>, vector<1000x128xf32> -> vector<1000x128xf32>
    %get3A_43 = arith.constant 0 : index
    %get3A_44 = arith.constant 0 : index
    %get3A_45 = vector.load %arg6[%get3A_43, %get3A_44] : memref<1x128xf32, #tpu.memory_space<vmem>>, vector<1x128xf32>
    %add3A_46 = vector.broadcast %get3A_45 : vector<1x128xf32> to vector<1000x128xf32>
    %add3A_47 = arith.addf %dot_general3A_42, %add3A_46 : vector<1000x128xf32>
    %swap3A_48 = arith.constant 0 : index
    %swap3A_49 = arith.constant 0 : index
    %swap3A_50 = vector.load %arg8[%swap3A_48, %swap3A_49] : memref<1000x128xf32, #tpu.memory_space<vmem>>, vector<1000x128xf32>
    tpu.vector_store %arg8[%swap3A_48, %swap3A_49], %add3A_47 {strides = array<i32>} : memref<1000x128xf32, #tpu.memory_space<vmem>>, vector<1000x128xf32>,
    return
  }
  func.func @transform_0(%arg0: i32) -> (i32, i32) {
    %c0_i32 = arith.constant 0 : i32
    %c0_i32_0 = arith.constant 0 : i32
    return %arg0, %c0_i32 : i32, i32
  }
  func.func @transform_1(%arg0: i32) -> (i32, i32, i32) {
    %c0_i32 = arith.constant 0 : i32
    %c0_i32_0 = arith.constant 0 : i32
    %c0_i32_1 = arith.constant 0 : i32
    return %c0_i32, %arg0, %c0_i32_0 : i32, i32, i32
  }
  func.func @transform_2(%arg0: i32) -> (i32, i32, i32) {
    %c0_i32 = arith.constant 0 : i32
    %c0_i32_0 = arith.constant 0 : i32
    %c0_i32_1 = arith.constant 0 : i32
    return %c0_i32, %arg0, %c0_i32_0 : i32, i32, i32
  }
  func.func @transform_3(%arg0: i32) -> (i32, i32) {
    %c0_i32 = arith.constant 0 : i32
    %c0_i32_0 = arith.constant 0 : i32
    %c0_i32_1 = arith.constant 0 : i32
    return %c0_i32, %c0_i32_0 : i32, i32
  }
  func.func @transform_4(%arg0: i32) -> (i32, i32) {
    %c0_i32 = arith.constant 0 : i32
    %c0_i32_0 = arith.constant 0 : i32
    %c0_i32_1 = arith.constant 0 : i32
    return %c0_i32, %c0_i32_0 : i32, i32
  }
  func.func @transform_5(%arg0: i32) -> (i32, i32) {
    %c0_i32 = arith.constant 0 : i32
    %c0_i32_0 = arith.constant 0 : i32
    %c0_i32_1 = arith.constant 0 : i32
    return %c0_i32, %c0_i32_0 : i32, i32
  }
  func.func @transform_6(%arg0: i32) -> (i32, i32) {
    %c0_i32 = arith.constant 0 : i32
    %c0_i32_0 = arith.constant 0 : i32
    return %arg0, %c0_i32 : i32, i32
  }
  func.func @transform_7(%arg0: i32) -> (i32, i32) {
    %c0_i32 = arith.constant 0 : i32
    %c0_i32_0 = arith.constant 0 : i32
    return %arg0, %c0_i32 : i32, i32
  }
}

module attributes {stable_mosaic.version = 14 : i64} {
  func.func @_fin_body(%arg0: i32, %arg1: memref<1000x128xf32, #tpu.memory_space<vmem>>, %arg2: memref<2x1000x128xf32, #tpu.memory_space<vmem>>, %arg3: memref<2x1000x128xf32, #tpu.memory_space<vmem>>, %arg4: memref<1000x128xf32, #tpu.memory_space<vmem>>) attributes {dimension_semantics = [#tpu.dimension_semantics<arbitrary>], iteration_bounds = array<i64: 10>, scalar_prefetch = 0 : i64, scratch_operands = 0 : i64, tpu.core_type = #tpu.core_type<tc>, window_params = [{transform_indices = @transform_0, window_bounds = array<i64: 1000, 128>}, {transform_indices = @transform_1, window_bounds = array<i64: 2, 1000, 128>}, {transform_indices = @transform_2, window_bounds = array<i64: 2, 1000, 128>}, {transform_indices = @transform_3, window_bounds = array<i64: 1000, 128>}]} {
    %get3A = arith.constant 0 : index
    %get3A_0 = arith.constant 0 : index
    %get3A_1 = arith.constant 0 : index
    %get3A_2 = vector.load %arg2[%get3A, %get3A_0, %get3A_1] : memref<2x1000x128xf32, #tpu.memory_space<vmem>>, vector<1x1000x128xf32>
    %get3A_3 = vector.shape_cast %get3A_2 : vector<1x1000x128xf32> to vector<1000x128xf32>
    %get3A_4 = arith.constant 1 : index
    %get3A_5 = arith.constant 0 : index
    %get3A_6 = arith.constant 0 : index
    %get3A_7 = vector.load %arg2[%get3A_4, %get3A_5, %get3A_6] : memref<2x1000x128xf32, #tpu.memory_space<vmem>>, vector<1x1000x128xf32>
    %get3A_8 = vector.shape_cast %get3A_7 : vector<1x1000x128xf32> to vector<1000x128xf32>
    %add3A = arith.addf %get3A_3, %get3A_8 : vector<1000x128xf32>
    %get3A_9 = arith.constant 0 : index
    %get3A_10 = arith.constant 0 : index
    %get3A_11 = arith.constant 0 : index
    %get3A_12 = vector.load %arg3[%get3A_9, %get3A_10, %get3A_11] : memref<2x1000x128xf32, #tpu.memory_space<vmem>>, vector<1x1000x1xf32>
    %get3A_13 = vector.shape_cast %get3A_12 : vector<1x1000x1xf32> to vector<1000x1xf32>
    %get3A_14 = arith.constant 1 : index
    %get3A_15 = arith.constant 0 : index
    %get3A_16 = arith.constant 0 : index
    %get3A_17 = vector.load %arg3[%get3A_14, %get3A_15, %get3A_16] : memref<2x1000x128xf32, #tpu.memory_space<vmem>>, vector<1x1000x1xf32>
    %get3A_18 = vector.shape_cast %get3A_17 : vector<1x1000x1xf32> to vector<1000x1xf32>
    %add3A_19 = arith.addf %get3A_13, %get3A_18 : vector<1000x1xf32>
    %max3A = arith.constant 1.000000e+00 : f32
    %max3A_20 = vector.broadcast %max3A : f32 to vector<1000x1xf32>
    %max3A_21 = arith.maximumf %add3A_19, %max3A_20 : vector<1000x1xf32>
    %div3A = arith.constant 1.000000e+00 : f32
    %div3A_22 = vector.broadcast %div3A : f32 to vector<1000x1xf32>
    %div3A_23 = arith.divf %div3A_22, %max3A_21 : vector<1000x1xf32>
    %get3A_24 = arith.constant 0 : index
    %get3A_25 = arith.constant 0 : index
    %get3A_26 = vector.load %arg1[%get3A_24, %get3A_25] : memref<1000x128xf32, #tpu.memory_space<vmem>>, vector<1000x128xf32>
    %mul3A = vector.broadcast %div3A_23 : vector<1000x1xf32> to vector<1000x128xf32>
    %mul3A_27 = arith.mulf %add3A, %mul3A : vector<1000x128xf32>
    %add3A_28 = arith.addf %get3A_26, %mul3A_27 : vector<1000x128xf32>
    %max3A_29 = arith.constant 0.000000e+00 : f32
    %max3A_30 = vector.broadcast %max3A_29 : f32 to vector<1000x128xf32>
    %max3A_31 = arith.maximumf %add3A_28, %max3A_30 : vector<1000x128xf32>
    %swap3A = arith.constant 0 : index
    %swap3A_32 = arith.constant 0 : index
    %swap3A_33 = vector.load %arg4[%swap3A, %swap3A_32] : memref<1000x128xf32, #tpu.memory_space<vmem>>, vector<1000x128xf32>
    tpu.vector_store %arg4[%swap3A, %swap3A_32], %max3A_31 {strides = array<i32>} : memref<1000x128xf32, #tpu.memory_space<vmem>>, vector<1000x128xf32>,
    return
  }
  func.func @transform_0(%arg0: i32) -> (i32, i32) {
    %c0_i32 = arith.constant 0 : i32
    %c0_i32_0 = arith.constant 0 : i32
    return %arg0, %c0_i32 : i32, i32
  }
  func.func @transform_1(%arg0: i32) -> (i32, i32, i32) {
    %c0_i32 = arith.constant 0 : i32
    %c0_i32_0 = arith.constant 0 : i32
    %c0_i32_1 = arith.constant 0 : i32
    return %c0_i32, %arg0, %c0_i32_0 : i32, i32, i32
  }
  func.func @transform_2(%arg0: i32) -> (i32, i32, i32) {
    %c0_i32 = arith.constant 0 : i32
    %c0_i32_0 = arith.constant 0 : i32
    %c0_i32_1 = arith.constant 0 : i32
    return %c0_i32, %arg0, %c0_i32_0 : i32, i32, i32
  }
  func.func @transform_3(%arg0: i32) -> (i32, i32) {
    %c0_i32 = arith.constant 0 : i32
    %c0_i32_0 = arith.constant 0 : i32
    return %arg0, %c0_i32 : i32, i32
  }
}

module attributes {stable_mosaic.version = 14 : i64} {
  func.func @_mlp_body(%arg0: i32, %arg1: memref<1024x128xf32, #tpu.memory_space<vmem>>, %arg2: memref<1024x128xf32, #tpu.memory_space<vmem>>, %arg3: memref<128x128xf32, #tpu.memory_space<vmem>>, %arg4: memref<128x128xf32, #tpu.memory_space<vmem>>, %arg5: memref<1x128xf32, #tpu.memory_space<vmem>>, %arg6: memref<128x64xf32, #tpu.memory_space<vmem>>, %arg7: memref<1x64xf32, #tpu.memory_space<vmem>>, %arg8: memref<1x64xf32, #tpu.memory_space<vmem>>, %arg9: memref<1x1xf32, #tpu.memory_space<vmem>>, %arg10: memref<1024x1xf32, #tpu.memory_space<vmem>>) attributes {dimension_semantics = [#tpu.dimension_semantics<arbitrary>], iteration_bounds = array<i64: 10>, scalar_prefetch = 0 : i64, scratch_operands = 0 : i64, tpu.core_type = #tpu.core_type<tc>, window_params = [{transform_indices = @transform_0, window_bounds = array<i64: 1024, 128>}, {transform_indices = @transform_1, window_bounds = array<i64: 1024, 128>}, {pipeline_mode = #tpu.pipeline_mode<synchronous>, transform_indices = @transform_2, window_bounds = array<i64: 128, 128>}, {pipeline_mode = #tpu.pipeline_mode<synchronous>, transform_indices = @transform_3, window_bounds = array<i64: 128, 128>}, {pipeline_mode = #tpu.pipeline_mode<synchronous>, transform_indices = @transform_4, window_bounds = array<i64: 1, 128>}, {pipeline_mode = #tpu.pipeline_mode<synchronous>, transform_indices = @transform_5, window_bounds = array<i64: 128, 64>}, {pipeline_mode = #tpu.pipeline_mode<synchronous>, transform_indices = @transform_6, window_bounds = array<i64: 1, 64>}, {pipeline_mode = #tpu.pipeline_mode<synchronous>, transform_indices = @transform_7, window_bounds = array<i64: 1, 64>}, {pipeline_mode = #tpu.pipeline_mode<synchronous>, transform_indices = @transform_8, window_bounds = array<i64: 1, 1>}, {transform_indices = @transform_9, window_bounds = array<i64: 1024, 1>}]} {
    %get3A = arith.constant 0 : index
    %get3A_0 = arith.constant 0 : index
    %get3A_1 = vector.load %arg1[%get3A, %get3A_0] : memref<1024x128xf32, #tpu.memory_space<vmem>>, vector<1024x128xf32>
    %get3A_2 = arith.constant 0 : index
    %get3A_3 = arith.constant 0 : index
    %get3A_4 = vector.load %arg3[%get3A_2, %get3A_3] : memref<128x128xf32, #tpu.memory_space<vmem>>, vector<128x128xf32>
    %dot_general3A = arith.constant dense<0.000000e+00> : vector<1024x128xf32>
    %dot_general3A_5 = tpu.matmul %get3A_1, %get3A_4, %dot_general3A {dimension_numbers = #tpu.dot_dimension_numbers<[1], [0], [0], [1], [0, 0, 1, 1], [], []>, transpose_lhs_hint = false} : vector<1024x128xf32>, vector<128x128xf32>, vector<1024x128xf32> -> vector<1024x128xf32>
    %get3A_6 = arith.constant 0 : index
    %get3A_7 = arith.constant 0 : index
    %get3A_8 = vector.load %arg2[%get3A_6, %get3A_7] : memref<1024x128xf32, #tpu.memory_space<vmem>>, vector<1024x128xf32>
    %get3A_9 = arith.constant 0 : index
    %get3A_10 = arith.constant 0 : index
    %get3A_11 = vector.load %arg4[%get3A_9, %get3A_10] : memref<128x128xf32, #tpu.memory_space<vmem>>, vector<128x128xf32>
    %dot_general3A_12 = arith.constant dense<0.000000e+00> : vector<1024x128xf32>
    %dot_general3A_13 = tpu.matmul %get3A_8, %get3A_11, %dot_general3A_12 {dimension_numbers = #tpu.dot_dimension_numbers<[1], [0], [0], [1], [0, 0, 1, 1], [], []>, transpose_lhs_hint = false} : vector<1024x128xf32>, vector<128x128xf32>, vector<1024x128xf32> -> vector<1024x128xf32>
    %add3A = arith.addf %dot_general3A_5, %dot_general3A_13 : vector<1024x128xf32>
    %get3A_14 = arith.constant 0 : index
    %get3A_15 = arith.constant 0 : index
    %get3A_16 = vector.load %arg5[%get3A_14, %get3A_15] : memref<1x128xf32, #tpu.memory_space<vmem>>, vector<1x128xf32>
    %add3A_17 = vector.broadcast %get3A_16 : vector<1x128xf32> to vector<1024x128xf32>
    %add3A_18 = arith.addf %add3A, %add3A_17 : vector<1024x128xf32>
    %max3A = arith.constant 0.000000e+00 : f32
    %max3A_19 = vector.broadcast %max3A : f32 to vector<1024x128xf32>
    %max3A_20 = arith.maximumf %add3A_18, %max3A_19 : vector<1024x128xf32>
    %get3A_21 = arith.constant 0 : index
    %get3A_22 = arith.constant 0 : index
    %get3A_23 = vector.load %arg6[%get3A_21, %get3A_22] : memref<128x64xf32, #tpu.memory_space<vmem>>, vector<128x64xf32>
    %dot_general3A_24 = arith.constant dense<0.000000e+00> : vector<1024x64xf32>
    %dot_general3A_25 = tpu.matmul %max3A_20, %get3A_23, %dot_general3A_24 {dimension_numbers = #tpu.dot_dimension_numbers<[1], [0], [0], [1], [0, 0, 1, 1], [], []>, transpose_lhs_hint = false} : vector<1024x128xf32>, vector<128x64xf32>, vector<1024x64xf32> -> vector<1024x64xf32>
    %get3A_26 = arith.constant 0 : index
    %get3A_27 = arith.constant 0 : index
    %get3A_28 = vector.load %arg7[%get3A_26, %get3A_27] : memref<1x64xf32, #tpu.memory_space<vmem>>, vector<1x64xf32>
    %add3A_29 = vector.broadcast %get3A_28 : vector<1x64xf32> to vector<1024x64xf32>
    %add3A_30 = arith.addf %dot_general3A_25, %add3A_29 : vector<1024x64xf32>
    %max3A_31 = arith.constant 0.000000e+00 : f32
    %max3A_32 = vector.broadcast %max3A_31 : f32 to vector<1024x64xf32>
    %max3A_33 = arith.maximumf %add3A_30, %max3A_32 : vector<1024x64xf32>
    %get3A_34 = arith.constant 0 : index
    %get3A_35 = arith.constant 0 : index
    %get3A_36 = vector.load %arg8[%get3A_34, %get3A_35] : memref<1x64xf32, #tpu.memory_space<vmem>>, vector<1x64xf32>
    %mul3A = vector.broadcast %get3A_36 : vector<1x64xf32> to vector<1024x64xf32>
    %mul3A_37 = arith.mulf %max3A_33, %mul3A : vector<1024x64xf32>
    %reduce_sum3A = arith.constant dense<0.000000e+00> : vector<1024xf32>
    %reduce_sum3A_38 = vector.multi_reduction <add>, %mul3A_37, %reduce_sum3A [1] : vector<1024x64xf32> to vector<1024xf32>
    %broadcast_in_dim3A = vector.shape_cast %reduce_sum3A_38 : vector<1024xf32> to vector<1024x1xf32>
    %get3A_39 = arith.constant 0 : index
    %get3A_40 = arith.constant 0 : index
    %get3A_41 = vector.load %arg9[%get3A_39, %get3A_40] : memref<1x1xf32, #tpu.memory_space<vmem>>, vector<1x1xf32>
    %add3A_42 = vector.broadcast %get3A_41 : vector<1x1xf32> to vector<1024x1xf32>
    %add3A_43 = arith.addf %broadcast_in_dim3A, %add3A_42 : vector<1024x1xf32>
    %neg3A = arith.constant 0.000000e+00 : f32
    %neg3A_44 = vector.broadcast %neg3A : f32 to vector<1024x1xf32>
    %neg3A_45 = arith.subf %neg3A_44, %add3A_43 : vector<1024x1xf32>
    %exp3A = math.exp %neg3A_45 : vector<1024x1xf32>
    %add3A_46 = arith.constant 1.000000e+00 : f32
    %add3A_47 = vector.broadcast %add3A_46 : f32 to vector<1024x1xf32>
    %add3A_48 = arith.addf %add3A_47, %exp3A : vector<1024x1xf32>
    %div3A = arith.constant 1.000000e+00 : f32
    %div3A_49 = vector.broadcast %div3A : f32 to vector<1024x1xf32>
    %div3A_50 = arith.divf %div3A_49, %add3A_48 : vector<1024x1xf32>
    %swap3A = arith.constant 0 : index
    %swap3A_51 = arith.constant 0 : index
    %swap3A_52 = vector.load %arg10[%swap3A, %swap3A_51] : memref<1024x1xf32, #tpu.memory_space<vmem>>, vector<1024x1xf32>
    tpu.vector_store %arg10[%swap3A, %swap3A_51], %div3A_50 {strides = array<i32>} : memref<1024x1xf32, #tpu.memory_space<vmem>>, vector<1024x1xf32>,
    return
  }
  func.func @transform_0(%arg0: i32) -> (i32, i32) {
    %c0_i32 = arith.constant 0 : i32
    %c0_i32_0 = arith.constant 0 : i32
    return %arg0, %c0_i32 : i32, i32
  }
  func.func @transform_1(%arg0: i32) -> (i32, i32) {
    %c0_i32 = arith.constant 0 : i32
    %c0_i32_0 = arith.constant 0 : i32
    return %arg0, %c0_i32 : i32, i32
  }
  func.func @transform_2(%arg0: i32) -> (i32, i32) {
    %c0_i32 = arith.constant 0 : i32
    %c0_i32_0 = arith.constant 0 : i32
    %c0_i32_1 = arith.constant 0 : i32
    return %c0_i32, %c0_i32_0 : i32, i32
  }
  func.func @transform_3(%arg0: i32) -> (i32, i32) {
    %c0_i32 = arith.constant 0 : i32
    %c0_i32_0 = arith.constant 0 : i32
    %c0_i32_1 = arith.constant 0 : i32
    return %c0_i32, %c0_i32_0 : i32, i32
  }
  func.func @transform_4(%arg0: i32) -> (i32, i32) {
    %c0_i32 = arith.constant 0 : i32
    %c0_i32_0 = arith.constant 0 : i32
    %c0_i32_1 = arith.constant 0 : i32
    return %c0_i32, %c0_i32_0 : i32, i32
  }
  func.func @transform_5(%arg0: i32) -> (i32, i32) {
    %c0_i32 = arith.constant 0 : i32
    %c0_i32_0 = arith.constant 0 : i32
    %c0_i32_1 = arith.constant 0 : i32
    return %c0_i32, %c0_i32_0 : i32, i32
  }
  func.func @transform_6(%arg0: i32) -> (i32, i32) {
    %c0_i32 = arith.constant 0 : i32
    %c0_i32_0 = arith.constant 0 : i32
    %c0_i32_1 = arith.constant 0 : i32
    return %c0_i32, %c0_i32_0 : i32, i32
  }
  func.func @transform_7(%arg0: i32) -> (i32, i32) {
    %c0_i32 = arith.constant 0 : i32
    %c0_i32_0 = arith.constant 0 : i32
    %c0_i32_1 = arith.constant 0 : i32
    return %c0_i32, %c0_i32_0 : i32, i32
  }
  func.func @transform_8(%arg0: i32) -> (i32, i32) {
    %c0_i32 = arith.constant 0 : i32
    %c0_i32_0 = arith.constant 0 : i32
    %c0_i32_1 = arith.constant 0 : i32
    return %c0_i32, %c0_i32_0 : i32, i32
  }
  func.func @transform_9(%arg0: i32) -> (i32, i32) {
    %c0_i32 = arith.constant 0 : i32
    %c0_i32_0 = arith.constant 0 : i32
    return %arg0, %c0_i32 : i32, i32
  }
}

</mosaic_0001>

<sc_bundles>
// kernel: kernel.12.cloned.1.call-start
scs
__scs_entry_jumppad:
0x0: {  	(pc) =	sbr.rel $0x88, $3  }
0x1: {  	(tag) =	ssettag $0x0;
	lr =	simm.s32 $0x1  }
0x2: {  	[smem:$0x3F92] =	sst lr;
	_ =	strace $0xD0000000  }
0x3: {  	_ = 	snop  }
0x4: {  	_ = 	snop  }
0x5: {  	_ = 	snop  }
0x6: {  	_ = 	snop  }
0x7: {  	_ = 	snop  }
__scs_overlays_trampoline_lowered:
0x8: {  	[smem:$0x3FA1] =	sst s0  }
0x9: {  	[smem:$0x3FA2] =	sst s1  }
0xa: {  	[smem:$0x3FA3] =	sst s2  }
0xb: {  	[smem:$0x3FA4] =	sst s3  }
0xc: {  	[smem:$0x3FA5] =	sst s4  }
0xd: {  	[smem:$0x3FA6] =	sst s5  }
0xe: {  	[smem:$0x3FA7] =	sst s6  }
0xf: {  	[smem:$0x3FA8] =	sst s7  }
0x10: {  	[smem:$0x3FA9] =	sst s8  }
0x11: {  	[smem:$0x3FAA] =	sst s9;
	s0 =	simm.s32 @!p0 $0x0  }
0x12: {  	s1 =	sld [smem:$0x3F90];
	s0 =	simm.s32 @p0 $0x1  }
0x13: {  	[smem:$0x3FAB] =	sst s0;
	s0 =	simm.s32 @!p1 $0x0  }
0x14: {  	s2 =	sld [smem:$0x3F8F];
	s0 =	simm.s32 @p1 $0x1  }
0x15: {  	[smem:$0x3FAC] =	sst s0;
	s0 =	simm.s32 @!p2 $0x0  }
0x16: {  	s3 =	sld [smem:$0x3FDB];
	s0 =	simm.s32 @p2 $0x1  }
0x17: {  	s4 =	simm.s32 $0x1BF5;
	[smem:$0x3FAE] =	sst s0  }
0x18: {  	s0 =	sld [smem:$0x3F91];
	_ =	swait.ge [sflag:s4], $0x0  }
0x19: {  	s7 =	sld [smem:$0x3F92]  }
0x1a: {  	s8 =	sadd.s32 $0xFFFFE003, lr  }
0x1b: {  	s9 =	sadd.s32 $0xFFFFFEF7, lr;
	s5 =	simm.s32 $0xFFFFFFFF;
	p2 =	slt.u32 s8, $0xFFFFF086  }
0x1c: {  	p1 =	slt.u32 s9, $0xF7A;
	s5 =	simm.s32 @!p2 $0x0  }
0x1d: {  	s5 =	simm.s32 @p1 $0x1;
	p0 =	seq.s32 s7, s2  }
0x1e: {  	s7 =	smul.u32 @!p0 $0xF7A, s2;
	p2 =	seq.s32 @!p0 s5, $0x0  }
0x1f: {  	s9 =	smul.u32 $0xF7A, s1;
	s8 =	simm.s32 @!p0 $0x1BF5;
	p2 =	por !p2, p0  }
0x20: {  	[sflag:s8] =	ssyncset.s32 @!p0 $0xFFFFF086;
	s6 =	sadd.s32 @!p0 s3, s7;
	s7 =	simm.s32 @!p0 $0x108  }
0x21: {  	s3 =	sadd.s32 s3, s9;
	s6 =	sadd.s32 @!p0 $0x88, s6;
	s7 =	simm.s32 @p2 $0x1082  }
0x22: {  	[simem:s7], [sflag:s8] =	dma.local @!p0 [hbm:s6], $0xF7A  }
0x23: {  	s9 =	sor.u32 $0xD0000000, s2;
	s6 =	simm.s32 $0x108;
	_ =	swait.ge @!p0 [sflag:s8], $0x0  }
0x24: {  	s3 =	sadd.s32 $0x88, s3;
	s6 =	simm.s32 @!p1 $0x1082;
	[sflag:s4] =	ssyncset.s32 $0xFFFFF086  }
0x25: {  	[simem:s6], [sflag:s4] =	dma.local [hbm:s3], $0xF7A  }
0x26: {  	[smem:$0x3F92] =	sst s1;
	(tag) =	ssettag s2;
	_ =	strace s9  }
0x27: {  	s1 =	sld [smem:$0x3FA2]  }
0x28: {  	s2 =	sld [smem:$0x3FA3]  }
0x29: {  	s4 =	sld [smem:$0x3FA5]  }
0x2a: {  	p0 =	seq.s32 s5, $0x0;
	s5 =	sld [smem:$0x3FA6]  }
0x2b: {  	s6 =	sld [smem:$0x3FA7]  }
0x2c: {  	s7 =	sld [smem:$0x3FA8]  }
0x2d: {  	s3 =	simm.s32 $0x108;
	s8 =	sld [smem:$0x3FA9]  }
0x2e: {  	s3 =	simm.s32 @!p0 $0x1082;
	s9 =	sld [smem:$0x3FAA]  }
0x2f: {  	lr =	sadd.s32 s0, s3;
	s0 =	sld [smem:$0x3FA1]  }
0x30: {  	s3 =	sld [smem:$0x3FA4]  }
0x31: {  	[smem:$0x3FAD] =	sst s10  }
0x32: {  	s10 =	sld [smem:$0x3FAB];
	_ =	sdelay $0x3  }
0x33: {  	p0 =	seq.s32 s10, $0x1;
	s10 =	sld [smem:$0x3FAD];
	_ =	sdelay $0x3  }
0x34: {  	[smem:$0x3FAD] =	sst s10  }
0x35: {  	s10 =	sld [smem:$0x3FAC];
	_ =	sdelay $0x3  }
0x36: {  	p1 =	seq.s32 s10, $0x1;
	s10 =	sld [smem:$0x3FAD];
	_ =	sdelay $0x3  }
0x37: {  	[smem:$0x3FAD] =	sst s10  }
0x38: {  	s10 =	sld [smem:$0x3FAE]  }
0x39: {  	_ = 	snop;
	(pc) =	sbr.ind lr, $3  }
0x3a: {  	_ = 	snop  }
0x3b: {  	_ = 	snop  }
0x3c: {  	p2 =	seq.s32 s10, $0x1;
	s10 =	sld [smem:$0x3FAD]  }
0x3d: {  	_ =	shalt  }
0x3e: {  	_ =	shalt  }
0x3f: {  	_ =	shalt  }
0x40: {  	_ =	shalt  }
0x41: {  	_ =	shalt  }
0x42: {  	_ =	shalt  }
0x43: {  	_ =	shalt  }
0x44: {  	_ =	shalt  }
0x45: {  	_ =	shalt  }
0x46: {  	_ =	shalt  }
0x47: {  	_ =	shalt  }
0x48: {  	_ =	shalt  }
0x49: {  	_ =	shalt  }
0x4a: {  	_ =	shalt  }
0x4b: {  	_ =	shalt  }
0x4c: {  	_ =	shalt  }
0x4d: {  	_ =	shalt  }
0x4e: {  	_ =	shalt  }
0x4f: {  	_ =	shalt  }
0x50: {  	_ =	shalt  }
0x51: {  	_ =	shalt  }
0x52: {  	_ =	shalt  }
0x53: {  	_ =	shalt  }
0x54: {  	_ =	shalt  }
0x55: {  	_ =	shalt  }
0x56: {  	_ =	shalt  }
0x57: {  	_ =	shalt  }
0x58: {  	_ =	shalt  }
0x59: {  	_ =	shalt  }
0x5a: {  	_ =	shalt  }
0x5b: {  	_ =	shalt  }
0x5c: {  	_ =	shalt  }
0x5d: {  	_ =	shalt  }
0x5e: {  	_ =	shalt  }
0x5f: {  	_ =	shalt  }
0x60: {  	_ =	shalt  }
0x61: {  	_ =	shalt  }
0x62: {  	_ =	shalt  }
0x63: {  	_ =	shalt  }
0x64: {  	_ =	shalt  }
0x65: {  	_ =	shalt  }
0x66: {  	_ =	shalt  }
0x67: {  	_ =	shalt  }
0x68: {  	_ =	shalt  }
0x69: {  	_ =	shalt  }
0x6a: {  	_ =	shalt  }
0x6b: {  	_ =	shalt  }
0x6c: {  	_ =	shalt  }
0x6d: {  	_ =	shalt  }
0x6e: {  	_ =	shalt  }
0x6f: {  	_ =	shalt  }
0x70: {  	_ =	shalt  }
0x71: {  	_ =	shalt  }
0x72: {  	_ =	shalt  }
0x73: {  	_ =	shalt  }
0x74: {  	_ =	shalt  }
0x75: {  	_ =	shalt  }
0x76: {  	_ =	shalt  }
0x77: {  	_ =	shalt  }
0x78: {  	_ =	shalt  }
0x79: {  	_ =	shalt  }
0x7a: {  	_ =	shalt  }
0x7b: {  	_ =	shalt  }
0x7c: {  	_ =	shalt  }
0x7d: {  	_ =	shalt  }
0x7e: {  	_ =	shalt  }
0x7f: {  	_ =	shalt  }
0x80: {  	_ =	shalt  }
0x81: {  	_ =	shalt  }
0x82: {  	_ =	shalt  }
0x83: {  	_ =	shalt  }
0x84: {  	_ =	shalt  }
0x85: {  	_ =	shalt  }
0x86: {  	_ =	shalt  }
0x87: {  	_ =	shalt  }
.Lfunc_end0:
.L_simem_size_0:
called_computation.1_lowered:
.L_overlay_start_0:
0x88: {  	s2 =	sld [smem:$0x3FD9]  }
0x89: {  	s3 =	sld [smem:$0x3FFE];
	_ =	sdelay $0x1  }
0x8a: {  	s1 =	srdreg.scid  }
0x8b: {  	s0 =	sand.u32 $0x1, s1  }
0x8c: {  	s16 =	sshll.u32 s0, $0xA;
	s2 =	sadd.s32 s3, s2  }
0x8d: {  	s2 =	sadd.s32 s2, s16  }
0x8e: {  	[smem:$0x3FB9] =	sst s2  }
0x8f: {  	_ = 	snop  }
0x90: {  	(tm) =	ssettm $0x1  }
0x91: {  	s17 =	sld [smem:$0x3FFB];
	_ =	sdelay $0x3  }
0x92: {  	_ =	strace s17  }
0x93: {  	s2 =	sld [smem:$0x3FFC];
	_ =	sdelay $0x3  }
0x94: {  	_ =	strace s2  }
0x95: {  	s2 =	sld [smem:$0x3FFD];
	_ =	sdelay $0x3  }
0x96: {  	_ =	strace s2  }
0x97: {  	_ =	strace $0x8FFFFFFF  }
0x98: {  	s18 =	sld [smem:$0x3FDB];
	_ =	sdelay $0x1  }
0x99: {  	s19 =	simm.s32 $_scs_section_size  }
0x9a: {  	s4 =	simm.s32 $_size__tile_overlayer_lowered;
	s5 =	simm.s32 $_tile_overlayer_lowered  }
0x9b: {  	s22 =	simm.s32 $0x1BFF;
	s21 =	sshll.u32 s5, $0x1;
	s2 =	sadd.s32 s19, s18  }
0x9c: {  	s6 =	simm.s32 $0x0;
	s20 =	sshll.u32 s4, $0x1;
	s4 =	sadd.s32 s21, s2  }
0x9d: {  	[timem:s6], [sflag:s22] =	dma.local [hbm:s4], s20  }
0x9e: {  	_ =	swait.ge [sflag:s22], s20  }
0x9f: {  	s3 =	ssub.s32 $0x0, s20;
	[sflag:s22] =	ssyncset.done $0x0  }
0xa0: {  	[sflag:s22] =	ssyncadd.s32 s3;
	_ =	sdelay $0x1  }
0xa1: {  	s23 =	simm.s32 $0x1B8B  }
0xa2: {  	_ =	swait.ge [sflag:s23], $0x1  }
0xa3: {  	[sflag:s23] =	ssyncset.done $0x0  }
0xa4: {  	s25 =	simm.s32 $0x1B8E;
	s24 =	sld [smem:$0x3FFE];
	[sflag:s23] =	ssyncadd.s32 $0xFFFFFFFF  }
0xa5: {  	s26 =	simm.s32 $execute0_lowered;
	[smem:$0x3FD2] =	sst s25  }
0xa6: {  	s4 =	sshll.u32 s26, $0x1;
	_ =	strace $0x80000049;
	[dreg:$0x1] =	wrdreg $0xFFFFFFFF  }
0xa7: {  	s28 =	simm.s32 $_size_execute0_lowered;
	s2 =	sadd.s32 s2, s4;
	[dreg:$0x0] =	wrdreg $0x0  }
0xa8: {  	s4 =	sshll.u32 s28, $0x1;
	[dreg:$0x2] =	wrdreg s2  }
0xa9: {  	[dreg:$0x3] =	wrdreg s4  }
0xaa: {  	[dreg:$0x4] =	wrdreg $0xC0  }
0xab: {  	_ =	task [dreg:s6], $0x5FFFF  }
0xac: {  	[dreg:$0x1] =	wrdreg $0xFFFFFFFF  }
0xad: {  	[dreg:$0x0] =	wrdreg $0x60  }
0xae: {  	[dreg:$0x2] =	wrdreg s24  }
0xaf: {  	[dreg:$0x3] =	wrdreg $0xA8000  }
0xb0: {  	[dreg:$0x4] =	wrdreg $0x9  }
0xb1: {  	_ =	task.clear_ibuf [dreg:s6], $0x5FFFF;
	_ =	strace $0x90000049  }
0xb2: {  	s29 =	simm.s32 $0x9;
	_ =	strace $0x8000004B  }
0xb3: {  	_ =	swait.ge [sflag:s29], $0x1  }
0xb4: {  	[sflag:s29] =	ssyncadd.s32 $0xFFFFFFFF  }
0xb5: {  	_ =	strace $0x9000004B  }
0xb6: {  	_ =	sfence  }
0xb7: {  	s30 =	sld [smem:$0x0];
	_ =	sdelay $0x2  }
0xb8: {  	s31 =	sshll.u32 s1, $0xD;
	s1 =	sshrl.u32 s1, $0x2  }
0xb9: {  	s3 =	sand.u32 $0x4000, s31;
	s1 =	sadd.s32 s1, s30  }
0xba: {  	s0 =	sor.u32 s3, s0;
	s1 =	sshll.u32 s1, $0x11  }
0xbb: {  	s0 =	sor.u32 s1, s0  }
0xbc: {  	s0 =	sadd.s32 $0x8F2B, s0  }
0xbd: {  	[sflag:s0] =	ssyncadd.remote.s32 $0x1  }
0xbe: {  	_ =	sfence.sel $0xFFFF  }
0xbf: {  	[dreg:$0x0] =	wrdreg $0xFFFFFFFF;
	(pc) =	sbr.abs _section_cstart, $3  }
0xc0: {  	[dreg:$0x1] =	wrdreg $0xFFFFFFFF  }
0xc1: {  	_ =	task.clear_ibuf [dreg:s6], $0x2FFFF;
	_ =	strace $0x9FFFFFFF  }
0xc2: {  	(tm) =	ssettm $0x7FFFFFFF  }
0xc3: {  	_ =	shalt  }
tec
execute0_lowered:
.L_overlay_start_1:
0x0: {  	(tag) =	ssettag $0x1  }
0x1: {  	s6 =	rddreg [dreg:$0x0]  }
0x2: {  	s1 =	rddreg [dreg:$0x1];
	s2 =	simm.s32 $0x0  }
0x3: {  	s4 =	srdreg.scid;
	s11 =	simm.s32 $0x1;
	s5 =	simm.s32 $0x1  }
0x4: {  	s18 =	simm.s32 $0x9400;
	[smem:$0x7FF] =	sst s2;
	s7 =	sand.u32 $0x1, s4  }
0x5: {  	s19 =	simm.s32 $0x80;
	s4 =	stileid.u32;
	s8 =	smul.u32 $0x138800, s7  }
0x6: {  	s3 =	sadd.s32 $0x17600, s6;
	s9 =	sadd.s32 $0xD600, s6;
	s12 =	smul.u32 $0x13800, s4  }
0x7: {  	s10 =	sadd.s32 $0x3600, s6;
	_ =	strace $0x8000004A;
	s16 =	smul.u32 $0xFFFFFFB0, s7  }
0x8: {  	p0 =	sne.s32 s4, $0x0;
	s13 =	sshll.u32 s4, $0x1;
	s17 =	smul.u32 $0xFFFFFF60, s4  }
0x9: {  	s21 =	ssub.s32 $0x2, s7;
	s28 =	smul.u32 $0x4E000, s4;
	s25 =	sor.u32 s7, s13  }
0xa: {  	p1 =	seq.s32 s4, $0x0;
	s11 =	simm.s32 @!p0 $0x0;
	s23 =	smul.u32 $0xFFFFFFB0, s25  }
0xb: {  	s22 =	sshrl.u32 s21, $0x1;
	s8 =	sadd.s32 s12, s8;
	s14 =	smul.u32 $0x500, s25  }
0xc: {  	s20 =	sshll.u32 s11, $0xB;
	s12 =	ssub.s32 s21, s22;
	s24 =	smul.u32 $0x2800, s25  }
0xd: {  	s26 =	sadd.s32 s17, s16;
	s11 =	sshll.u32 s11, $0xD;
	s16 =	simm.s32 $0x5  }
0xe: {  	s17 =	simm.s32 $0x8000;
	s21 =	simm.s32 $0x4000;
	s22 =	simm.s32 $0x2  }
0xf: {  	p2 =	seq.s32 s25, $0x1F;
	s25 =	simm.s32 $0x4;
	s8 =	sadd.s32 s20, s8  }
0x10: {  	s11 =	sadd.s32 s11, s28;
	s20 =	simm.s32 $0x8080;
	s8 =	sshrl.u32 s8, $0x3  }
0x11: {  	s7 =	sadd.s32 s9, s14;
	s13 =	sshrl.u32 s24, $0x3;
	s30 =	sshrl.u32 s11, $0x2  }
0x12: {  	s11 =	smax.u32 s12, $0x1;
	s15 =	sadd.s32 s8, s6;
	s6 =	simm.s32 $0x28  }
0x13: {  	s8 =	sadd.s32 s10, s14;
	s13 =	sadd.s32 $0x280, s13;
	s14 =	sadd.s32 $0x9C4, s26  }
0x14: {  	s12 =	sadd.s32 s30, s1;
	s26 =	simm.s32 $0x0;
	s6 =	simm.s32 @!p1 $0x27  }
0x15: {  	p1 =	sgt.s32 s23, $0xFFFFF664;
	s9 =	sadd.s32 s9, s13;
	s10 =	sadd.s32 s10, s13  }
0x16: {  	s29 =	smax.u32 s14, $0x28;
	s14 =	smin.u32 s14, $0x28;
	s15 =	sadd.s32 $0x3E800, s15  }
0x17: {  	s23 =	simm.s32 @!p1 $0xFFFFF664;
	s13 =	smin.u32 s29, $0x50;
	s14 =	sshrl.u32 s14, $0x1  }
0x18: {  	s24 =	sadd.s32 $0xFFFFFFD8, s13;
	s13 =	sadd.s32 $0xFFFFFFFF, s14;
	p1 =	seq.s32 s23, $0xFFFFF664  }
0x19: {  	s23 =	simm.s32 $0x9480;
	s31 =	sshrl.u32 s24, $0x1;
	p3 =	seq.s32 @!p1 s24, $0x0  }
0x1a: {  	v0 =	vimm.f32 $0.0e+00;
	s24 =	simm.s32 $0x3;
	s14 =	sadd.s32 $0xFFFFFFFF, s31;
	p3 =	por p1, p3  }
.LBB2_1:
0x1b: {  	s28 =	simm.s32 $0x0;
	s29 =	simm.s32 $0x200  }
.LBB2_2:
0x1c: {  	p4 =	sne.s32 s29, $0xFE00;
	[tilespmem:s28+$0x70] =	vst v0  }
0x1d: {  	[tilespmem:s28+$0x0] =	vst v0  }
0x1e: {  	[tilespmem:s28+$0x10] =	vst v0  }
.Ltmp0:
0x1f: {  	[tilespmem:s28+$0x20] =	vst v0;
	(pc) =	sbr.rel @p4 .LBB2_2-.Ltmp0, $4  }
0x20: {  	[tilespmem:s28+$0x30] =	vst v0  }
0x21: {  	[tilespmem:s28+$0x40] =	vst v0  }
0x22: {  	[tilespmem:s28+$0x50] =	vst v0  }
0x23: {  	[tilespmem:s28+$0x60] =	vst v0;
	s28 =	sshra.s32 s29, $0x2;
	s29 =	sadd.s32 $0x200, s29  }
0x24: {  	[tilespmem:s28+$0x70] =	vst v0  }
0x25: {  	[tilespmem:s28+$0x0] =	vst v0  }
0x26: {  	[tilespmem:s28+$0x10] =	vst v0  }
0x27: {  	[tilespmem:s28+$0x20] =	vst v0  }
0x28: {  	[tilespmem:s28+$0x30] =	vst v0  }
0x29: {  	[tilespmem:s28+$0x40] =	vst v0;
	p4 =	sne.s32 s6, $0x1  }
.Ltmp1:
0x2a: {  	[tilespmem:s28+$0x50] =	vst v0;
	(pc) =	sbr.rel @!p4 .LBB2_5-.Ltmp1, $4  }
0x2b: {  	[tilespmem:s28+$0x60] =	vst v0  }
0x2c: {  	[spmem:s12] =	stream.linear.scatter [tilespmem:s2], [sflag:$0x5], $0x800, $0x38;
	[tilespmem:$0x1E080] =	vst v63  }
0x2d: {  	_ =	swait.ge [sflag:s16], $0x800  }
0x2e: {  	s28 =	sadd.s32 $0xFFFFFFFF, s6;
	s29 =	smov.u32 s12;
	[sflag:s16] =	ssyncset.done $0x0  }
.LBB2_4:
0x2f: {  	p5 =	sne.s32 s28, $0x1;
	[sflag:s16] =	ssyncadd.s32 $0xFFFFF800;
	s29 =	sadd.s32 $0x800, s29  }
.Ltmp2:
0x30: {  	s28 =	sadd.s32 $0xFFFFFFFF, s28;
	(pc) =	sbr.rel @p5 .LBB2_4-.Ltmp2, $4  }
0x31: {  	_ = 	snop  }
0x32: {  	[spmem:s29] =	stream.linear.scatter [tilespmem:s2], [sflag:$0x5], $0x800, $0x38;
	[tilespmem:$0x1E080] =	vst v63  }
0x33: {  	_ =	swait.ge [sflag:s16], $0x800  }
0x34: {  	[sflag:s16] =	ssyncset.done $0x0  }
.LBB2_5:
0x35: {  	[sflag:s16] =	ssyncadd.s32 $0xFFFFF800  }
0x36: {  	[bflag:$0x0] =	sbarrier.arrive $0xFFFF  }
0x37: {  	[tilespmem:s17], [sflag:$0x5] =	stream.linear.gather [hbm4b:s7+s2], $0x1400, $0x38;
	[tilespmem:$0x1E080] =	vst v63  }
0x38: {  	_ =	swait.ge [sflag:s16], $0x1400  }
0x39: {  	[sflag:s16] =	ssyncset.done $0x0  }
0x3a: {  	[sflag:s16] =	ssyncadd.s32 $0xFFFFEC00  }
0x3b: {  	[tilespmem:s18], [sflag:$0x5] =	stream.linear.gather [hbm4b:s8+s2], $0x1400, $0x38;
	[tilespmem:$0x1E080] =	vst v63  }
0x3c: {  	_ =	swait.ge [sflag:s16], $0x1400  }
0x3d: {  	[sflag:s16] =	ssyncset.done $0x0  }
0x3e: {  	[sflag:s16] =	ssyncadd.s32 $0xFFFFEC00  }
0x3f: {  	[tilespmem:s2], [sflag:$0x1] =	stream.indirect.gather [hbm4b:s3+s19], $0x80, s17, s19, $0xb8;
	[tilespmem:$0x1E080] =	vst v63  }
0x40: {  	_ = 	snop  }
0x41: {  	[tilespmem:s21], [sflag:$0x2] =	stream.indirect.gather [hbm4b:s3+s19], $0x80, s20, s19, $0xb8;
	[tilespmem:$0x1E080] =	vst v63  }
0x42: {  	_ =	swait.ge [sflag:s5], $0x4000  }
0x43: {  	[sflag:s5] =	ssyncset.done $0x0  }
0x44: {  	[sflag:s5] =	ssyncadd.s32 $0xFFFFC000  }
0x45: {  	[spmem:s1] =	stream.indirect.scatter.add.f32 [tilespmem:s2], [sflag:$0x3], $0x80, s18, s19, $0xb8;
	[tilespmem:$0x1E080] =	vst v63  }
0x46: {  	_ =	swait.ge [sflag:s22], $0x4000  }
0x47: {  	[sflag:s22] =	ssyncset.done $0x0  }
0x48: {  	[sflag:s22] =	ssyncadd.s32 $0xFFFFC000  }
0x49: {  	[spmem:s1] =	stream.indirect.scatter.add.f32 [tilespmem:s21], [sflag:$0x4], $0x80, s23, s19, $0xb8;
	[tilespmem:$0x1E080] =	vst v63  }
0x4a: {  	_ =	swait.ge [sflag:s24], $0x4000  }
0x4b: {  	[sflag:s24] =	ssyncset.done $0x0  }
0x4c: {  	s28 =	simm.s32 $0x8100;
	[sflag:s24] =	ssyncadd.s32 $0xFFFFC000  }
0x4d: {  	[tilespmem:s2], [sflag:$0x1] =	stream.indirect.gather [hbm4b:s3+s19], $0x80, s28, s19, $0xb8;
	[tilespmem:$0x1E080] =	vst v63  }
0x4e: {  	_ =	swait.ge [sflag:s25], $0x4000  }
0x4f: {  	[sflag:s25] =	ssyncset.done $0x0  }
0x50: {  	s28 =	simm.s32 $0x8180;
	[sflag:s25] =	ssyncadd.s32 $0xFFFFC000  }
0x51: {  	[tilespmem:s21], [sflag:$0x2] =	stream.indirect.gather [hbm4b:s3+s19], $0x80, s28, s19, $0xb8;
	[tilespmem:$0x1E080] =	vst v63  }
0x52: {  	_ =	swait.ge [sflag:s5], $0x4000  }
0x53: {  	p5 =	sne.s32 s13, $0x1;
	[sflag:s5] =	ssyncset.done $0x0  }
.Ltmp3:
0x54: {  	s28 =	simm.s32 $0x9500;
	[sflag:s5] =	ssyncadd.s32 $0xFFFFC000;
	(pc) =	sbr.rel @!p5 .LBB2_7-.Ltmp3, $4  }
0x55: {  	[spmem:s1] =	stream.indirect.scatter.add.f32 [tilespmem:s2], [sflag:$0x3], $0x80, s28, s19, $0xb8;
	[tilespmem:$0x1E080] =	vst v63  }
0x56: {  	_ =	swait.ge [sflag:s22], $0x4000  }
0x57: {  	s29 =	simm.s32 $0x9580;
	s30 =	simm.s32 $0x9680;
	[sflag:s22] =	ssyncset.done $0x0  }
0x58: {  	s31 =	simm.s32 $0x8280;
	s28 =	sadd.s32 $0xFFFFFFFF, s13;
	[sflag:s22] =	ssyncadd.s32 $0xFFFFC000  }
.LBB2_6:
0x59: {  	[spmem:s1] =	stream.indirect.scatter.add.f32 [tilespmem:s21], [sflag:$0x4], $0x80, s29, s19, $0xb8;
	[tilespmem:$0x1E080] =	vst v63  }
0x5a: {  	p5 =	sne.s32 s28, $0x1;
	s28 =	sadd.s32 $0xFFFFFFFF, s28;
	_ =	swait.ge [sflag:s24], $0x4000  }
0x5b: {  	s29 =	smov.u32 s30;
	[sflag:s24] =	ssyncset.done $0x0  }
0x5c: {  	s0 =	sadd.s32 $0xFFFFFF80, s31;
	[sflag:s24] =	ssyncadd.s32 $0xFFFFC000  }
0x5d: {  	[tilespmem:s2], [sflag:$0x1] =	stream.indirect.gather [hbm4b:s3+s19], $0x80, s0, s19, $0xb8;
	[tilespmem:$0x1E080] =	vst v63  }
0x5e: {  	_ =	swait.ge [sflag:s25], $0x4000  }
0x5f: {  	[sflag:s25] =	ssyncset.done $0x0  }
0x60: {  	[sflag:s25] =	ssyncadd.s32 $0xFFFFC000  }
0x61: {  	[tilespmem:s21], [sflag:$0x2] =	stream.indirect.gather [hbm4b:s3+s19], $0x80, s31, s19, $0xb8;
	[tilespmem:$0x1E080] =	vst v63  }
0x62: {  	_ =	swait.ge [sflag:s5], $0x4000  }
0x63: {  	[sflag:s5] =	ssyncset.done $0x0  }
.Ltmp4:
0x64: {  	s0 =	sadd.s32 $0xFFFFFF80, s30;
	[sflag:s5] =	ssyncadd.s32 $0xFFFFC000;
	(pc) =	sbr.rel @p5 .LBB2_6-.Ltmp4, $4  }
0x65: {  	[spmem:s1] =	stream.indirect.scatter.add.f32 [tilespmem:s2], [sflag:$0x3], $0x80, s0, s19, $0xb8;
	[tilespmem:$0x1E080] =	vst v63  }
0x66: {  	_ =	swait.ge [sflag:s22], $0x4000  }
0x67: {  	[sflag:s22] =	ssyncset.done $0x0  }
0x68: {  	s30 =	sadd.s32 $0x100, s30;
	s31 =	sadd.s32 $0x100, s31;
	[sflag:s22] =	ssyncadd.s32 $0xFFFFC000  }
.LBB2_7:
0x69: {  	[spmem:s1] =	stream.indirect.scatter.add.f32 [tilespmem:s21], [sflag:$0x4], $0x80, s29, s19, $0xb8;
	[tilespmem:$0x1E080] =	vst v63  }
0x6a: {  	_ =	swait.ge [sflag:s24], $0x4000  }
0x6b: {  	[sflag:s24] =	ssyncset.done $0x0  }
0x6c: {  	[sflag:s24] =	ssyncadd.s32 $0xFFFFC000  }
0x6d: {  	_ =	swait.ge [sflag:s25], $0x4000  }
0x6e: {  	[sflag:s25] =	ssyncset.done $0x0  }
0x6f: {  	[sflag:s25] =	ssyncadd.s32 $0xFFFFC000  }
0x70: {  	[tilespmem:s17], [sflag:$0x5] =	stream.linear.gather [hbm4b:s9+s2], $0x1400, $0x38;
	[tilespmem:$0x1E080] =	vst v63  }
0x71: {  	_ =	swait.ge [sflag:s16], $0x1400  }
0x72: {  	[sflag:s16] =	ssyncset.done $0x0  }
0x73: {  	[sflag:s16] =	ssyncadd.s32 $0xFFFFEC00  }
0x74: {  	[tilespmem:s18], [sflag:$0x5] =	stream.linear.gather [hbm4b:s10+s2], $0x1400, $0x38;
	[tilespmem:$0x1E080] =	vst v63  }
0x75: {  	_ =	swait.ge [sflag:s16], $0x1400  }
0x76: {  	s0 =	simm.s32 @!p1 $0x80;
	[sflag:s16] =	ssyncset.done $0x0  }
0x77: {  	s28 =	simm.s32 @!p1 $0x8000;
	s29 =	simm.s32 @!p1 $0x0;
	[sflag:s16] =	ssyncadd.s32 $0xFFFFEC00  }
0x78: {  	[tilespmem:s29], [sflag:$0x1] =	stream.indirect.gather @!p1 [hbm4b:s3+s0], $0x80, s28, s0, $0xb8;
	[tilespmem:$0x1E080] =	vst v63  }
0x79: {  	s30 =	simm.s32 @!p1 $0x4000;
	s28 =	simm.s32 @!p1 $0x8080  }
0x7a: {  	[tilespmem:s30], [sflag:$0x2] =	stream.indirect.gather @!p1 [hbm4b:s3+s0], $0x80, s28, s0, $0xb8;
	[tilespmem:$0x1E080] =	vst v63  }
0x7b: {  	s28 =	simm.s32 @!p1 $0x1  }
0x7c: {  	_ =	swait.ge @!p1 [sflag:s28], $0x4000  }
0x7d: {  	[sflag:s28] =	ssyncset.done @!p1 $0x0  }
0x7e: {  	[sflag:s28] =	ssyncadd.s32 @!p1 $0xFFFFC000;
	s28 =	simm.s32 @!p1 $0x9400  }
0x7f: {  	[spmem:s1] =	stream.indirect.scatter.add.f32 @!p1 [tilespmem:s29], [sflag:$0x3], $0x80, s28, s0, $0xb8;
	[tilespmem:$0x1E080] =	vst v63  }
.Ltmp5:
0x80: {  	s28 =	simm.s32 @!p1 $0x2;
	(pc) =	sbr.rel @p3 .LBB2_11-.Ltmp5, $4  }
0x81: {  	_ =	swait.ge @!p1 [sflag:s28], $0x4000  }
0x82: {  	[sflag:s28] =	ssyncset.done @!p1 $0x0  }
0x83: {  	[sflag:s28] =	ssyncadd.s32 @!p1 $0xFFFFC000;
	s28 =	simm.s32 @!p1 $0x9480  }
0x84: {  	[spmem:s1] =	stream.indirect.scatter.add.f32 @!p1 [tilespmem:s30], [sflag:$0x4], $0x80, s28, s0, $0xb8;
	[tilespmem:$0x1E080] =	vst v63  }
0x85: {  	_ =	swait.ge [sflag:s24], $0x4000  }
0x86: {  	[sflag:s24] =	ssyncset.done $0x0  }
0x87: {  	s0 =	simm.s32 $0x8100;
	[sflag:s24] =	ssyncadd.s32 $0xFFFFC000  }
0x88: {  	[tilespmem:s2], [sflag:$0x1] =	stream.indirect.gather [hbm4b:s3+s19], $0x80, s0, s19, $0xb8;
	[tilespmem:$0x1E080] =	vst v63  }
0x89: {  	_ =	swait.ge [sflag:s25], $0x4000  }
0x8a: {  	[sflag:s25] =	ssyncset.done $0x0  }
0x8b: {  	s0 =	simm.s32 @!p1 $0x8180;
	[sflag:s25] =	ssyncadd.s32 $0xFFFFC000  }
0x8c: {  	[tilespmem:s21], [sflag:$0x2] =	stream.indirect.gather [hbm4b:s3+s19], $0x80, s0, s19, $0xb8;
	[tilespmem:$0x1E080] =	vst v63  }
0x8d: {  	_ =	swait.ge [sflag:s5], $0x4000  }
0x8e: {  	p5 =	sne.s32 s14, $0x1;
	[sflag:s5] =	ssyncset.done $0x0  }
.Ltmp6:
0x8f: {  	s0 =	simm.s32 $0x9500;
	[sflag:s5] =	ssyncadd.s32 $0xFFFFC000;
	(pc) =	sbr.rel @!p5 .LBB2_10-.Ltmp6, $4  }
0x90: {  	[spmem:s1] =	stream.indirect.scatter.add.f32 [tilespmem:s2], [sflag:$0x3], $0x80, s0, s19, $0xb8;
	[tilespmem:$0x1E080] =	vst v63  }
0x91: {  	_ =	swait.ge [sflag:s22], $0x4000  }
0x92: {  	s29 =	simm.s32 @!p1 $0x9580;
	s28 =	sadd.s32 $0xFFFFFFFF, s14;
	[sflag:s22] =	ssyncset.done $0x0  }
0x93: {  	s30 =	simm.s32 $0x9680;
	s31 =	simm.s32 $0x8280;
	[sflag:s22] =	ssyncadd.s32 $0xFFFFC000  }
.LBB2_9:
0x94: {  	[spmem:s1] =	stream.indirect.scatter.add.f32 [tilespmem:s21], [sflag:$0x4], $0x80, s29, s19, $0xb8;
	[tilespmem:$0x1E080] =	vst v63  }
0x95: {  	p5 =	sne.s32 s28, $0x1;
	s28 =	sadd.s32 $0xFFFFFFFF, s28;
	_ =	swait.ge [sflag:s24], $0x4000  }
0x96: {  	s29 =	smov.u32 s30;
	[sflag:s24] =	ssyncset.done $0x0  }
0x97: {  	s0 =	sadd.s32 $0xFFFFFF80, s31;
	[sflag:s24] =	ssyncadd.s32 $0xFFFFC000  }
0x98: {  	[tilespmem:s2], [sflag:$0x1] =	stream.indirect.gather [hbm4b:s3+s19], $0x80, s0, s19, $0xb8;
	[tilespmem:$0x1E080] =	vst v63  }
0x99: {  	_ =	swait.ge [sflag:s25], $0x4000  }
0x9a: {  	[sflag:s25] =	ssyncset.done $0x0  }
0x9b: {  	[sflag:s25] =	ssyncadd.s32 $0xFFFFC000  }
0x9c: {  	[tilespmem:s21], [sflag:$0x2] =	stream.indirect.gather [hbm4b:s3+s19], $0x80, s31, s19, $0xb8;
	[tilespmem:$0x1E080] =	vst v63  }
0x9d: {  	_ =	swait.ge [sflag:s5], $0x4000  }
0x9e: {  	[sflag:s5] =	ssyncset.done $0x0  }
.Ltmp7:
0x9f: {  	s0 =	sadd.s32 $0xFFFFFF80, s30;
	[sflag:s5] =	ssyncadd.s32 $0xFFFFC000;
	(pc) =	sbr.rel @p5 .LBB2_9-.Ltmp7, $4  }
0xa0: {  	[spmem:s1] =	stream.indirect.scatter.add.f32 [tilespmem:s2], [sflag:$0x3], $0x80, s0, s19, $0xb8;
	[tilespmem:$0x1E080] =	vst v63  }
0xa1: {  	_ =	swait.ge [sflag:s22], $0x4000  }
0xa2: {  	[sflag:s22] =	ssyncset.done $0x0  }
0xa3: {  	s30 =	sadd.s32 $0x100, s30;
	s31 =	sadd.s32 $0x100, s31;
	[sflag:s22] =	ssyncadd.s32 $0xFFFFC000  }
.LBB2_10:
0xa4: {  	[spmem:s1] =	stream.indirect.scatter.add.f32 [tilespmem:s21], [sflag:$0x4], $0x80, s29, s19, $0xb8;
	[tilespmem:$0x1E080] =	vst v63  }
.LBB2_11:
0xa5: {  	s0 =	simm.s32 @!p2 $0x3  }
0xa6: {  	_ =	swait.ge @!p2 [sflag:s0], $0x4000  }
0xa7: {  	[sflag:s0] =	ssyncset.done @!p2 $0x0  }
0xa8: {  	[sflag:s0] =	ssyncadd.s32 @!p2 $0xFFFFC000;
	s0 =	simm.s32 @!p2 $0x4  }
0xa9: {  	_ =	swait.ge @!p2 [sflag:s0], $0x4000  }
.Ltmp8:
0xaa: {  	[sflag:s0] =	ssyncset.done @!p2 $0x0;
	(pc) =	sbr.rel @!p4 .LBB2_13-.Ltmp8, $4  }
0xab: {  	s29 =	sadd.s32 $0xFFFFFFFF, s6;
	[sflag:s0] =	ssyncadd.s32 @!p2 $0xFFFFC000;
	s0 =	sshll.u32 s4, $0x6  }
0xac: {  	[bflag:$0x0] =	sbarrier.arrive $0xFFFF;
	s28 =	sor.u32 $0x1C05, s0;
	s0 =	sshrl.u32 s12, $0x3  }
0xad: {  	[hbm:s15], [sflag:s28] =	dma.local [spmem:s0], $0x100  }
0xae: {  	s30 =	sadd.s32 $0x100, s15;
	s31 =	smov.u32 s12;
	_ =	swait.ge [sflag:s16], $0x100  }
.LBB2_12:
0xaf: {  	[sflag:s16] =	ssyncset.done $0x0;
	s31 =	sadd.s32 $0x800, s31;
	p4 =	sne.s32 s29, $0x1  }
.Ltmp9:
0xb0: {  	s0 =	sshrl.u32 s31, $0x3;
	[sflag:s16] =	ssyncadd.s32 $0xFFFFFF00;
	(pc) =	sbr.rel @p4 .LBB2_12-.Ltmp9, $3  }
0xb1: {  	[hbm:s30], [sflag:s28] =	dma.local [spmem:s0], $0x100  }
0xb2: {  	s29 =	sadd.s32 $0xFFFFFFFF, s29;
	_ =	sdelay $0x1  }
0xb3: {  	s30 =	sadd.s32 $0x100, s30;
	_ =	swait.ge [sflag:s16], $0x100  }
.LBB2_13:
0xb4: {  	s26 =	sadd.s32 $0x1, s26  }
0xb5: {  	p4 =	sne.s32 s26, s11  }
.Ltmp10:
0xb6: {  	_ = 	snop;
	(pc) =	sbr.rel @p4 .LBB2_1-.Ltmp10, $3  }
0xb7: {  	_ =	sdelay $0x1  }
0xb8: {  	[sflag:s16] =	ssyncset.done $0x0  }
0xb9: {  	[sflag:s16] =	ssyncadd.s32 $0xFFFFFF00  }
0xba: {  	_ =	sfence.sel $0x180000  }
0xbb: {  	[bflag:$0x0] =	sbarrier.arrive $0xFFFF  }
0xbc: {  	_ =	strace $0x9000004A  }
0xbd: {  	[bflag:$0x2] =	sbarrier.arrive $0xFFFF  }
0xbe: {  	s0 =	rddreg [dreg:$0x2]  }
0xbf: {  	s0 =	sadd.s32 @!p0 $0x100000, s0  }
0xc0: {  	[sflag:s0] =	ssyncadd.tile.s32 @!p0 $0x1;
	_ =	shalt  }
.Lfunc_end2:
_tile_overlayer_lowered:
.L_overlay_start_2:
0xc1: {  	(tag) =	ssettag $0x2  }
0xc2: {  	s0 =	rddreg [dreg:$0x0];
	s2 =	stileid.u32  }
0xc3: {  	s1 =	rddreg [dreg:$0x1];
	p0 =	sne.s32 s2, $0x0  }
0xc4: {  	s3 =	rddreg [dreg:$0x2];
	[bflag:$0x3] =	sbarrier.arrive $0xFFFF;
	s2 =	simm.s32 @!p0 $0x1C05  }
0xc5: {  	[timem:s3], [sflag:s2] =	dma.local @!p0 [hbm:s0], s1  }
0xc6: {  	s0 =	simm.s32 @!p0 $0x5  }
0xc7: {  	_ =	swait.ge @!p0 [sflag:s0], s1  }
0xc8: {  	s1 =	ssub.s32 @!p0 $0x0, s1;
	[sflag:s0] =	ssyncset.done @!p0 $0x0  }
0xc9: {  	[sflag:s0] =	ssyncadd.s32 @!p0 s1  }
0xca: {  	[bflag:$0x3] =	sbarrier.arrive $0xFFFF  }
0xcb: {  	_ =	shalt  }

// kernel: kernel.15.cloned.1.call-start
scs
__scs_entry_jumppad:
0x0: {  	(pc) =	sbr.rel $0x88, $3  }
0x1: {  	(tag) =	ssettag $0x0;
	lr =	simm.s32 $0x1  }
0x2: {  	[smem:$0x3F92] =	sst lr;
	_ =	strace $0xD0000000  }
0x3: {  	_ = 	snop  }
0x4: {  	_ = 	snop  }
0x5: {  	_ = 	snop  }
0x6: {  	_ = 	snop  }
0x7: {  	_ = 	snop  }
__scs_overlays_trampoline_lowered:
0x8: {  	[smem:$0x3FA1] =	sst s0  }
0x9: {  	[smem:$0x3FA2] =	sst s1  }
0xa: {  	[smem:$0x3FA3] =	sst s2  }
0xb: {  	[smem:$0x3FA4] =	sst s3  }
0xc: {  	[smem:$0x3FA5] =	sst s4  }
0xd: {  	[smem:$0x3FA6] =	sst s5  }
0xe: {  	[smem:$0x3FA7] =	sst s6  }
0xf: {  	[smem:$0x3FA8] =	sst s7  }
0x10: {  	[smem:$0x3FA9] =	sst s8  }
0x11: {  	[smem:$0x3FAA] =	sst s9;
	s0 =	simm.s32 @!p0 $0x0  }
0x12: {  	s1 =	sld [smem:$0x3F90];
	s0 =	simm.s32 @p0 $0x1  }
0x13: {  	[smem:$0x3FAB] =	sst s0;
	s0 =	simm.s32 @!p1 $0x0  }
0x14: {  	s2 =	sld [smem:$0x3F8F];
	s0 =	simm.s32 @p1 $0x1  }
0x15: {  	[smem:$0x3FAC] =	sst s0;
	s0 =	simm.s32 @!p2 $0x0  }
0x16: {  	s3 =	sld [smem:$0x3FDB];
	s0 =	simm.s32 @p2 $0x1  }
0x17: {  	s4 =	simm.s32 $0x1BF5;
	[smem:$0x3FAE] =	sst s0  }
0x18: {  	s0 =	sld [smem:$0x3F91];
	_ =	swait.ge [sflag:s4], $0x0  }
0x19: {  	s7 =	sld [smem:$0x3F92]  }
0x1a: {  	s8 =	sadd.s32 $0xFFFFE003, lr  }
0x1b: {  	s9 =	sadd.s32 $0xFFFFFEF7, lr;
	s5 =	simm.s32 $0xFFFFFFFF;
	p2 =	slt.u32 s8, $0xFFFFF086  }
0x1c: {  	p1 =	slt.u32 s9, $0xF7A;
	s5 =	simm.s32 @!p2 $0x0  }
0x1d: {  	s5 =	simm.s32 @p1 $0x1;
	p0 =	seq.s32 s7, s2  }
0x1e: {  	s7 =	smul.u32 @!p0 $0xF7A, s2;
	p2 =	seq.s32 @!p0 s5, $0x0  }
0x1f: {  	s9 =	smul.u32 $0xF7A, s1;
	s8 =	simm.s32 @!p0 $0x1BF5;
	p2 =	por !p2, p0  }
0x20: {  	[sflag:s8] =	ssyncset.s32 @!p0 $0xFFFFF086;
	s6 =	sadd.s32 @!p0 s3, s7;
	s7 =	simm.s32 @!p0 $0x108  }
0x21: {  	s3 =	sadd.s32 s3, s9;
	s6 =	sadd.s32 @!p0 $0x88, s6;
	s7 =	simm.s32 @p2 $0x1082  }
0x22: {  	[simem:s7], [sflag:s8] =	dma.local @!p0 [hbm:s6], $0xF7A  }
0x23: {  	s9 =	sor.u32 $0xD0000000, s2;
	s6 =	simm.s32 $0x108;
	_ =	swait.ge @!p0 [sflag:s8], $0x0  }
0x24: {  	s3 =	sadd.s32 $0x88, s3;
	s6 =	simm.s32 @!p1 $0x1082;
	[sflag:s4] =	ssyncset.s32 $0xFFFFF086  }
0x25: {  	[simem:s6], [sflag:s4] =	dma.local [hbm:s3], $0xF7A  }
0x26: {  	[smem:$0x3F92] =	sst s1;
	(tag) =	ssettag s2;
	_ =	strace s9  }
0x27: {  	s1 =	sld [smem:$0x3FA2]  }
0x28: {  	s2 =	sld [smem:$0x3FA3]  }
0x29: {  	s4 =	sld [smem:$0x3FA5]  }
0x2a: {  	p0 =	seq.s32 s5, $0x0;
	s5 =	sld [smem:$0x3FA6]  }
0x2b: {  	s6 =	sld [smem:$0x3FA7]  }
0x2c: {  	s7 =	sld [smem:$0x3FA8]  }
0x2d: {  	s3 =	simm.s32 $0x108;
	s8 =	sld [smem:$0x3FA9]  }
0x2e: {  	s3 =	simm.s32 @!p0 $0x1082;
	s9 =	sld [smem:$0x3FAA]  }
0x2f: {  	lr =	sadd.s32 s0, s3;
	s0 =	sld [smem:$0x3FA1]  }
0x30: {  	s3 =	sld [smem:$0x3FA4]  }
0x31: {  	[smem:$0x3FAD] =	sst s10  }
0x32: {  	s10 =	sld [smem:$0x3FAB];
	_ =	sdelay $0x3  }
0x33: {  	p0 =	seq.s32 s10, $0x1;
	s10 =	sld [smem:$0x3FAD];
	_ =	sdelay $0x3  }
0x34: {  	[smem:$0x3FAD] =	sst s10  }
0x35: {  	s10 =	sld [smem:$0x3FAC];
	_ =	sdelay $0x3  }
0x36: {  	p1 =	seq.s32 s10, $0x1;
	s10 =	sld [smem:$0x3FAD];
	_ =	sdelay $0x3  }
0x37: {  	[smem:$0x3FAD] =	sst s10  }
0x38: {  	s10 =	sld [smem:$0x3FAE]  }
0x39: {  	_ = 	snop;
	(pc) =	sbr.ind lr, $3  }
0x3a: {  	_ = 	snop  }
0x3b: {  	_ = 	snop  }
0x3c: {  	p2 =	seq.s32 s10, $0x1;
	s10 =	sld [smem:$0x3FAD]  }
0x3d: {  	_ =	shalt  }
0x3e: {  	_ =	shalt  }
0x3f: {  	_ =	shalt  }
0x40: {  	_ =	shalt  }
0x41: {  	_ =	shalt  }
0x42: {  	_ =	shalt  }
0x43: {  	_ =	shalt  }
0x44: {  	_ =	shalt  }
0x45: {  	_ =	shalt  }
0x46: {  	_ =	shalt  }
0x47: {  	_ =	shalt  }
0x48: {  	_ =	shalt  }
0x49: {  	_ =	shalt  }
0x4a: {  	_ =	shalt  }
0x4b: {  	_ =	shalt  }
0x4c: {  	_ =	shalt  }
0x4d: {  	_ =	shalt  }
0x4e: {  	_ =	shalt  }
0x4f: {  	_ =	shalt  }
0x50: {  	_ =	shalt  }
0x51: {  	_ =	shalt  }
0x52: {  	_ =	shalt  }
0x53: {  	_ =	shalt  }
0x54: {  	_ =	shalt  }
0x55: {  	_ =	shalt  }
0x56: {  	_ =	shalt  }
0x57: {  	_ =	shalt  }
0x58: {  	_ =	shalt  }
0x59: {  	_ =	shalt  }
0x5a: {  	_ =	shalt  }
0x5b: {  	_ =	shalt  }
0x5c: {  	_ =	shalt  }
0x5d: {  	_ =	shalt  }
0x5e: {  	_ =	shalt  }
0x5f: {  	_ =	shalt  }
0x60: {  	_ =	shalt  }
0x61: {  	_ =	shalt  }
0x62: {  	_ =	shalt  }
0x63: {  	_ =	shalt  }
0x64: {  	_ =	shalt  }
0x65: {  	_ =	shalt  }
0x66: {  	_ =	shalt  }
0x67: {  	_ =	shalt  }
0x68: {  	_ =	shalt  }
0x69: {  	_ =	shalt  }
0x6a: {  	_ =	shalt  }
0x6b: {  	_ =	shalt  }
0x6c: {  	_ =	shalt  }
0x6d: {  	_ =	shalt  }
0x6e: {  	_ =	shalt  }
0x6f: {  	_ =	shalt  }
0x70: {  	_ =	shalt  }
0x71: {  	_ =	shalt  }
0x72: {  	_ =	shalt  }
0x73: {  	_ =	shalt  }
0x74: {  	_ =	shalt  }
0x75: {  	_ =	shalt  }
0x76: {  	_ =	shalt  }
0x77: {  	_ =	shalt  }
0x78: {  	_ =	shalt  }
0x79: {  	_ =	shalt  }
0x7a: {  	_ =	shalt  }
0x7b: {  	_ =	shalt  }
0x7c: {  	_ =	shalt  }
0x7d: {  	_ =	shalt  }
0x7e: {  	_ =	shalt  }
0x7f: {  	_ =	shalt  }
0x80: {  	_ =	shalt  }
0x81: {  	_ =	shalt  }
0x82: {  	_ =	shalt  }
0x83: {  	_ =	shalt  }
0x84: {  	_ =	shalt  }
0x85: {  	_ =	shalt  }
0x86: {  	_ =	shalt  }
0x87: {  	_ =	shalt  }
.Lfunc_end0:
.L_simem_size_0:
called_computation.2_lowered:
.L_overlay_start_0:
0x88: {  	s2 =	sld [smem:$0x3FD9]  }
0x89: {  	s3 =	sld [smem:$0x3FFE];
	_ =	sdelay $0x1  }
0x8a: {  	s1 =	srdreg.scid  }
0x8b: {  	s0 =	sand.u32 $0x1, s1  }
0x8c: {  	s17 =	sshll.u32 s0, $0xA;
	s2 =	sadd.s32 s3, s2  }
0x8d: {  	s2 =	sadd.s32 s2, s17  }
0x8e: {  	[smem:$0x3FB9] =	sst s2  }
0x8f: {  	_ = 	snop  }
0x90: {  	s2 =	sld [smem:$0x3FD0];
	(tm) =	ssettm $0x1  }
0x91: {  	s18 =	sld [smem:$0x3FFB];
	_ =	sdelay $0x3  }
0x92: {  	_ =	strace s18  }
0x93: {  	s3 =	sld [smem:$0x3FFC];
	_ =	sdelay $0x3  }
0x94: {  	_ =	strace s3  }
0x95: {  	s3 =	sld [smem:$0x3FFD];
	_ =	sdelay $0x3  }
0x96: {  	_ =	strace s3  }
0x97: {  	_ =	strace $0x8FFFFFFF  }
0x98: {  	s19 =	sld [smem:$0x3FDB];
	_ =	sdelay $0x1  }
0x99: {  	s4 =	simm.s32 $_scs_section_size  }
0x9a: {  	s5 =	simm.s32 $_size__tile_overlayer_lowered;
	s6 =	simm.s32 $_tile_overlayer_lowered  }
0x9b: {  	s22 =	simm.s32 $0x1BFF;
	s21 =	sshll.u32 s6, $0x1;
	s3 =	sadd.s32 s4, s19  }
0x9c: {  	s7 =	simm.s32 $0x0;
	s20 =	sshll.u32 s5, $0x1;
	s5 =	sadd.s32 s21, s3  }
0x9d: {  	[timem:s7], [sflag:s22] =	dma.local [hbm:s5], s20  }
0x9e: {  	_ =	swait.ge [sflag:s22], s20  }
0x9f: {  	s4 =	ssub.s32 $0x0, s20;
	[sflag:s22] =	ssyncset.done $0x0  }
0xa0: {  	[sflag:s22] =	ssyncadd.s32 s4;
	_ =	sdelay $0x1  }
0xa1: {  	s23 =	simm.s32 $0x1B8B  }
0xa2: {  	_ =	swait.ge [sflag:s23], $0x1  }
0xa3: {  	[sflag:s23] =	ssyncset.done $0x0  }
0xa4: {  	s25 =	simm.s32 $0x1B8E;
	s24 =	sld [smem:$0x3FFE];
	[sflag:s23] =	ssyncadd.s32 $0xFFFFFFFF  }
0xa5: {  	s26 =	simm.s32 $execute0_lowered;
	[smem:$0x3FD2] =	sst s25  }
0xa6: {  	s5 =	sshll.u32 s26, $0x1;
	_ =	strace $0x8000004C;
	[dreg:$0x1] =	wrdreg $0xFFFFFFFF  }
0xa7: {  	s28 =	simm.s32 $_size_execute0_lowered;
	s3 =	sadd.s32 s3, s5;
	[dreg:$0x0] =	wrdreg $0x0  }
0xa8: {  	s5 =	sshll.u32 s28, $0x1;
	[dreg:$0x2] =	wrdreg s3  }
0xa9: {  	[dreg:$0x3] =	wrdreg s5  }
0xaa: {  	[dreg:$0x4] =	wrdreg $0xC0  }
0xab: {  	_ =	task [dreg:s7], $0x5FFFF  }
0xac: {  	[dreg:$0x1] =	wrdreg $0xFFFFFFFF  }
0xad: {  	[dreg:$0x0] =	wrdreg $0x60  }
0xae: {  	[dreg:$0x2] =	wrdreg s24  }
0xaf: {  	[dreg:$0x3] =	wrdreg s2  }
0xb0: {  	[dreg:$0x4] =	wrdreg $0x9  }
0xb1: {  	_ =	task.clear_ibuf [dreg:s7], $0x5FFFF;
	_ =	strace $0x9000004C  }
0xb2: {  	s29 =	simm.s32 $0x9;
	_ =	strace $0x8000004E  }
0xb3: {  	_ =	swait.ge [sflag:s29], $0x1  }
0xb4: {  	[sflag:s29] =	ssyncadd.s32 $0xFFFFFFFF  }
0xb5: {  	_ =	strace $0x9000004E  }
0xb6: {  	_ =	sfence  }
0xb7: {  	s30 =	sld [smem:$0x0];
	_ =	sdelay $0x2  }
0xb8: {  	s31 =	sshll.u32 s1, $0xD;
	s1 =	sshrl.u32 s1, $0x2  }
0xb9: {  	s3 =	sand.u32 $0x4000, s31;
	s1 =	sadd.s32 s1, s30  }
0xba: {  	s0 =	sor.u32 s3, s0;
	s1 =	sshll.u32 s1, $0x11  }
0xbb: {  	s0 =	sor.u32 s1, s0  }
0xbc: {  	s0 =	sadd.s32 $0x8F2B, s0  }
0xbd: {  	[sflag:s0] =	ssyncadd.remote.s32 $0x1  }
0xbe: {  	_ =	sfence.sel $0xFFFF  }
0xbf: {  	[dreg:$0x0] =	wrdreg $0xFFFFFFFF;
	(pc) =	sbr.abs _section_cstart, $3  }
0xc0: {  	[dreg:$0x1] =	wrdreg $0xFFFFFFFF  }
0xc1: {  	_ =	task.clear_ibuf [dreg:s7], $0x2FFFF;
	_ =	strace $0x9FFFFFFF  }
0xc2: {  	(tm) =	ssettm $0x7FFFFFFF  }
0xc3: {  	_ =	shalt  }
tec
execute0_lowered:
.L_overlay_start_1:
0x0: {  	(tag) =	ssettag $0x1  }
0x1: {  	s6 =	rddreg [dreg:$0x0]  }
0x2: {  	s1 =	rddreg [dreg:$0x1]  }
0x3: {  	s0 =	rddreg [dreg:$0x2];
	s2 =	simm.s32 $0x0  }
0x4: {  	s3 =	srdreg.scid;
	s13 =	simm.s32 $0x2800;
	s14 =	simm.s32 $0x80  }
0x5: {  	s15 =	simm.s32 $0x5000;
	s16 =	simm.s32 $0x9000;
	s17 =	simm.s32 $0x1  }
0x6: {  	s18 =	simm.s32 $0x2;
	s19 =	simm.s32 $0x0;
	[smem:$0x7FF] =	sst s2  }
0x7: {  	s9 =	sand.u32 $0x1, s3;
	s3 =	stileid.u32;
	s4 =	sadd.s32 $0x3600, s6  }
0x8: {  	s5 =	sadd.s32 $0xDAC00, s6;
	_ =	strace $0x8000004D;
	s7 =	ssub.s32 $0x2, s9  }
0x9: {  	s8 =	sshll.u32 s3, $0xC;
	p0 =	slt.u32 s3, $0x8;
	s30 =	sshll.u32 s3, $0xA  }
0xa: {  	s12 =	sshll.u32 s9, $0x9;
	s31 =	sshll.u32 s9, $0xB;
	s10 =	sshrl.u32 s7, $0x1  }
0xb: {  	s11 =	sadd.s32 s8, s6;
	s6 =	simm.s32 $0x3;
	s8 =	sor.u32 s12, s30  }
0xc: {  	s10 =	ssub.s32 s7, s10;
	s7 =	simm.s32 $0x3;
	s8 =	sshrl.u32 s8, $0x2  }
0xd: {  	s12 =	sadd.s32 s31, s11;
	s7 =	simm.s32 @!p0 $0x2;
	s9 =	smax.u32 s10, $0x1  }
0xe: {  	s10 =	sadd.s32 $0x2800, s8;
	s11 =	sadd.s32 $0x2A800, s12;
	s12 =	sadd.s32 $0x52800, s12  }
.LBB2_1:
0xf: {  	[tilespmem:s2], [sflag:$0x3] =	stream.linear.gather [hbm4b:s5+s2], $0x2800, $0x38;
	[tilespmem:$0xD000] =	vst v63  }
0x10: {  	_ =	swait.ge [sflag:s6], $0x2800  }
0x11: {  	[sflag:s6] =	ssyncset.done $0x0  }
0x12: {  	[sflag:s6] =	ssyncadd.s32 $0xFFFFD800  }
0x13: {  	[tilespmem:s13], [sflag:$0x3] =	stream.linear.gather [hbm4b:s1+s2], $0x2800, $0x38;
	[tilespmem:$0xD000] =	vst v63  }
0x14: {  	_ =	swait.ge [sflag:s6], $0x2800  }
0x15: {  	[sflag:s6] =	ssyncset.done $0x0  }
0x16: {  	[sflag:s6] =	ssyncadd.s32 $0xFFFFD800  }
0x17: {  	[tilespmem:s15], [sflag:$0x1] =	stream.indirect.gather [hbm4b:s4+s14], $0x80, s8, s14, $0xb8;
	[tilespmem:$0xD000] =	vst v63  }
0x18: {  	_ = 	snop  }
0x19: {  	[tilespmem:s16], [sflag:$0x2] =	stream.indirect.gather [hbm4b:s4+s14], $0x80, s10, s14, $0xb8;
	[tilespmem:$0xD000] =	vst v63  }
0x1a: {  	_ =	swait.ge [sflag:s17], $0x4000  }
0x1b: {  	[sflag:s17] =	ssyncset.done $0x0  }
0x1c: {  	[sflag:s17] =	ssyncadd.s32 $0xFFFFC000  }
0x1d: {  	[hbm4b:s11+s2] =	stream.linear.scatter [tilespmem:s15], [sflag:$0x3], $0x4000, $0x38;
	[tilespmem:$0xD000] =	vst v63  }
0x1e: {  	_ =	swait.ge [sflag:s6], $0x4000  }
0x1f: {  	[sflag:s6] =	ssyncset.done $0x0  }
0x20: {  	[sflag:s6] =	ssyncadd.s32 $0xFFFFC000  }
0x21: {  	p0 =	sne.s32 s7, $0x1;
	_ =	swait.ge [sflag:s18], $0x4000  }
.Ltmp0:
0x22: {  	[sflag:s18] =	ssyncset.done $0x0;
	(pc) =	sbr.rel @!p0 .LBB2_3-.Ltmp0, $4  }
0x23: {  	s20 =	sadd.s32 $0xFFFFFFFF, s7;
	[sflag:s18] =	ssyncadd.s32 $0xFFFFC000  }
0x24: {  	[hbm4b:s12+s2] =	stream.linear.scatter [tilespmem:s16], [sflag:$0x3], $0x4000, $0x38;
	[tilespmem:$0xD000] =	vst v63  }
0x25: {  	s21 =	sadd.s32 $0x10000, s11;
	s22 =	sadd.s32 $0x10000, s12;
	_ =	swait.ge [sflag:s6], $0x4000  }
0x26: {  	s23 =	smov.u32 s8;
	s24 =	smov.u32 s10;
	[sflag:s6] =	ssyncset.done $0x0  }
.LBB2_2:
0x27: {  	[sflag:s6] =	ssyncadd.s32 $0xFFFFC000;
	s23 =	sadd.s32 $0x1000, s23;
	s24 =	sadd.s32 $0x1000, s24  }
0x28: {  	[tilespmem:s15], [sflag:$0x1] =	stream.indirect.gather [hbm4b:s4+s14], $0x80, s23, s14, $0xb8;
	[tilespmem:$0xD000] =	vst v63  }
0x29: {  	p0 =	sne.s32 s20, $0x1;
	s20 =	sadd.s32 $0xFFFFFFFF, s20  }
0x2a: {  	[tilespmem:s16], [sflag:$0x2] =	stream.indirect.gather [hbm4b:s4+s14], $0x80, s24, s14, $0xb8;
	[tilespmem:$0xD000] =	vst v63  }
0x2b: {  	_ =	swait.ge [sflag:s17], $0x4000  }
0x2c: {  	[sflag:s17] =	ssyncset.done $0x0  }
0x2d: {  	[sflag:s17] =	ssyncadd.s32 $0xFFFFC000  }
0x2e: {  	[hbm4b:s21+s2] =	stream.linear.scatter [tilespmem:s15], [sflag:$0x3], $0x4000, $0x38;
	[tilespmem:$0xD000] =	vst v63  }
0x2f: {  	_ =	swait.ge [sflag:s6], $0x4000  }
0x30: {  	[sflag:s6] =	ssyncset.done $0x0  }
0x31: {  	[sflag:s6] =	ssyncadd.s32 $0xFFFFC000  }
0x32: {  	_ =	swait.ge [sflag:s18], $0x4000  }
.Ltmp1:
0x33: {  	[sflag:s18] =	ssyncset.done $0x0;
	(pc) =	sbr.rel @p0 .LBB2_2-.Ltmp1, $4  }
0x34: {  	[sflag:s18] =	ssyncadd.s32 $0xFFFFC000  }
0x35: {  	[hbm4b:s22+s2] =	stream.linear.scatter [tilespmem:s16], [sflag:$0x3], $0x4000, $0x38;
	[tilespmem:$0xD000] =	vst v63  }
0x36: {  	_ =	swait.ge [sflag:s6], $0x4000  }
0x37: {  	s21 =	sadd.s32 $0x10000, s21;
	s22 =	sadd.s32 $0x10000, s22;
	[sflag:s6] =	ssyncset.done $0x0  }
.LBB2_3:
0x38: {  	s19 =	sadd.s32 $0x1, s19  }
0x39: {  	p0 =	sne.s32 s19, s9  }
.Ltmp2:
0x3a: {  	_ = 	snop;
	(pc) =	sbr.rel @p0 .LBB2_1-.Ltmp2, $2  }
0x3b: {  	_ =	sdelay $0x2  }
0x3c: {  	[sflag:s6] =	ssyncadd.s32 $0xFFFFC000  }
0x3d: {  	_ =	sfence.sel $0x180000  }
0x3e: {  	[bflag:$0x0] =	sbarrier.arrive $0xFFFF  }
0x3f: {  	p0 =	sne.s32 s3, $0x0;
	_ =	strace $0x9000004D  }
0x40: {  	s0 =	sadd.s32 @!p0 $0x100000, s0;
	[bflag:$0x2] =	sbarrier.arrive $0xFFFF  }
0x41: {  	[sflag:s0] =	ssyncadd.tile.s32 @!p0 $0x1;
	_ =	shalt  }
.Lfunc_end2:
_tile_overlayer_lowered:
.L_overlay_start_2:
0x42: {  	(tag) =	ssettag $0x2  }
0x43: {  	s0 =	rddreg [dreg:$0x0];
	s2 =	stileid.u32  }
0x44: {  	s1 =	rddreg [dreg:$0x1];
	p0 =	sne.s32 s2, $0x0  }
0x45: {  	s3 =	rddreg [dreg:$0x2];
	[bflag:$0x3] =	sbarrier.arrive $0xFFFF;
	s2 =	simm.s32 @!p0 $0x1C03  }
0x46: {  	[timem:s3], [sflag:s2] =	dma.local @!p0 [hbm:s0], s1  }
0x47: {  	s0 =	simm.s32 @!p0 $0x3  }
0x48: {  	_ =	swait.ge @!p0 [sflag:s0], s1  }
0x49: {  	s1 =	ssub.s32 @!p0 $0x0, s1;
	[sflag:s0] =	ssyncset.done @!p0 $0x0  }
0x4a: {  	[sflag:s0] =	ssyncadd.s32 @!p0 s1  }
0x4b: {  	[bflag:$0x3] =	sbarrier.arrive $0xFFFF  }
0x4c: {  	_ =	shalt  }

// kernel: kernel.9.cloned.1.call-start
scs
__scs_entry_jumppad:
0x0: {  	(pc) =	sbr.rel $0x88, $3  }
0x1: {  	(tag) =	ssettag $0x0;
	lr =	simm.s32 $0x1  }
0x2: {  	[smem:$0x3F92] =	sst lr;
	_ =	strace $0xD0000000  }
0x3: {  	_ = 	snop  }
0x4: {  	_ = 	snop  }
0x5: {  	_ = 	snop  }
0x6: {  	_ = 	snop  }
0x7: {  	_ = 	snop  }
__scs_overlays_trampoline_lowered:
0x8: {  	[smem:$0x3FA1] =	sst s0  }
0x9: {  	[smem:$0x3FA2] =	sst s1  }
0xa: {  	[smem:$0x3FA3] =	sst s2  }
0xb: {  	[smem:$0x3FA4] =	sst s3  }
0xc: {  	[smem:$0x3FA5] =	sst s4  }
0xd: {  	[smem:$0x3FA6] =	sst s5  }
0xe: {  	[smem:$0x3FA7] =	sst s6  }
0xf: {  	[smem:$0x3FA8] =	sst s7  }
0x10: {  	[smem:$0x3FA9] =	sst s8  }
0x11: {  	[smem:$0x3FAA] =	sst s9;
	s0 =	simm.s32 @!p0 $0x0  }
0x12: {  	s1 =	sld [smem:$0x3F90];
	s0 =	simm.s32 @p0 $0x1  }
0x13: {  	[smem:$0x3FAB] =	sst s0;
	s0 =	simm.s32 @!p1 $0x0  }
0x14: {  	s2 =	sld [smem:$0x3F8F];
	s0 =	simm.s32 @p1 $0x1  }
0x15: {  	[smem:$0x3FAC] =	sst s0;
	s0 =	simm.s32 @!p2 $0x0  }
0x16: {  	s3 =	sld [smem:$0x3FDB];
	s0 =	simm.s32 @p2 $0x1  }
0x17: {  	s4 =	simm.s32 $0x1BF5;
	[smem:$0x3FAE] =	sst s0  }
0x18: {  	s0 =	sld [smem:$0x3F91];
	_ =	swait.ge [sflag:s4], $0x0  }
0x19: {  	s7 =	sld [smem:$0x3F92]  }
0x1a: {  	s8 =	sadd.s32 $0xFFFFE003, lr  }
0x1b: {  	s9 =	sadd.s32 $0xFFFFFEF7, lr;
	s5 =	simm.s32 $0xFFFFFFFF;
	p2 =	slt.u32 s8, $0xFFFFF086  }
0x1c: {  	p1 =	slt.u32 s9, $0xF7A;
	s5 =	simm.s32 @!p2 $0x0  }
0x1d: {  	s5 =	simm.s32 @p1 $0x1;
	p0 =	seq.s32 s7, s2  }
0x1e: {  	s7 =	smul.u32 @!p0 $0xF7A, s2;
	p2 =	seq.s32 @!p0 s5, $0x0  }
0x1f: {  	s9 =	smul.u32 $0xF7A, s1;
	s8 =	simm.s32 @!p0 $0x1BF5;
	p2 =	por !p2, p0  }
0x20: {  	[sflag:s8] =	ssyncset.s32 @!p0 $0xFFFFF086;
	s6 =	sadd.s32 @!p0 s3, s7;
	s7 =	simm.s32 @!p0 $0x108  }
0x21: {  	s3 =	sadd.s32 s3, s9;
	s6 =	sadd.s32 @!p0 $0x88, s6;
	s7 =	simm.s32 @p2 $0x1082  }
0x22: {  	[simem:s7], [sflag:s8] =	dma.local @!p0 [hbm:s6], $0xF7A  }
0x23: {  	s9 =	sor.u32 $0xD0000000, s2;
	s6 =	simm.s32 $0x108;
	_ =	swait.ge @!p0 [sflag:s8], $0x0  }
0x24: {  	s3 =	sadd.s32 $0x88, s3;
	s6 =	simm.s32 @!p1 $0x1082;
	[sflag:s4] =	ssyncset.s32 $0xFFFFF086  }
0x25: {  	[simem:s6], [sflag:s4] =	dma.local [hbm:s3], $0xF7A  }
0x26: {  	[smem:$0x3F92] =	sst s1;
	(tag) =	ssettag s2;
	_ =	strace s9  }
0x27: {  	s1 =	sld [smem:$0x3FA2]  }
0x28: {  	s2 =	sld [smem:$0x3FA3]  }
0x29: {  	s4 =	sld [smem:$0x3FA5]  }
0x2a: {  	p0 =	seq.s32 s5, $0x0;
	s5 =	sld [smem:$0x3FA6]  }
0x2b: {  	s6 =	sld [smem:$0x3FA7]  }
0x2c: {  	s7 =	sld [smem:$0x3FA8]  }
0x2d: {  	s3 =	simm.s32 $0x108;
	s8 =	sld [smem:$0x3FA9]  }
0x2e: {  	s3 =	simm.s32 @!p0 $0x1082;
	s9 =	sld [smem:$0x3FAA]  }
0x2f: {  	lr =	sadd.s32 s0, s3;
	s0 =	sld [smem:$0x3FA1]  }
0x30: {  	s3 =	sld [smem:$0x3FA4]  }
0x31: {  	[smem:$0x3FAD] =	sst s10  }
0x32: {  	s10 =	sld [smem:$0x3FAB];
	_ =	sdelay $0x3  }
0x33: {  	p0 =	seq.s32 s10, $0x1;
	s10 =	sld [smem:$0x3FAD];
	_ =	sdelay $0x3  }
0x34: {  	[smem:$0x3FAD] =	sst s10  }
0x35: {  	s10 =	sld [smem:$0x3FAC];
	_ =	sdelay $0x3  }
0x36: {  	p1 =	seq.s32 s10, $0x1;
	s10 =	sld [smem:$0x3FAD];
	_ =	sdelay $0x3  }
0x37: {  	[smem:$0x3FAD] =	sst s10  }
0x38: {  	s10 =	sld [smem:$0x3FAE]  }
0x39: {  	_ = 	snop;
	(pc) =	sbr.ind lr, $3  }
0x3a: {  	_ = 	snop  }
0x3b: {  	_ = 	snop  }
0x3c: {  	p2 =	seq.s32 s10, $0x1;
	s10 =	sld [smem:$0x3FAD]  }
0x3d: {  	_ =	shalt  }
0x3e: {  	_ =	shalt  }
0x3f: {  	_ =	shalt  }
0x40: {  	_ =	shalt  }
0x41: {  	_ =	shalt  }
0x42: {  	_ =	shalt  }
0x43: {  	_ =	shalt  }
0x44: {  	_ =	shalt  }
0x45: {  	_ =	shalt  }
0x46: {  	_ =	shalt  }
0x47: {  	_ =	shalt  }
0x48: {  	_ =	shalt  }
0x49: {  	_ =	shalt  }
0x4a: {  	_ =	shalt  }
0x4b: {  	_ =	shalt  }
0x4c: {  	_ =	shalt  }
0x4d: {  	_ =	shalt  }
0x4e: {  	_ =	shalt  }
0x4f: {  	_ =	shalt  }
0x50: {  	_ =	shalt  }
0x51: {  	_ =	shalt  }
0x52: {  	_ =	shalt  }
0x53: {  	_ =	shalt  }
0x54: {  	_ =	shalt  }
0x55: {  	_ =	shalt  }
0x56: {  	_ =	shalt  }
0x57: {  	_ =	shalt  }
0x58: {  	_ =	shalt  }
0x59: {  	_ =	shalt  }
0x5a: {  	_ =	shalt  }
0x5b: {  	_ =	shalt  }
0x5c: {  	_ =	shalt  }
0x5d: {  	_ =	shalt  }
0x5e: {  	_ =	shalt  }
0x5f: {  	_ =	shalt  }
0x60: {  	_ =	shalt  }
0x61: {  	_ =	shalt  }
0x62: {  	_ =	shalt  }
0x63: {  	_ =	shalt  }
0x64: {  	_ =	shalt  }
0x65: {  	_ =	shalt  }
0x66: {  	_ =	shalt  }
0x67: {  	_ =	shalt  }
0x68: {  	_ =	shalt  }
0x69: {  	_ =	shalt  }
0x6a: {  	_ =	shalt  }
0x6b: {  	_ =	shalt  }
0x6c: {  	_ =	shalt  }
0x6d: {  	_ =	shalt  }
0x6e: {  	_ =	shalt  }
0x6f: {  	_ =	shalt  }
0x70: {  	_ =	shalt  }
0x71: {  	_ =	shalt  }
0x72: {  	_ =	shalt  }
0x73: {  	_ =	shalt  }
0x74: {  	_ =	shalt  }
0x75: {  	_ =	shalt  }
0x76: {  	_ =	shalt  }
0x77: {  	_ =	shalt  }
0x78: {  	_ =	shalt  }
0x79: {  	_ =	shalt  }
0x7a: {  	_ =	shalt  }
0x7b: {  	_ =	shalt  }
0x7c: {  	_ =	shalt  }
0x7d: {  	_ =	shalt  }
0x7e: {  	_ =	shalt  }
0x7f: {  	_ =	shalt  }
0x80: {  	_ =	shalt  }
0x81: {  	_ =	shalt  }
0x82: {  	_ =	shalt  }
0x83: {  	_ =	shalt  }
0x84: {  	_ =	shalt  }
0x85: {  	_ =	shalt  }
0x86: {  	_ =	shalt  }
0x87: {  	_ =	shalt  }
.Lfunc_end0:
.L_simem_size_0:
called_computation_lowered:
.L_overlay_start_0:
0x88: {  	s2 =	sld [smem:$0x3FD9]  }
0x89: {  	s3 =	sld [smem:$0x3FFE];
	_ =	sdelay $0x1  }
0x8a: {  	s1 =	srdreg.scid  }
0x8b: {  	s0 =	sand.u32 $0x1, s1  }
0x8c: {  	s16 =	sshll.u32 s0, $0xA;
	s2 =	sadd.s32 s3, s2  }
0x8d: {  	s2 =	sadd.s32 s2, s16  }
0x8e: {  	[smem:$0x3FB9] =	sst s2  }
0x8f: {  	_ = 	snop  }
0x90: {  	(tm) =	ssettm $0x1  }
0x91: {  	s17 =	sld [smem:$0x3FFB];
	_ =	sdelay $0x3  }
0x92: {  	_ =	strace s17  }
0x93: {  	s2 =	sld [smem:$0x3FFC];
	_ =	sdelay $0x3  }
0x94: {  	_ =	strace s2  }
0x95: {  	s2 =	sld [smem:$0x3FFD];
	_ =	sdelay $0x3  }
0x96: {  	_ =	strace s2  }
0x97: {  	_ =	strace $0x8FFFFFFF  }
0x98: {  	s18 =	sld [smem:$0x3FDB];
	_ =	sdelay $0x1  }
0x99: {  	s19 =	simm.s32 $_scs_section_size  }
0x9a: {  	s4 =	simm.s32 $_size__tile_overlayer_lowered;
	s5 =	simm.s32 $_tile_overlayer_lowered  }
0x9b: {  	s22 =	simm.s32 $0x1BFF;
	s21 =	sshll.u32 s5, $0x1;
	s2 =	sadd.s32 s19, s18  }
0x9c: {  	s6 =	simm.s32 $0x0;
	s20 =	sshll.u32 s4, $0x1;
	s4 =	sadd.s32 s21, s2  }
0x9d: {  	[timem:s6], [sflag:s22] =	dma.local [hbm:s4], s20  }
0x9e: {  	_ =	swait.ge [sflag:s22], s20  }
0x9f: {  	s3 =	ssub.s32 $0x0, s20;
	[sflag:s22] =	ssyncset.done $0x0  }
0xa0: {  	[sflag:s22] =	ssyncadd.s32 s3;
	_ =	sdelay $0x1  }
0xa1: {  	s23 =	simm.s32 $0x1B8B  }
0xa2: {  	_ =	swait.ge [sflag:s23], $0x1  }
0xa3: {  	[sflag:s23] =	ssyncset.done $0x0  }
0xa4: {  	s25 =	simm.s32 $0x1B8E;
	s24 =	sld [smem:$0x3FFE];
	[sflag:s23] =	ssyncadd.s32 $0xFFFFFFFF  }
0xa5: {  	s26 =	simm.s32 $execute0_lowered;
	[smem:$0x3FD2] =	sst s25  }
0xa6: {  	s4 =	sshll.u32 s26, $0x1;
	_ =	strace $0x80000046;
	[dreg:$0x1] =	wrdreg $0xFFFFFFFF  }
0xa7: {  	s28 =	simm.s32 $_size_execute0_lowered;
	s2 =	sadd.s32 s2, s4;
	[dreg:$0x0] =	wrdreg $0x0  }
0xa8: {  	s4 =	sshll.u32 s28, $0x1;
	[dreg:$0x2] =	wrdreg s2  }
0xa9: {  	[dreg:$0x3] =	wrdreg s4  }
0xaa: {  	[dreg:$0x4] =	wrdreg $0xC0  }
0xab: {  	_ =	task [dreg:s6], $0x5FFFF  }
0xac: {  	[dreg:$0x1] =	wrdreg $0xFFFFFFFF  }
0xad: {  	[dreg:$0x0] =	wrdreg $0x60  }
0xae: {  	[dreg:$0x2] =	wrdreg s24  }
0xaf: {  	[dreg:$0x3] =	wrdreg $0xBC000  }
0xb0: {  	[dreg:$0x4] =	wrdreg $0x9  }
0xb1: {  	_ =	task.clear_ibuf [dreg:s6], $0x5FFFF;
	_ =	strace $0x90000046  }
0xb2: {  	s29 =	simm.s32 $0x9;
	_ =	strace $0x80000048  }
0xb3: {  	_ =	swait.ge [sflag:s29], $0x1  }
0xb4: {  	[sflag:s29] =	ssyncadd.s32 $0xFFFFFFFF  }
0xb5: {  	_ =	strace $0x90000048  }
0xb6: {  	_ =	sfence  }
0xb7: {  	s30 =	sld [smem:$0x0];
	_ =	sdelay $0x2  }
0xb8: {  	s31 =	sshll.u32 s1, $0xD;
	s1 =	sshrl.u32 s1, $0x2  }
0xb9: {  	s3 =	sand.u32 $0x4000, s31;
	s1 =	sadd.s32 s1, s30  }
0xba: {  	s0 =	sor.u32 s3, s0;
	s1 =	sshll.u32 s1, $0x11  }
0xbb: {  	s0 =	sor.u32 s1, s0  }
0xbc: {  	s0 =	sadd.s32 $0x8F2B, s0  }
0xbd: {  	[sflag:s0] =	ssyncadd.remote.s32 $0x1  }
0xbe: {  	_ =	sfence.sel $0xFFFF  }
0xbf: {  	[dreg:$0x0] =	wrdreg $0xFFFFFFFF;
	(pc) =	sbr.abs _section_cstart, $3  }
0xc0: {  	[dreg:$0x1] =	wrdreg $0xFFFFFFFF  }
0xc1: {  	_ =	task.clear_ibuf [dreg:s6], $0x2FFFF;
	_ =	strace $0x9FFFFFFF  }
0xc2: {  	(tm) =	ssettm $0x7FFFFFFF  }
0xc3: {  	_ =	shalt  }
tec
execute0_lowered:
.L_overlay_start_1:
0x0: {  	(tag) =	ssettag $0x1  }
0x1: {  	s3 =	rddreg [dreg:$0x0]  }
0x2: {  	s1 =	rddreg [dreg:$0x1];
	s2 =	simm.s32 $0x0;
	s0 =	srdreg.scid  }
0x3: {  	s16 =	stileid.u32;
	s7 =	simm.s32 $0x1;
	s20 =	simm.s32 $0x80  }
0x4: {  	s21 =	simm.s32 $0x3;
	s28 =	simm.s32 $0x9;
	s29 =	simm.s32 $0xA  }
0x5: {  	s30 =	simm.s32 $0xB;
	s31 =	simm.s32 $0xC;
	s8 =	smul.u32 $0x13800, s16  }
0x6: {  	[smem:$0x7FF] =	sst s2;
	s6 =	sand.u32 $0x1, s0;
	s25 =	smul.u32 $0xFFFFFF60, s16  }
0x7: {  	s22 =	sshll.u32 s16, $0x1;
	p0 =	sne.s32 s16, $0x0;
	s5 =	smul.u32 $0x138800, s6  }
0x8: {  	s4 =	sadd.s32 $0x17600, s3;
	s10 =	sadd.s32 $0xD600, s3;
	s13 =	smul.u32 $0xFFFFFFB0, s6  }
0x9: {  	p1 =	seq.s32 s16, $0x0;
	s0 =	sor.u32 s6, s22;
	s22 =	smul.u32 $0x4E000, s16  }
0xa: {  	_ =	strace $0x80000047;
	s7 =	simm.s32 @!p0 $0x0;
	s9 =	smul.u32 $0x500, s0  }
0xb: {  	s23 =	ssub.s32 $0x2, s6;
	s6 =	simm.s32 $0x28;
	s14 =	smul.u32 $0xFFFFFFB0, s0  }
0xc: {  	s11 =	sshll.u32 s7, $0xB;
	s24 =	sshrl.u32 s23, $0x1;
	s15 =	smul.u32 $0x2800, s0  }
0xd: {  	s6 =	simm.s32 @!p1 $0x27;
	s7 =	sshll.u32 s7, $0xD;
	p2 =	seq.s32 s0, $0x1F  }
0xe: {  	s8 =	sadd.s32 s8, s5;
	s5 =	simm.s32 $0x1;
	s7 =	sadd.s32 s7, s22  }
0xf: {  	s22 =	simm.s32 $0x4;
	s12 =	sadd.s32 s9, s3;
	s8 =	sadd.s32 s11, s8  }
0x10: {  	s11 =	ssub.s32 s23, s24;
	s26 =	sadd.s32 $0x9C4, s14;
	s14 =	sshrl.u32 s15, $0x3  }
0x11: {  	s9 =	sadd.s32 s10, s9;
	s7 =	sshrl.u32 s7, $0x2;
	s8 =	sshrl.u32 s8, $0x3  }
0x12: {  	s12 =	sadd.s32 $0x3600, s12;
	[dreg:$0x4] =	wrdreg s9;
	s17 =	sadd.s32 s10, s14  }
0x13: {  	s19 =	smax.u32 s26, $0x28;
	s11 =	smax.u32 s11, $0x1;
	s14 =	simm.s32 $0x8000  }
0x14: {  	s3 =	sadd.s32 s8, s3;
	s8 =	sadd.s32 s25, s13;
	[dreg:$0x3] =	wrdreg s12  }
0x15: {  	s9 =	sadd.s32 $0x280, s17;
	[dreg:$0x6] =	wrdreg s11;
	s11 =	sadd.s32 s7, s1  }
0x16: {  	s17 =	simm.s32 $0x4000;
	p1 =	seq.s32 s19, $0x28;
	s8 =	sadd.s32 $0x9C4, s8  }
0x17: {  	[dreg:$0x5] =	wrdreg s9;
	s26 =	sadd.s32 $0x8CA00, s3;
	s16 =	sadd.s32 $0x3E800, s3  }
0x18: {  	s3 =	simm.s32 $0x2;
	s15 =	smin.u32 s8, $0x50;
	s8 =	smin.u32 s8, $0x28  }
0x19: {  	[dreg:$0x7] =	wrdreg s26;
	s26 =	simm.s32 $0x8;
	s18 =	smul.u32 $0x67, s15  }
0x1a: {  	s8 =	sshrl.u32 s8, $0x1;
	s23 =	smax.u32 s15, $0x28;
	s15 =	simm.s32 $0x0  }
0x1b: {  	s24 =	sadd.s32 $0xFFFFFFD8, s23;
	s8 =	sadd.s32 $0xFFFFFFFF, s8;
	s23 =	simm.s32 $0x5  }
0x1c: {  	s10 =	sshrl.u32 s18, $0xA;
	s25 =	sshrl.u32 s24, $0x1;
	[dreg:$0x9] =	wrdreg s8  }
0x1d: {  	s18 =	simm.s32 $0xD;
	s24 =	simm.s32 $0x6;
	s7 =	ssub.s32 $0x1, s25  }
0x1e: {  	v0 =	vimm.f32 $1.000000000e+00;
	v1 =	vimm.f32 $0.0e+00;
	s12 =	smul.u32 $0x1400, s10;
	s25 =	simm.s32 $0x7;
	[dreg:$0x8] =	wrdreg s7  }
.LBB2_1:
0x1f: {  	s7 =	simm.s32 $0x0;
	s0 =	simm.s32 $0x200  }
.LBB2_2:
0x20: {  	p3 =	sne.s32 s0, $0xFE00;
	[tilespmem:s7+$0x4070] =	vst v1  }
0x21: {  	[tilespmem:s7+$0x0] =	vst v0  }
0x22: {  	[tilespmem:s7+$0x4000] =	vst v1  }
0x23: {  	[tilespmem:s7+$0x10] =	vst v0  }
0x24: {  	[tilespmem:s7+$0x4010] =	vst v1  }
0x25: {  	[tilespmem:s7+$0x20] =	vst v0  }
0x26: {  	[tilespmem:s7+$0x4020] =	vst v1  }
0x27: {  	[tilespmem:s7+$0x30] =	vst v0  }
0x28: {  	[tilespmem:s7+$0x4030] =	vst v1  }
0x29: {  	[tilespmem:s7+$0x40] =	vst v0  }
0x2a: {  	[tilespmem:s7+$0x4040] =	vst v1  }
.Ltmp0:
0x2b: {  	[tilespmem:s7+$0x50] =	vst v0;
	(pc) =	sbr.rel @p3 .LBB2_2-.Ltmp0, $4  }
0x2c: {  	[tilespmem:s7+$0x4050] =	vst v1  }
0x2d: {  	[tilespmem:s7+$0x60] =	vst v0  }
0x2e: {  	[tilespmem:s7+$0x4060] =	vst v1  }
0x2f: {  	[tilespmem:s7+$0x70] =	vst v0;
	s7 =	sshra.s32 s0, $0x2;
	s0 =	sadd.s32 $0x200, s0  }
0x30: {  	[tilespmem:s7+$0x4070] =	vst v1  }
0x31: {  	[tilespmem:s7+$0x0] =	vst v0  }
0x32: {  	[tilespmem:s7+$0x4000] =	vst v1  }
0x33: {  	[tilespmem:s7+$0x10] =	vst v0  }
0x34: {  	[tilespmem:s7+$0x4010] =	vst v1  }
0x35: {  	[tilespmem:s7+$0x20] =	vst v0  }
0x36: {  	[tilespmem:s7+$0x4020] =	vst v1  }
0x37: {  	[tilespmem:s7+$0x30] =	vst v0  }
0x38: {  	[tilespmem:s7+$0x4030] =	vst v1  }
0x39: {  	[tilespmem:s7+$0x40] =	vst v0  }
0x3a: {  	[tilespmem:s7+$0x4040] =	vst v1  }
0x3b: {  	[tilespmem:s7+$0x50] =	vst v0  }
0x3c: {  	[tilespmem:s7+$0x4050] =	vst v1  }
0x3d: {  	[tilespmem:s7+$0x60] =	vst v0;
	p3 =	sne.s32 s6, $0x1  }
.Ltmp1:
0x3e: {  	[tilespmem:s7+$0x4060] =	vst v1;
	(pc) =	sbr.rel @!p3 .LBB2_5-.Ltmp1, $4  }
0x3f: {  	[tilespmem:s7+$0x70] =	vst v0  }
0x40: {  	[spmem:s11] =	stream.linear.scatter [tilespmem:s17], [sflag:$0xD], $0x800, $0x38;
	[tilespmem:$0x1F480] =	vst v63  }
0x41: {  	_ =	swait.ge [sflag:s18], $0x800  }
0x42: {  	s0 =	sadd.s32 $0xFFFFFFFF, s6;
	s7 =	smov.u32 s11;
	[sflag:s18] =	ssyncset.done $0x0  }
.LBB2_4:
0x43: {  	p4 =	sne.s32 s0, $0x1;
	[sflag:s18] =	ssyncadd.s32 $0xFFFFF800;
	s7 =	sadd.s32 $0x800, s7  }
.Ltmp2:
0x44: {  	s0 =	sadd.s32 $0xFFFFFFFF, s0;
	(pc) =	sbr.rel @p4 .LBB2_4-.Ltmp2, $4  }
0x45: {  	_ = 	snop  }
0x46: {  	[spmem:s7] =	stream.linear.scatter [tilespmem:s17], [sflag:$0xD], $0x800, $0x38;
	[tilespmem:$0x1F480] =	vst v63  }
0x47: {  	_ =	swait.ge [sflag:s18], $0x800  }
0x48: {  	[sflag:s18] =	ssyncset.done $0x0  }
.LBB2_5:
0x49: {  	[sflag:s18] =	ssyncadd.s32 $0xFFFFF800;
	s0 =	simm.s32 $0x0  }
0x4a: {  	s7 =	rddreg [dreg:$0x3];
	s8 =	simm.s32 $0x9400;
	p5 =	sne.s32 s12, $0x1400  }
0x4b: {  	[tilespmem:s8], [sflag:$0xD] =	stream.linear.gather [hbm4b:s7+s0], $0x2800, $0x38;
	[tilespmem:$0x1F480] =	vst v63  }
.Ltmp3:
0x4c: {  	_ =	swait.ge [sflag:s18], $0x2800;
	(pc) =	sbr.rel @!p5 .LBB2_8-.Ltmp3, $4  }
0x4d: {  	[sflag:s18] =	ssyncset.done $0x0  }
0x4e: {  	[sflag:s18] =	ssyncadd.s32 $0xFFFFD800  }
0x4f: {  	[bflag:$0x0] =	sbarrier.arrive $0xFFFF  }
0x50: {  	s9 =	simm.s32 $0x0;
	p4 =	por $0x0, $0x0  }
0x51: {  	s0 =	simm.s32 $0x9400  }
0x52: {  	[spmem:s1] =	stream.indirect.scatter.add.f32 [tilespmem:s2], [sflag:$0x3], $0x80, s0, s20, $0xb8;
	[tilespmem:$0x1F480] =	vst v63  }
0x53: {  	s10 =	simm.s32 $0x9480  }
0x54: {  	[spmem:s1] =	stream.indirect.scatter.add.f32 [tilespmem:s2], [sflag:$0x4], $0x80, s10, s20, $0xb8;
	[tilespmem:$0x1F480] =	vst v63  }
0x55: {  	s13 =	simm.s32 $0x9500  }
0x56: {  	[spmem:s1] =	stream.indirect.scatter.add.f32 [tilespmem:s2], [sflag:$0x5], $0x80, s13, s20, $0xb8;
	[tilespmem:$0x1F480] =	vst v63  }
0x57: {  	s19 =	simm.s32 $0x9580  }
0x58: {  	[spmem:s1] =	stream.indirect.scatter.add.f32 [tilespmem:s2], [sflag:$0x6], $0x80, s19, s20, $0xb8;
	[tilespmem:$0x1F480] =	vst v63  }
0x59: {  	s7 =	simm.s32 $0x9600  }
0x5a: {  	[spmem:s1] =	stream.indirect.scatter.add.f32 [tilespmem:s2], [sflag:$0x7], $0x80, s7, s20, $0xb8;
	[tilespmem:$0x1F480] =	vst v63  }
0x5b: {  	s8 =	simm.s32 $0x9680  }
0x5c: {  	[spmem:s1] =	stream.indirect.scatter.add.f32 [tilespmem:s2], [sflag:$0x8], $0x80, s8, s20, $0xb8;
	[tilespmem:$0x1F480] =	vst v63  }
0x5d: {  	s9 =	simm.s32 $0x9700  }
0x5e: {  	[spmem:s1] =	stream.indirect.scatter.add.f32 [tilespmem:s2], [sflag:$0x9], $0x80, s9, s20, $0xb8;
	[tilespmem:$0x1F480] =	vst v63  }
0x5f: {  	s10 =	simm.s32 $0x9780  }
0x60: {  	[spmem:s1] =	stream.indirect.scatter.add.f32 [tilespmem:s2], [sflag:$0xA], $0x80, s10, s20, $0xb8;
	[tilespmem:$0x1F480] =	vst v63  }
0x61: {  	s13 =	simm.s32 $0x9800  }
0x62: {  	[spmem:s1] =	stream.indirect.scatter.add.f32 [tilespmem:s2], [sflag:$0xB], $0x80, s13, s20, $0xb8;
	[tilespmem:$0x1F480] =	vst v63  }
0x63: {  	s19 =	simm.s32 $0x9880  }
0x64: {  	[spmem:s1] =	stream.indirect.scatter.add.f32 [tilespmem:s2], [sflag:$0xC], $0x80, s19, s20, $0xb8;
	[tilespmem:$0x1F480] =	vst v63  }
0x65: {  	_ =	swait.ge [sflag:s21], $0x4000  }
0x66: {  	[sflag:s21] =	ssyncset.done $0x0  }
0x67: {  	[sflag:s21] =	ssyncadd.s32 $0xFFFFC000  }
0x68: {  	_ =	swait.ge [sflag:s22], $0x4000  }
0x69: {  	[sflag:s22] =	ssyncset.done $0x0  }
0x6a: {  	[sflag:s22] =	ssyncadd.s32 $0xFFFFC000  }
0x6b: {  	_ =	swait.ge [sflag:s23], $0x4000  }
0x6c: {  	[sflag:s23] =	ssyncset.done $0x0  }
0x6d: {  	[sflag:s23] =	ssyncadd.s32 $0xFFFFC000  }
0x6e: {  	_ =	swait.ge [sflag:s24], $0x4000  }
0x6f: {  	[sflag:s24] =	ssyncset.done $0x0  }
0x70: {  	[sflag:s24] =	ssyncadd.s32 $0xFFFFC000  }
0x71: {  	_ =	swait.ge [sflag:s25], $0x4000  }
0x72: {  	[sflag:s25] =	ssyncset.done $0x0  }
0x73: {  	[sflag:s25] =	ssyncadd.s32 $0xFFFFC000  }
0x74: {  	_ =	swait.ge [sflag:s26], $0x4000  }
0x75: {  	[sflag:s26] =	ssyncset.done $0x0  }
0x76: {  	[sflag:s26] =	ssyncadd.s32 $0xFFFFC000  }
0x77: {  	_ =	swait.ge [sflag:s28], $0x4000  }
0x78: {  	[sflag:s28] =	ssyncset.done $0x0  }
0x79: {  	[sflag:s28] =	ssyncadd.s32 $0xFFFFC000  }
0x7a: {  	_ =	swait.ge [sflag:s29], $0x4000  }
0x7b: {  	[sflag:s29] =	ssyncset.done $0x0  }
0x7c: {  	p5 =	sne.s32 s12, $0x2800;
	[sflag:s29] =	ssyncadd.s32 $0xFFFFC000  }
.Ltmp4:
0x7d: {  	_ =	swait.ge [sflag:s30], $0x4000;
	(pc) =	sbr.rel @!p5 .LBB2_8-.Ltmp4, $4  }
0x7e: {  	[sflag:s30] =	ssyncset.done $0x0  }
0x7f: {  	[sflag:s30] =	ssyncadd.s32 $0xFFFFC000  }
0x80: {  	p4 =	por $0x1, $0x1;
	_ =	swait.ge [sflag:s31], $0x4000  }
0x81: {  	s7 =	simm.s32 $0x2800;
	s9 =	simm.s32 $0x500;
	[sflag:s31] =	ssyncset.done $0x0  }
.LBB2_7:
0x82: {  	s0 =	sadd.s32 $0x9400, s9  }
0x83: {  	[sflag:s31] =	ssyncadd.s32 $0xFFFFC000;
	s8 =	smov.u32 s7;
	s7 =	sadd.s32 $0x1400, s7  }
0x84: {  	[spmem:s1] =	stream.indirect.scatter.add.f32 [tilespmem:s2], [sflag:$0x3], $0x80, s0, s20, $0xb8;
	[tilespmem:$0x1F480] =	vst v63  }
0x85: {  	p5 =	sne.s32 s12, s7;
	s0 =	sadd.s32 $0x9480, s9  }
0x86: {  	[spmem:s1] =	stream.indirect.scatter.add.f32 [tilespmem:s2], [sflag:$0x4], $0x80, s0, s20, $0xb8;
	[tilespmem:$0x1F480] =	vst v63  }
0x87: {  	s0 =	sadd.s32 $0x9500, s9  }
0x88: {  	[spmem:s1] =	stream.indirect.scatter.add.f32 [tilespmem:s2], [sflag:$0x5], $0x80, s0, s20, $0xb8;
	[tilespmem:$0x1F480] =	vst v63  }
0x89: {  	s0 =	sadd.s32 $0x9580, s9  }
0x8a: {  	[spmem:s1] =	stream.indirect.scatter.add.f32 [tilespmem:s2], [sflag:$0x6], $0x80, s0, s20, $0xb8;
	[tilespmem:$0x1F480] =	vst v63  }
0x8b: {  	s0 =	sadd.s32 $0x9600, s9  }
0x8c: {  	[spmem:s1] =	stream.indirect.scatter.add.f32 [tilespmem:s2], [sflag:$0x7], $0x80, s0, s20, $0xb8;
	[tilespmem:$0x1F480] =	vst v63  }
0x8d: {  	s0 =	sadd.s32 $0x9680, s9  }
0x8e: {  	[spmem:s1] =	stream.indirect.scatter.add.f32 [tilespmem:s2], [sflag:$0x8], $0x80, s0, s20, $0xb8;
	[tilespmem:$0x1F480] =	vst v63  }
0x8f: {  	s0 =	sadd.s32 $0x9700, s9  }
0x90: {  	[spmem:s1] =	stream.indirect.scatter.add.f32 [tilespmem:s2], [sflag:$0x9], $0x80, s0, s20, $0xb8;
	[tilespmem:$0x1F480] =	vst v63  }
0x91: {  	s0 =	sadd.s32 $0x9780, s9  }
0x92: {  	[spmem:s1] =	stream.indirect.scatter.add.f32 [tilespmem:s2], [sflag:$0xA], $0x80, s0, s20, $0xb8;
	[tilespmem:$0x1F480] =	vst v63  }
0x93: {  	s0 =	sadd.s32 $0x9800, s9  }
0x94: {  	[spmem:s1] =	stream.indirect.scatter.add.f32 [tilespmem:s2], [sflag:$0xB], $0x80, s0, s20, $0xb8;
	[tilespmem:$0x1F480] =	vst v63  }
0x95: {  	s0 =	sadd.s32 $0x9880, s9  }
0x96: {  	[spmem:s1] =	stream.indirect.scatter.add.f32 [tilespmem:s2], [sflag:$0xC], $0x80, s0, s20, $0xb8;
	[tilespmem:$0x1F480] =	vst v63  }
0x97: {  	_ =	swait.ge [sflag:s21], $0x4000  }
0x98: {  	[sflag:s21] =	ssyncset.done $0x0  }
0x99: {  	[sflag:s21] =	ssyncadd.s32 $0xFFFFC000  }
0x9a: {  	_ =	swait.ge [sflag:s22], $0x4000  }
0x9b: {  	[sflag:s22] =	ssyncset.done $0x0  }
0x9c: {  	[sflag:s22] =	ssyncadd.s32 $0xFFFFC000  }
0x9d: {  	_ =	swait.ge [sflag:s23], $0x4000  }
0x9e: {  	[sflag:s23] =	ssyncset.done $0x0  }
0x9f: {  	[sflag:s23] =	ssyncadd.s32 $0xFFFFC000  }
0xa0: {  	_ =	swait.ge [sflag:s24], $0x4000  }
0xa1: {  	[sflag:s24] =	ssyncset.done $0x0  }
0xa2: {  	[sflag:s24] =	ssyncadd.s32 $0xFFFFC000  }
0xa3: {  	_ =	swait.ge [sflag:s25], $0x4000  }
0xa4: {  	[sflag:s25] =	ssyncset.done $0x0  }
0xa5: {  	[sflag:s25] =	ssyncadd.s32 $0xFFFFC000  }
0xa6: {  	_ =	swait.ge [sflag:s26], $0x4000  }
0xa7: {  	[sflag:s26] =	ssyncset.done $0x0  }
0xa8: {  	[sflag:s26] =	ssyncadd.s32 $0xFFFFC000  }
0xa9: {  	_ =	swait.ge [sflag:s28], $0x4000  }
0xaa: {  	[sflag:s28] =	ssyncset.done $0x0  }
0xab: {  	[sflag:s28] =	ssyncadd.s32 $0xFFFFC000  }
0xac: {  	_ =	swait.ge [sflag:s29], $0x4000  }
0xad: {  	[sflag:s29] =	ssyncset.done $0x0  }
0xae: {  	[sflag:s29] =	ssyncadd.s32 $0xFFFFC000  }
.Ltmp5:
0xaf: {  	_ =	swait.ge [sflag:s30], $0x4000;
	(pc) =	sbr.rel @p5 .LBB2_7-.Ltmp5, $4  }
0xb0: {  	[sflag:s30] =	ssyncset.done $0x0  }
0xb1: {  	[sflag:s30] =	ssyncadd.s32 $0xFFFFC000  }
0xb2: {  	_ =	swait.ge [sflag:s31], $0x4000  }
0xb3: {  	s9 =	sshra.s32 s8, $0x2;
	[sflag:s31] =	ssyncset.done $0x0  }
.LBB2_8:
0xb4: {  	s0 =	sadd.s32 $0x9400, s9;
	[sflag:s31] =	ssyncadd.s32 @p4 $0xFFFFC000  }
0xb5: {  	[spmem:s1] =	stream.indirect.scatter.add.f32 [tilespmem:s2], [sflag:$0x3], $0x80, s0, s20, $0xb8;
	[tilespmem:$0x1F480] =	vst v63  }
0xb6: {  	s7 =	sadd.s32 $0x9480, s9  }
0xb7: {  	[spmem:s1] =	stream.indirect.scatter.add.f32 [tilespmem:s2], [sflag:$0x4], $0x80, s7, s20, $0xb8;
	[tilespmem:$0x1F480] =	vst v63  }
0xb8: {  	s8 =	sadd.s32 $0x9500, s9  }
0xb9: {  	[spmem:s1] =	stream.indirect.scatter.add.f32 [tilespmem:s2], [sflag:$0x5], $0x80, s8, s20, $0xb8;
	[tilespmem:$0x1F480] =	vst v63  }
0xba: {  	s10 =	sadd.s32 $0x9580, s9  }
0xbb: {  	[spmem:s1] =	stream.indirect.scatter.add.f32 [tilespmem:s2], [sflag:$0x6], $0x80, s10, s20, $0xb8;
	[tilespmem:$0x1F480] =	vst v63  }
0xbc: {  	s13 =	sadd.s32 $0x9600, s9  }
0xbd: {  	[spmem:s1] =	stream.indirect.scatter.add.f32 [tilespmem:s2], [sflag:$0x7], $0x80, s13, s20, $0xb8;
	[tilespmem:$0x1F480] =	vst v63  }
0xbe: {  	s19 =	sadd.s32 $0x9680, s9  }
0xbf: {  	[spmem:s1] =	stream.indirect.scatter.add.f32 [tilespmem:s2], [sflag:$0x8], $0x80, s19, s20, $0xb8;
	[tilespmem:$0x1F480] =	vst v63  }
0xc0: {  	s7 =	sadd.s32 $0x9700, s9  }
0xc1: {  	[spmem:s1] =	stream.indirect.scatter.add.f32 [tilespmem:s2], [sflag:$0x9], $0x80, s7, s20, $0xb8;
	[tilespmem:$0x1F480] =	vst v63  }
0xc2: {  	s8 =	sadd.s32 $0x9780, s9  }
0xc3: {  	[spmem:s1] =	stream.indirect.scatter.add.f32 [tilespmem:s2], [sflag:$0xA], $0x80, s8, s20, $0xb8;
	[tilespmem:$0x1F480] =	vst v63  }
0xc4: {  	s10 =	sadd.s32 $0x9800, s9  }
0xc5: {  	[spmem:s1] =	stream.indirect.scatter.add.f32 [tilespmem:s2], [sflag:$0xB], $0x80, s10, s20, $0xb8;
	[tilespmem:$0x1F480] =	vst v63  }
0xc6: {  	s13 =	sadd.s32 $0x9880, s9  }
0xc7: {  	[spmem:s1] =	stream.indirect.scatter.add.f32 [tilespmem:s2], [sflag:$0xC], $0x80, s13, s20, $0xb8;
	[tilespmem:$0x1F480] =	vst v63  }
0xc8: {  	_ =	swait.ge [sflag:s21], $0x4000  }
0xc9: {  	[sflag:s21] =	ssyncset.done $0x0  }
0xca: {  	[sflag:s21] =	ssyncadd.s32 $0xFFFFC000  }
0xcb: {  	_ =	swait.ge [sflag:s22], $0x4000  }
0xcc: {  	[sflag:s22] =	ssyncset.done $0x0  }
0xcd: {  	[sflag:s22] =	ssyncadd.s32 $0xFFFFC000  }
0xce: {  	_ =	swait.ge [sflag:s23], $0x4000  }
0xcf: {  	[sflag:s23] =	ssyncset.done $0x0  }
0xd0: {  	[sflag:s23] =	ssyncadd.s32 $0xFFFFC000  }
0xd1: {  	_ =	swait.ge [sflag:s24], $0x4000  }
0xd2: {  	[sflag:s24] =	ssyncset.done $0x0  }
0xd3: {  	[sflag:s24] =	ssyncadd.s32 $0xFFFFC000  }
0xd4: {  	_ =	swait.ge [sflag:s25], $0x4000  }
0xd5: {  	[sflag:s25] =	ssyncset.done $0x0  }
0xd6: {  	[sflag:s25] =	ssyncadd.s32 $0xFFFFC000  }
0xd7: {  	_ =	swait.ge [sflag:s26], $0x4000  }
0xd8: {  	[sflag:s26] =	ssyncset.done $0x0  }
0xd9: {  	[sflag:s26] =	ssyncadd.s32 $0xFFFFC000  }
0xda: {  	_ =	swait.ge [sflag:s28], $0x4000  }
0xdb: {  	[sflag:s28] =	ssyncset.done $0x0  }
0xdc: {  	[sflag:s28] =	ssyncadd.s32 $0xFFFFC000  }
0xdd: {  	_ =	swait.ge [sflag:s29], $0x4000  }
0xde: {  	[sflag:s29] =	ssyncset.done $0x0  }
0xdf: {  	[sflag:s29] =	ssyncadd.s32 $0xFFFFC000  }
0xe0: {  	_ =	swait.ge [sflag:s30], $0x4000  }
0xe1: {  	[sflag:s30] =	ssyncset.done $0x0  }
0xe2: {  	[sflag:s30] =	ssyncadd.s32 $0xFFFFC000  }
0xe3: {  	_ =	swait.ge [sflag:s31], $0x4000  }
0xe4: {  	[sflag:s31] =	ssyncset.done $0x0  }
.Ltmp6:
0xe5: {  	s19 =	stileid.u32;
	[sflag:s31] =	ssyncadd.s32 $0xFFFFC000;
	(pc) =	sbr.rel @!p3 .LBB2_10-.Ltmp6, $4  }
0xe6: {  	s9 =	sadd.s32 $0xFFFFFFFF, s6;
	s0 =	sshll.u32 s19, $0x6;
	[bflag:$0x0] =	sbarrier.arrive $0xFFFF  }
0xe7: {  	s7 =	sor.u32 $0x1C0D, s0;
	s8 =	sshrl.u32 s11, $0x3;
	s10 =	rddreg [dreg:$0x7]  }
0xe8: {  	[hbm:s10], [sflag:s7] =	dma.local [spmem:s8], $0x100  }
0xe9: {  	s19 =	smov.u32 s11;
	s10 =	sadd.s32 $0x100, s10;
	_ =	swait.ge [sflag:s18], $0x100  }
.LBB2_9:
0xea: {  	[sflag:s18] =	ssyncset.done $0x0  }
0xeb: {  	s19 =	sadd.s32 $0x800, s19;
	s7 =	sor.u32 $0x1C0D, s0;
	p4 =	sne.s32 s9, $0x1  }
.Ltmp7:
0xec: {  	s13 =	sshrl.u32 s19, $0x3;
	[sflag:s18] =	ssyncadd.s32 $0xFFFFFF00;
	(pc) =	sbr.rel @p4 .LBB2_9-.Ltmp7, $3  }
0xed: {  	[hbm:s10], [sflag:s7] =	dma.local [spmem:s13], $0x100  }
0xee: {  	s9 =	sadd.s32 $0xFFFFFFFF, s9;
	_ =	sdelay $0x1  }
0xef: {  	s10 =	sadd.s32 $0x100, s10;
	_ =	swait.ge [sflag:s18], $0x100  }
.LBB2_10:
0xf0: {  	[sflag:s18] =	ssyncset.done $0x0  }
.Ltmp8:
0xf1: {  	[sflag:s18] =	ssyncadd.s32 $0xFFFFFF00;
	(pc) =	sbr.rel @!p3 .LBB2_12-.Ltmp8, $4  }
0xf2: {  	[bflag:$0x0] =	sbarrier.arrive $0xFFFF  }
0xf3: {  	[spmem:s11] =	stream.linear.scatter [tilespmem:s17], [sflag:$0xD], $0x800, $0x38;
	[tilespmem:$0x1F480] =	vst v63  }
0xf4: {  	_ =	swait.ge [sflag:s18], $0x800  }
0xf5: {  	s0 =	sadd.s32 $0xFFFFFFFF, s6;
	s9 =	smov.u32 s11;
	[sflag:s18] =	ssyncset.done $0x0  }
.LBB2_11:
0xf6: {  	p4 =	sne.s32 s0, $0x1;
	[sflag:s18] =	ssyncadd.s32 $0xFFFFF800;
	s9 =	sadd.s32 $0x800, s9  }
.Ltmp9:
0xf7: {  	s0 =	sadd.s32 $0xFFFFFFFF, s0;
	(pc) =	sbr.rel @p4 .LBB2_11-.Ltmp9, $4  }
0xf8: {  	_ = 	snop  }
0xf9: {  	[spmem:s9] =	stream.linear.scatter [tilespmem:s17], [sflag:$0xD], $0x800, $0x38;
	[tilespmem:$0x1F480] =	vst v63  }
0xfa: {  	_ =	swait.ge [sflag:s18], $0x800  }
0xfb: {  	[sflag:s18] =	ssyncset.done $0x0  }
.LBB2_12:
0xfc: {  	[sflag:s18] =	ssyncadd.s32 $0xFFFFF800  }
0xfd: {  	[bflag:$0x0] =	sbarrier.arrive $0xFFFF  }
0xfe: {  	s9 =	simm.s32 $0x8000;
	s0 =	rddreg [dreg:$0x4]  }
0xff: {  	[tilespmem:s9], [sflag:$0xD] =	stream.linear.gather [hbm4b:s0+s2], $0x1400, $0x38;
	[tilespmem:$0x1F480] =	vst v63  }
0x100: {  	_ =	swait.ge [sflag:s18], $0x1400  }
0x101: {  	[sflag:s18] =	ssyncset.done $0x0  }
0x102: {  	[sflag:s18] =	ssyncadd.s32 $0xFFFFEC00  }
0x103: {  	[tilespmem:s2], [sflag:$0x1] =	stream.indirect.gather [hbm4b:s4+s20], $0x80, s9, s20, $0xb8;
	[tilespmem:$0x1F480] =	vst v63  }
0x104: {  	s10 =	simm.s32 $0x8080  }
0x105: {  	[tilespmem:s17], [sflag:$0x2] =	stream.indirect.gather [hbm4b:s4+s20], $0x80, s10, s20, $0xb8;
	[tilespmem:$0x1F480] =	vst v63  }
0x106: {  	_ =	swait.ge [sflag:s5], $0x4000  }
0x107: {  	[sflag:s5] =	ssyncset.done $0x0  }
0x108: {  	s13 =	simm.s32 $0x9400;
	[sflag:s5] =	ssyncadd.s32 $0xFFFFC000  }
0x109: {  	[spmem:s1] =	stream.indirect.scatter.add.f32 [tilespmem:s2], [sflag:$0x3], $0x80, s13, s20, $0xb8;
	[tilespmem:$0x1F480] =	vst v63  }
0x10a: {  	_ =	swait.ge [sflag:s3], $0x4000  }
0x10b: {  	[sflag:s3] =	ssyncset.done $0x0  }
0x10c: {  	s19 =	simm.s32 $0x9480;
	[sflag:s3] =	ssyncadd.s32 $0xFFFFC000  }
0x10d: {  	[spmem:s1] =	stream.indirect.scatter.add.f32 [tilespmem:s17], [sflag:$0x4], $0x80, s19, s20, $0xb8;
	[tilespmem:$0x1F480] =	vst v63  }
0x10e: {  	_ =	swait.ge [sflag:s21], $0x4000  }
0x10f: {  	[sflag:s21] =	ssyncset.done $0x0  }
0x110: {  	s9 =	simm.s32 $0x8100;
	[sflag:s21] =	ssyncadd.s32 $0xFFFFC000  }
0x111: {  	[tilespmem:s2], [sflag:$0x1] =	stream.indirect.gather [hbm4b:s4+s20], $0x80, s9, s20, $0xb8;
	[tilespmem:$0x1F480] =	vst v63  }
0x112: {  	_ =	swait.ge [sflag:s22], $0x4000  }
0x113: {  	[sflag:s22] =	ssyncset.done $0x0  }
0x114: {  	s10 =	simm.s32 $0x8180;
	[sflag:s22] =	ssyncadd.s32 $0xFFFFC000  }
0x115: {  	[tilespmem:s17], [sflag:$0x2] =	stream.indirect.gather [hbm4b:s4+s20], $0x80, s10, s20, $0xb8;
	[tilespmem:$0x1F480] =	vst v63  }
0x116: {  	_ =	swait.ge [sflag:s5], $0x4000  }
0x117: {  	[sflag:s5] =	ssyncset.done $0x0  }
0x118: {  	s13 =	simm.s32 $0x9500;
	[sflag:s5] =	ssyncadd.s32 $0xFFFFC000  }
0x119: {  	[spmem:s1] =	stream.indirect.scatter.add.f32 [tilespmem:s2], [sflag:$0x3], $0x80, s13, s20, $0xb8;
	[tilespmem:$0x1F480] =	vst v63  }
0x11a: {  	_ =	swait.ge [sflag:s3], $0x4000  }
0x11b: {  	s19 =	rddreg [dreg:$0x9]  }
0x11c: {  	p4 =	sne.s32 s19, $0x1  }
.Ltmp10:
0x11d: {  	_ = 	snop;
	(pc) =	sbr.rel @!p4 .LBB2_14-.Ltmp10, $3  }
0x11e: {  	_ =	sdelay $0x1  }
0x11f: {  	s0 =	simm.s32 $0x8280;
	s10 =	simm.s32 $0x9580;
	[sflag:s3] =	ssyncset.done $0x0  }
0x120: {  	s9 =	sadd.s32 $0xFFFFFFFF, s19;
	[sflag:s3] =	ssyncadd.s32 $0xFFFFC000;
	s19 =	simm.s32 $0x9680  }
.LBB2_13:
0x121: {  	[spmem:s1] =	stream.indirect.scatter.add.f32 [tilespmem:s17], [sflag:$0x4], $0x80, s10, s20, $0xb8;
	[tilespmem:$0x1F480] =	vst v63  }
0x122: {  	p4 =	sne.s32 s9, $0x1;
	s9 =	sadd.s32 $0xFFFFFFFF, s9;
	_ =	swait.ge [sflag:s21], $0x4000  }
0x123: {  	s10 =	smov.u32 s19;
	[sflag:s21] =	ssyncset.done $0x0  }
0x124: {  	s13 =	sadd.s32 $0xFFFFFF80, s0;
	[sflag:s21] =	ssyncadd.s32 $0xFFFFC000  }
0x125: {  	[tilespmem:s2], [sflag:$0x1] =	stream.indirect.gather [hbm4b:s4+s20], $0x80, s13, s20, $0xb8;
	[tilespmem:$0x1F480] =	vst v63  }
0x126: {  	_ =	swait.ge [sflag:s22], $0x4000  }
0x127: {  	[sflag:s22] =	ssyncset.done $0x0  }
0x128: {  	[sflag:s22] =	ssyncadd.s32 $0xFFFFC000  }
0x129: {  	[tilespmem:s17], [sflag:$0x2] =	stream.indirect.gather [hbm4b:s4+s20], $0x80, s0, s20, $0xb8;
	[tilespmem:$0x1F480] =	vst v63  }
0x12a: {  	_ =	swait.ge [sflag:s5], $0x4000  }
0x12b: {  	[sflag:s5] =	ssyncset.done $0x0  }
.Ltmp11:
0x12c: {  	s13 =	sadd.s32 $0xFFFFFF80, s19;
	[sflag:s5] =	ssyncadd.s32 $0xFFFFC000;
	(pc) =	sbr.rel @p4 .LBB2_13-.Ltmp11, $4  }
0x12d: {  	[spmem:s1] =	stream.indirect.scatter.add.f32 [tilespmem:s2], [sflag:$0x3], $0x80, s13, s20, $0xb8;
	[tilespmem:$0x1F480] =	vst v63  }
0x12e: {  	_ =	swait.ge [sflag:s3], $0x4000  }
0x12f: {  	[sflag:s3] =	ssyncset.done $0x0  }
0x130: {  	s19 =	sadd.s32 $0x100, s19;
	s0 =	sadd.s32 $0x100, s0;
	[sflag:s3] =	ssyncadd.s32 $0xFFFFC000  }
.LBB2_14:
0x131: {  	[spmem:s1] =	stream.indirect.scatter.add.f32 [tilespmem:s17], [sflag:$0x4], $0x80, s10, s20, $0xb8;
	[tilespmem:$0x1F480] =	vst v63  }
0x132: {  	_ =	swait.ge [sflag:s21], $0x4000  }
0x133: {  	[sflag:s21] =	ssyncset.done $0x0  }
0x134: {  	[sflag:s21] =	ssyncadd.s32 $0xFFFFC000  }
0x135: {  	_ =	swait.ge [sflag:s22], $0x4000  }
0x136: {  	[sflag:s22] =	ssyncset.done $0x0  }
.Ltmp12:
0x137: {  	s0 =	rddreg [dreg:$0x5];
	[sflag:s22] =	ssyncadd.s32 $0xFFFFC000;
	(pc) =	sbr.rel @p1 .LBB2_18-.Ltmp12, $4  }
0x138: {  	[tilespmem:s14], [sflag:$0xD] =	stream.linear.gather [hbm4b:s0+s2], $0x1400, $0x38;
	[tilespmem:$0x1F480] =	vst v63  }
0x139: {  	_ =	swait.ge [sflag:s18], $0x1400  }
0x13a: {  	[sflag:s18] =	ssyncset.done $0x0  }
0x13b: {  	[sflag:s18] =	ssyncadd.s32 $0xFFFFEC00  }
0x13c: {  	[tilespmem:s2], [sflag:$0x1] =	stream.indirect.gather [hbm4b:s4+s20], $0x80, s14, s20, $0xb8;
	[tilespmem:$0x1F480] =	vst v63  }
0x13d: {  	s0 =	simm.s32 $0x8080  }
0x13e: {  	[tilespmem:s17], [sflag:$0x2] =	stream.indirect.gather [hbm4b:s4+s20], $0x80, s0, s20, $0xb8;
	[tilespmem:$0x1F480] =	vst v63  }
0x13f: {  	_ =	swait.ge [sflag:s5], $0x4000  }
0x140: {  	[sflag:s5] =	ssyncset.done $0x0  }
0x141: {  	s13 =	simm.s32 $0xA800;
	[sflag:s5] =	ssyncadd.s32 $0xFFFFC000  }
0x142: {  	[spmem:s1] =	stream.indirect.scatter.add.f32 [tilespmem:s2], [sflag:$0x3], $0x80, s13, s20, $0xb8;
	[tilespmem:$0x1F480] =	vst v63  }
0x143: {  	_ =	swait.ge [sflag:s3], $0x4000  }
0x144: {  	[sflag:s3] =	ssyncset.done $0x0  }
0x145: {  	s19 =	simm.s32 $0xA880;
	[sflag:s3] =	ssyncadd.s32 $0xFFFFC000  }
0x146: {  	[spmem:s1] =	stream.indirect.scatter.add.f32 [tilespmem:s17], [sflag:$0x4], $0x80, s19, s20, $0xb8;
	[tilespmem:$0x1F480] =	vst v63  }
0x147: {  	_ =	swait.ge [sflag:s21], $0x4000  }
0x148: {  	[sflag:s21] =	ssyncset.done $0x0  }
0x149: {  	s9 =	simm.s32 $0x8100;
	[sflag:s21] =	ssyncadd.s32 $0xFFFFC000  }
0x14a: {  	[tilespmem:s2], [sflag:$0x1] =	stream.indirect.gather [hbm4b:s4+s20], $0x80, s9, s20, $0xb8;
	[tilespmem:$0x1F480] =	vst v63  }
0x14b: {  	_ =	swait.ge [sflag:s22], $0x4000  }
0x14c: {  	[sflag:s22] =	ssyncset.done $0x0  }
0x14d: {  	s10 =	simm.s32 $0x8180;
	[sflag:s22] =	ssyncadd.s32 $0xFFFFC000  }
0x14e: {  	[tilespmem:s17], [sflag:$0x2] =	stream.indirect.gather [hbm4b:s4+s20], $0x80, s10, s20, $0xb8;
	[tilespmem:$0x1F480] =	vst v63  }
0x14f: {  	_ =	swait.ge [sflag:s5], $0x4000  }
0x150: {  	s19 =	rddreg [dreg:$0x8]  }
0x151: {  	s9 =	sadd.s32 $0x1, s19  }
0x152: {  	[sflag:s5] =	ssyncset.done $0x0;
	p4 =	seq.s32 s9, $0x0  }
.Ltmp13:
0x153: {  	s13 =	simm.s32 $0xA900;
	[sflag:s5] =	ssyncadd.s32 $0xFFFFC000;
	(pc) =	sbr.rel @p4 .LBB2_17-.Ltmp13, $4  }
0x154: {  	[spmem:s1] =	stream.indirect.scatter.add.f32 [tilespmem:s2], [sflag:$0x3], $0x80, s13, s20, $0xb8;
	[tilespmem:$0x1F480] =	vst v63  }
0x155: {  	_ =	swait.ge [sflag:s3], $0x4000  }
0x156: {  	s0 =	simm.s32 $0x8280;
	[sflag:s3] =	ssyncset.done $0x0  }
0x157: {  	s10 =	simm.s32 $0xA980;
	s19 =	simm.s32 $0xAA80;
	[sflag:s3] =	ssyncadd.s32 $0xFFFFC000  }
.LBB2_16:
0x158: {  	[spmem:s1] =	stream.indirect.scatter.add.f32 [tilespmem:s17], [sflag:$0x4], $0x80, s10, s20, $0xb8;
	[tilespmem:$0x1F480] =	vst v63  }
0x159: {  	s9 =	sadd.s32 $0x1, s9;
	s10 =	smov.u32 s19;
	_ =	swait.ge [sflag:s21], $0x4000  }
0x15a: {  	p4 =	seq.s32 s9, $0x0;
	[sflag:s21] =	ssyncset.done $0x0  }
0x15b: {  	s13 =	sadd.s32 $0xFFFFFF80, s0;
	[sflag:s21] =	ssyncadd.s32 $0xFFFFC000  }
0x15c: {  	[tilespmem:s2], [sflag:$0x1] =	stream.indirect.gather [hbm4b:s4+s20], $0x80, s13, s20, $0xb8;
	[tilespmem:$0x1F480] =	vst v63  }
0x15d: {  	_ =	swait.ge [sflag:s22], $0x4000  }
0x15e: {  	[sflag:s22] =	ssyncset.done $0x0  }
0x15f: {  	[sflag:s22] =	ssyncadd.s32 $0xFFFFC000  }
0x160: {  	[tilespmem:s17], [sflag:$0x2] =	stream.indirect.gather [hbm4b:s4+s20], $0x80, s0, s20, $0xb8;
	[tilespmem:$0x1F480] =	vst v63  }
0x161: {  	_ =	swait.ge [sflag:s5], $0x4000  }
0x162: {  	[sflag:s5] =	ssyncset.done $0x0  }
.Ltmp14:
0x163: {  	s13 =	sadd.s32 $0xFFFFFF80, s19;
	[sflag:s5] =	ssyncadd.s32 $0xFFFFC000;
	(pc) =	sbr.rel @!p4 .LBB2_16-.Ltmp14, $4  }
0x164: {  	[spmem:s1] =	stream.indirect.scatter.add.f32 [tilespmem:s2], [sflag:$0x3], $0x80, s13, s20, $0xb8;
	[tilespmem:$0x1F480] =	vst v63  }
0x165: {  	_ =	swait.ge [sflag:s3], $0x4000  }
0x166: {  	[sflag:s3] =	ssyncset.done $0x0  }
0x167: {  	s19 =	sadd.s32 $0x100, s19;
	s0 =	sadd.s32 $0x100, s0;
	[sflag:s3] =	ssyncadd.s32 $0xFFFFC000  }
.LBB2_17:
0x168: {  	[spmem:s1] =	stream.indirect.scatter.add.f32 [tilespmem:s17], [sflag:$0x4], $0x80, s10, s20, $0xb8;
	[tilespmem:$0x1F480] =	vst v63  }
.LBB2_18:
0x169: {  	s0 =	simm.s32 @!p2 $0x3  }
0x16a: {  	_ =	swait.ge @!p2 [sflag:s0], $0x4000  }
0x16b: {  	[sflag:s0] =	ssyncset.done @!p2 $0x0  }
0x16c: {  	[sflag:s0] =	ssyncadd.s32 @!p2 $0xFFFFC000;
	s0 =	simm.s32 @!p2 $0x4  }
0x16d: {  	_ =	swait.ge @!p2 [sflag:s0], $0x4000  }
0x16e: {  	[sflag:s0] =	ssyncset.done @!p2 $0x0  }
.Ltmp15:
0x16f: {  	[sflag:s0] =	ssyncadd.s32 @!p2 $0xFFFFC000;
	(pc) =	sbr.rel @!p3 .LBB2_20-.Ltmp15, $4  }
0x170: {  	[bflag:$0x0] =	sbarrier.arrive $0xFFFF  }
0x171: {  	[hbm:s16], [sflag:s7] =	dma.local [spmem:s8], $0x100  }
0x172: {  	s9 =	smov.u32 s16;
	_ =	swait.ge [sflag:s18], $0x100  }
0x173: {  	s0 =	sadd.s32 $0xFFFFFFFF, s6;
	s8 =	sadd.s32 $0x800, s11;
	[sflag:s18] =	ssyncset.done $0x0  }
.LBB2_19:
0x174: {  	s10 =	sshrl.u32 s8, $0x3  }
0x175: {  	[sflag:s18] =	ssyncadd.s32 $0xFFFFFF00;
	s9 =	sadd.s32 $0x100, s9;
	p3 =	sne.s32 s0, $0x1  }
0x176: {  	[hbm:s9], [sflag:s7] =	dma.local [spmem:s10], $0x100  }
.Ltmp16:
0x177: {  	_ = 	snop;
	(pc) =	sbr.rel @p3 .LBB2_19-.Ltmp16, $4  }
0x178: {  	_ = 	snop  }
0x179: {  	s0 =	sadd.s32 $0xFFFFFFFF, s0  }
0x17a: {  	_ =	swait.ge [sflag:s18], $0x100  }
0x17b: {  	s8 =	sadd.s32 $0x800, s8;
	[sflag:s18] =	ssyncset.done $0x0  }
.LBB2_20:
0x17c: {  	s15 =	sadd.s32 $0x1, s15;
	s0 =	rddreg [dreg:$0x6]  }
0x17d: {  	p3 =	sne.s32 s15, s0  }
.Ltmp17:
0x17e: {  	_ = 	snop;
	(pc) =	sbr.rel @p3 .LBB2_1-.Ltmp17, $2  }
0x17f: {  	_ =	sdelay $0x2  }
0x180: {  	[sflag:s18] =	ssyncadd.s32 $0xFFFFFF00  }
0x181: {  	_ =	sfence.sel $0x180000  }
0x182: {  	[bflag:$0x0] =	sbarrier.arrive $0xFFFF  }
0x183: {  	_ =	strace $0x90000047  }
0x184: {  	[bflag:$0x2] =	sbarrier.arrive $0xFFFF  }
0x185: {  	s0 =	rddreg [dreg:$0x2]  }
0x186: {  	s0 =	sadd.s32 @!p0 $0x100000, s0  }
0x187: {  	[sflag:s0] =	ssyncadd.tile.s32 @!p0 $0x1;
	_ =	shalt  }
.Lfunc_end2:
_tile_overlayer_lowered:
.L_overlay_start_2:
0x188: {  	(tag) =	ssettag $0x2  }
0x189: {  	s0 =	rddreg [dreg:$0x0];
	s2 =	stileid.u32  }
0x18a: {  	s1 =	rddreg [dreg:$0x1];
	p0 =	sne.s32 s2, $0x0  }
0x18b: {  	s3 =	rddreg [dreg:$0x2];
	[bflag:$0x3] =	sbarrier.arrive $0xFFFF;
	s2 =	simm.s32 @!p0 $0x1C0D  }
0x18c: {  	[timem:s3], [sflag:s2] =	dma.local @!p0 [hbm:s0], s1  }
0x18d: {  	s0 =	simm.s32 @!p0 $0xD  }
0x18e: {  	_ =	swait.ge @!p0 [sflag:s0], s1  }
0x18f: {  	s1 =	ssub.s32 @!p0 $0x0, s1;
	[sflag:s0] =	ssyncset.done @!p0 $0x0  }
0x190: {  	[sflag:s0] =	ssyncadd.s32 @!p0 s1  }
0x191: {  	[bflag:$0x3] =	sbarrier.arrive $0xFFFF  }
0x192: {  	_ =	shalt  }

</sc_bundles>
